<compile_context>
chip_gen: v7x
topology: tpu7x:2x2x1
jax: 0.10.2.dev20260603
libtpu: 0.0.44.dev20260713+nightly
codegen_flags: <defaults>
</compile_context>

<pallas_src>
import functools

import jax
import jax.numpy as jnp
from jax import lax
from jax.experimental import pallas as pl
from jax.experimental.pallas import tpu as pltpu
from jax.experimental.pallas import tpu_sc as plsc

NC = 1
NS = 16
NW = NC * NS
K = 128
R0, R1 = 4, 1

F32 = jnp.float32


def _pad_nodes(n):
    return ((n + 1 + 2047) // 2048) * 2048



NBUF = 8


def _chunk_consts(NCH):
    if NC == 1:
        q0, q1 = NCH // NS, 0
    else:
        q0 = NCH * R0 // ((R0 + R1) * NS)
        q1 = (NCH - NS * q0) // NS
    rem = NCH - NS * (q0 + q1)
    assert 0 <= rem <= NS
    CWmax = q0 + 1
    return q0, q1, rem, CWmax


def _chunk_range(c, s, NCH):
    q0, q1, rem, CWmax = _chunk_consts(NCH)
    start0 = s * q0 + jnp.minimum(s, rem)
    cnt0 = q0 + jnp.where(s < rem, 1, 0)
    tot0 = NS * q0 + rem
    start1 = tot0 + s * q1
    cnt1 = jnp.full((), q1, jnp.int32)
    start = jnp.where(c == 0, start0, start1)
    cnt = jnp.where(c == 0, cnt0, cnt1)
    base = jnp.minimum(start, NCH - CWmax)
    off = start - base
    return CWmax, base, off, cnt


def _make_deg_kernel(Np, NCH):
    mesh = plsc.VectorSubcoreMesh(core_axis_name="c", subcore_axis_name="s",
                                  num_cores=NC)
    rows_per = Np // NS
    CWmax = _chunk_consts(NCH)[3]

    @functools.partial(
        pl.kernel,
        mesh=mesh,
        out_type=jax.ShapeDtypeStruct((NC * Np,), F32),
        compiler_params=pltpu.CompilerParams(use_tc_tiling_on_sc=False),
        scratch_types=[
            pltpu.VMEM((CWmax, K), jnp.int32),
            pltpu.VMEM((K,), F32),
            pltpu.VMEM_SHARED((Np,), F32),
            pltpu.SemaphoreType.DMA,
        ],
    )
    def deg_kernel(edges_hbm, zeros_hbm, out_hbm, dst_idx, ones, acc, sem):
        c = lax.axis_index("c")
        s = lax.axis_index("s")
        _, base, off, cnt = _chunk_range(c, s, NCH)
        pltpu.sync_copy(edges_hbm.at[1].at[pl.ds(base, CWmax)], dst_idx)
        for i in range(K // 16):
            ones[pl.ds(i * 16, 16)] = jnp.ones((16,), F32)
        pltpu.sync_copy(zeros_hbm.at[pl.ds(s * rows_per, rows_per)],
                        acc.at[pl.ds(s * rows_per, rows_per)])
        plsc.subcore_barrier()

        def step(it, carry):
            for b in range(NBUF):
                j = it * NBUF + b

                @pl.when(j < cnt)
                def _():
                    pltpu.async_copy(ones, acc.at[dst_idx.at[off + j]],
                                     sem, add=True)
            for b in range(NBUF):
                j = it * NBUF + b

                @pl.when(j < cnt)
                def _():
                    pltpu.make_async_copy(ones, acc.at[dst_idx.at[0]],
                                          sem).wait()
            return carry

        lax.fori_loop(0, -(-CWmax // NBUF), step, 0)
        plsc.subcore_barrier()
        pltpu.sync_copy(acc.at[pl.ds(s * rows_per, rows_per)],
                        out_hbm.at[pl.ds(c * Np + s * rows_per, rows_per)])

    return deg_kernel


def _make_agg_kernel(Np, H, NCH):
    mesh = plsc.VectorSubcoreMesh(core_axis_name="c", subcore_axis_name="s",
                                  num_cores=NC)
    rows_per = Np // NS
    NG = NBUF // 2
    CWmax = _chunk_consts(NCH)[3]

    @functools.partial(
        pl.kernel,
        mesh=mesh,
        out_type=jax.ShapeDtypeStruct((NC, Np, H), F32),
        compiler_params=pltpu.CompilerParams(use_tc_tiling_on_sc=False),
        scratch_types=(
            [pltpu.VMEM((CWmax, K), jnp.int32)] * 2
            + [pltpu.VMEM((K, H), F32)] * NBUF
            + [pltpu.VMEM_SHARED((Np, H), F32)]
            + [pltpu.SemaphoreType.DMA] * (2 * NBUF)
        ),
    )
    def agg_kernel(g_hbm, edges_hbm, zeros_hbm, out_hbm,
                   src_idx, dst_idx, *rest):
        bufs = rest[:NBUF]
        acc = rest[NBUF]
        gsem = rest[NBUF + 1:NBUF + 1 + NBUF]
        ssem = rest[NBUF + 1 + NBUF:]
        c = lax.axis_index("c")
        s = lax.axis_index("s")
        _, base, off, cnt = _chunk_range(c, s, NCH)
        pltpu.sync_copy(edges_hbm.at[0].at[pl.ds(base, CWmax)], src_idx)
        pltpu.sync_copy(edges_hbm.at[1].at[pl.ds(base, CWmax)], dst_idx)
        pltpu.sync_copy(zeros_hbm.at[pl.ds(s * rows_per, rows_per)],
                        acc.at[pl.ds(s * rows_per, rows_per)])
        plsc.subcore_barrier()

        def gather_start(j, b):
            pltpu.async_copy(g_hbm.at[src_idx.at[off + j]], bufs[b], gsem[b])

        def gather_wait(b):
            pltpu.make_async_copy(g_hbm.at[src_idx.at[0]], bufs[b],
                                  gsem[b]).wait()

        def scatter_start(j, b):
            pltpu.async_copy(bufs[b], acc.at[dst_idx.at[off + j]], ssem[b],
                             add=True)

        def scatter_wait(b):
            pltpu.make_async_copy(bufs[b], acc.at[dst_idx.at[0]],
                                  ssem[b]).wait()

        for b in range(NBUF):
            gather_start(b, b)

        def step(it, carry):
            for half in range(2):
                bb = it * NBUF + half * NG
                for i in range(NG):
                    b = half * NG + i
                    j = bb + i

                    @pl.when(j < cnt)
                    def _():
                        gather_wait(b)
                        scatter_start(j, b)
                for i in range(NG):
                    b = half * NG + i
                    j = bb + i

                    @pl.when(j < cnt)
                    def _():
                        scatter_wait(b)
                    j2 = j + NBUF

                    @pl.when(j2 < cnt)
                    def _():
                        gather_start(j2, b)
            return carry

        lax.fori_loop(0, -(-CWmax // NBUF), step, 0)
        plsc.subcore_barrier()
        pltpu.sync_copy(acc.at[pl.ds(s * rows_per, rows_per)],
                        out_hbm.at[c, pl.ds(s * rows_per, rows_per)])

    return agg_kernel



def _first_layer_body(x_ref, w_ref, degp_ref, g_ref, dinv_ref):
    deg = 1.0
    for i in range(NC):
        deg = deg + degp_ref[i]
    dv = lax.rsqrt(deg)
    dinv_ref[...] = dv
    h = jnp.dot(x_ref[...], w_ref[...], preferred_element_type=F32)
    g_ref[...] = dv * h


def _mid_layer_body(pp_ref, g_ref, dinv_ref, b_ref, w_ref, xl_ref, gn_ref):
    dv = dinv_ref[...]
    agg = g_ref[...]
    for i in range(NC):
        agg = agg + pp_ref[i]
    xl = jnp.maximum(dv * agg + b_ref[...], 0.0)
    xl_ref[...] = xl
    gn_ref[...] = dv * jnp.dot(xl, w_ref[...], preferred_element_type=F32)


def _final_body(pp_ref, g_ref, dinv_ref, b_ref, x1_ref, x2_ref,
                wl1_ref, wl2_ref, wl3_ref, blin_ref, out_ref):
    dv = dinv_ref[...]
    agg = g_ref[...]
    for i in range(NC):
        agg = agg + pp_ref[i]
    x3 = dv * agg + b_ref[...]
    logits = (jnp.dot(x1_ref[...], wl1_ref[...], preferred_element_type=F32)
              + jnp.dot(x2_ref[...], wl2_ref[...], preferred_element_type=F32)
              + jnp.dot(x3, wl3_ref[...], preferred_element_type=F32)
              + blin_ref[...])
    m = jnp.max(logits, axis=1, keepdims=True)
    z = logits - m
    lse = jnp.log(jnp.sum(jnp.exp(z), axis=1, keepdims=True))
    out_ref[...] = z - lse



def kernel(x, edge_index, W1, b1, W2, b2, W3, b3, Wlin, blin):
    N, D = x.shape
    E = edge_index.shape[1]
    H = W1.shape[1]
    C = Wlin.shape[1]
    HP = ((H + 7) // 8) * 8
    HE = HP - H
    W1p = jnp.pad(W1, ((0, 0), (0, HE)))
    W2p = jnp.pad(W2, ((0, HE), (0, HE)))
    W3p = jnp.pad(W3, ((0, HE), (0, HE)))
    b1p = jnp.pad(b1, (0, HE))
    b2p = jnp.pad(b2, (0, HE))
    b3p = jnp.pad(b3, (0, HE))
    Wl1 = jnp.pad(Wlin[0:H], ((0, HE), (0, 0)))
    Wl2 = jnp.pad(Wlin[H:2 * H], ((0, HE), (0, 0)))
    Wl3 = jnp.pad(Wlin[2 * H:3 * H], ((0, HE), (0, 0)))
    Np = _pad_nodes(N)
    assert E % K == 0
    NCH = E // K
    edges3 = edge_index.reshape(2, NCH, K)

    zeros_h = jnp.zeros((Np, HP), F32)
    zeros_1 = jnp.zeros((Np,), F32)

    deg_k = _make_deg_kernel(Np, NCH)
    agg_k = _make_agg_kernel(Np, HP, NCH)

    degp = deg_k(edges3, zeros_1)
    degp3 = degp.reshape(NC, Np, 1)

    BR = 5000
    grid = (N // BR,)

    g1, dinv = pl.pallas_call(
        _first_layer_body,
        grid=grid,
        in_specs=[
            pl.BlockSpec((BR, D), lambda i: (i, 0)),
            pl.BlockSpec((D, HP), lambda i: (0, 0)),
            pl.BlockSpec((NC, BR, 1), lambda i: (0, i, 0)),
        ],
        out_specs=[
            pl.BlockSpec((BR, HP), lambda i: (i, 0)),
            pl.BlockSpec((BR, 1), lambda i: (i, 0)),
        ],
        out_shape=[
            jax.ShapeDtypeStruct((N, HP), F32),
            jax.ShapeDtypeStruct((N, 1), F32),
        ],
    )(x, W1p, degp3)

    def mid_layer(g, b, w_next):
        part = agg_k(g, edges3, zeros_h)
        return pl.pallas_call(
            _mid_layer_body,
            grid=grid,
            in_specs=[
                pl.BlockSpec((NC, BR, HP), lambda i: (0, i, 0)),
                pl.BlockSpec((BR, HP), lambda i: (i, 0)),
                pl.BlockSpec((BR, 1), lambda i: (i, 0)),
                pl.BlockSpec((1, HP), lambda i: (0, 0)),
                pl.BlockSpec((HP, HP), lambda i: (0, 0)),
            ],
            out_specs=[
                pl.BlockSpec((BR, HP), lambda i: (i, 0)),
                pl.BlockSpec((BR, HP), lambda i: (i, 0)),
            ],
            out_shape=[
                jax.ShapeDtypeStruct((N, HP), F32),
                jax.ShapeDtypeStruct((N, HP), F32),
            ],
        )(part, g, dinv, b.reshape(1, HP), w_next)

    x1, g2 = mid_layer(g1, b1p, W2p)
    x2, g3 = mid_layer(g2, b2p, W3p)

    part3 = agg_k(g3, edges3, zeros_h)
    out = pl.pallas_call(
        _final_body,
        grid=grid,
        in_specs=[
            pl.BlockSpec((NC, BR, HP), lambda i: (0, i, 0)),
            pl.BlockSpec((BR, HP), lambda i: (i, 0)),
            pl.BlockSpec((BR, 1), lambda i: (i, 0)),
            pl.BlockSpec((1, HP), lambda i: (0, 0)),
            pl.BlockSpec((BR, HP), lambda i: (i, 0)),
            pl.BlockSpec((BR, HP), lambda i: (i, 0)),
            pl.BlockSpec((HP, C), lambda i: (0, 0)),
            pl.BlockSpec((HP, C), lambda i: (0, 0)),
            pl.BlockSpec((HP, C), lambda i: (0, 0)),
            pl.BlockSpec((1, C), lambda i: (0, 0)),
        ],
        out_specs=pl.BlockSpec((BR, C), lambda i: (i, 0)),
        out_shape=jax.ShapeDtypeStruct((N, C), F32),
    )(part3, g3, dinv, b3p.reshape(1, HP), x1, x2,
      Wl1, Wl2, Wl3, blin.reshape(1, C))
    return out

# --- scband reference (transcript-rebuilt; emitter-appended) ---
"""Pipeline reference for scband-gcn-23304492548302 (READ-ONLY COPY).

The authoritative reference and input builder live on the scoring server;
editing this copy changes nothing except your own understanding.
"""

import jax, jax.numpy as jnp
import numpy as np

N = 10000
E = 320000
D = 128
H = 20
C = 40


def glorot(key, shape):
    lim = float(np.sqrt(6.0 / (shape[0] + shape[1])))
    return jax.random.uniform(key, shape, jnp.float32, -lim, lim)


def setup_inputs(seed: int = 0) -> dict:
    key = jax.random.key(seed)
    ks = jax.random.split(key, 8)
    x = jax.random.normal(ks[0], (N, D), dtype=jnp.float32)
    edge_index = jax.random.randint(ks[1], (2, E), 0, N)
    W1 = glorot(ks[2], (D, H)); b1 = jnp.zeros((H,), jnp.float32)
    W2 = glorot(ks[3], (H, H)); b2 = jnp.zeros((H,), jnp.float32)
    W3 = glorot(ks[4], (H, H)); b3 = jnp.zeros((H,), jnp.float32)
    Wlin = glorot(ks[5], (3 * H, C)); blin = jnp.zeros((C,), jnp.float32)
    return {"x": x, "edge_index": edge_index, "W1": W1, "b1": b1,
            "W2": W2, "b2": b2, "W3": W3, "b3": b3,
            "Wlin": Wlin, "blin": blin}


def gcn_conv(h_in, src, dst, W, b):
    # PyG GCNConv: linear transform, add self-loops (weight 1), symmetric D^-1/2 A D^-1/2 aggregation
    h = h_in @ W
    loop = jnp.arange(N)
    s = jnp.concatenate([src, loop])
    d = jnp.concatenate([dst, loop])
    ew = jnp.ones((s.shape[0],), jnp.float32)
    deg = jax.ops.segment_sum(ew, d, num_segments=N)
    dinv = jnp.where(deg > 0, jax.lax.rsqrt(jnp.maximum(deg, 1e-12)), 0.0)
    norm = dinv[s] * ew * dinv[d]
    msgs = norm[:, None] * jnp.take(h, s, axis=0)
    out = jax.ops.segment_sum(msgs, d, num_segments=N)
    return out + b


def reference(x, edge_index, W1, b1, W2, b2, W3, b3, Wlin, blin):
    src = edge_index[0]
    dst = edge_index[1]
    x1 = jax.nn.relu(gcn_conv(x, src, dst, W1, b1))
    x2 = jax.nn.relu(gcn_conv(x1, src, dst, W2, b2))
    x3 = gcn_conv(x2, src, dst, W3, b3)
    xc = jnp.concatenate([x1, x2, x3], axis=1)
    logits = xc @ Wlin + blin
    return jax.nn.log_softmax(logits, axis=1)

if __name__ == "__main__":
    import jax
    _d = setup_inputs()
    print(jax.jit(kernel)(*tuple(_d.values())))

</pallas_src>

<mosaic_0001>
#map = affine_map<(d0, d1) -> (0, 0)>
#map1 = affine_map<(d0, d1) -> (0, 0, 0)>
module attributes {stable_mosaic.version = 14 : i64} {
  func.func @agg_kernel(%arg0: i32, %arg1: i32, %arg2: memref<10000x24xf32, #tpu.memory_space<hbm>>, %arg3: memref<2x2500x128xi32, #tpu.memory_space<hbm>>, %arg4: memref<10240x24xf32, #tpu.memory_space<hbm>>, %arg5: memref<1x10240x24xf32, #tpu.memory_space<hbm>>, %arg6: memref<157x128xi32, #tpu.memory_space<vmem>>, %arg7: memref<157x128xi32, #tpu.memory_space<vmem>>, %arg8: memref<128x24xf32, #tpu.memory_space<vmem>>, %arg9: memref<128x24xf32, #tpu.memory_space<vmem>>, %arg10: memref<128x24xf32, #tpu.memory_space<vmem>>, %arg11: memref<128x24xf32, #tpu.memory_space<vmem>>, %arg12: memref<128x24xf32, #tpu.memory_space<vmem>>, %arg13: memref<128x24xf32, #tpu.memory_space<vmem>>, %arg14: memref<128x24xf32, #tpu.memory_space<vmem>>, %arg15: memref<128x24xf32, #tpu.memory_space<vmem>>, %arg16: memref<10240x24xf32, #tpu.memory_space<vmem_shared>>, %arg17: memref<!tpu.dma_semaphore, #tpu.memory_space<semaphore_mem>>, %arg18: memref<!tpu.dma_semaphore, #tpu.memory_space<semaphore_mem>>, %arg19: memref<!tpu.dma_semaphore, #tpu.memory_space<semaphore_mem>>, %arg20: memref<!tpu.dma_semaphore, #tpu.memory_space<semaphore_mem>>, %arg21: memref<!tpu.dma_semaphore, #tpu.memory_space<semaphore_mem>>, %arg22: memref<!tpu.dma_semaphore, #tpu.memory_space<semaphore_mem>>, %arg23: memref<!tpu.dma_semaphore, #tpu.memory_space<semaphore_mem>>, %arg24: memref<!tpu.dma_semaphore, #tpu.memory_space<semaphore_mem>>, %arg25: memref<!tpu.dma_semaphore, #tpu.memory_space<semaphore_mem>>, %arg26: memref<!tpu.dma_semaphore, #tpu.memory_space<semaphore_mem>>, %arg27: memref<!tpu.dma_semaphore, #tpu.memory_space<semaphore_mem>>, %arg28: memref<!tpu.dma_semaphore, #tpu.memory_space<semaphore_mem>>, %arg29: memref<!tpu.dma_semaphore, #tpu.memory_space<semaphore_mem>>, %arg30: memref<!tpu.dma_semaphore, #tpu.memory_space<semaphore_mem>>, %arg31: memref<!tpu.dma_semaphore, #tpu.memory_space<semaphore_mem>>, %arg32: memref<!tpu.dma_semaphore, #tpu.memory_space<semaphore_mem>>) attributes {dimension_semantics = [#tpu.dimension_semantics<core_parallel>, #tpu.dimension_semantics<subcore_parallel>], iteration_bounds = array<i64: 1, 16>, scalar_prefetch = 0 : i64, scratch_operands = 27 : i64, tpu.core_type = #tpu.core_type<sc_vector_subcore>, window_params = [{transform_indices = #map}, {transform_indices = #map1}, {transform_indices = #map}, {transform_indices = #map1}]} {
    %mul3A = arith.constant 156 : i32
    %mul3A_0 = arith.muli %arg1, %mul3A : i32
    %min3A = arith.constant 4 : i32
    %min3A_1 = arith.minsi %arg1, %min3A : i32
    %add3A = arith.addi %mul3A_0, %min3A_1 : i32
    %lt3A = arith.constant 4 : i32
    %lt3A_2 = arith.cmpi slt, %arg1, %lt3A : i32
    %jit3A = arith.constant 1 : i32
    %jit3A_3 = arith.constant 0 : i32
    %select_n3A = arith.select %lt3A_2, %jit3A, %jit3A_3 : i32
    %add3A_4 = arith.constant 156 : i32
    %add3A_5 = arith.addi %add3A_4, %select_n3A : i32
    %mul3A_6 = arith.constant 0 : i32
    %mul3A_7 = arith.muli %arg1, %mul3A_6 : i32
    %add3A_8 = arith.constant 2500 : i32
    %add3A_9 = arith.addi %add3A_8, %mul3A_7 : i32
    %eq3A = arith.constant 0 : i32
    %eq3A_10 = arith.cmpi eq, %arg0, %eq3A : i32
    %select_n3A_11 = arith.select %eq3A_10, %add3A, %add3A_9 : i32
    %eq3A_12 = arith.constant 0 : i32
    %eq3A_13 = arith.cmpi eq, %arg0, %eq3A_12 : i32
    %jit3A_14 = arith.constant 0 : i32
    %select_n3A_15 = arith.select %eq3A_13, %add3A_5, %jit3A_14 : i32
    %min3A_16 = arith.constant 2343 : i32
    %min3A_17 = arith.minsi %select_n3A_11, %min3A_16 : i32
    %sub3A = arith.subi %select_n3A_11, %min3A_17 : i32
    %run_scoped3A = arith.constant 0 : i32
    "tpu.region"() ({
      %run_scoped3A_96 = tpu.sem_alloc : memref<!tpu.dma_semaphore, #tpu.memory_space<semaphore_mem>>
      %dma_start3A_97 = arith.constant 0 : i32
      %dma_start3A_98 = arith.constant 0 : i32
      %dma_start3A_99 = tpu.memref_slice %arg3[%run_scoped3A, %dma_start3A_97, %dma_start3A_98] : memref<2x2500x128xi32, #tpu.memory_space<hbm>> -> memref<1x2500x128xi32, #tpu.memory_space<hbm>>
      %dma_start3A_100 = tpu.memref_squeeze %dma_start3A_99 : memref<1x2500x128xi32, #tpu.memory_space<hbm>> -> memref<2500x128xi32, #tpu.memory_space<hbm>>
      %dma_start3A_101 = arith.constant 0 : i32
      %dma_start3A_102 = tpu.memref_slice %dma_start3A_100[%min3A_17, %dma_start3A_101] : memref<2500x128xi32, #tpu.memory_space<hbm>> -> memref<157x128xi32, #tpu.memory_space<hbm>>
      %dma_start3A_103 = arith.constant 0 : i32
      %dma_start3A_104 = arith.constant 0 : i32
      %dma_start3A_105 = tpu.memref_slice %arg3[%run_scoped3A, %dma_start3A_103, %dma_start3A_104] : memref<2x2500x128xi32, #tpu.memory_space<hbm>> -> memref<1x2500x128xi32, #tpu.memory_space<hbm>>
      %dma_start3A_106 = tpu.memref_squeeze %dma_start3A_105 : memref<1x2500x128xi32, #tpu.memory_space<hbm>> -> memref<2500x128xi32, #tpu.memory_space<hbm>>
      %dma_start3A_107 = arith.constant 0 : i32
      %dma_start3A_108 = tpu.memref_slice %dma_start3A_106[%min3A_17, %dma_start3A_107] : memref<2500x128xi32, #tpu.memory_space<hbm>> -> memref<157x128xi32, #tpu.memory_space<hbm>>
      tpu.enqueue_dma source(%dma_start3A_108 : memref<157x128xi32, #tpu.memory_space<hbm>>) target(%arg6 : memref<157x128xi32, #tpu.memory_space<vmem>>) target_semaphore(%run_scoped3A_96 : memref<!tpu.dma_semaphore, #tpu.memory_space<semaphore_mem>>)
      %dma_wait3A = arith.constant 0 : i32
      %dma_wait3A_109 = arith.constant 0 : i32
      %dma_wait3A_110 = tpu.memref_slice %arg3[%run_scoped3A, %dma_wait3A, %dma_wait3A_109] : memref<2x2500x128xi32, #tpu.memory_space<hbm>> -> memref<1x2500x128xi32, #tpu.memory_space<hbm>>
      %dma_wait3A_111 = tpu.memref_squeeze %dma_wait3A_110 : memref<1x2500x128xi32, #tpu.memory_space<hbm>> -> memref<2500x128xi32, #tpu.memory_space<hbm>>
      %dma_wait3A_112 = arith.constant 0 : i32
      %dma_wait3A_113 = tpu.memref_slice %dma_wait3A_111[%min3A_17, %dma_wait3A_112] : memref<2500x128xi32, #tpu.memory_space<hbm>> -> memref<157x128xi32, #tpu.memory_space<hbm>>
      %dma_wait3A_114 = arith.constant 0 : i32
      %dma_wait3A_115 = arith.constant 0 : i32
      %dma_wait3A_116 = tpu.memref_slice %arg3[%run_scoped3A, %dma_wait3A_114, %dma_wait3A_115] : memref<2x2500x128xi32, #tpu.memory_space<hbm>> -> memref<1x2500x128xi32, #tpu.memory_space<hbm>>
      %dma_wait3A_117 = tpu.memref_squeeze %dma_wait3A_116 : memref<1x2500x128xi32, #tpu.memory_space<hbm>> -> memref<2500x128xi32, #tpu.memory_space<hbm>>
      %dma_wait3A_118 = arith.constant 0 : i32
      %dma_wait3A_119 = tpu.memref_slice %dma_wait3A_117[%min3A_17, %dma_wait3A_118] : memref<2500x128xi32, #tpu.memory_space<hbm>> -> memref<157x128xi32, #tpu.memory_space<hbm>>
      tpu.wait_dma2 semaphore(%run_scoped3A_96 : memref<!tpu.dma_semaphore, #tpu.memory_space<semaphore_mem>>) src(%dma_wait3A_119 : memref<157x128xi32, #tpu.memory_space<hbm>>) dst(%arg6 : memref<157x128xi32, #tpu.memory_space<vmem>>)
      tpu.yield
    }) : () -> ()
    %run_scoped3A_18 = arith.constant 1 : i32
    "tpu.region"() ({
      %run_scoped3A_96 = tpu.sem_alloc : memref<!tpu.dma_semaphore, #tpu.memory_space<semaphore_mem>>
      %dma_start3A_97 = arith.constant 0 : i32
      %dma_start3A_98 = arith.constant 0 : i32
      %dma_start3A_99 = tpu.memref_slice %arg3[%run_scoped3A_18, %dma_start3A_97, %dma_start3A_98] : memref<2x2500x128xi32, #tpu.memory_space<hbm>> -> memref<1x2500x128xi32, #tpu.memory_space<hbm>>
      %dma_start3A_100 = tpu.memref_squeeze %dma_start3A_99 : memref<1x2500x128xi32, #tpu.memory_space<hbm>> -> memref<2500x128xi32, #tpu.memory_space<hbm>>
      %dma_start3A_101 = arith.constant 0 : i32
      %dma_start3A_102 = tpu.memref_slice %dma_start3A_100[%min3A_17, %dma_start3A_101] : memref<2500x128xi32, #tpu.memory_space<hbm>> -> memref<157x128xi32, #tpu.memory_space<hbm>>
      %dma_start3A_103 = arith.constant 0 : i32
      %dma_start3A_104 = arith.constant 0 : i32
      %dma_start3A_105 = tpu.memref_slice %arg3[%run_scoped3A_18, %dma_start3A_103, %dma_start3A_104] : memref<2x2500x128xi32, #tpu.memory_space<hbm>> -> memref<1x2500x128xi32, #tpu.memory_space<hbm>>
      %dma_start3A_106 = tpu.memref_squeeze %dma_start3A_105 : memref<1x2500x128xi32, #tpu.memory_space<hbm>> -> memref<2500x128xi32, #tpu.memory_space<hbm>>
      %dma_start3A_107 = arith.constant 0 : i32
      %dma_start3A_108 = tpu.memref_slice %dma_start3A_106[%min3A_17, %dma_start3A_107] : memref<2500x128xi32, #tpu.memory_space<hbm>> -> memref<157x128xi32, #tpu.memory_space<hbm>>
      tpu.enqueue_dma source(%dma_start3A_108 : memref<157x128xi32, #tpu.memory_space<hbm>>) target(%arg7 : memref<157x128xi32, #tpu.memory_space<vmem>>) target_semaphore(%run_scoped3A_96 : memref<!tpu.dma_semaphore, #tpu.memory_space<semaphore_mem>>)
      %dma_wait3A = arith.constant 0 : i32
      %dma_wait3A_109 = arith.constant 0 : i32
      %dma_wait3A_110 = tpu.memref_slice %arg3[%run_scoped3A_18, %dma_wait3A, %dma_wait3A_109] : memref<2x2500x128xi32, #tpu.memory_space<hbm>> -> memref<1x2500x128xi32, #tpu.memory_space<hbm>>
      %dma_wait3A_111 = tpu.memref_squeeze %dma_wait3A_110 : memref<1x2500x128xi32, #tpu.memory_space<hbm>> -> memref<2500x128xi32, #tpu.memory_space<hbm>>
      %dma_wait3A_112 = arith.constant 0 : i32
      %dma_wait3A_113 = tpu.memref_slice %dma_wait3A_111[%min3A_17, %dma_wait3A_112] : memref<2500x128xi32, #tpu.memory_space<hbm>> -> memref<157x128xi32, #tpu.memory_space<hbm>>
      %dma_wait3A_114 = arith.constant 0 : i32
      %dma_wait3A_115 = arith.constant 0 : i32
      %dma_wait3A_116 = tpu.memref_slice %arg3[%run_scoped3A_18, %dma_wait3A_114, %dma_wait3A_115] : memref<2x2500x128xi32, #tpu.memory_space<hbm>> -> memref<1x2500x128xi32, #tpu.memory_space<hbm>>
      %dma_wait3A_117 = tpu.memref_squeeze %dma_wait3A_116 : memref<1x2500x128xi32, #tpu.memory_space<hbm>> -> memref<2500x128xi32, #tpu.memory_space<hbm>>
      %dma_wait3A_118 = arith.constant 0 : i32
      %dma_wait3A_119 = tpu.memref_slice %dma_wait3A_117[%min3A_17, %dma_wait3A_118] : memref<2500x128xi32, #tpu.memory_space<hbm>> -> memref<157x128xi32, #tpu.memory_space<hbm>>
      tpu.wait_dma2 semaphore(%run_scoped3A_96 : memref<!tpu.dma_semaphore, #tpu.memory_space<semaphore_mem>>) src(%dma_wait3A_119 : memref<157x128xi32, #tpu.memory_space<hbm>>) dst(%arg7 : memref<157x128xi32, #tpu.memory_space<vmem>>)
      tpu.yield
    }) : () -> ()
    %mul3A_19 = arith.constant 640 : i32
    %mul3A_20 = arith.muli %arg1, %mul3A_19 : i32
    %mul3A_21 = arith.constant 640 : i32
    %mul3A_22 = arith.muli %arg1, %mul3A_21 : i32
    "tpu.region"() ({
      %run_scoped3A_96 = tpu.sem_alloc : memref<!tpu.dma_semaphore, #tpu.memory_space<semaphore_mem>>
      %dma_start3A_97 = arith.constant 0 : i32
      %dma_start3A_98 = tpu.memref_slice %arg16[%mul3A_22, %dma_start3A_97] : memref<10240x24xf32, #tpu.memory_space<vmem_shared>> -> memref<640x24xf32, #tpu.memory_space<vmem_shared>>
      %dma_start3A_99 = arith.constant 0 : i32
      %dma_start3A_100 = tpu.memref_slice %arg4[%mul3A_20, %dma_start3A_99] : memref<10240x24xf32, #tpu.memory_space<hbm>> -> memref<640x24xf32, #tpu.memory_space<hbm>>
      tpu.enqueue_dma source(%dma_start3A_100 : memref<640x24xf32, #tpu.memory_space<hbm>>) target(%dma_start3A_98 : memref<640x24xf32, #tpu.memory_space<vmem_shared>>) target_semaphore(%run_scoped3A_96 : memref<!tpu.dma_semaphore, #tpu.memory_space<semaphore_mem>>)
      %dma_wait3A = arith.constant 0 : i32
      %dma_wait3A_101 = tpu.memref_slice %arg16[%mul3A_22, %dma_wait3A] : memref<10240x24xf32, #tpu.memory_space<vmem_shared>> -> memref<640x24xf32, #tpu.memory_space<vmem_shared>>
      %dma_wait3A_102 = arith.constant 0 : i32
      %dma_wait3A_103 = tpu.memref_slice %arg4[%mul3A_20, %dma_wait3A_102] : memref<10240x24xf32, #tpu.memory_space<hbm>> -> memref<640x24xf32, #tpu.memory_space<hbm>>
      tpu.wait_dma2 semaphore(%run_scoped3A_96 : memref<!tpu.dma_semaphore, #tpu.memory_space<semaphore_mem>>) src(%dma_wait3A_103 : memref<640x24xf32, #tpu.memory_space<hbm>>) dst(%dma_wait3A_101 : memref<640x24xf32, #tpu.memory_space<vmem_shared>>)
      tpu.yield
    }) : () -> ()
    %barrier3A = arith.constant 0 : index
    tpu.barrier barrier_id(%barrier3A)
    %add3A_23 = arith.constant 0 : i32
    %add3A_24 = arith.addi %sub3A, %add3A_23 : i32
    %dma_start3A = arith.constant 0 : i32
    %dma_start3A_25 = tpu.memref_slice %arg6[%add3A_24, %dma_start3A] : memref<157x128xi32, #tpu.memory_space<vmem>> -> memref<1x128xi32, #tpu.memory_space<vmem>>
    %dma_start3A_26 = tpu.memref_squeeze %dma_start3A_25 : memref<1x128xi32, #tpu.memory_space<vmem>> -> memref<128xi32, #tpu.memory_space<vmem>>
    %dma_start3A_27 = arith.constant 0 : i32
    %dma_start3A_28 = arith.constant 0 : i32
    %dma_start3A_29 = tpu.memref_slice %arg2[%dma_start3A_27, %dma_start3A_28] : memref<10000x24xf32, #tpu.memory_space<hbm>> -> memref<10000x24xf32, #tpu.memory_space<hbm>>
    tpu.enqueue_indirect_dma source(%dma_start3A_29 : memref<10000x24xf32, #tpu.memory_space<hbm>>) target(%arg8 : memref<128x24xf32, #tpu.memory_space<vmem>>) offsets(%dma_start3A_26 : memref<128xi32, #tpu.memory_space<vmem>>) semaphore(%arg17 : memref<!tpu.dma_semaphore, #tpu.memory_space<semaphore_mem>>)
    %add3A_30 = arith.constant 1 : i32
    %add3A_31 = arith.addi %sub3A, %add3A_30 : i32
    %dma_start3A_32 = arith.constant 0 : i32
    %dma_start3A_33 = tpu.memref_slice %arg6[%add3A_31, %dma_start3A_32] : memref<157x128xi32, #tpu.memory_space<vmem>> -> memref<1x128xi32, #tpu.memory_space<vmem>>
    %dma_start3A_34 = tpu.memref_squeeze %dma_start3A_33 : memref<1x128xi32, #tpu.memory_space<vmem>> -> memref<128xi32, #tpu.memory_space<vmem>>
    %dma_start3A_35 = arith.constant 0 : i32
    %dma_start3A_36 = arith.constant 0 : i32
    %dma_start3A_37 = tpu.memref_slice %arg2[%dma_start3A_35, %dma_start3A_36] : memref<10000x24xf32, #tpu.memory_space<hbm>> -> memref<10000x24xf32, #tpu.memory_space<hbm>>
    tpu.enqueue_indirect_dma source(%dma_start3A_37 : memref<10000x24xf32, #tpu.memory_space<hbm>>) target(%arg9 : memref<128x24xf32, #tpu.memory_space<vmem>>) offsets(%dma_start3A_34 : memref<128xi32, #tpu.memory_space<vmem>>) semaphore(%arg18 : memref<!tpu.dma_semaphore, #tpu.memory_space<semaphore_mem>>)
    %add3A_38 = arith.constant 2 : i32
    %add3A_39 = arith.addi %sub3A, %add3A_38 : i32
    %dma_start3A_40 = arith.constant 0 : i32
    %dma_start3A_41 = tpu.memref_slice %arg6[%add3A_39, %dma_start3A_40] : memref<157x128xi32, #tpu.memory_space<vmem>> -> memref<1x128xi32, #tpu.memory_space<vmem>>
    %dma_start3A_42 = tpu.memref_squeeze %dma_start3A_41 : memref<1x128xi32, #tpu.memory_space<vmem>> -> memref<128xi32, #tpu.memory_space<vmem>>
    %dma_start3A_43 = arith.constant 0 : i32
    %dma_start3A_44 = arith.constant 0 : i32
    %dma_start3A_45 = tpu.memref_slice %arg2[%dma_start3A_43, %dma_start3A_44] : memref<10000x24xf32, #tpu.memory_space<hbm>> -> memref<10000x24xf32, #tpu.memory_space<hbm>>
    tpu.enqueue_indirect_dma source(%dma_start3A_45 : memref<10000x24xf32, #tpu.memory_space<hbm>>) target(%arg10 : memref<128x24xf32, #tpu.memory_space<vmem>>) offsets(%dma_start3A_42 : memref<128xi32, #tpu.memory_space<vmem>>) semaphore(%arg19 : memref<!tpu.dma_semaphore, #tpu.memory_space<semaphore_mem>>)
    %add3A_46 = arith.constant 3 : i32
    %add3A_47 = arith.addi %sub3A, %add3A_46 : i32
    %dma_start3A_48 = arith.constant 0 : i32
    %dma_start3A_49 = tpu.memref_slice %arg6[%add3A_47, %dma_start3A_48] : memref<157x128xi32, #tpu.memory_space<vmem>> -> memref<1x128xi32, #tpu.memory_space<vmem>>
    %dma_start3A_50 = tpu.memref_squeeze %dma_start3A_49 : memref<1x128xi32, #tpu.memory_space<vmem>> -> memref<128xi32, #tpu.memory_space<vmem>>
    %dma_start3A_51 = arith.constant 0 : i32
    %dma_start3A_52 = arith.constant 0 : i32
    %dma_start3A_53 = tpu.memref_slice %arg2[%dma_start3A_51, %dma_start3A_52] : memref<10000x24xf32, #tpu.memory_space<hbm>> -> memref<10000x24xf32, #tpu.memory_space<hbm>>
    tpu.enqueue_indirect_dma source(%dma_start3A_53 : memref<10000x24xf32, #tpu.memory_space<hbm>>) target(%arg11 : memref<128x24xf32, #tpu.memory_space<vmem>>) offsets(%dma_start3A_50 : memref<128xi32, #tpu.memory_space<vmem>>) semaphore(%arg20 : memref<!tpu.dma_semaphore, #tpu.memory_space<semaphore_mem>>)
    %add3A_54 = arith.constant 4 : i32
    %add3A_55 = arith.addi %sub3A, %add3A_54 : i32
    %dma_start3A_56 = arith.constant 0 : i32
    %dma_start3A_57 = tpu.memref_slice %arg6[%add3A_55, %dma_start3A_56] : memref<157x128xi32, #tpu.memory_space<vmem>> -> memref<1x128xi32, #tpu.memory_space<vmem>>
    %dma_start3A_58 = tpu.memref_squeeze %dma_start3A_57 : memref<1x128xi32, #tpu.memory_space<vmem>> -> memref<128xi32, #tpu.memory_space<vmem>>
    %dma_start3A_59 = arith.constant 0 : i32
    %dma_start3A_60 = arith.constant 0 : i32
    %dma_start3A_61 = tpu.memref_slice %arg2[%dma_start3A_59, %dma_start3A_60] : memref<10000x24xf32, #tpu.memory_space<hbm>> -> memref<10000x24xf32, #tpu.memory_space<hbm>>
    tpu.enqueue_indirect_dma source(%dma_start3A_61 : memref<10000x24xf32, #tpu.memory_space<hbm>>) target(%arg12 : memref<128x24xf32, #tpu.memory_space<vmem>>) offsets(%dma_start3A_58 : memref<128xi32, #tpu.memory_space<vmem>>) semaphore(%arg21 : memref<!tpu.dma_semaphore, #tpu.memory_space<semaphore_mem>>)
    %add3A_62 = arith.constant 5 : i32
    %add3A_63 = arith.addi %sub3A, %add3A_62 : i32
    %dma_start3A_64 = arith.constant 0 : i32
    %dma_start3A_65 = tpu.memref_slice %arg6[%add3A_63, %dma_start3A_64] : memref<157x128xi32, #tpu.memory_space<vmem>> -> memref<1x128xi32, #tpu.memory_space<vmem>>
    %dma_start3A_66 = tpu.memref_squeeze %dma_start3A_65 : memref<1x128xi32, #tpu.memory_space<vmem>> -> memref<128xi32, #tpu.memory_space<vmem>>
    %dma_start3A_67 = arith.constant 0 : i32
    %dma_start3A_68 = arith.constant 0 : i32
    %dma_start3A_69 = tpu.memref_slice %arg2[%dma_start3A_67, %dma_start3A_68] : memref<10000x24xf32, #tpu.memory_space<hbm>> -> memref<10000x24xf32, #tpu.memory_space<hbm>>
    tpu.enqueue_indirect_dma source(%dma_start3A_69 : memref<10000x24xf32, #tpu.memory_space<hbm>>) target(%arg13 : memref<128x24xf32, #tpu.memory_space<vmem>>) offsets(%dma_start3A_66 : memref<128xi32, #tpu.memory_space<vmem>>) semaphore(%arg22 : memref<!tpu.dma_semaphore, #tpu.memory_space<semaphore_mem>>)
    %add3A_70 = arith.constant 6 : i32
    %add3A_71 = arith.addi %sub3A, %add3A_70 : i32
    %dma_start3A_72 = arith.constant 0 : i32
    %dma_start3A_73 = tpu.memref_slice %arg6[%add3A_71, %dma_start3A_72] : memref<157x128xi32, #tpu.memory_space<vmem>> -> memref<1x128xi32, #tpu.memory_space<vmem>>
    %dma_start3A_74 = tpu.memref_squeeze %dma_start3A_73 : memref<1x128xi32, #tpu.memory_space<vmem>> -> memref<128xi32, #tpu.memory_space<vmem>>
    %dma_start3A_75 = arith.constant 0 : i32
    %dma_start3A_76 = arith.constant 0 : i32
    %dma_start3A_77 = tpu.memref_slice %arg2[%dma_start3A_75, %dma_start3A_76] : memref<10000x24xf32, #tpu.memory_space<hbm>> -> memref<10000x24xf32, #tpu.memory_space<hbm>>
    tpu.enqueue_indirect_dma source(%dma_start3A_77 : memref<10000x24xf32, #tpu.memory_space<hbm>>) target(%arg14 : memref<128x24xf32, #tpu.memory_space<vmem>>) offsets(%dma_start3A_74 : memref<128xi32, #tpu.memory_space<vmem>>) semaphore(%arg23 : memref<!tpu.dma_semaphore, #tpu.memory_space<semaphore_mem>>)
    %add3A_78 = arith.constant 7 : i32
    %add3A_79 = arith.addi %sub3A, %add3A_78 : i32
    %dma_start3A_80 = arith.constant 0 : i32
    %dma_start3A_81 = tpu.memref_slice %arg6[%add3A_79, %dma_start3A_80] : memref<157x128xi32, #tpu.memory_space<vmem>> -> memref<1x128xi32, #tpu.memory_space<vmem>>
    %dma_start3A_82 = tpu.memref_squeeze %dma_start3A_81 : memref<1x128xi32, #tpu.memory_space<vmem>> -> memref<128xi32, #tpu.memory_space<vmem>>
    %dma_start3A_83 = arith.constant 0 : i32
    %dma_start3A_84 = arith.constant 0 : i32
    %dma_start3A_85 = tpu.memref_slice %arg2[%dma_start3A_83, %dma_start3A_84] : memref<10000x24xf32, #tpu.memory_space<hbm>> -> memref<10000x24xf32, #tpu.memory_space<hbm>>
    tpu.enqueue_indirect_dma source(%dma_start3A_85 : memref<10000x24xf32, #tpu.memory_space<hbm>>) target(%arg15 : memref<128x24xf32, #tpu.memory_space<vmem>>) offsets(%dma_start3A_82 : memref<128xi32, #tpu.memory_space<vmem>>) semaphore(%arg24 : memref<!tpu.dma_semaphore, #tpu.memory_space<semaphore_mem>>)
    %scan3A = arith.constant 0 : i32
    %scan3A_86 = arith.constant 0 : i32
    %scan3A_87 = arith.constant 20 : i32
    %scan3A_88 = arith.addi %scan3A_86, %scan3A_87 : i32
    %scan3A_89 = arith.constant 1 : i32
    scf.for %scan3A_96 = %scan3A_86 to %scan3A_88 step %scan3A_89  : i32 {
      %mul3A_97 = arith.constant 8 : i32
      %mul3A_98 = arith.muli %scan3A_96, %mul3A_97 : i32
      %add3A_99 = arith.constant 0 : i32
      %add3A_100 = arith.addi %mul3A_98, %add3A_99 : i32
      %add3A_101 = arith.constant 0 : i32
      %add3A_102 = arith.addi %add3A_100, %add3A_101 : i32
      %lt3A_103 = arith.cmpi slt, %add3A_102, %select_n3A_15 : i32
      %convert_element_type3A = arith.extui %lt3A_103 : i1 to i32
      %cond3A = arith.constant 0 : i32
      %cond3A_104 = arith.cmpi ne, %convert_element_type3A, %cond3A : i32
      scf.if %cond3A_104 {
        %dma_wait3A = arith.constant 0 : i32
        %dma_wait3A_247 = arith.constant 0 : i32
        %dma_wait3A_248 = tpu.memref_slice %arg6[%dma_wait3A, %dma_wait3A_247] : memref<157x128xi32, #tpu.memory_space<vmem>> -> memref<1x128xi32, #tpu.memory_space<vmem>>
        %dma_wait3A_249 = tpu.memref_squeeze %dma_wait3A_248 : memref<1x128xi32, #tpu.memory_space<vmem>> -> memref<128xi32, #tpu.memory_space<vmem>>
        %dma_wait3A_250 = arith.constant 0 : i32
        %dma_wait3A_251 = arith.constant 0 : i32
        %dma_wait3A_252 = tpu.memref_slice %arg2[%dma_wait3A_250, %dma_wait3A_251] : memref<10000x24xf32, #tpu.memory_space<hbm>> -> memref<10000x24xf32, #tpu.memory_space<hbm>>
        tpu.wait_indirect_dma semaphore(%arg17 : memref<!tpu.dma_semaphore, #tpu.memory_space<semaphore_mem>>) src(%dma_wait3A_252 : memref<10000x24xf32, #tpu.memory_space<hbm>>) dst(%arg8 : memref<128x24xf32, #tpu.memory_space<vmem>>)
        %add3A_253 = arith.addi %sub3A, %add3A_102 : i32
        %dma_start3A_254 = arith.constant 0 : i32
        %dma_start3A_255 = tpu.memref_slice %arg7[%add3A_253, %dma_start3A_254] : memref<157x128xi32, #tpu.memory_space<vmem>> -> memref<1x128xi32, #tpu.memory_space<vmem>>
        %dma_start3A_256 = tpu.memref_squeeze %dma_start3A_255 : memref<1x128xi32, #tpu.memory_space<vmem>> -> memref<128xi32, #tpu.memory_space<vmem>>
        %dma_start3A_257 = arith.constant 0 : i32
        %dma_start3A_258 = arith.constant 0 : i32
        %dma_start3A_259 = tpu.memref_slice %arg16[%dma_start3A_257, %dma_start3A_258] : memref<10240x24xf32, #tpu.memory_space<vmem_shared>> -> memref<10240x24xf32, #tpu.memory_space<vmem_shared>>
        tpu.enqueue_indirect_dma source(%arg8 : memref<128x24xf32, #tpu.memory_space<vmem>>) target(%dma_start3A_259 : memref<10240x24xf32, #tpu.memory_space<vmem_shared>>) offsets(%dma_start3A_256 : memref<128xi32, #tpu.memory_space<vmem>>) semaphore(%arg25 : memref<!tpu.dma_semaphore, #tpu.memory_space<semaphore_mem>>) {add = true}
      } else {
      }
      %add3A_105 = arith.constant 1 : i32
      %add3A_106 = arith.addi %add3A_100, %add3A_105 : i32
      %lt3A_107 = arith.cmpi slt, %add3A_106, %select_n3A_15 : i32
      %convert_element_type3A_108 = arith.extui %lt3A_107 : i1 to i32
      %cond3A_109 = arith.constant 0 : i32
      %cond3A_110 = arith.cmpi ne, %convert_element_type3A_108, %cond3A_109 : i32
      scf.if %cond3A_110 {
        %dma_wait3A = arith.constant 0 : i32
        %dma_wait3A_247 = arith.constant 0 : i32
        %dma_wait3A_248 = tpu.memref_slice %arg6[%dma_wait3A, %dma_wait3A_247] : memref<157x128xi32, #tpu.memory_space<vmem>> -> memref<1x128xi32, #tpu.memory_space<vmem>>
        %dma_wait3A_249 = tpu.memref_squeeze %dma_wait3A_248 : memref<1x128xi32, #tpu.memory_space<vmem>> -> memref<128xi32, #tpu.memory_space<vmem>>
        %dma_wait3A_250 = arith.constant 0 : i32
        %dma_wait3A_251 = arith.constant 0 : i32
        %dma_wait3A_252 = tpu.memref_slice %arg2[%dma_wait3A_250, %dma_wait3A_251] : memref<10000x24xf32, #tpu.memory_space<hbm>> -> memref<10000x24xf32, #tpu.memory_space<hbm>>
        tpu.wait_indirect_dma semaphore(%arg18 : memref<!tpu.dma_semaphore, #tpu.memory_space<semaphore_mem>>) src(%dma_wait3A_252 : memref<10000x24xf32, #tpu.memory_space<hbm>>) dst(%arg9 : memref<128x24xf32, #tpu.memory_space<vmem>>)
        %add3A_253 = arith.addi %sub3A, %add3A_106 : i32
        %dma_start3A_254 = arith.constant 0 : i32
        %dma_start3A_255 = tpu.memref_slice %arg7[%add3A_253, %dma_start3A_254] : memref<157x128xi32, #tpu.memory_space<vmem>> -> memref<1x128xi32, #tpu.memory_space<vmem>>
        %dma_start3A_256 = tpu.memref_squeeze %dma_start3A_255 : memref<1x128xi32, #tpu.memory_space<vmem>> -> memref<128xi32, #tpu.memory_space<vmem>>
        %dma_start3A_257 = arith.constant 0 : i32
        %dma_start3A_258 = arith.constant 0 : i32
        %dma_start3A_259 = tpu.memref_slice %arg16[%dma_start3A_257, %dma_start3A_258] : memref<10240x24xf32, #tpu.memory_space<vmem_shared>> -> memref<10240x24xf32, #tpu.memory_space<vmem_shared>>
        tpu.enqueue_indirect_dma source(%arg9 : memref<128x24xf32, #tpu.memory_space<vmem>>) target(%dma_start3A_259 : memref<10240x24xf32, #tpu.memory_space<vmem_shared>>) offsets(%dma_start3A_256 : memref<128xi32, #tpu.memory_space<vmem>>) semaphore(%arg26 : memref<!tpu.dma_semaphore, #tpu.memory_space<semaphore_mem>>) {add = true}
      } else {
      }
      %add3A_111 = arith.constant 2 : i32
      %add3A_112 = arith.addi %add3A_100, %add3A_111 : i32
      %lt3A_113 = arith.cmpi slt, %add3A_112, %select_n3A_15 : i32
      %convert_element_type3A_114 = arith.extui %lt3A_113 : i1 to i32
      %cond3A_115 = arith.constant 0 : i32
      %cond3A_116 = arith.cmpi ne, %convert_element_type3A_114, %cond3A_115 : i32
      scf.if %cond3A_116 {
        %dma_wait3A = arith.constant 0 : i32
        %dma_wait3A_247 = arith.constant 0 : i32
        %dma_wait3A_248 = tpu.memref_slice %arg6[%dma_wait3A, %dma_wait3A_247] : memref<157x128xi32, #tpu.memory_space<vmem>> -> memref<1x128xi32, #tpu.memory_space<vmem>>
        %dma_wait3A_249 = tpu.memref_squeeze %dma_wait3A_248 : memref<1x128xi32, #tpu.memory_space<vmem>> -> memref<128xi32, #tpu.memory_space<vmem>>
        %dma_wait3A_250 = arith.constant 0 : i32
        %dma_wait3A_251 = arith.constant 0 : i32
        %dma_wait3A_252 = tpu.memref_slice %arg2[%dma_wait3A_250, %dma_wait3A_251] : memref<10000x24xf32, #tpu.memory_space<hbm>> -> memref<10000x24xf32, #tpu.memory_space<hbm>>
        tpu.wait_indirect_dma semaphore(%arg19 : memref<!tpu.dma_semaphore, #tpu.memory_space<semaphore_mem>>) src(%dma_wait3A_252 : memref<10000x24xf32, #tpu.memory_space<hbm>>) dst(%arg10 : memref<128x24xf32, #tpu.memory_space<vmem>>)
        %add3A_253 = arith.addi %sub3A, %add3A_112 : i32
        %dma_start3A_254 = arith.constant 0 : i32
        %dma_start3A_255 = tpu.memref_slice %arg7[%add3A_253, %dma_start3A_254] : memref<157x128xi32, #tpu.memory_space<vmem>> -> memref<1x128xi32, #tpu.memory_space<vmem>>
        %dma_start3A_256 = tpu.memref_squeeze %dma_start3A_255 : memref<1x128xi32, #tpu.memory_space<vmem>> -> memref<128xi32, #tpu.memory_space<vmem>>
        %dma_start3A_257 = arith.constant 0 : i32
        %dma_start3A_258 = arith.constant 0 : i32
        %dma_start3A_259 = tpu.memref_slice %arg16[%dma_start3A_257, %dma_start3A_258] : memref<10240x24xf32, #tpu.memory_space<vmem_shared>> -> memref<10240x24xf32, #tpu.memory_space<vmem_shared>>
        tpu.enqueue_indirect_dma source(%arg10 : memref<128x24xf32, #tpu.memory_space<vmem>>) target(%dma_start3A_259 : memref<10240x24xf32, #tpu.memory_space<vmem_shared>>) offsets(%dma_start3A_256 : memref<128xi32, #tpu.memory_space<vmem>>) semaphore(%arg27 : memref<!tpu.dma_semaphore, #tpu.memory_space<semaphore_mem>>) {add = true}
      } else {
      }
      %add3A_117 = arith.constant 3 : i32
      %add3A_118 = arith.addi %add3A_100, %add3A_117 : i32
      %lt3A_119 = arith.cmpi slt, %add3A_118, %select_n3A_15 : i32
      %convert_element_type3A_120 = arith.extui %lt3A_119 : i1 to i32
      %cond3A_121 = arith.constant 0 : i32
      %cond3A_122 = arith.cmpi ne, %convert_element_type3A_120, %cond3A_121 : i32
      scf.if %cond3A_122 {
        %dma_wait3A = arith.constant 0 : i32
        %dma_wait3A_247 = arith.constant 0 : i32
        %dma_wait3A_248 = tpu.memref_slice %arg6[%dma_wait3A, %dma_wait3A_247] : memref<157x128xi32, #tpu.memory_space<vmem>> -> memref<1x128xi32, #tpu.memory_space<vmem>>
        %dma_wait3A_249 = tpu.memref_squeeze %dma_wait3A_248 : memref<1x128xi32, #tpu.memory_space<vmem>> -> memref<128xi32, #tpu.memory_space<vmem>>
        %dma_wait3A_250 = arith.constant 0 : i32
        %dma_wait3A_251 = arith.constant 0 : i32
        %dma_wait3A_252 = tpu.memref_slice %arg2[%dma_wait3A_250, %dma_wait3A_251] : memref<10000x24xf32, #tpu.memory_space<hbm>> -> memref<10000x24xf32, #tpu.memory_space<hbm>>
        tpu.wait_indirect_dma semaphore(%arg20 : memref<!tpu.dma_semaphore, #tpu.memory_space<semaphore_mem>>) src(%dma_wait3A_252 : memref<10000x24xf32, #tpu.memory_space<hbm>>) dst(%arg11 : memref<128x24xf32, #tpu.memory_space<vmem>>)
        %add3A_253 = arith.addi %sub3A, %add3A_118 : i32
        %dma_start3A_254 = arith.constant 0 : i32
        %dma_start3A_255 = tpu.memref_slice %arg7[%add3A_253, %dma_start3A_254] : memref<157x128xi32, #tpu.memory_space<vmem>> -> memref<1x128xi32, #tpu.memory_space<vmem>>
        %dma_start3A_256 = tpu.memref_squeeze %dma_start3A_255 : memref<1x128xi32, #tpu.memory_space<vmem>> -> memref<128xi32, #tpu.memory_space<vmem>>
        %dma_start3A_257 = arith.constant 0 : i32
        %dma_start3A_258 = arith.constant 0 : i32
        %dma_start3A_259 = tpu.memref_slice %arg16[%dma_start3A_257, %dma_start3A_258] : memref<10240x24xf32, #tpu.memory_space<vmem_shared>> -> memref<10240x24xf32, #tpu.memory_space<vmem_shared>>
        tpu.enqueue_indirect_dma source(%arg11 : memref<128x24xf32, #tpu.memory_space<vmem>>) target(%dma_start3A_259 : memref<10240x24xf32, #tpu.memory_space<vmem_shared>>) offsets(%dma_start3A_256 : memref<128xi32, #tpu.memory_space<vmem>>) semaphore(%arg28 : memref<!tpu.dma_semaphore, #tpu.memory_space<semaphore_mem>>) {add = true}
      } else {
      }
      %add3A_123 = arith.constant 0 : i32
      %add3A_124 = arith.addi %add3A_100, %add3A_123 : i32
      %lt3A_125 = arith.cmpi slt, %add3A_124, %select_n3A_15 : i32
      %convert_element_type3A_126 = arith.extui %lt3A_125 : i1 to i32
      %cond3A_127 = arith.constant 0 : i32
      %cond3A_128 = arith.cmpi ne, %convert_element_type3A_126, %cond3A_127 : i32
      scf.if %cond3A_128 {
        %dma_wait3A = arith.constant 0 : i32
        %dma_wait3A_247 = arith.constant 0 : i32
        %dma_wait3A_248 = tpu.memref_slice %arg7[%dma_wait3A, %dma_wait3A_247] : memref<157x128xi32, #tpu.memory_space<vmem>> -> memref<1x128xi32, #tpu.memory_space<vmem>>
        %dma_wait3A_249 = tpu.memref_squeeze %dma_wait3A_248 : memref<1x128xi32, #tpu.memory_space<vmem>> -> memref<128xi32, #tpu.memory_space<vmem>>
        %dma_wait3A_250 = arith.constant 0 : i32
        %dma_wait3A_251 = arith.constant 0 : i32
        %dma_wait3A_252 = tpu.memref_slice %arg16[%dma_wait3A_250, %dma_wait3A_251] : memref<10240x24xf32, #tpu.memory_space<vmem_shared>> -> memref<10240x24xf32, #tpu.memory_space<vmem_shared>>
        tpu.wait_indirect_dma semaphore(%arg25 : memref<!tpu.dma_semaphore, #tpu.memory_space<semaphore_mem>>) src(%arg8 : memref<128x24xf32, #tpu.memory_space<vmem>>) dst(%dma_wait3A_252 : memref<10240x24xf32, #tpu.memory_space<vmem_shared>>)
      } else {
      }
      %add3A_129 = arith.constant 8 : i32
      %add3A_130 = arith.addi %add3A_124, %add3A_129 : i32
      %lt3A_131 = arith.cmpi slt, %add3A_130, %select_n3A_15 : i32
      %convert_element_type3A_132 = arith.extui %lt3A_131 : i1 to i32
      %cond3A_133 = arith.constant 0 : i32
      %cond3A_134 = arith.cmpi ne, %convert_element_type3A_132, %cond3A_133 : i32
      scf.if %cond3A_134 {
        %add3A_247 = arith.addi %sub3A, %add3A_130 : i32
        %dma_start3A_248 = arith.constant 0 : i32
        %dma_start3A_249 = tpu.memref_slice %arg6[%add3A_247, %dma_start3A_248] : memref<157x128xi32, #tpu.memory_space<vmem>> -> memref<1x128xi32, #tpu.memory_space<vmem>>
        %dma_start3A_250 = tpu.memref_squeeze %dma_start3A_249 : memref<1x128xi32, #tpu.memory_space<vmem>> -> memref<128xi32, #tpu.memory_space<vmem>>
        %dma_start3A_251 = arith.constant 0 : i32
        %dma_start3A_252 = arith.constant 0 : i32
        %dma_start3A_253 = tpu.memref_slice %arg2[%dma_start3A_251, %dma_start3A_252] : memref<10000x24xf32, #tpu.memory_space<hbm>> -> memref<10000x24xf32, #tpu.memory_space<hbm>>
        tpu.enqueue_indirect_dma source(%dma_start3A_253 : memref<10000x24xf32, #tpu.memory_space<hbm>>) target(%arg8 : memref<128x24xf32, #tpu.memory_space<vmem>>) offsets(%dma_start3A_250 : memref<128xi32, #tpu.memory_space<vmem>>) semaphore(%arg17 : memref<!tpu.dma_semaphore, #tpu.memory_space<semaphore_mem>>)
      } else {
      }
      %add3A_135 = arith.constant 1 : i32
      %add3A_136 = arith.addi %add3A_100, %add3A_135 : i32
      %lt3A_137 = arith.cmpi slt, %add3A_136, %select_n3A_15 : i32
      %convert_element_type3A_138 = arith.extui %lt3A_137 : i1 to i32
      %cond3A_139 = arith.constant 0 : i32
      %cond3A_140 = arith.cmpi ne, %convert_element_type3A_138, %cond3A_139 : i32
      scf.if %cond3A_140 {
        %dma_wait3A = arith.constant 0 : i32
        %dma_wait3A_247 = arith.constant 0 : i32
        %dma_wait3A_248 = tpu.memref_slice %arg7[%dma_wait3A, %dma_wait3A_247] : memref<157x128xi32, #tpu.memory_space<vmem>> -> memref<1x128xi32, #tpu.memory_space<vmem>>
        %dma_wait3A_249 = tpu.memref_squeeze %dma_wait3A_248 : memref<1x128xi32, #tpu.memory_space<vmem>> -> memref<128xi32, #tpu.memory_space<vmem>>
        %dma_wait3A_250 = arith.constant 0 : i32
        %dma_wait3A_251 = arith.constant 0 : i32
        %dma_wait3A_252 = tpu.memref_slice %arg16[%dma_wait3A_250, %dma_wait3A_251] : memref<10240x24xf32, #tpu.memory_space<vmem_shared>> -> memref<10240x24xf32, #tpu.memory_space<vmem_shared>>
        tpu.wait_indirect_dma semaphore(%arg26 : memref<!tpu.dma_semaphore, #tpu.memory_space<semaphore_mem>>) src(%arg9 : memref<128x24xf32, #tpu.memory_space<vmem>>) dst(%dma_wait3A_252 : memref<10240x24xf32, #tpu.memory_space<vmem_shared>>)
      } else {
      }
      %add3A_141 = arith.constant 8 : i32
      %add3A_142 = arith.addi %add3A_136, %add3A_141 : i32
      %lt3A_143 = arith.cmpi slt, %add3A_142, %select_n3A_15 : i32
      %convert_element_type3A_144 = arith.extui %lt3A_143 : i1 to i32
      %cond3A_145 = arith.constant 0 : i32
      %cond3A_146 = arith.cmpi ne, %convert_element_type3A_144, %cond3A_145 : i32
      scf.if %cond3A_146 {
        %add3A_247 = arith.addi %sub3A, %add3A_142 : i32
        %dma_start3A_248 = arith.constant 0 : i32
        %dma_start3A_249 = tpu.memref_slice %arg6[%add3A_247, %dma_start3A_248] : memref<157x128xi32, #tpu.memory_space<vmem>> -> memref<1x128xi32, #tpu.memory_space<vmem>>
        %dma_start3A_250 = tpu.memref_squeeze %dma_start3A_249 : memref<1x128xi32, #tpu.memory_space<vmem>> -> memref<128xi32, #tpu.memory_space<vmem>>
        %dma_start3A_251 = arith.constant 0 : i32
        %dma_start3A_252 = arith.constant 0 : i32
        %dma_start3A_253 = tpu.memref_slice %arg2[%dma_start3A_251, %dma_start3A_252] : memref<10000x24xf32, #tpu.memory_space<hbm>> -> memref<10000x24xf32, #tpu.memory_space<hbm>>
        tpu.enqueue_indirect_dma source(%dma_start3A_253 : memref<10000x24xf32, #tpu.memory_space<hbm>>) target(%arg9 : memref<128x24xf32, #tpu.memory_space<vmem>>) offsets(%dma_start3A_250 : memref<128xi32, #tpu.memory_space<vmem>>) semaphore(%arg18 : memref<!tpu.dma_semaphore, #tpu.memory_space<semaphore_mem>>)
      } else {
      }
      %add3A_147 = arith.constant 2 : i32
      %add3A_148 = arith.addi %add3A_100, %add3A_147 : i32
      %lt3A_149 = arith.cmpi slt, %add3A_148, %select_n3A_15 : i32
      %convert_element_type3A_150 = arith.extui %lt3A_149 : i1 to i32
      %cond3A_151 = arith.constant 0 : i32
      %cond3A_152 = arith.cmpi ne, %convert_element_type3A_150, %cond3A_151 : i32
      scf.if %cond3A_152 {
        %dma_wait3A = arith.constant 0 : i32
        %dma_wait3A_247 = arith.constant 0 : i32
        %dma_wait3A_248 = tpu.memref_slice %arg7[%dma_wait3A, %dma_wait3A_247] : memref<157x128xi32, #tpu.memory_space<vmem>> -> memref<1x128xi32, #tpu.memory_space<vmem>>
        %dma_wait3A_249 = tpu.memref_squeeze %dma_wait3A_248 : memref<1x128xi32, #tpu.memory_space<vmem>> -> memref<128xi32, #tpu.memory_space<vmem>>
        %dma_wait3A_250 = arith.constant 0 : i32
        %dma_wait3A_251 = arith.constant 0 : i32
        %dma_wait3A_252 = tpu.memref_slice %arg16[%dma_wait3A_250, %dma_wait3A_251] : memref<10240x24xf32, #tpu.memory_space<vmem_shared>> -> memref<10240x24xf32, #tpu.memory_space<vmem_shared>>
        tpu.wait_indirect_dma semaphore(%arg27 : memref<!tpu.dma_semaphore, #tpu.memory_space<semaphore_mem>>) src(%arg10 : memref<128x24xf32, #tpu.memory_space<vmem>>) dst(%dma_wait3A_252 : memref<10240x24xf32, #tpu.memory_space<vmem_shared>>)
      } else {
      }
      %add3A_153 = arith.constant 8 : i32
      %add3A_154 = arith.addi %add3A_148, %add3A_153 : i32
      %lt3A_155 = arith.cmpi slt, %add3A_154, %select_n3A_15 : i32
      %convert_element_type3A_156 = arith.extui %lt3A_155 : i1 to i32
      %cond3A_157 = arith.constant 0 : i32
      %cond3A_158 = arith.cmpi ne, %convert_element_type3A_156, %cond3A_157 : i32
      scf.if %cond3A_158 {
        %add3A_247 = arith.addi %sub3A, %add3A_154 : i32
        %dma_start3A_248 = arith.constant 0 : i32
        %dma_start3A_249 = tpu.memref_slice %arg6[%add3A_247, %dma_start3A_248] : memref<157x128xi32, #tpu.memory_space<vmem>> -> memref<1x128xi32, #tpu.memory_space<vmem>>
        %dma_start3A_250 = tpu.memref_squeeze %dma_start3A_249 : memref<1x128xi32, #tpu.memory_space<vmem>> -> memref<128xi32, #tpu.memory_space<vmem>>
        %dma_start3A_251 = arith.constant 0 : i32
        %dma_start3A_252 = arith.constant 0 : i32
        %dma_start3A_253 = tpu.memref_slice %arg2[%dma_start3A_251, %dma_start3A_252] : memref<10000x24xf32, #tpu.memory_space<hbm>> -> memref<10000x24xf32, #tpu.memory_space<hbm>>
        tpu.enqueue_indirect_dma source(%dma_start3A_253 : memref<10000x24xf32, #tpu.memory_space<hbm>>) target(%arg10 : memref<128x24xf32, #tpu.memory_space<vmem>>) offsets(%dma_start3A_250 : memref<128xi32, #tpu.memory_space<vmem>>) semaphore(%arg19 : memref<!tpu.dma_semaphore, #tpu.memory_space<semaphore_mem>>)
      } else {
      }
      %add3A_159 = arith.constant 3 : i32
      %add3A_160 = arith.addi %add3A_100, %add3A_159 : i32
      %lt3A_161 = arith.cmpi slt, %add3A_160, %select_n3A_15 : i32
      %convert_element_type3A_162 = arith.extui %lt3A_161 : i1 to i32
      %cond3A_163 = arith.constant 0 : i32
      %cond3A_164 = arith.cmpi ne, %convert_element_type3A_162, %cond3A_163 : i32
      scf.if %cond3A_164 {
        %dma_wait3A = arith.constant 0 : i32
        %dma_wait3A_247 = arith.constant 0 : i32
        %dma_wait3A_248 = tpu.memref_slice %arg7[%dma_wait3A, %dma_wait3A_247] : memref<157x128xi32, #tpu.memory_space<vmem>> -> memref<1x128xi32, #tpu.memory_space<vmem>>
        %dma_wait3A_249 = tpu.memref_squeeze %dma_wait3A_248 : memref<1x128xi32, #tpu.memory_space<vmem>> -> memref<128xi32, #tpu.memory_space<vmem>>
        %dma_wait3A_250 = arith.constant 0 : i32
        %dma_wait3A_251 = arith.constant 0 : i32
        %dma_wait3A_252 = tpu.memref_slice %arg16[%dma_wait3A_250, %dma_wait3A_251] : memref<10240x24xf32, #tpu.memory_space<vmem_shared>> -> memref<10240x24xf32, #tpu.memory_space<vmem_shared>>
        tpu.wait_indirect_dma semaphore(%arg28 : memref<!tpu.dma_semaphore, #tpu.memory_space<semaphore_mem>>) src(%arg11 : memref<128x24xf32, #tpu.memory_space<vmem>>) dst(%dma_wait3A_252 : memref<10240x24xf32, #tpu.memory_space<vmem_shared>>)
      } else {
      }
      %add3A_165 = arith.constant 8 : i32
      %add3A_166 = arith.addi %add3A_160, %add3A_165 : i32
      %lt3A_167 = arith.cmpi slt, %add3A_166, %select_n3A_15 : i32
      %convert_element_type3A_168 = arith.extui %lt3A_167 : i1 to i32
      %cond3A_169 = arith.constant 0 : i32
      %cond3A_170 = arith.cmpi ne, %convert_element_type3A_168, %cond3A_169 : i32
      scf.if %cond3A_170 {
        %add3A_247 = arith.addi %sub3A, %add3A_166 : i32
        %dma_start3A_248 = arith.constant 0 : i32
        %dma_start3A_249 = tpu.memref_slice %arg6[%add3A_247, %dma_start3A_248] : memref<157x128xi32, #tpu.memory_space<vmem>> -> memref<1x128xi32, #tpu.memory_space<vmem>>
        %dma_start3A_250 = tpu.memref_squeeze %dma_start3A_249 : memref<1x128xi32, #tpu.memory_space<vmem>> -> memref<128xi32, #tpu.memory_space<vmem>>
        %dma_start3A_251 = arith.constant 0 : i32
        %dma_start3A_252 = arith.constant 0 : i32
        %dma_start3A_253 = tpu.memref_slice %arg2[%dma_start3A_251, %dma_start3A_252] : memref<10000x24xf32, #tpu.memory_space<hbm>> -> memref<10000x24xf32, #tpu.memory_space<hbm>>
        tpu.enqueue_indirect_dma source(%dma_start3A_253 : memref<10000x24xf32, #tpu.memory_space<hbm>>) target(%arg11 : memref<128x24xf32, #tpu.memory_space<vmem>>) offsets(%dma_start3A_250 : memref<128xi32, #tpu.memory_space<vmem>>) semaphore(%arg20 : memref<!tpu.dma_semaphore, #tpu.memory_space<semaphore_mem>>)
      } else {
      }
      %mul3A_171 = arith.constant 8 : i32
      %mul3A_172 = arith.muli %scan3A_96, %mul3A_171 : i32
      %add3A_173 = arith.constant 4 : i32
      %add3A_174 = arith.addi %mul3A_172, %add3A_173 : i32
      %add3A_175 = arith.constant 0 : i32
      %add3A_176 = arith.addi %add3A_174, %add3A_175 : i32
      %lt3A_177 = arith.cmpi slt, %add3A_176, %select_n3A_15 : i32
      %convert_element_type3A_178 = arith.extui %lt3A_177 : i1 to i32
      %cond3A_179 = arith.constant 0 : i32
      %cond3A_180 = arith.cmpi ne, %convert_element_type3A_178, %cond3A_179 : i32
      scf.if %cond3A_180 {
        %dma_wait3A = arith.constant 0 : i32
        %dma_wait3A_247 = arith.constant 0 : i32
        %dma_wait3A_248 = tpu.memref_slice %arg6[%dma_wait3A, %dma_wait3A_247] : memref<157x128xi32, #tpu.memory_space<vmem>> -> memref<1x128xi32, #tpu.memory_space<vmem>>
        %dma_wait3A_249 = tpu.memref_squeeze %dma_wait3A_248 : memref<1x128xi32, #tpu.memory_space<vmem>> -> memref<128xi32, #tpu.memory_space<vmem>>
        %dma_wait3A_250 = arith.constant 0 : i32
        %dma_wait3A_251 = arith.constant 0 : i32
        %dma_wait3A_252 = tpu.memref_slice %arg2[%dma_wait3A_250, %dma_wait3A_251] : memref<10000x24xf32, #tpu.memory_space<hbm>> -> memref<10000x24xf32, #tpu.memory_space<hbm>>
        tpu.wait_indirect_dma semaphore(%arg21 : memref<!tpu.dma_semaphore, #tpu.memory_space<semaphore_mem>>) src(%dma_wait3A_252 : memref<10000x24xf32, #tpu.memory_space<hbm>>) dst(%arg12 : memref<128x24xf32, #tpu.memory_space<vmem>>)
        %add3A_253 = arith.addi %sub3A, %add3A_176 : i32
        %dma_start3A_254 = arith.constant 0 : i32
        %dma_start3A_255 = tpu.memref_slice %arg7[%add3A_253, %dma_start3A_254] : memref<157x128xi32, #tpu.memory_space<vmem>> -> memref<1x128xi32, #tpu.memory_space<vmem>>
        %dma_start3A_256 = tpu.memref_squeeze %dma_start3A_255 : memref<1x128xi32, #tpu.memory_space<vmem>> -> memref<128xi32, #tpu.memory_space<vmem>>
        %dma_start3A_257 = arith.constant 0 : i32
        %dma_start3A_258 = arith.constant 0 : i32
        %dma_start3A_259 = tpu.memref_slice %arg16[%dma_start3A_257, %dma_start3A_258] : memref<10240x24xf32, #tpu.memory_space<vmem_shared>> -> memref<10240x24xf32, #tpu.memory_space<vmem_shared>>
        tpu.enqueue_indirect_dma source(%arg12 : memref<128x24xf32, #tpu.memory_space<vmem>>) target(%dma_start3A_259 : memref<10240x24xf32, #tpu.memory_space<vmem_shared>>) offsets(%dma_start3A_256 : memref<128xi32, #tpu.memory_space<vmem>>) semaphore(%arg29 : memref<!tpu.dma_semaphore, #tpu.memory_space<semaphore_mem>>) {add = true}
      } else {
      }
      %add3A_181 = arith.constant 1 : i32
      %add3A_182 = arith.addi %add3A_174, %add3A_181 : i32
      %lt3A_183 = arith.cmpi slt, %add3A_182, %select_n3A_15 : i32
      %convert_element_type3A_184 = arith.extui %lt3A_183 : i1 to i32
      %cond3A_185 = arith.constant 0 : i32
      %cond3A_186 = arith.cmpi ne, %convert_element_type3A_184, %cond3A_185 : i32
      scf.if %cond3A_186 {
        %dma_wait3A = arith.constant 0 : i32
        %dma_wait3A_247 = arith.constant 0 : i32
        %dma_wait3A_248 = tpu.memref_slice %arg6[%dma_wait3A, %dma_wait3A_247] : memref<157x128xi32, #tpu.memory_space<vmem>> -> memref<1x128xi32, #tpu.memory_space<vmem>>
        %dma_wait3A_249 = tpu.memref_squeeze %dma_wait3A_248 : memref<1x128xi32, #tpu.memory_space<vmem>> -> memref<128xi32, #tpu.memory_space<vmem>>
        %dma_wait3A_250 = arith.constant 0 : i32
        %dma_wait3A_251 = arith.constant 0 : i32
        %dma_wait3A_252 = tpu.memref_slice %arg2[%dma_wait3A_250, %dma_wait3A_251] : memref<10000x24xf32, #tpu.memory_space<hbm>> -> memref<10000x24xf32, #tpu.memory_space<hbm>>
        tpu.wait_indirect_dma semaphore(%arg22 : memref<!tpu.dma_semaphore, #tpu.memory_space<semaphore_mem>>) src(%dma_wait3A_252 : memref<10000x24xf32, #tpu.memory_space<hbm>>) dst(%arg13 : memref<128x24xf32, #tpu.memory_space<vmem>>)
        %add3A_253 = arith.addi %sub3A, %add3A_182 : i32
        %dma_start3A_254 = arith.constant 0 : i32
        %dma_start3A_255 = tpu.memref_slice %arg7[%add3A_253, %dma_start3A_254] : memref<157x128xi32, #tpu.memory_space<vmem>> -> memref<1x128xi32, #tpu.memory_space<vmem>>
        %dma_start3A_256 = tpu.memref_squeeze %dma_start3A_255 : memref<1x128xi32, #tpu.memory_space<vmem>> -> memref<128xi32, #tpu.memory_space<vmem>>
        %dma_start3A_257 = arith.constant 0 : i32
        %dma_start3A_258 = arith.constant 0 : i32
        %dma_start3A_259 = tpu.memref_slice %arg16[%dma_start3A_257, %dma_start3A_258] : memref<10240x24xf32, #tpu.memory_space<vmem_shared>> -> memref<10240x24xf32, #tpu.memory_space<vmem_shared>>
        tpu.enqueue_indirect_dma source(%arg13 : memref<128x24xf32, #tpu.memory_space<vmem>>) target(%dma_start3A_259 : memref<10240x24xf32, #tpu.memory_space<vmem_shared>>) offsets(%dma_start3A_256 : memref<128xi32, #tpu.memory_space<vmem>>) semaphore(%arg30 : memref<!tpu.dma_semaphore, #tpu.memory_space<semaphore_mem>>) {add = true}
      } else {
      }
      %add3A_187 = arith.constant 2 : i32
      %add3A_188 = arith.addi %add3A_174, %add3A_187 : i32
      %lt3A_189 = arith.cmpi slt, %add3A_188, %select_n3A_15 : i32
      %convert_element_type3A_190 = arith.extui %lt3A_189 : i1 to i32
      %cond3A_191 = arith.constant 0 : i32
      %cond3A_192 = arith.cmpi ne, %convert_element_type3A_190, %cond3A_191 : i32
      scf.if %cond3A_192 {
        %dma_wait3A = arith.constant 0 : i32
        %dma_wait3A_247 = arith.constant 0 : i32
        %dma_wait3A_248 = tpu.memref_slice %arg6[%dma_wait3A, %dma_wait3A_247] : memref<157x128xi32, #tpu.memory_space<vmem>> -> memref<1x128xi32, #tpu.memory_space<vmem>>
        %dma_wait3A_249 = tpu.memref_squeeze %dma_wait3A_248 : memref<1x128xi32, #tpu.memory_space<vmem>> -> memref<128xi32, #tpu.memory_space<vmem>>
        %dma_wait3A_250 = arith.constant 0 : i32
        %dma_wait3A_251 = arith.constant 0 : i32
        %dma_wait3A_252 = tpu.memref_slice %arg2[%dma_wait3A_250, %dma_wait3A_251] : memref<10000x24xf32, #tpu.memory_space<hbm>> -> memref<10000x24xf32, #tpu.memory_space<hbm>>
        tpu.wait_indirect_dma semaphore(%arg23 : memref<!tpu.dma_semaphore, #tpu.memory_space<semaphore_mem>>) src(%dma_wait3A_252 : memref<10000x24xf32, #tpu.memory_space<hbm>>) dst(%arg14 : memref<128x24xf32, #tpu.memory_space<vmem>>)
        %add3A_253 = arith.addi %sub3A, %add3A_188 : i32
        %dma_start3A_254 = arith.constant 0 : i32
        %dma_start3A_255 = tpu.memref_slice %arg7[%add3A_253, %dma_start3A_254] : memref<157x128xi32, #tpu.memory_space<vmem>> -> memref<1x128xi32, #tpu.memory_space<vmem>>
        %dma_start3A_256 = tpu.memref_squeeze %dma_start3A_255 : memref<1x128xi32, #tpu.memory_space<vmem>> -> memref<128xi32, #tpu.memory_space<vmem>>
        %dma_start3A_257 = arith.constant 0 : i32
        %dma_start3A_258 = arith.constant 0 : i32
        %dma_start3A_259 = tpu.memref_slice %arg16[%dma_start3A_257, %dma_start3A_258] : memref<10240x24xf32, #tpu.memory_space<vmem_shared>> -> memref<10240x24xf32, #tpu.memory_space<vmem_shared>>
        tpu.enqueue_indirect_dma source(%arg14 : memref<128x24xf32, #tpu.memory_space<vmem>>) target(%dma_start3A_259 : memref<10240x24xf32, #tpu.memory_space<vmem_shared>>) offsets(%dma_start3A_256 : memref<128xi32, #tpu.memory_space<vmem>>) semaphore(%arg31 : memref<!tpu.dma_semaphore, #tpu.memory_space<semaphore_mem>>) {add = true}
      } else {
      }
      %add3A_193 = arith.constant 3 : i32
      %add3A_194 = arith.addi %add3A_174, %add3A_193 : i32
      %lt3A_195 = arith.cmpi slt, %add3A_194, %select_n3A_15 : i32
      %convert_element_type3A_196 = arith.extui %lt3A_195 : i1 to i32
      %cond3A_197 = arith.constant 0 : i32
      %cond3A_198 = arith.cmpi ne, %convert_element_type3A_196, %cond3A_197 : i32
      scf.if %cond3A_198 {
        %dma_wait3A = arith.constant 0 : i32
        %dma_wait3A_247 = arith.constant 0 : i32
        %dma_wait3A_248 = tpu.memref_slice %arg6[%dma_wait3A, %dma_wait3A_247] : memref<157x128xi32, #tpu.memory_space<vmem>> -> memref<1x128xi32, #tpu.memory_space<vmem>>
        %dma_wait3A_249 = tpu.memref_squeeze %dma_wait3A_248 : memref<1x128xi32, #tpu.memory_space<vmem>> -> memref<128xi32, #tpu.memory_space<vmem>>
        %dma_wait3A_250 = arith.constant 0 : i32
        %dma_wait3A_251 = arith.constant 0 : i32
        %dma_wait3A_252 = tpu.memref_slice %arg2[%dma_wait3A_250, %dma_wait3A_251] : memref<10000x24xf32, #tpu.memory_space<hbm>> -> memref<10000x24xf32, #tpu.memory_space<hbm>>
        tpu.wait_indirect_dma semaphore(%arg24 : memref<!tpu.dma_semaphore, #tpu.memory_space<semaphore_mem>>) src(%dma_wait3A_252 : memref<10000x24xf32, #tpu.memory_space<hbm>>) dst(%arg15 : memref<128x24xf32, #tpu.memory_space<vmem>>)
        %add3A_253 = arith.addi %sub3A, %add3A_194 : i32
        %dma_start3A_254 = arith.constant 0 : i32
        %dma_start3A_255 = tpu.memref_slice %arg7[%add3A_253, %dma_start3A_254] : memref<157x128xi32, #tpu.memory_space<vmem>> -> memref<1x128xi32, #tpu.memory_space<vmem>>
        %dma_start3A_256 = tpu.memref_squeeze %dma_start3A_255 : memref<1x128xi32, #tpu.memory_space<vmem>> -> memref<128xi32, #tpu.memory_space<vmem>>
        %dma_start3A_257 = arith.constant 0 : i32
        %dma_start3A_258 = arith.constant 0 : i32
        %dma_start3A_259 = tpu.memref_slice %arg16[%dma_start3A_257, %dma_start3A_258] : memref<10240x24xf32, #tpu.memory_space<vmem_shared>> -> memref<10240x24xf32, #tpu.memory_space<vmem_shared>>
        tpu.enqueue_indirect_dma source(%arg15 : memref<128x24xf32, #tpu.memory_space<vmem>>) target(%dma_start3A_259 : memref<10240x24xf32, #tpu.memory_space<vmem_shared>>) offsets(%dma_start3A_256 : memref<128xi32, #tpu.memory_space<vmem>>) semaphore(%arg32 : memref<!tpu.dma_semaphore, #tpu.memory_space<semaphore_mem>>) {add = true}
      } else {
      }
      %add3A_199 = arith.constant 0 : i32
      %add3A_200 = arith.addi %add3A_174, %add3A_199 : i32
      %lt3A_201 = arith.cmpi slt, %add3A_200, %select_n3A_15 : i32
      %convert_element_type3A_202 = arith.extui %lt3A_201 : i1 to i32
      %cond3A_203 = arith.constant 0 : i32
      %cond3A_204 = arith.cmpi ne, %convert_element_type3A_202, %cond3A_203 : i32
      scf.if %cond3A_204 {
        %dma_wait3A = arith.constant 0 : i32
        %dma_wait3A_247 = arith.constant 0 : i32
        %dma_wait3A_248 = tpu.memref_slice %arg7[%dma_wait3A, %dma_wait3A_247] : memref<157x128xi32, #tpu.memory_space<vmem>> -> memref<1x128xi32, #tpu.memory_space<vmem>>
        %dma_wait3A_249 = tpu.memref_squeeze %dma_wait3A_248 : memref<1x128xi32, #tpu.memory_space<vmem>> -> memref<128xi32, #tpu.memory_space<vmem>>
        %dma_wait3A_250 = arith.constant 0 : i32
        %dma_wait3A_251 = arith.constant 0 : i32
        %dma_wait3A_252 = tpu.memref_slice %arg16[%dma_wait3A_250, %dma_wait3A_251] : memref<10240x24xf32, #tpu.memory_space<vmem_shared>> -> memref<10240x24xf32, #tpu.memory_space<vmem_shared>>
        tpu.wait_indirect_dma semaphore(%arg29 : memref<!tpu.dma_semaphore, #tpu.memory_space<semaphore_mem>>) src(%arg12 : memref<128x24xf32, #tpu.memory_space<vmem>>) dst(%dma_wait3A_252 : memref<10240x24xf32, #tpu.memory_space<vmem_shared>>)
      } else {
      }
      %add3A_205 = arith.constant 8 : i32
      %add3A_206 = arith.addi %add3A_200, %add3A_205 : i32
      %lt3A_207 = arith.cmpi slt, %add3A_206, %select_n3A_15 : i32
      %convert_element_type3A_208 = arith.extui %lt3A_207 : i1 to i32
      %cond3A_209 = arith.constant 0 : i32
      %cond3A_210 = arith.cmpi ne, %convert_element_type3A_208, %cond3A_209 : i32
      scf.if %cond3A_210 {
        %add3A_247 = arith.addi %sub3A, %add3A_206 : i32
        %dma_start3A_248 = arith.constant 0 : i32
        %dma_start3A_249 = tpu.memref_slice %arg6[%add3A_247, %dma_start3A_248] : memref<157x128xi32, #tpu.memory_space<vmem>> -> memref<1x128xi32, #tpu.memory_space<vmem>>
        %dma_start3A_250 = tpu.memref_squeeze %dma_start3A_249 : memref<1x128xi32, #tpu.memory_space<vmem>> -> memref<128xi32, #tpu.memory_space<vmem>>
        %dma_start3A_251 = arith.constant 0 : i32
        %dma_start3A_252 = arith.constant 0 : i32
        %dma_start3A_253 = tpu.memref_slice %arg2[%dma_start3A_251, %dma_start3A_252] : memref<10000x24xf32, #tpu.memory_space<hbm>> -> memref<10000x24xf32, #tpu.memory_space<hbm>>
        tpu.enqueue_indirect_dma source(%dma_start3A_253 : memref<10000x24xf32, #tpu.memory_space<hbm>>) target(%arg12 : memref<128x24xf32, #tpu.memory_space<vmem>>) offsets(%dma_start3A_250 : memref<128xi32, #tpu.memory_space<vmem>>) semaphore(%arg21 : memref<!tpu.dma_semaphore, #tpu.memory_space<semaphore_mem>>)
      } else {
      }
      %add3A_211 = arith.constant 1 : i32
      %add3A_212 = arith.addi %add3A_174, %add3A_211 : i32
      %lt3A_213 = arith.cmpi slt, %add3A_212, %select_n3A_15 : i32
      %convert_element_type3A_214 = arith.extui %lt3A_213 : i1 to i32
      %cond3A_215 = arith.constant 0 : i32
      %cond3A_216 = arith.cmpi ne, %convert_element_type3A_214, %cond3A_215 : i32
      scf.if %cond3A_216 {
        %dma_wait3A = arith.constant 0 : i32
        %dma_wait3A_247 = arith.constant 0 : i32
        %dma_wait3A_248 = tpu.memref_slice %arg7[%dma_wait3A, %dma_wait3A_247] : memref<157x128xi32, #tpu.memory_space<vmem>> -> memref<1x128xi32, #tpu.memory_space<vmem>>
        %dma_wait3A_249 = tpu.memref_squeeze %dma_wait3A_248 : memref<1x128xi32, #tpu.memory_space<vmem>> -> memref<128xi32, #tpu.memory_space<vmem>>
        %dma_wait3A_250 = arith.constant 0 : i32
        %dma_wait3A_251 = arith.constant 0 : i32
        %dma_wait3A_252 = tpu.memref_slice %arg16[%dma_wait3A_250, %dma_wait3A_251] : memref<10240x24xf32, #tpu.memory_space<vmem_shared>> -> memref<10240x24xf32, #tpu.memory_space<vmem_shared>>
        tpu.wait_indirect_dma semaphore(%arg30 : memref<!tpu.dma_semaphore, #tpu.memory_space<semaphore_mem>>) src(%arg13 : memref<128x24xf32, #tpu.memory_space<vmem>>) dst(%dma_wait3A_252 : memref<10240x24xf32, #tpu.memory_space<vmem_shared>>)
      } else {
      }
      %add3A_217 = arith.constant 8 : i32
      %add3A_218 = arith.addi %add3A_212, %add3A_217 : i32
      %lt3A_219 = arith.cmpi slt, %add3A_218, %select_n3A_15 : i32
      %convert_element_type3A_220 = arith.extui %lt3A_219 : i1 to i32
      %cond3A_221 = arith.constant 0 : i32
      %cond3A_222 = arith.cmpi ne, %convert_element_type3A_220, %cond3A_221 : i32
      scf.if %cond3A_222 {
        %add3A_247 = arith.addi %sub3A, %add3A_218 : i32
        %dma_start3A_248 = arith.constant 0 : i32
        %dma_start3A_249 = tpu.memref_slice %arg6[%add3A_247, %dma_start3A_248] : memref<157x128xi32, #tpu.memory_space<vmem>> -> memref<1x128xi32, #tpu.memory_space<vmem>>
        %dma_start3A_250 = tpu.memref_squeeze %dma_start3A_249 : memref<1x128xi32, #tpu.memory_space<vmem>> -> memref<128xi32, #tpu.memory_space<vmem>>
        %dma_start3A_251 = arith.constant 0 : i32
        %dma_start3A_252 = arith.constant 0 : i32
        %dma_start3A_253 = tpu.memref_slice %arg2[%dma_start3A_251, %dma_start3A_252] : memref<10000x24xf32, #tpu.memory_space<hbm>> -> memref<10000x24xf32, #tpu.memory_space<hbm>>
        tpu.enqueue_indirect_dma source(%dma_start3A_253 : memref<10000x24xf32, #tpu.memory_space<hbm>>) target(%arg13 : memref<128x24xf32, #tpu.memory_space<vmem>>) offsets(%dma_start3A_250 : memref<128xi32, #tpu.memory_space<vmem>>) semaphore(%arg22 : memref<!tpu.dma_semaphore, #tpu.memory_space<semaphore_mem>>)
      } else {
      }
      %add3A_223 = arith.constant 2 : i32
      %add3A_224 = arith.addi %add3A_174, %add3A_223 : i32
      %lt3A_225 = arith.cmpi slt, %add3A_224, %select_n3A_15 : i32
      %convert_element_type3A_226 = arith.extui %lt3A_225 : i1 to i32
      %cond3A_227 = arith.constant 0 : i32
      %cond3A_228 = arith.cmpi ne, %convert_element_type3A_226, %cond3A_227 : i32
      scf.if %cond3A_228 {
        %dma_wait3A = arith.constant 0 : i32
        %dma_wait3A_247 = arith.constant 0 : i32
        %dma_wait3A_248 = tpu.memref_slice %arg7[%dma_wait3A, %dma_wait3A_247] : memref<157x128xi32, #tpu.memory_space<vmem>> -> memref<1x128xi32, #tpu.memory_space<vmem>>
        %dma_wait3A_249 = tpu.memref_squeeze %dma_wait3A_248 : memref<1x128xi32, #tpu.memory_space<vmem>> -> memref<128xi32, #tpu.memory_space<vmem>>
        %dma_wait3A_250 = arith.constant 0 : i32
        %dma_wait3A_251 = arith.constant 0 : i32
        %dma_wait3A_252 = tpu.memref_slice %arg16[%dma_wait3A_250, %dma_wait3A_251] : memref<10240x24xf32, #tpu.memory_space<vmem_shared>> -> memref<10240x24xf32, #tpu.memory_space<vmem_shared>>
        tpu.wait_indirect_dma semaphore(%arg31 : memref<!tpu.dma_semaphore, #tpu.memory_space<semaphore_mem>>) src(%arg14 : memref<128x24xf32, #tpu.memory_space<vmem>>) dst(%dma_wait3A_252 : memref<10240x24xf32, #tpu.memory_space<vmem_shared>>)
      } else {
      }
      %add3A_229 = arith.constant 8 : i32
      %add3A_230 = arith.addi %add3A_224, %add3A_229 : i32
      %lt3A_231 = arith.cmpi slt, %add3A_230, %select_n3A_15 : i32
      %convert_element_type3A_232 = arith.extui %lt3A_231 : i1 to i32
      %cond3A_233 = arith.constant 0 : i32
      %cond3A_234 = arith.cmpi ne, %convert_element_type3A_232, %cond3A_233 : i32
      scf.if %cond3A_234 {
        %add3A_247 = arith.addi %sub3A, %add3A_230 : i32
        %dma_start3A_248 = arith.constant 0 : i32
        %dma_start3A_249 = tpu.memref_slice %arg6[%add3A_247, %dma_start3A_248] : memref<157x128xi32, #tpu.memory_space<vmem>> -> memref<1x128xi32, #tpu.memory_space<vmem>>
        %dma_start3A_250 = tpu.memref_squeeze %dma_start3A_249 : memref<1x128xi32, #tpu.memory_space<vmem>> -> memref<128xi32, #tpu.memory_space<vmem>>
        %dma_start3A_251 = arith.constant 0 : i32
        %dma_start3A_252 = arith.constant 0 : i32
        %dma_start3A_253 = tpu.memref_slice %arg2[%dma_start3A_251, %dma_start3A_252] : memref<10000x24xf32, #tpu.memory_space<hbm>> -> memref<10000x24xf32, #tpu.memory_space<hbm>>
        tpu.enqueue_indirect_dma source(%dma_start3A_253 : memref<10000x24xf32, #tpu.memory_space<hbm>>) target(%arg14 : memref<128x24xf32, #tpu.memory_space<vmem>>) offsets(%dma_start3A_250 : memref<128xi32, #tpu.memory_space<vmem>>) semaphore(%arg23 : memref<!tpu.dma_semaphore, #tpu.memory_space<semaphore_mem>>)
      } else {
      }
      %add3A_235 = arith.constant 3 : i32
      %add3A_236 = arith.addi %add3A_174, %add3A_235 : i32
      %lt3A_237 = arith.cmpi slt, %add3A_236, %select_n3A_15 : i32
      %convert_element_type3A_238 = arith.extui %lt3A_237 : i1 to i32
      %cond3A_239 = arith.constant 0 : i32
      %cond3A_240 = arith.cmpi ne, %convert_element_type3A_238, %cond3A_239 : i32
      scf.if %cond3A_240 {
        %dma_wait3A = arith.constant 0 : i32
        %dma_wait3A_247 = arith.constant 0 : i32
        %dma_wait3A_248 = tpu.memref_slice %arg7[%dma_wait3A, %dma_wait3A_247] : memref<157x128xi32, #tpu.memory_space<vmem>> -> memref<1x128xi32, #tpu.memory_space<vmem>>
        %dma_wait3A_249 = tpu.memref_squeeze %dma_wait3A_248 : memref<1x128xi32, #tpu.memory_space<vmem>> -> memref<128xi32, #tpu.memory_space<vmem>>
        %dma_wait3A_250 = arith.constant 0 : i32
        %dma_wait3A_251 = arith.constant 0 : i32
        %dma_wait3A_252 = tpu.memref_slice %arg16[%dma_wait3A_250, %dma_wait3A_251] : memref<10240x24xf32, #tpu.memory_space<vmem_shared>> -> memref<10240x24xf32, #tpu.memory_space<vmem_shared>>
        tpu.wait_indirect_dma semaphore(%arg32 : memref<!tpu.dma_semaphore, #tpu.memory_space<semaphore_mem>>) src(%arg15 : memref<128x24xf32, #tpu.memory_space<vmem>>) dst(%dma_wait3A_252 : memref<10240x24xf32, #tpu.memory_space<vmem_shared>>)
      } else {
      }
      %add3A_241 = arith.constant 8 : i32
      %add3A_242 = arith.addi %add3A_236, %add3A_241 : i32
      %lt3A_243 = arith.cmpi slt, %add3A_242, %select_n3A_15 : i32
      %convert_element_type3A_244 = arith.extui %lt3A_243 : i1 to i32
      %cond3A_245 = arith.constant 0 : i32
      %cond3A_246 = arith.cmpi ne, %convert_element_type3A_244, %cond3A_245 : i32
      scf.if %cond3A_246 {
        %add3A_247 = arith.addi %sub3A, %add3A_242 : i32
        %dma_start3A_248 = arith.constant 0 : i32
        %dma_start3A_249 = tpu.memref_slice %arg6[%add3A_247, %dma_start3A_248] : memref<157x128xi32, #tpu.memory_space<vmem>> -> memref<1x128xi32, #tpu.memory_space<vmem>>
        %dma_start3A_250 = tpu.memref_squeeze %dma_start3A_249 : memref<1x128xi32, #tpu.memory_space<vmem>> -> memref<128xi32, #tpu.memory_space<vmem>>
        %dma_start3A_251 = arith.constant 0 : i32
        %dma_start3A_252 = arith.constant 0 : i32
        %dma_start3A_253 = tpu.memref_slice %arg2[%dma_start3A_251, %dma_start3A_252] : memref<10000x24xf32, #tpu.memory_space<hbm>> -> memref<10000x24xf32, #tpu.memory_space<hbm>>
        tpu.enqueue_indirect_dma source(%dma_start3A_253 : memref<10000x24xf32, #tpu.memory_space<hbm>>) target(%arg15 : memref<128x24xf32, #tpu.memory_space<vmem>>) offsets(%dma_start3A_250 : memref<128xi32, #tpu.memory_space<vmem>>) semaphore(%arg24 : memref<!tpu.dma_semaphore, #tpu.memory_space<semaphore_mem>>)
      } else {
      }
    }
    %scan3A_90 = arith.constant 20 : i32
    %barrier3A_91 = arith.constant 0 : index
    tpu.barrier barrier_id(%barrier3A_91)
    %mul3A_92 = arith.constant 640 : i32
    %mul3A_93 = arith.muli %arg1, %mul3A_92 : i32
    %mul3A_94 = arith.constant 640 : i32
    %mul3A_95 = arith.muli %arg1, %mul3A_94 : i32
    "tpu.region"() ({
      %run_scoped3A_96 = tpu.sem_alloc : memref<!tpu.dma_semaphore, #tpu.memory_space<semaphore_mem>>
      %dma_start3A_97 = arith.constant 0 : i32
      %dma_start3A_98 = tpu.memref_slice %arg5[%arg0, %mul3A_95, %dma_start3A_97] : memref<1x10240x24xf32, #tpu.memory_space<hbm>> -> memref<1x640x24xf32, #tpu.memory_space<hbm>>
      %dma_start3A_99 = tpu.memref_squeeze %dma_start3A_98 : memref<1x640x24xf32, #tpu.memory_space<hbm>> -> memref<640x24xf32, #tpu.memory_space<hbm>>
      %dma_start3A_100 = arith.constant 0 : i32
      %dma_start3A_101 = tpu.memref_slice %arg16[%mul3A_93, %dma_start3A_100] : memref<10240x24xf32, #tpu.memory_space<vmem_shared>> -> memref<640x24xf32, #tpu.memory_space<vmem_shared>>
      tpu.enqueue_dma source(%dma_start3A_101 : memref<640x24xf32, #tpu.memory_space<vmem_shared>>) target(%dma_start3A_99 : memref<640x24xf32, #tpu.memory_space<hbm>>) target_semaphore(%run_scoped3A_96 : memref<!tpu.dma_semaphore, #tpu.memory_space<semaphore_mem>>)
      %dma_wait3A = arith.constant 0 : i32
      %dma_wait3A_102 = tpu.memref_slice %arg5[%arg0, %mul3A_95, %dma_wait3A] : memref<1x10240x24xf32, #tpu.memory_space<hbm>> -> memref<1x640x24xf32, #tpu.memory_space<hbm>>
      %dma_wait3A_103 = tpu.memref_squeeze %dma_wait3A_102 : memref<1x640x24xf32, #tpu.memory_space<hbm>> -> memref<640x24xf32, #tpu.memory_space<hbm>>
      %dma_wait3A_104 = arith.constant 0 : i32
      %dma_wait3A_105 = tpu.memref_slice %arg16[%mul3A_93, %dma_wait3A_104] : memref<10240x24xf32, #tpu.memory_space<vmem_shared>> -> memref<640x24xf32, #tpu.memory_space<vmem_shared>>
      tpu.wait_dma2 semaphore(%run_scoped3A_96 : memref<!tpu.dma_semaphore, #tpu.memory_space<semaphore_mem>>) src(%dma_wait3A_105 : memref<640x24xf32, #tpu.memory_space<vmem_shared>>) dst(%dma_wait3A_103 : memref<640x24xf32, #tpu.memory_space<hbm>>)
      tpu.yield
    }) : () -> ()
    return
  }
}

#map = affine_map<(d0, d1) -> (0, 0, 0)>
#map1 = affine_map<(d0, d1) -> (0)>
module attributes {stable_mosaic.version = 14 : i64} {
  func.func @deg_kernel(%arg0: i32, %arg1: i32, %arg2: memref<2x2500x128xi32, #tpu.memory_space<hbm>>, %arg3: memref<10240xf32, #tpu.memory_space<hbm>>, %arg4: memref<10240xf32, #tpu.memory_space<hbm>>, %arg5: memref<157x128xi32, #tpu.memory_space<vmem>>, %arg6: memref<128xf32, #tpu.memory_space<vmem>>, %arg7: memref<10240xf32, #tpu.memory_space<vmem_shared>>, %arg8: memref<!tpu.dma_semaphore, #tpu.memory_space<semaphore_mem>>) attributes {dimension_semantics = [#tpu.dimension_semantics<core_parallel>, #tpu.dimension_semantics<subcore_parallel>], iteration_bounds = array<i64: 1, 16>, scalar_prefetch = 0 : i64, scratch_operands = 4 : i64, tpu.core_type = #tpu.core_type<sc_vector_subcore>, window_params = [{transform_indices = #map}, {transform_indices = #map1}, {transform_indices = #map1}]} {
    %mul3A = arith.constant 156 : i32
    %mul3A_0 = arith.muli %arg1, %mul3A : i32
    %min3A = arith.constant 4 : i32
    %min3A_1 = arith.minsi %arg1, %min3A : i32
    %add3A = arith.addi %mul3A_0, %min3A_1 : i32
    %lt3A = arith.constant 4 : i32
    %lt3A_2 = arith.cmpi slt, %arg1, %lt3A : i32
    %jit3A = arith.constant 1 : i32
    %jit3A_3 = arith.constant 0 : i32
    %select_n3A = arith.select %lt3A_2, %jit3A, %jit3A_3 : i32
    %add3A_4 = arith.constant 156 : i32
    %add3A_5 = arith.addi %add3A_4, %select_n3A : i32
    %mul3A_6 = arith.constant 0 : i32
    %mul3A_7 = arith.muli %arg1, %mul3A_6 : i32
    %add3A_8 = arith.constant 2500 : i32
    %add3A_9 = arith.addi %add3A_8, %mul3A_7 : i32
    %eq3A = arith.constant 0 : i32
    %eq3A_10 = arith.cmpi eq, %arg0, %eq3A : i32
    %select_n3A_11 = arith.select %eq3A_10, %add3A, %add3A_9 : i32
    %eq3A_12 = arith.constant 0 : i32
    %eq3A_13 = arith.cmpi eq, %arg0, %eq3A_12 : i32
    %jit3A_14 = arith.constant 0 : i32
    %select_n3A_15 = arith.select %eq3A_13, %add3A_5, %jit3A_14 : i32
    %min3A_16 = arith.constant 2343 : i32
    %min3A_17 = arith.minsi %select_n3A_11, %min3A_16 : i32
    %sub3A = arith.subi %select_n3A_11, %min3A_17 : i32
    %run_scoped3A = arith.constant 1 : i32
    "tpu.region"() ({
      %run_scoped3A_81 = tpu.sem_alloc : memref<!tpu.dma_semaphore, #tpu.memory_space<semaphore_mem>>
      %dma_start3A = arith.constant 0 : i32
      %dma_start3A_82 = arith.constant 0 : i32
      %dma_start3A_83 = tpu.memref_slice %arg2[%run_scoped3A, %dma_start3A, %dma_start3A_82] : memref<2x2500x128xi32, #tpu.memory_space<hbm>> -> memref<1x2500x128xi32, #tpu.memory_space<hbm>>
      %dma_start3A_84 = tpu.memref_squeeze %dma_start3A_83 : memref<1x2500x128xi32, #tpu.memory_space<hbm>> -> memref<2500x128xi32, #tpu.memory_space<hbm>>
      %dma_start3A_85 = arith.constant 0 : i32
      %dma_start3A_86 = tpu.memref_slice %dma_start3A_84[%min3A_17, %dma_start3A_85] : memref<2500x128xi32, #tpu.memory_space<hbm>> -> memref<157x128xi32, #tpu.memory_space<hbm>>
      %dma_start3A_87 = arith.constant 0 : i32
      %dma_start3A_88 = arith.constant 0 : i32
      %dma_start3A_89 = tpu.memref_slice %arg2[%run_scoped3A, %dma_start3A_87, %dma_start3A_88] : memref<2x2500x128xi32, #tpu.memory_space<hbm>> -> memref<1x2500x128xi32, #tpu.memory_space<hbm>>
      %dma_start3A_90 = tpu.memref_squeeze %dma_start3A_89 : memref<1x2500x128xi32, #tpu.memory_space<hbm>> -> memref<2500x128xi32, #tpu.memory_space<hbm>>
      %dma_start3A_91 = arith.constant 0 : i32
      %dma_start3A_92 = tpu.memref_slice %dma_start3A_90[%min3A_17, %dma_start3A_91] : memref<2500x128xi32, #tpu.memory_space<hbm>> -> memref<157x128xi32, #tpu.memory_space<hbm>>
      tpu.enqueue_dma source(%dma_start3A_92 : memref<157x128xi32, #tpu.memory_space<hbm>>) target(%arg5 : memref<157x128xi32, #tpu.memory_space<vmem>>) target_semaphore(%run_scoped3A_81 : memref<!tpu.dma_semaphore, #tpu.memory_space<semaphore_mem>>)
      %dma_wait3A = arith.constant 0 : i32
      %dma_wait3A_93 = arith.constant 0 : i32
      %dma_wait3A_94 = tpu.memref_slice %arg2[%run_scoped3A, %dma_wait3A, %dma_wait3A_93] : memref<2x2500x128xi32, #tpu.memory_space<hbm>> -> memref<1x2500x128xi32, #tpu.memory_space<hbm>>
      %dma_wait3A_95 = tpu.memref_squeeze %dma_wait3A_94 : memref<1x2500x128xi32, #tpu.memory_space<hbm>> -> memref<2500x128xi32, #tpu.memory_space<hbm>>
      %dma_wait3A_96 = arith.constant 0 : i32
      %dma_wait3A_97 = tpu.memref_slice %dma_wait3A_95[%min3A_17, %dma_wait3A_96] : memref<2500x128xi32, #tpu.memory_space<hbm>> -> memref<157x128xi32, #tpu.memory_space<hbm>>
      %dma_wait3A_98 = arith.constant 0 : i32
      %dma_wait3A_99 = arith.constant 0 : i32
      %dma_wait3A_100 = tpu.memref_slice %arg2[%run_scoped3A, %dma_wait3A_98, %dma_wait3A_99] : memref<2x2500x128xi32, #tpu.memory_space<hbm>> -> memref<1x2500x128xi32, #tpu.memory_space<hbm>>
      %dma_wait3A_101 = tpu.memref_squeeze %dma_wait3A_100 : memref<1x2500x128xi32, #tpu.memory_space<hbm>> -> memref<2500x128xi32, #tpu.memory_space<hbm>>
      %dma_wait3A_102 = arith.constant 0 : i32
      %dma_wait3A_103 = tpu.memref_slice %dma_wait3A_101[%min3A_17, %dma_wait3A_102] : memref<2500x128xi32, #tpu.memory_space<hbm>> -> memref<157x128xi32, #tpu.memory_space<hbm>>
      tpu.wait_dma2 semaphore(%run_scoped3A_81 : memref<!tpu.dma_semaphore, #tpu.memory_space<semaphore_mem>>) src(%dma_wait3A_103 : memref<157x128xi32, #tpu.memory_space<hbm>>) dst(%arg5 : memref<157x128xi32, #tpu.memory_space<vmem>>)
      tpu.yield
    }) : () -> ()
    %broadcast_in_dim3A = arith.constant 1.000000e+00 : f32
    %broadcast_in_dim3A_18 = vector.broadcast %broadcast_in_dim3A : f32 to vector<16xf32>
    %swap3A = arith.constant 0 : index
    %swap3A_19 = tpu.vector_load %arg6[%swap3A] {strides = array<i32>} : memref<128xf32, #tpu.memory_space<vmem>>, vector<16xf32>,
    %swap3A_20 = vector.shape_cast %swap3A_19 : vector<16xf32> to vector<16xf32>
    %swap3A_21 = vector.shape_cast %broadcast_in_dim3A_18 : vector<16xf32> to vector<16xf32>
    tpu.vector_store %arg6[%swap3A], %swap3A_21 {strides = array<i32>} : memref<128xf32, #tpu.memory_space<vmem>>, vector<16xf32>,
    %broadcast_in_dim3A_22 = arith.constant 1.000000e+00 : f32
    %broadcast_in_dim3A_23 = vector.broadcast %broadcast_in_dim3A_22 : f32 to vector<16xf32>
    %swap3A_24 = arith.constant 16 : index
    %swap3A_25 = tpu.vector_load %arg6[%swap3A_24] {strides = array<i32>} : memref<128xf32, #tpu.memory_space<vmem>>, vector<16xf32>,
    %swap3A_26 = vector.shape_cast %swap3A_25 : vector<16xf32> to vector<16xf32>
    %swap3A_27 = vector.shape_cast %broadcast_in_dim3A_23 : vector<16xf32> to vector<16xf32>
    tpu.vector_store %arg6[%swap3A_24], %swap3A_27 {strides = array<i32>} : memref<128xf32, #tpu.memory_space<vmem>>, vector<16xf32>,
    %broadcast_in_dim3A_28 = arith.constant 1.000000e+00 : f32
    %broadcast_in_dim3A_29 = vector.broadcast %broadcast_in_dim3A_28 : f32 to vector<16xf32>
    %swap3A_30 = arith.constant 32 : index
    %swap3A_31 = tpu.vector_load %arg6[%swap3A_30] {strides = array<i32>} : memref<128xf32, #tpu.memory_space<vmem>>, vector<16xf32>,
    %swap3A_32 = vector.shape_cast %swap3A_31 : vector<16xf32> to vector<16xf32>
    %swap3A_33 = vector.shape_cast %broadcast_in_dim3A_29 : vector<16xf32> to vector<16xf32>
    tpu.vector_store %arg6[%swap3A_30], %swap3A_33 {strides = array<i32>} : memref<128xf32, #tpu.memory_space<vmem>>, vector<16xf32>,
    %broadcast_in_dim3A_34 = arith.constant 1.000000e+00 : f32
    %broadcast_in_dim3A_35 = vector.broadcast %broadcast_in_dim3A_34 : f32 to vector<16xf32>
    %swap3A_36 = arith.constant 48 : index
    %swap3A_37 = tpu.vector_load %arg6[%swap3A_36] {strides = array<i32>} : memref<128xf32, #tpu.memory_space<vmem>>, vector<16xf32>,
    %swap3A_38 = vector.shape_cast %swap3A_37 : vector<16xf32> to vector<16xf32>
    %swap3A_39 = vector.shape_cast %broadcast_in_dim3A_35 : vector<16xf32> to vector<16xf32>
    tpu.vector_store %arg6[%swap3A_36], %swap3A_39 {strides = array<i32>} : memref<128xf32, #tpu.memory_space<vmem>>, vector<16xf32>,
    %broadcast_in_dim3A_40 = arith.constant 1.000000e+00 : f32
    %broadcast_in_dim3A_41 = vector.broadcast %broadcast_in_dim3A_40 : f32 to vector<16xf32>
    %swap3A_42 = arith.constant 64 : index
    %swap3A_43 = tpu.vector_load %arg6[%swap3A_42] {strides = array<i32>} : memref<128xf32, #tpu.memory_space<vmem>>, vector<16xf32>,
    %swap3A_44 = vector.shape_cast %swap3A_43 : vector<16xf32> to vector<16xf32>
    %swap3A_45 = vector.shape_cast %broadcast_in_dim3A_41 : vector<16xf32> to vector<16xf32>
    tpu.vector_store %arg6[%swap3A_42], %swap3A_45 {strides = array<i32>} : memref<128xf32, #tpu.memory_space<vmem>>, vector<16xf32>,
    %broadcast_in_dim3A_46 = arith.constant 1.000000e+00 : f32
    %broadcast_in_dim3A_47 = vector.broadcast %broadcast_in_dim3A_46 : f32 to vector<16xf32>
    %swap3A_48 = arith.constant 80 : index
    %swap3A_49 = tpu.vector_load %arg6[%swap3A_48] {strides = array<i32>} : memref<128xf32, #tpu.memory_space<vmem>>, vector<16xf32>,
    %swap3A_50 = vector.shape_cast %swap3A_49 : vector<16xf32> to vector<16xf32>
    %swap3A_51 = vector.shape_cast %broadcast_in_dim3A_47 : vector<16xf32> to vector<16xf32>
    tpu.vector_store %arg6[%swap3A_48], %swap3A_51 {strides = array<i32>} : memref<128xf32, #tpu.memory_space<vmem>>, vector<16xf32>,
    %broadcast_in_dim3A_52 = arith.constant 1.000000e+00 : f32
    %broadcast_in_dim3A_53 = vector.broadcast %broadcast_in_dim3A_52 : f32 to vector<16xf32>
    %swap3A_54 = arith.constant 96 : index
    %swap3A_55 = tpu.vector_load %arg6[%swap3A_54] {strides = array<i32>} : memref<128xf32, #tpu.memory_space<vmem>>, vector<16xf32>,
    %swap3A_56 = vector.shape_cast %swap3A_55 : vector<16xf32> to vector<16xf32>
    %swap3A_57 = vector.shape_cast %broadcast_in_dim3A_53 : vector<16xf32> to vector<16xf32>
    tpu.vector_store %arg6[%swap3A_54], %swap3A_57 {strides = array<i32>} : memref<128xf32, #tpu.memory_space<vmem>>, vector<16xf32>,
    %broadcast_in_dim3A_58 = arith.constant 1.000000e+00 : f32
    %broadcast_in_dim3A_59 = vector.broadcast %broadcast_in_dim3A_58 : f32 to vector<16xf32>
    %swap3A_60 = arith.constant 112 : index
    %swap3A_61 = tpu.vector_load %arg6[%swap3A_60] {strides = array<i32>} : memref<128xf32, #tpu.memory_space<vmem>>, vector<16xf32>,
    %swap3A_62 = vector.shape_cast %swap3A_61 : vector<16xf32> to vector<16xf32>
    %swap3A_63 = vector.shape_cast %broadcast_in_dim3A_59 : vector<16xf32> to vector<16xf32>
    tpu.vector_store %arg6[%swap3A_60], %swap3A_63 {strides = array<i32>} : memref<128xf32, #tpu.memory_space<vmem>>, vector<16xf32>,
    %mul3A_64 = arith.constant 640 : i32
    %mul3A_65 = arith.muli %arg1, %mul3A_64 : i32
    %mul3A_66 = arith.constant 640 : i32
    %mul3A_67 = arith.muli %arg1, %mul3A_66 : i32
    "tpu.region"() ({
      %run_scoped3A_81 = tpu.sem_alloc : memref<!tpu.dma_semaphore, #tpu.memory_space<semaphore_mem>>
      %dma_start3A = tpu.memref_slice %arg7[%mul3A_67] : memref<10240xf32, #tpu.memory_space<vmem_shared>> -> memref<640xf32, #tpu.memory_space<vmem_shared>>
      %dma_start3A_82 = tpu.memref_slice %arg3[%mul3A_65] : memref<10240xf32, #tpu.memory_space<hbm>> -> memref<640xf32, #tpu.memory_space<hbm>>
      tpu.enqueue_dma source(%dma_start3A_82 : memref<640xf32, #tpu.memory_space<hbm>>) target(%dma_start3A : memref<640xf32, #tpu.memory_space<vmem_shared>>) target_semaphore(%run_scoped3A_81 : memref<!tpu.dma_semaphore, #tpu.memory_space<semaphore_mem>>)
      %dma_wait3A = tpu.memref_slice %arg7[%mul3A_67] : memref<10240xf32, #tpu.memory_space<vmem_shared>> -> memref<640xf32, #tpu.memory_space<vmem_shared>>
      %dma_wait3A_83 = tpu.memref_slice %arg3[%mul3A_65] : memref<10240xf32, #tpu.memory_space<hbm>> -> memref<640xf32, #tpu.memory_space<hbm>>
      tpu.wait_dma2 semaphore(%run_scoped3A_81 : memref<!tpu.dma_semaphore, #tpu.memory_space<semaphore_mem>>) src(%dma_wait3A_83 : memref<640xf32, #tpu.memory_space<hbm>>) dst(%dma_wait3A : memref<640xf32, #tpu.memory_space<vmem_shared>>)
      tpu.yield
    }) : () -> ()
    %barrier3A = arith.constant 0 : index
    tpu.barrier barrier_id(%barrier3A)
    %scan3A = arith.constant 0 : i32
    %scan3A_68 = arith.constant 0 : i32
    %scan3A_69 = arith.constant 20 : i32
    %scan3A_70 = arith.addi %scan3A_68, %scan3A_69 : i32
    %scan3A_71 = arith.constant 1 : i32
    scf.for %scan3A_81 = %scan3A_68 to %scan3A_70 step %scan3A_71  : i32 {
      %mul3A_82 = arith.constant 8 : i32
      %mul3A_83 = arith.muli %scan3A_81, %mul3A_82 : i32
      %add3A_84 = arith.constant 0 : i32
      %add3A_85 = arith.addi %mul3A_83, %add3A_84 : i32
      %lt3A_86 = arith.cmpi slt, %add3A_85, %select_n3A_15 : i32
      %convert_element_type3A = arith.extui %lt3A_86 : i1 to i32
      %cond3A = arith.constant 0 : i32
      %cond3A_87 = arith.cmpi ne, %convert_element_type3A, %cond3A : i32
      scf.if %cond3A_87 {
        %add3A_208 = arith.addi %sub3A, %add3A_85 : i32
        %dma_start3A = arith.constant 0 : i32
        %dma_start3A_209 = tpu.memref_slice %arg5[%add3A_208, %dma_start3A] : memref<157x128xi32, #tpu.memory_space<vmem>> -> memref<1x128xi32, #tpu.memory_space<vmem>>
        %dma_start3A_210 = tpu.memref_squeeze %dma_start3A_209 : memref<1x128xi32, #tpu.memory_space<vmem>> -> memref<128xi32, #tpu.memory_space<vmem>>
        %dma_start3A_211 = arith.constant 0 : i32
        %dma_start3A_212 = tpu.memref_slice %arg7[%dma_start3A_211] : memref<10240xf32, #tpu.memory_space<vmem_shared>> -> memref<10240xf32, #tpu.memory_space<vmem_shared>>
        tpu.enqueue_indirect_dma source(%arg6 : memref<128xf32, #tpu.memory_space<vmem>>) target(%dma_start3A_212 : memref<10240xf32, #tpu.memory_space<vmem_shared>>) offsets(%dma_start3A_210 : memref<128xi32, #tpu.memory_space<vmem>>) semaphore(%arg8 : memref<!tpu.dma_semaphore, #tpu.memory_space<semaphore_mem>>) {add = true}
      } else {
      }
      %mul3A_88 = arith.constant 8 : i32
      %mul3A_89 = arith.muli %scan3A_81, %mul3A_88 : i32
      %add3A_90 = arith.constant 1 : i32
      %add3A_91 = arith.addi %mul3A_89, %add3A_90 : i32
      %lt3A_92 = arith.cmpi slt, %add3A_91, %select_n3A_15 : i32
      %convert_element_type3A_93 = arith.extui %lt3A_92 : i1 to i32
      %cond3A_94 = arith.constant 0 : i32
      %cond3A_95 = arith.cmpi ne, %convert_element_type3A_93, %cond3A_94 : i32
      scf.if %cond3A_95 {
        %add3A_208 = arith.addi %sub3A, %add3A_91 : i32
        %dma_start3A = arith.constant 0 : i32
        %dma_start3A_209 = tpu.memref_slice %arg5[%add3A_208, %dma_start3A] : memref<157x128xi32, #tpu.memory_space<vmem>> -> memref<1x128xi32, #tpu.memory_space<vmem>>
        %dma_start3A_210 = tpu.memref_squeeze %dma_start3A_209 : memref<1x128xi32, #tpu.memory_space<vmem>> -> memref<128xi32, #tpu.memory_space<vmem>>
        %dma_start3A_211 = arith.constant 0 : i32
        %dma_start3A_212 = tpu.memref_slice %arg7[%dma_start3A_211] : memref<10240xf32, #tpu.memory_space<vmem_shared>> -> memref<10240xf32, #tpu.memory_space<vmem_shared>>
        tpu.enqueue_indirect_dma source(%arg6 : memref<128xf32, #tpu.memory_space<vmem>>) target(%dma_start3A_212 : memref<10240xf32, #tpu.memory_space<vmem_shared>>) offsets(%dma_start3A_210 : memref<128xi32, #tpu.memory_space<vmem>>) semaphore(%arg8 : memref<!tpu.dma_semaphore, #tpu.memory_space<semaphore_mem>>) {add = true}
      } else {
      }
      %mul3A_96 = arith.constant 8 : i32
      %mul3A_97 = arith.muli %scan3A_81, %mul3A_96 : i32
      %add3A_98 = arith.constant 2 : i32
      %add3A_99 = arith.addi %mul3A_97, %add3A_98 : i32
      %lt3A_100 = arith.cmpi slt, %add3A_99, %select_n3A_15 : i32
      %convert_element_type3A_101 = arith.extui %lt3A_100 : i1 to i32
      %cond3A_102 = arith.constant 0 : i32
      %cond3A_103 = arith.cmpi ne, %convert_element_type3A_101, %cond3A_102 : i32
      scf.if %cond3A_103 {
        %add3A_208 = arith.addi %sub3A, %add3A_99 : i32
        %dma_start3A = arith.constant 0 : i32
        %dma_start3A_209 = tpu.memref_slice %arg5[%add3A_208, %dma_start3A] : memref<157x128xi32, #tpu.memory_space<vmem>> -> memref<1x128xi32, #tpu.memory_space<vmem>>
        %dma_start3A_210 = tpu.memref_squeeze %dma_start3A_209 : memref<1x128xi32, #tpu.memory_space<vmem>> -> memref<128xi32, #tpu.memory_space<vmem>>
        %dma_start3A_211 = arith.constant 0 : i32
        %dma_start3A_212 = tpu.memref_slice %arg7[%dma_start3A_211] : memref<10240xf32, #tpu.memory_space<vmem_shared>> -> memref<10240xf32, #tpu.memory_space<vmem_shared>>
        tpu.enqueue_indirect_dma source(%arg6 : memref<128xf32, #tpu.memory_space<vmem>>) target(%dma_start3A_212 : memref<10240xf32, #tpu.memory_space<vmem_shared>>) offsets(%dma_start3A_210 : memref<128xi32, #tpu.memory_space<vmem>>) semaphore(%arg8 : memref<!tpu.dma_semaphore, #tpu.memory_space<semaphore_mem>>) {add = true}
      } else {
      }
      %mul3A_104 = arith.constant 8 : i32
      %mul3A_105 = arith.muli %scan3A_81, %mul3A_104 : i32
      %add3A_106 = arith.constant 3 : i32
      %add3A_107 = arith.addi %mul3A_105, %add3A_106 : i32
      %lt3A_108 = arith.cmpi slt, %add3A_107, %select_n3A_15 : i32
      %convert_element_type3A_109 = arith.extui %lt3A_108 : i1 to i32
      %cond3A_110 = arith.constant 0 : i32
      %cond3A_111 = arith.cmpi ne, %convert_element_type3A_109, %cond3A_110 : i32
      scf.if %cond3A_111 {
        %add3A_208 = arith.addi %sub3A, %add3A_107 : i32
        %dma_start3A = arith.constant 0 : i32
        %dma_start3A_209 = tpu.memref_slice %arg5[%add3A_208, %dma_start3A] : memref<157x128xi32, #tpu.memory_space<vmem>> -> memref<1x128xi32, #tpu.memory_space<vmem>>
        %dma_start3A_210 = tpu.memref_squeeze %dma_start3A_209 : memref<1x128xi32, #tpu.memory_space<vmem>> -> memref<128xi32, #tpu.memory_space<vmem>>
        %dma_start3A_211 = arith.constant 0 : i32
        %dma_start3A_212 = tpu.memref_slice %arg7[%dma_start3A_211] : memref<10240xf32, #tpu.memory_space<vmem_shared>> -> memref<10240xf32, #tpu.memory_space<vmem_shared>>
        tpu.enqueue_indirect_dma source(%arg6 : memref<128xf32, #tpu.memory_space<vmem>>) target(%dma_start3A_212 : memref<10240xf32, #tpu.memory_space<vmem_shared>>) offsets(%dma_start3A_210 : memref<128xi32, #tpu.memory_space<vmem>>) semaphore(%arg8 : memref<!tpu.dma_semaphore, #tpu.memory_space<semaphore_mem>>) {add = true}
      } else {
      }
      %mul3A_112 = arith.constant 8 : i32
      %mul3A_113 = arith.muli %scan3A_81, %mul3A_112 : i32
      %add3A_114 = arith.constant 4 : i32
      %add3A_115 = arith.addi %mul3A_113, %add3A_114 : i32
      %lt3A_116 = arith.cmpi slt, %add3A_115, %select_n3A_15 : i32
      %convert_element_type3A_117 = arith.extui %lt3A_116 : i1 to i32
      %cond3A_118 = arith.constant 0 : i32
      %cond3A_119 = arith.cmpi ne, %convert_element_type3A_117, %cond3A_118 : i32
      scf.if %cond3A_119 {
        %add3A_208 = arith.addi %sub3A, %add3A_115 : i32
        %dma_start3A = arith.constant 0 : i32
        %dma_start3A_209 = tpu.memref_slice %arg5[%add3A_208, %dma_start3A] : memref<157x128xi32, #tpu.memory_space<vmem>> -> memref<1x128xi32, #tpu.memory_space<vmem>>
        %dma_start3A_210 = tpu.memref_squeeze %dma_start3A_209 : memref<1x128xi32, #tpu.memory_space<vmem>> -> memref<128xi32, #tpu.memory_space<vmem>>
        %dma_start3A_211 = arith.constant 0 : i32
        %dma_start3A_212 = tpu.memref_slice %arg7[%dma_start3A_211] : memref<10240xf32, #tpu.memory_space<vmem_shared>> -> memref<10240xf32, #tpu.memory_space<vmem_shared>>
        tpu.enqueue_indirect_dma source(%arg6 : memref<128xf32, #tpu.memory_space<vmem>>) target(%dma_start3A_212 : memref<10240xf32, #tpu.memory_space<vmem_shared>>) offsets(%dma_start3A_210 : memref<128xi32, #tpu.memory_space<vmem>>) semaphore(%arg8 : memref<!tpu.dma_semaphore, #tpu.memory_space<semaphore_mem>>) {add = true}
      } else {
      }
      %mul3A_120 = arith.constant 8 : i32
      %mul3A_121 = arith.muli %scan3A_81, %mul3A_120 : i32
      %add3A_122 = arith.constant 5 : i32
      %add3A_123 = arith.addi %mul3A_121, %add3A_122 : i32
      %lt3A_124 = arith.cmpi slt, %add3A_123, %select_n3A_15 : i32
      %convert_element_type3A_125 = arith.extui %lt3A_124 : i1 to i32
      %cond3A_126 = arith.constant 0 : i32
      %cond3A_127 = arith.cmpi ne, %convert_element_type3A_125, %cond3A_126 : i32
      scf.if %cond3A_127 {
        %add3A_208 = arith.addi %sub3A, %add3A_123 : i32
        %dma_start3A = arith.constant 0 : i32
        %dma_start3A_209 = tpu.memref_slice %arg5[%add3A_208, %dma_start3A] : memref<157x128xi32, #tpu.memory_space<vmem>> -> memref<1x128xi32, #tpu.memory_space<vmem>>
        %dma_start3A_210 = tpu.memref_squeeze %dma_start3A_209 : memref<1x128xi32, #tpu.memory_space<vmem>> -> memref<128xi32, #tpu.memory_space<vmem>>
        %dma_start3A_211 = arith.constant 0 : i32
        %dma_start3A_212 = tpu.memref_slice %arg7[%dma_start3A_211] : memref<10240xf32, #tpu.memory_space<vmem_shared>> -> memref<10240xf32, #tpu.memory_space<vmem_shared>>
        tpu.enqueue_indirect_dma source(%arg6 : memref<128xf32, #tpu.memory_space<vmem>>) target(%dma_start3A_212 : memref<10240xf32, #tpu.memory_space<vmem_shared>>) offsets(%dma_start3A_210 : memref<128xi32, #tpu.memory_space<vmem>>) semaphore(%arg8 : memref<!tpu.dma_semaphore, #tpu.memory_space<semaphore_mem>>) {add = true}
      } else {
      }
      %mul3A_128 = arith.constant 8 : i32
      %mul3A_129 = arith.muli %scan3A_81, %mul3A_128 : i32
      %add3A_130 = arith.constant 6 : i32
      %add3A_131 = arith.addi %mul3A_129, %add3A_130 : i32
      %lt3A_132 = arith.cmpi slt, %add3A_131, %select_n3A_15 : i32
      %convert_element_type3A_133 = arith.extui %lt3A_132 : i1 to i32
      %cond3A_134 = arith.constant 0 : i32
      %cond3A_135 = arith.cmpi ne, %convert_element_type3A_133, %cond3A_134 : i32
      scf.if %cond3A_135 {
        %add3A_208 = arith.addi %sub3A, %add3A_131 : i32
        %dma_start3A = arith.constant 0 : i32
        %dma_start3A_209 = tpu.memref_slice %arg5[%add3A_208, %dma_start3A] : memref<157x128xi32, #tpu.memory_space<vmem>> -> memref<1x128xi32, #tpu.memory_space<vmem>>
        %dma_start3A_210 = tpu.memref_squeeze %dma_start3A_209 : memref<1x128xi32, #tpu.memory_space<vmem>> -> memref<128xi32, #tpu.memory_space<vmem>>
        %dma_start3A_211 = arith.constant 0 : i32
        %dma_start3A_212 = tpu.memref_slice %arg7[%dma_start3A_211] : memref<10240xf32, #tpu.memory_space<vmem_shared>> -> memref<10240xf32, #tpu.memory_space<vmem_shared>>
        tpu.enqueue_indirect_dma source(%arg6 : memref<128xf32, #tpu.memory_space<vmem>>) target(%dma_start3A_212 : memref<10240xf32, #tpu.memory_space<vmem_shared>>) offsets(%dma_start3A_210 : memref<128xi32, #tpu.memory_space<vmem>>) semaphore(%arg8 : memref<!tpu.dma_semaphore, #tpu.memory_space<semaphore_mem>>) {add = true}
      } else {
      }
      %mul3A_136 = arith.constant 8 : i32
      %mul3A_137 = arith.muli %scan3A_81, %mul3A_136 : i32
      %add3A_138 = arith.constant 7 : i32
      %add3A_139 = arith.addi %mul3A_137, %add3A_138 : i32
      %lt3A_140 = arith.cmpi slt, %add3A_139, %select_n3A_15 : i32
      %convert_element_type3A_141 = arith.extui %lt3A_140 : i1 to i32
      %cond3A_142 = arith.constant 0 : i32
      %cond3A_143 = arith.cmpi ne, %convert_element_type3A_141, %cond3A_142 : i32
      scf.if %cond3A_143 {
        %add3A_208 = arith.addi %sub3A, %add3A_139 : i32
        %dma_start3A = arith.constant 0 : i32
        %dma_start3A_209 = tpu.memref_slice %arg5[%add3A_208, %dma_start3A] : memref<157x128xi32, #tpu.memory_space<vmem>> -> memref<1x128xi32, #tpu.memory_space<vmem>>
        %dma_start3A_210 = tpu.memref_squeeze %dma_start3A_209 : memref<1x128xi32, #tpu.memory_space<vmem>> -> memref<128xi32, #tpu.memory_space<vmem>>
        %dma_start3A_211 = arith.constant 0 : i32
        %dma_start3A_212 = tpu.memref_slice %arg7[%dma_start3A_211] : memref<10240xf32, #tpu.memory_space<vmem_shared>> -> memref<10240xf32, #tpu.memory_space<vmem_shared>>
        tpu.enqueue_indirect_dma source(%arg6 : memref<128xf32, #tpu.memory_space<vmem>>) target(%dma_start3A_212 : memref<10240xf32, #tpu.memory_space<vmem_shared>>) offsets(%dma_start3A_210 : memref<128xi32, #tpu.memory_space<vmem>>) semaphore(%arg8 : memref<!tpu.dma_semaphore, #tpu.memory_space<semaphore_mem>>) {add = true}
      } else {
      }
      %mul3A_144 = arith.constant 8 : i32
      %mul3A_145 = arith.muli %scan3A_81, %mul3A_144 : i32
      %add3A_146 = arith.constant 0 : i32
      %add3A_147 = arith.addi %mul3A_145, %add3A_146 : i32
      %lt3A_148 = arith.cmpi slt, %add3A_147, %select_n3A_15 : i32
      %convert_element_type3A_149 = arith.extui %lt3A_148 : i1 to i32
      %cond3A_150 = arith.constant 0 : i32
      %cond3A_151 = arith.cmpi ne, %convert_element_type3A_149, %cond3A_150 : i32
      scf.if %cond3A_151 {
        %dma_wait3A = arith.constant 0 : i32
        %dma_wait3A_208 = arith.constant 0 : i32
        %dma_wait3A_209 = tpu.memref_slice %arg5[%dma_wait3A, %dma_wait3A_208] : memref<157x128xi32, #tpu.memory_space<vmem>> -> memref<1x128xi32, #tpu.memory_space<vmem>>
        %dma_wait3A_210 = tpu.memref_squeeze %dma_wait3A_209 : memref<1x128xi32, #tpu.memory_space<vmem>> -> memref<128xi32, #tpu.memory_space<vmem>>
        %dma_wait3A_211 = arith.constant 0 : i32
        %dma_wait3A_212 = tpu.memref_slice %arg7[%dma_wait3A_211] : memref<10240xf32, #tpu.memory_space<vmem_shared>> -> memref<10240xf32, #tpu.memory_space<vmem_shared>>
        tpu.wait_indirect_dma semaphore(%arg8 : memref<!tpu.dma_semaphore, #tpu.memory_space<semaphore_mem>>) src(%arg6 : memref<128xf32, #tpu.memory_space<vmem>>) dst(%dma_wait3A_212 : memref<10240xf32, #tpu.memory_space<vmem_shared>>)
      } else {
      }
      %mul3A_152 = arith.constant 8 : i32
      %mul3A_153 = arith.muli %scan3A_81, %mul3A_152 : i32
      %add3A_154 = arith.constant 1 : i32
      %add3A_155 = arith.addi %mul3A_153, %add3A_154 : i32
      %lt3A_156 = arith.cmpi slt, %add3A_155, %select_n3A_15 : i32
      %convert_element_type3A_157 = arith.extui %lt3A_156 : i1 to i32
      %cond3A_158 = arith.constant 0 : i32
      %cond3A_159 = arith.cmpi ne, %convert_element_type3A_157, %cond3A_158 : i32
      scf.if %cond3A_159 {
        %dma_wait3A = arith.constant 0 : i32
        %dma_wait3A_208 = arith.constant 0 : i32
        %dma_wait3A_209 = tpu.memref_slice %arg5[%dma_wait3A, %dma_wait3A_208] : memref<157x128xi32, #tpu.memory_space<vmem>> -> memref<1x128xi32, #tpu.memory_space<vmem>>
        %dma_wait3A_210 = tpu.memref_squeeze %dma_wait3A_209 : memref<1x128xi32, #tpu.memory_space<vmem>> -> memref<128xi32, #tpu.memory_space<vmem>>
        %dma_wait3A_211 = arith.constant 0 : i32
        %dma_wait3A_212 = tpu.memref_slice %arg7[%dma_wait3A_211] : memref<10240xf32, #tpu.memory_space<vmem_shared>> -> memref<10240xf32, #tpu.memory_space<vmem_shared>>
        tpu.wait_indirect_dma semaphore(%arg8 : memref<!tpu.dma_semaphore, #tpu.memory_space<semaphore_mem>>) src(%arg6 : memref<128xf32, #tpu.memory_space<vmem>>) dst(%dma_wait3A_212 : memref<10240xf32, #tpu.memory_space<vmem_shared>>)
      } else {
      }
      %mul3A_160 = arith.constant 8 : i32
      %mul3A_161 = arith.muli %scan3A_81, %mul3A_160 : i32
      %add3A_162 = arith.constant 2 : i32
      %add3A_163 = arith.addi %mul3A_161, %add3A_162 : i32
      %lt3A_164 = arith.cmpi slt, %add3A_163, %select_n3A_15 : i32
      %convert_element_type3A_165 = arith.extui %lt3A_164 : i1 to i32
      %cond3A_166 = arith.constant 0 : i32
      %cond3A_167 = arith.cmpi ne, %convert_element_type3A_165, %cond3A_166 : i32
      scf.if %cond3A_167 {
        %dma_wait3A = arith.constant 0 : i32
        %dma_wait3A_208 = arith.constant 0 : i32
        %dma_wait3A_209 = tpu.memref_slice %arg5[%dma_wait3A, %dma_wait3A_208] : memref<157x128xi32, #tpu.memory_space<vmem>> -> memref<1x128xi32, #tpu.memory_space<vmem>>
        %dma_wait3A_210 = tpu.memref_squeeze %dma_wait3A_209 : memref<1x128xi32, #tpu.memory_space<vmem>> -> memref<128xi32, #tpu.memory_space<vmem>>
        %dma_wait3A_211 = arith.constant 0 : i32
        %dma_wait3A_212 = tpu.memref_slice %arg7[%dma_wait3A_211] : memref<10240xf32, #tpu.memory_space<vmem_shared>> -> memref<10240xf32, #tpu.memory_space<vmem_shared>>
        tpu.wait_indirect_dma semaphore(%arg8 : memref<!tpu.dma_semaphore, #tpu.memory_space<semaphore_mem>>) src(%arg6 : memref<128xf32, #tpu.memory_space<vmem>>) dst(%dma_wait3A_212 : memref<10240xf32, #tpu.memory_space<vmem_shared>>)
      } else {
      }
      %mul3A_168 = arith.constant 8 : i32
      %mul3A_169 = arith.muli %scan3A_81, %mul3A_168 : i32
      %add3A_170 = arith.constant 3 : i32
      %add3A_171 = arith.addi %mul3A_169, %add3A_170 : i32
      %lt3A_172 = arith.cmpi slt, %add3A_171, %select_n3A_15 : i32
      %convert_element_type3A_173 = arith.extui %lt3A_172 : i1 to i32
      %cond3A_174 = arith.constant 0 : i32
      %cond3A_175 = arith.cmpi ne, %convert_element_type3A_173, %cond3A_174 : i32
      scf.if %cond3A_175 {
        %dma_wait3A = arith.constant 0 : i32
        %dma_wait3A_208 = arith.constant 0 : i32
        %dma_wait3A_209 = tpu.memref_slice %arg5[%dma_wait3A, %dma_wait3A_208] : memref<157x128xi32, #tpu.memory_space<vmem>> -> memref<1x128xi32, #tpu.memory_space<vmem>>
        %dma_wait3A_210 = tpu.memref_squeeze %dma_wait3A_209 : memref<1x128xi32, #tpu.memory_space<vmem>> -> memref<128xi32, #tpu.memory_space<vmem>>
        %dma_wait3A_211 = arith.constant 0 : i32
        %dma_wait3A_212 = tpu.memref_slice %arg7[%dma_wait3A_211] : memref<10240xf32, #tpu.memory_space<vmem_shared>> -> memref<10240xf32, #tpu.memory_space<vmem_shared>>
        tpu.wait_indirect_dma semaphore(%arg8 : memref<!tpu.dma_semaphore, #tpu.memory_space<semaphore_mem>>) src(%arg6 : memref<128xf32, #tpu.memory_space<vmem>>) dst(%dma_wait3A_212 : memref<10240xf32, #tpu.memory_space<vmem_shared>>)
      } else {
      }
      %mul3A_176 = arith.constant 8 : i32
      %mul3A_177 = arith.muli %scan3A_81, %mul3A_176 : i32
      %add3A_178 = arith.constant 4 : i32
      %add3A_179 = arith.addi %mul3A_177, %add3A_178 : i32
      %lt3A_180 = arith.cmpi slt, %add3A_179, %select_n3A_15 : i32
      %convert_element_type3A_181 = arith.extui %lt3A_180 : i1 to i32
      %cond3A_182 = arith.constant 0 : i32
      %cond3A_183 = arith.cmpi ne, %convert_element_type3A_181, %cond3A_182 : i32
      scf.if %cond3A_183 {
        %dma_wait3A = arith.constant 0 : i32
        %dma_wait3A_208 = arith.constant 0 : i32
        %dma_wait3A_209 = tpu.memref_slice %arg5[%dma_wait3A, %dma_wait3A_208] : memref<157x128xi32, #tpu.memory_space<vmem>> -> memref<1x128xi32, #tpu.memory_space<vmem>>
        %dma_wait3A_210 = tpu.memref_squeeze %dma_wait3A_209 : memref<1x128xi32, #tpu.memory_space<vmem>> -> memref<128xi32, #tpu.memory_space<vmem>>
        %dma_wait3A_211 = arith.constant 0 : i32
        %dma_wait3A_212 = tpu.memref_slice %arg7[%dma_wait3A_211] : memref<10240xf32, #tpu.memory_space<vmem_shared>> -> memref<10240xf32, #tpu.memory_space<vmem_shared>>
        tpu.wait_indirect_dma semaphore(%arg8 : memref<!tpu.dma_semaphore, #tpu.memory_space<semaphore_mem>>) src(%arg6 : memref<128xf32, #tpu.memory_space<vmem>>) dst(%dma_wait3A_212 : memref<10240xf32, #tpu.memory_space<vmem_shared>>)
      } else {
      }
      %mul3A_184 = arith.constant 8 : i32
      %mul3A_185 = arith.muli %scan3A_81, %mul3A_184 : i32
      %add3A_186 = arith.constant 5 : i32
      %add3A_187 = arith.addi %mul3A_185, %add3A_186 : i32
      %lt3A_188 = arith.cmpi slt, %add3A_187, %select_n3A_15 : i32
      %convert_element_type3A_189 = arith.extui %lt3A_188 : i1 to i32
      %cond3A_190 = arith.constant 0 : i32
      %cond3A_191 = arith.cmpi ne, %convert_element_type3A_189, %cond3A_190 : i32
      scf.if %cond3A_191 {
        %dma_wait3A = arith.constant 0 : i32
        %dma_wait3A_208 = arith.constant 0 : i32
        %dma_wait3A_209 = tpu.memref_slice %arg5[%dma_wait3A, %dma_wait3A_208] : memref<157x128xi32, #tpu.memory_space<vmem>> -> memref<1x128xi32, #tpu.memory_space<vmem>>
        %dma_wait3A_210 = tpu.memref_squeeze %dma_wait3A_209 : memref<1x128xi32, #tpu.memory_space<vmem>> -> memref<128xi32, #tpu.memory_space<vmem>>
        %dma_wait3A_211 = arith.constant 0 : i32
        %dma_wait3A_212 = tpu.memref_slice %arg7[%dma_wait3A_211] : memref<10240xf32, #tpu.memory_space<vmem_shared>> -> memref<10240xf32, #tpu.memory_space<vmem_shared>>
        tpu.wait_indirect_dma semaphore(%arg8 : memref<!tpu.dma_semaphore, #tpu.memory_space<semaphore_mem>>) src(%arg6 : memref<128xf32, #tpu.memory_space<vmem>>) dst(%dma_wait3A_212 : memref<10240xf32, #tpu.memory_space<vmem_shared>>)
      } else {
      }
      %mul3A_192 = arith.constant 8 : i32
      %mul3A_193 = arith.muli %scan3A_81, %mul3A_192 : i32
      %add3A_194 = arith.constant 6 : i32
      %add3A_195 = arith.addi %mul3A_193, %add3A_194 : i32
      %lt3A_196 = arith.cmpi slt, %add3A_195, %select_n3A_15 : i32
      %convert_element_type3A_197 = arith.extui %lt3A_196 : i1 to i32
      %cond3A_198 = arith.constant 0 : i32
      %cond3A_199 = arith.cmpi ne, %convert_element_type3A_197, %cond3A_198 : i32
      scf.if %cond3A_199 {
        %dma_wait3A = arith.constant 0 : i32
        %dma_wait3A_208 = arith.constant 0 : i32
        %dma_wait3A_209 = tpu.memref_slice %arg5[%dma_wait3A, %dma_wait3A_208] : memref<157x128xi32, #tpu.memory_space<vmem>> -> memref<1x128xi32, #tpu.memory_space<vmem>>
        %dma_wait3A_210 = tpu.memref_squeeze %dma_wait3A_209 : memref<1x128xi32, #tpu.memory_space<vmem>> -> memref<128xi32, #tpu.memory_space<vmem>>
        %dma_wait3A_211 = arith.constant 0 : i32
        %dma_wait3A_212 = tpu.memref_slice %arg7[%dma_wait3A_211] : memref<10240xf32, #tpu.memory_space<vmem_shared>> -> memref<10240xf32, #tpu.memory_space<vmem_shared>>
        tpu.wait_indirect_dma semaphore(%arg8 : memref<!tpu.dma_semaphore, #tpu.memory_space<semaphore_mem>>) src(%arg6 : memref<128xf32, #tpu.memory_space<vmem>>) dst(%dma_wait3A_212 : memref<10240xf32, #tpu.memory_space<vmem_shared>>)
      } else {
      }
      %mul3A_200 = arith.constant 8 : i32
      %mul3A_201 = arith.muli %scan3A_81, %mul3A_200 : i32
      %add3A_202 = arith.constant 7 : i32
      %add3A_203 = arith.addi %mul3A_201, %add3A_202 : i32
      %lt3A_204 = arith.cmpi slt, %add3A_203, %select_n3A_15 : i32
      %convert_element_type3A_205 = arith.extui %lt3A_204 : i1 to i32
      %cond3A_206 = arith.constant 0 : i32
      %cond3A_207 = arith.cmpi ne, %convert_element_type3A_205, %cond3A_206 : i32
      scf.if %cond3A_207 {
        %dma_wait3A = arith.constant 0 : i32
        %dma_wait3A_208 = arith.constant 0 : i32
        %dma_wait3A_209 = tpu.memref_slice %arg5[%dma_wait3A, %dma_wait3A_208] : memref<157x128xi32, #tpu.memory_space<vmem>> -> memref<1x128xi32, #tpu.memory_space<vmem>>
        %dma_wait3A_210 = tpu.memref_squeeze %dma_wait3A_209 : memref<1x128xi32, #tpu.memory_space<vmem>> -> memref<128xi32, #tpu.memory_space<vmem>>
        %dma_wait3A_211 = arith.constant 0 : i32
        %dma_wait3A_212 = tpu.memref_slice %arg7[%dma_wait3A_211] : memref<10240xf32, #tpu.memory_space<vmem_shared>> -> memref<10240xf32, #tpu.memory_space<vmem_shared>>
        tpu.wait_indirect_dma semaphore(%arg8 : memref<!tpu.dma_semaphore, #tpu.memory_space<semaphore_mem>>) src(%arg6 : memref<128xf32, #tpu.memory_space<vmem>>) dst(%dma_wait3A_212 : memref<10240xf32, #tpu.memory_space<vmem_shared>>)
      } else {
      }
    }
    %scan3A_72 = arith.constant 20 : i32
    %barrier3A_73 = arith.constant 0 : index
    tpu.barrier barrier_id(%barrier3A_73)
    %mul3A_74 = arith.constant 640 : i32
    %mul3A_75 = arith.muli %arg1, %mul3A_74 : i32
    %mul3A_76 = arith.constant 10240 : i32
    %mul3A_77 = arith.muli %arg0, %mul3A_76 : i32
    %mul3A_78 = arith.constant 640 : i32
    %mul3A_79 = arith.muli %arg1, %mul3A_78 : i32
    %add3A_80 = arith.addi %mul3A_77, %mul3A_79 : i32
    "tpu.region"() ({
      %run_scoped3A_81 = tpu.sem_alloc : memref<!tpu.dma_semaphore, #tpu.memory_space<semaphore_mem>>
      %dma_start3A = tpu.memref_slice %arg4[%add3A_80] : memref<10240xf32, #tpu.memory_space<hbm>> -> memref<640xf32, #tpu.memory_space<hbm>>
      %dma_start3A_82 = tpu.memref_slice %arg7[%mul3A_75] : memref<10240xf32, #tpu.memory_space<vmem_shared>> -> memref<640xf32, #tpu.memory_space<vmem_shared>>
      tpu.enqueue_dma source(%dma_start3A_82 : memref<640xf32, #tpu.memory_space<vmem_shared>>) target(%dma_start3A : memref<640xf32, #tpu.memory_space<hbm>>) target_semaphore(%run_scoped3A_81 : memref<!tpu.dma_semaphore, #tpu.memory_space<semaphore_mem>>)
      %dma_wait3A = tpu.memref_slice %arg4[%add3A_80] : memref<10240xf32, #tpu.memory_space<hbm>> -> memref<640xf32, #tpu.memory_space<hbm>>
      %dma_wait3A_83 = tpu.memref_slice %arg7[%mul3A_75] : memref<10240xf32, #tpu.memory_space<vmem_shared>> -> memref<640xf32, #tpu.memory_space<vmem_shared>>
      tpu.wait_dma2 semaphore(%run_scoped3A_81 : memref<!tpu.dma_semaphore, #tpu.memory_space<semaphore_mem>>) src(%dma_wait3A_83 : memref<640xf32, #tpu.memory_space<vmem_shared>>) dst(%dma_wait3A : memref<640xf32, #tpu.memory_space<hbm>>)
      tpu.yield
    }) : () -> ()
    return
  }
}

#map = affine_map<(d0, d1) -> (0, 0)>
#map1 = affine_map<(d0, d1) -> (0, 0, 0)>
module attributes {stable_mosaic.version = 14 : i64} {
  func.func @agg_kernel(%arg0: i32, %arg1: i32, %arg2: memref<10000x24xf32, #tpu.memory_space<hbm>>, %arg3: memref<2x2500x128xi32, #tpu.memory_space<hbm>>, %arg4: memref<10240x24xf32, #tpu.memory_space<hbm>>, %arg5: memref<1x10240x24xf32, #tpu.memory_space<hbm>>, %arg6: memref<157x128xi32, #tpu.memory_space<vmem>>, %arg7: memref<157x128xi32, #tpu.memory_space<vmem>>, %arg8: memref<128x24xf32, #tpu.memory_space<vmem>>, %arg9: memref<128x24xf32, #tpu.memory_space<vmem>>, %arg10: memref<128x24xf32, #tpu.memory_space<vmem>>, %arg11: memref<128x24xf32, #tpu.memory_space<vmem>>, %arg12: memref<128x24xf32, #tpu.memory_space<vmem>>, %arg13: memref<128x24xf32, #tpu.memory_space<vmem>>, %arg14: memref<128x24xf32, #tpu.memory_space<vmem>>, %arg15: memref<128x24xf32, #tpu.memory_space<vmem>>, %arg16: memref<10240x24xf32, #tpu.memory_space<vmem_shared>>, %arg17: memref<!tpu.dma_semaphore, #tpu.memory_space<semaphore_mem>>, %arg18: memref<!tpu.dma_semaphore, #tpu.memory_space<semaphore_mem>>, %arg19: memref<!tpu.dma_semaphore, #tpu.memory_space<semaphore_mem>>, %arg20: memref<!tpu.dma_semaphore, #tpu.memory_space<semaphore_mem>>, %arg21: memref<!tpu.dma_semaphore, #tpu.memory_space<semaphore_mem>>, %arg22: memref<!tpu.dma_semaphore, #tpu.memory_space<semaphore_mem>>, %arg23: memref<!tpu.dma_semaphore, #tpu.memory_space<semaphore_mem>>, %arg24: memref<!tpu.dma_semaphore, #tpu.memory_space<semaphore_mem>>, %arg25: memref<!tpu.dma_semaphore, #tpu.memory_space<semaphore_mem>>, %arg26: memref<!tpu.dma_semaphore, #tpu.memory_space<semaphore_mem>>, %arg27: memref<!tpu.dma_semaphore, #tpu.memory_space<semaphore_mem>>, %arg28: memref<!tpu.dma_semaphore, #tpu.memory_space<semaphore_mem>>, %arg29: memref<!tpu.dma_semaphore, #tpu.memory_space<semaphore_mem>>, %arg30: memref<!tpu.dma_semaphore, #tpu.memory_space<semaphore_mem>>, %arg31: memref<!tpu.dma_semaphore, #tpu.memory_space<semaphore_mem>>, %arg32: memref<!tpu.dma_semaphore, #tpu.memory_space<semaphore_mem>>) attributes {dimension_semantics = [#tpu.dimension_semantics<core_parallel>, #tpu.dimension_semantics<subcore_parallel>], iteration_bounds = array<i64: 1, 16>, scalar_prefetch = 0 : i64, scratch_operands = 27 : i64, tpu.core_type = #tpu.core_type<sc_vector_subcore>, window_params = [{transform_indices = #map}, {transform_indices = #map1}, {transform_indices = #map}, {transform_indices = #map1}]} {
    %mul3A = arith.constant 156 : i32
    %mul3A_0 = arith.muli %arg1, %mul3A : i32
    %min3A = arith.constant 4 : i32
    %min3A_1 = arith.minsi %arg1, %min3A : i32
    %add3A = arith.addi %mul3A_0, %min3A_1 : i32
    %lt3A = arith.constant 4 : i32
    %lt3A_2 = arith.cmpi slt, %arg1, %lt3A : i32
    %jit3A = arith.constant 1 : i32
    %jit3A_3 = arith.constant 0 : i32
    %select_n3A = arith.select %lt3A_2, %jit3A, %jit3A_3 : i32
    %add3A_4 = arith.constant 156 : i32
    %add3A_5 = arith.addi %add3A_4, %select_n3A : i32
    %mul3A_6 = arith.constant 0 : i32
    %mul3A_7 = arith.muli %arg1, %mul3A_6 : i32
    %add3A_8 = arith.constant 2500 : i32
    %add3A_9 = arith.addi %add3A_8, %mul3A_7 : i32
    %eq3A = arith.constant 0 : i32
    %eq3A_10 = arith.cmpi eq, %arg0, %eq3A : i32
    %select_n3A_11 = arith.select %eq3A_10, %add3A, %add3A_9 : i32
    %eq3A_12 = arith.constant 0 : i32
    %eq3A_13 = arith.cmpi eq, %arg0, %eq3A_12 : i32
    %jit3A_14 = arith.constant 0 : i32
    %select_n3A_15 = arith.select %eq3A_13, %add3A_5, %jit3A_14 : i32
    %min3A_16 = arith.constant 2343 : i32
    %min3A_17 = arith.minsi %select_n3A_11, %min3A_16 : i32
    %sub3A = arith.subi %select_n3A_11, %min3A_17 : i32
    %run_scoped3A = arith.constant 0 : i32
    "tpu.region"() ({
      %run_scoped3A_96 = tpu.sem_alloc : memref<!tpu.dma_semaphore, #tpu.memory_space<semaphore_mem>>
      %dma_start3A_97 = arith.constant 0 : i32
      %dma_start3A_98 = arith.constant 0 : i32
      %dma_start3A_99 = tpu.memref_slice %arg3[%run_scoped3A, %dma_start3A_97, %dma_start3A_98] : memref<2x2500x128xi32, #tpu.memory_space<hbm>> -> memref<1x2500x128xi32, #tpu.memory_space<hbm>>
      %dma_start3A_100 = tpu.memref_squeeze %dma_start3A_99 : memref<1x2500x128xi32, #tpu.memory_space<hbm>> -> memref<2500x128xi32, #tpu.memory_space<hbm>>
      %dma_start3A_101 = arith.constant 0 : i32
      %dma_start3A_102 = tpu.memref_slice %dma_start3A_100[%min3A_17, %dma_start3A_101] : memref<2500x128xi32, #tpu.memory_space<hbm>> -> memref<157x128xi32, #tpu.memory_space<hbm>>
      %dma_start3A_103 = arith.constant 0 : i32
      %dma_start3A_104 = arith.constant 0 : i32
      %dma_start3A_105 = tpu.memref_slice %arg3[%run_scoped3A, %dma_start3A_103, %dma_start3A_104] : memref<2x2500x128xi32, #tpu.memory_space<hbm>> -> memref<1x2500x128xi32, #tpu.memory_space<hbm>>
      %dma_start3A_106 = tpu.memref_squeeze %dma_start3A_105 : memref<1x2500x128xi32, #tpu.memory_space<hbm>> -> memref<2500x128xi32, #tpu.memory_space<hbm>>
      %dma_start3A_107 = arith.constant 0 : i32
      %dma_start3A_108 = tpu.memref_slice %dma_start3A_106[%min3A_17, %dma_start3A_107] : memref<2500x128xi32, #tpu.memory_space<hbm>> -> memref<157x128xi32, #tpu.memory_space<hbm>>
      tpu.enqueue_dma source(%dma_start3A_108 : memref<157x128xi32, #tpu.memory_space<hbm>>) target(%arg6 : memref<157x128xi32, #tpu.memory_space<vmem>>) target_semaphore(%run_scoped3A_96 : memref<!tpu.dma_semaphore, #tpu.memory_space<semaphore_mem>>)
      %dma_wait3A = arith.constant 0 : i32
      %dma_wait3A_109 = arith.constant 0 : i32
      %dma_wait3A_110 = tpu.memref_slice %arg3[%run_scoped3A, %dma_wait3A, %dma_wait3A_109] : memref<2x2500x128xi32, #tpu.memory_space<hbm>> -> memref<1x2500x128xi32, #tpu.memory_space<hbm>>
      %dma_wait3A_111 = tpu.memref_squeeze %dma_wait3A_110 : memref<1x2500x128xi32, #tpu.memory_space<hbm>> -> memref<2500x128xi32, #tpu.memory_space<hbm>>
      %dma_wait3A_112 = arith.constant 0 : i32
      %dma_wait3A_113 = tpu.memref_slice %dma_wait3A_111[%min3A_17, %dma_wait3A_112] : memref<2500x128xi32, #tpu.memory_space<hbm>> -> memref<157x128xi32, #tpu.memory_space<hbm>>
      %dma_wait3A_114 = arith.constant 0 : i32
      %dma_wait3A_115 = arith.constant 0 : i32
      %dma_wait3A_116 = tpu.memref_slice %arg3[%run_scoped3A, %dma_wait3A_114, %dma_wait3A_115] : memref<2x2500x128xi32, #tpu.memory_space<hbm>> -> memref<1x2500x128xi32, #tpu.memory_space<hbm>>
      %dma_wait3A_117 = tpu.memref_squeeze %dma_wait3A_116 : memref<1x2500x128xi32, #tpu.memory_space<hbm>> -> memref<2500x128xi32, #tpu.memory_space<hbm>>
      %dma_wait3A_118 = arith.constant 0 : i32
      %dma_wait3A_119 = tpu.memref_slice %dma_wait3A_117[%min3A_17, %dma_wait3A_118] : memref<2500x128xi32, #tpu.memory_space<hbm>> -> memref<157x128xi32, #tpu.memory_space<hbm>>
      tpu.wait_dma2 semaphore(%run_scoped3A_96 : memref<!tpu.dma_semaphore, #tpu.memory_space<semaphore_mem>>) src(%dma_wait3A_119 : memref<157x128xi32, #tpu.memory_space<hbm>>) dst(%arg6 : memref<157x128xi32, #tpu.memory_space<vmem>>)
      tpu.yield
    }) : () -> ()
    %run_scoped3A_18 = arith.constant 1 : i32
    "tpu.region"() ({
      %run_scoped3A_96 = tpu.sem_alloc : memref<!tpu.dma_semaphore, #tpu.memory_space<semaphore_mem>>
      %dma_start3A_97 = arith.constant 0 : i32
      %dma_start3A_98 = arith.constant 0 : i32
      %dma_start3A_99 = tpu.memref_slice %arg3[%run_scoped3A_18, %dma_start3A_97, %dma_start3A_98] : memref<2x2500x128xi32, #tpu.memory_space<hbm>> -> memref<1x2500x128xi32, #tpu.memory_space<hbm>>
      %dma_start3A_100 = tpu.memref_squeeze %dma_start3A_99 : memref<1x2500x128xi32, #tpu.memory_space<hbm>> -> memref<2500x128xi32, #tpu.memory_space<hbm>>
      %dma_start3A_101 = arith.constant 0 : i32
      %dma_start3A_102 = tpu.memref_slice %dma_start3A_100[%min3A_17, %dma_start3A_101] : memref<2500x128xi32, #tpu.memory_space<hbm>> -> memref<157x128xi32, #tpu.memory_space<hbm>>
      %dma_start3A_103 = arith.constant 0 : i32
      %dma_start3A_104 = arith.constant 0 : i32
      %dma_start3A_105 = tpu.memref_slice %arg3[%run_scoped3A_18, %dma_start3A_103, %dma_start3A_104] : memref<2x2500x128xi32, #tpu.memory_space<hbm>> -> memref<1x2500x128xi32, #tpu.memory_space<hbm>>
      %dma_start3A_106 = tpu.memref_squeeze %dma_start3A_105 : memref<1x2500x128xi32, #tpu.memory_space<hbm>> -> memref<2500x128xi32, #tpu.memory_space<hbm>>
      %dma_start3A_107 = arith.constant 0 : i32
      %dma_start3A_108 = tpu.memref_slice %dma_start3A_106[%min3A_17, %dma_start3A_107] : memref<2500x128xi32, #tpu.memory_space<hbm>> -> memref<157x128xi32, #tpu.memory_space<hbm>>
      tpu.enqueue_dma source(%dma_start3A_108 : memref<157x128xi32, #tpu.memory_space<hbm>>) target(%arg7 : memref<157x128xi32, #tpu.memory_space<vmem>>) target_semaphore(%run_scoped3A_96 : memref<!tpu.dma_semaphore, #tpu.memory_space<semaphore_mem>>)
      %dma_wait3A = arith.constant 0 : i32
      %dma_wait3A_109 = arith.constant 0 : i32
      %dma_wait3A_110 = tpu.memref_slice %arg3[%run_scoped3A_18, %dma_wait3A, %dma_wait3A_109] : memref<2x2500x128xi32, #tpu.memory_space<hbm>> -> memref<1x2500x128xi32, #tpu.memory_space<hbm>>
      %dma_wait3A_111 = tpu.memref_squeeze %dma_wait3A_110 : memref<1x2500x128xi32, #tpu.memory_space<hbm>> -> memref<2500x128xi32, #tpu.memory_space<hbm>>
      %dma_wait3A_112 = arith.constant 0 : i32
      %dma_wait3A_113 = tpu.memref_slice %dma_wait3A_111[%min3A_17, %dma_wait3A_112] : memref<2500x128xi32, #tpu.memory_space<hbm>> -> memref<157x128xi32, #tpu.memory_space<hbm>>
      %dma_wait3A_114 = arith.constant 0 : i32
      %dma_wait3A_115 = arith.constant 0 : i32
      %dma_wait3A_116 = tpu.memref_slice %arg3[%run_scoped3A_18, %dma_wait3A_114, %dma_wait3A_115] : memref<2x2500x128xi32, #tpu.memory_space<hbm>> -> memref<1x2500x128xi32, #tpu.memory_space<hbm>>
      %dma_wait3A_117 = tpu.memref_squeeze %dma_wait3A_116 : memref<1x2500x128xi32, #tpu.memory_space<hbm>> -> memref<2500x128xi32, #tpu.memory_space<hbm>>
      %dma_wait3A_118 = arith.constant 0 : i32
      %dma_wait3A_119 = tpu.memref_slice %dma_wait3A_117[%min3A_17, %dma_wait3A_118] : memref<2500x128xi32, #tpu.memory_space<hbm>> -> memref<157x128xi32, #tpu.memory_space<hbm>>
      tpu.wait_dma2 semaphore(%run_scoped3A_96 : memref<!tpu.dma_semaphore, #tpu.memory_space<semaphore_mem>>) src(%dma_wait3A_119 : memref<157x128xi32, #tpu.memory_space<hbm>>) dst(%arg7 : memref<157x128xi32, #tpu.memory_space<vmem>>)
      tpu.yield
    }) : () -> ()
    %mul3A_19 = arith.constant 640 : i32
    %mul3A_20 = arith.muli %arg1, %mul3A_19 : i32
    %mul3A_21 = arith.constant 640 : i32
    %mul3A_22 = arith.muli %arg1, %mul3A_21 : i32
    "tpu.region"() ({
      %run_scoped3A_96 = tpu.sem_alloc : memref<!tpu.dma_semaphore, #tpu.memory_space<semaphore_mem>>
      %dma_start3A_97 = arith.constant 0 : i32
      %dma_start3A_98 = tpu.memref_slice %arg16[%mul3A_22, %dma_start3A_97] : memref<10240x24xf32, #tpu.memory_space<vmem_shared>> -> memref<640x24xf32, #tpu.memory_space<vmem_shared>>
      %dma_start3A_99 = arith.constant 0 : i32
      %dma_start3A_100 = tpu.memref_slice %arg4[%mul3A_20, %dma_start3A_99] : memref<10240x24xf32, #tpu.memory_space<hbm>> -> memref<640x24xf32, #tpu.memory_space<hbm>>
      tpu.enqueue_dma source(%dma_start3A_100 : memref<640x24xf32, #tpu.memory_space<hbm>>) target(%dma_start3A_98 : memref<640x24xf32, #tpu.memory_space<vmem_shared>>) target_semaphore(%run_scoped3A_96 : memref<!tpu.dma_semaphore, #tpu.memory_space<semaphore_mem>>)
      %dma_wait3A = arith.constant 0 : i32
      %dma_wait3A_101 = tpu.memref_slice %arg16[%mul3A_22, %dma_wait3A] : memref<10240x24xf32, #tpu.memory_space<vmem_shared>> -> memref<640x24xf32, #tpu.memory_space<vmem_shared>>
      %dma_wait3A_102 = arith.constant 0 : i32
      %dma_wait3A_103 = tpu.memref_slice %arg4[%mul3A_20, %dma_wait3A_102] : memref<10240x24xf32, #tpu.memory_space<hbm>> -> memref<640x24xf32, #tpu.memory_space<hbm>>
      tpu.wait_dma2 semaphore(%run_scoped3A_96 : memref<!tpu.dma_semaphore, #tpu.memory_space<semaphore_mem>>) src(%dma_wait3A_103 : memref<640x24xf32, #tpu.memory_space<hbm>>) dst(%dma_wait3A_101 : memref<640x24xf32, #tpu.memory_space<vmem_shared>>)
      tpu.yield
    }) : () -> ()
    %barrier3A = arith.constant 0 : index
    tpu.barrier barrier_id(%barrier3A)
    %add3A_23 = arith.constant 0 : i32
    %add3A_24 = arith.addi %sub3A, %add3A_23 : i32
    %dma_start3A = arith.constant 0 : i32
    %dma_start3A_25 = tpu.memref_slice %arg6[%add3A_24, %dma_start3A] : memref<157x128xi32, #tpu.memory_space<vmem>> -> memref<1x128xi32, #tpu.memory_space<vmem>>
    %dma_start3A_26 = tpu.memref_squeeze %dma_start3A_25 : memref<1x128xi32, #tpu.memory_space<vmem>> -> memref<128xi32, #tpu.memory_space<vmem>>
    %dma_start3A_27 = arith.constant 0 : i32
    %dma_start3A_28 = arith.constant 0 : i32
    %dma_start3A_29 = tpu.memref_slice %arg2[%dma_start3A_27, %dma_start3A_28] : memref<10000x24xf32, #tpu.memory_space<hbm>> -> memref<10000x24xf32, #tpu.memory_space<hbm>>
    tpu.enqueue_indirect_dma source(%dma_start3A_29 : memref<10000x24xf32, #tpu.memory_space<hbm>>) target(%arg8 : memref<128x24xf32, #tpu.memory_space<vmem>>) offsets(%dma_start3A_26 : memref<128xi32, #tpu.memory_space<vmem>>) semaphore(%arg17 : memref<!tpu.dma_semaphore, #tpu.memory_space<semaphore_mem>>)
    %add3A_30 = arith.constant 1 : i32
    %add3A_31 = arith.addi %sub3A, %add3A_30 : i32
    %dma_start3A_32 = arith.constant 0 : i32
    %dma_start3A_33 = tpu.memref_slice %arg6[%add3A_31, %dma_start3A_32] : memref<157x128xi32, #tpu.memory_space<vmem>> -> memref<1x128xi32, #tpu.memory_space<vmem>>
    %dma_start3A_34 = tpu.memref_squeeze %dma_start3A_33 : memref<1x128xi32, #tpu.memory_space<vmem>> -> memref<128xi32, #tpu.memory_space<vmem>>
    %dma_start3A_35 = arith.constant 0 : i32
    %dma_start3A_36 = arith.constant 0 : i32
    %dma_start3A_37 = tpu.memref_slice %arg2[%dma_start3A_35, %dma_start3A_36] : memref<10000x24xf32, #tpu.memory_space<hbm>> -> memref<10000x24xf32, #tpu.memory_space<hbm>>
    tpu.enqueue_indirect_dma source(%dma_start3A_37 : memref<10000x24xf32, #tpu.memory_space<hbm>>) target(%arg9 : memref<128x24xf32, #tpu.memory_space<vmem>>) offsets(%dma_start3A_34 : memref<128xi32, #tpu.memory_space<vmem>>) semaphore(%arg18 : memref<!tpu.dma_semaphore, #tpu.memory_space<semaphore_mem>>)
    %add3A_38 = arith.constant 2 : i32
    %add3A_39 = arith.addi %sub3A, %add3A_38 : i32
    %dma_start3A_40 = arith.constant 0 : i32
    %dma_start3A_41 = tpu.memref_slice %arg6[%add3A_39, %dma_start3A_40] : memref<157x128xi32, #tpu.memory_space<vmem>> -> memref<1x128xi32, #tpu.memory_space<vmem>>
    %dma_start3A_42 = tpu.memref_squeeze %dma_start3A_41 : memref<1x128xi32, #tpu.memory_space<vmem>> -> memref<128xi32, #tpu.memory_space<vmem>>
    %dma_start3A_43 = arith.constant 0 : i32
    %dma_start3A_44 = arith.constant 0 : i32
    %dma_start3A_45 = tpu.memref_slice %arg2[%dma_start3A_43, %dma_start3A_44] : memref<10000x24xf32, #tpu.memory_space<hbm>> -> memref<10000x24xf32, #tpu.memory_space<hbm>>
    tpu.enqueue_indirect_dma source(%dma_start3A_45 : memref<10000x24xf32, #tpu.memory_space<hbm>>) target(%arg10 : memref<128x24xf32, #tpu.memory_space<vmem>>) offsets(%dma_start3A_42 : memref<128xi32, #tpu.memory_space<vmem>>) semaphore(%arg19 : memref<!tpu.dma_semaphore, #tpu.memory_space<semaphore_mem>>)
    %add3A_46 = arith.constant 3 : i32
    %add3A_47 = arith.addi %sub3A, %add3A_46 : i32
    %dma_start3A_48 = arith.constant 0 : i32
    %dma_start3A_49 = tpu.memref_slice %arg6[%add3A_47, %dma_start3A_48] : memref<157x128xi32, #tpu.memory_space<vmem>> -> memref<1x128xi32, #tpu.memory_space<vmem>>
    %dma_start3A_50 = tpu.memref_squeeze %dma_start3A_49 : memref<1x128xi32, #tpu.memory_space<vmem>> -> memref<128xi32, #tpu.memory_space<vmem>>
    %dma_start3A_51 = arith.constant 0 : i32
    %dma_start3A_52 = arith.constant 0 : i32
    %dma_start3A_53 = tpu.memref_slice %arg2[%dma_start3A_51, %dma_start3A_52] : memref<10000x24xf32, #tpu.memory_space<hbm>> -> memref<10000x24xf32, #tpu.memory_space<hbm>>
    tpu.enqueue_indirect_dma source(%dma_start3A_53 : memref<10000x24xf32, #tpu.memory_space<hbm>>) target(%arg11 : memref<128x24xf32, #tpu.memory_space<vmem>>) offsets(%dma_start3A_50 : memref<128xi32, #tpu.memory_space<vmem>>) semaphore(%arg20 : memref<!tpu.dma_semaphore, #tpu.memory_space<semaphore_mem>>)
    %add3A_54 = arith.constant 4 : i32
    %add3A_55 = arith.addi %sub3A, %add3A_54 : i32
    %dma_start3A_56 = arith.constant 0 : i32
    %dma_start3A_57 = tpu.memref_slice %arg6[%add3A_55, %dma_start3A_56] : memref<157x128xi32, #tpu.memory_space<vmem>> -> memref<1x128xi32, #tpu.memory_space<vmem>>
    %dma_start3A_58 = tpu.memref_squeeze %dma_start3A_57 : memref<1x128xi32, #tpu.memory_space<vmem>> -> memref<128xi32, #tpu.memory_space<vmem>>
    %dma_start3A_59 = arith.constant 0 : i32
    %dma_start3A_60 = arith.constant 0 : i32
    %dma_start3A_61 = tpu.memref_slice %arg2[%dma_start3A_59, %dma_start3A_60] : memref<10000x24xf32, #tpu.memory_space<hbm>> -> memref<10000x24xf32, #tpu.memory_space<hbm>>
    tpu.enqueue_indirect_dma source(%dma_start3A_61 : memref<10000x24xf32, #tpu.memory_space<hbm>>) target(%arg12 : memref<128x24xf32, #tpu.memory_space<vmem>>) offsets(%dma_start3A_58 : memref<128xi32, #tpu.memory_space<vmem>>) semaphore(%arg21 : memref<!tpu.dma_semaphore, #tpu.memory_space<semaphore_mem>>)
    %add3A_62 = arith.constant 5 : i32
    %add3A_63 = arith.addi %sub3A, %add3A_62 : i32
    %dma_start3A_64 = arith.constant 0 : i32
    %dma_start3A_65 = tpu.memref_slice %arg6[%add3A_63, %dma_start3A_64] : memref<157x128xi32, #tpu.memory_space<vmem>> -> memref<1x128xi32, #tpu.memory_space<vmem>>
    %dma_start3A_66 = tpu.memref_squeeze %dma_start3A_65 : memref<1x128xi32, #tpu.memory_space<vmem>> -> memref<128xi32, #tpu.memory_space<vmem>>
    %dma_start3A_67 = arith.constant 0 : i32
    %dma_start3A_68 = arith.constant 0 : i32
    %dma_start3A_69 = tpu.memref_slice %arg2[%dma_start3A_67, %dma_start3A_68] : memref<10000x24xf32, #tpu.memory_space<hbm>> -> memref<10000x24xf32, #tpu.memory_space<hbm>>
    tpu.enqueue_indirect_dma source(%dma_start3A_69 : memref<10000x24xf32, #tpu.memory_space<hbm>>) target(%arg13 : memref<128x24xf32, #tpu.memory_space<vmem>>) offsets(%dma_start3A_66 : memref<128xi32, #tpu.memory_space<vmem>>) semaphore(%arg22 : memref<!tpu.dma_semaphore, #tpu.memory_space<semaphore_mem>>)
    %add3A_70 = arith.constant 6 : i32
    %add3A_71 = arith.addi %sub3A, %add3A_70 : i32
    %dma_start3A_72 = arith.constant 0 : i32
    %dma_start3A_73 = tpu.memref_slice %arg6[%add3A_71, %dma_start3A_72] : memref<157x128xi32, #tpu.memory_space<vmem>> -> memref<1x128xi32, #tpu.memory_space<vmem>>
    %dma_start3A_74 = tpu.memref_squeeze %dma_start3A_73 : memref<1x128xi32, #tpu.memory_space<vmem>> -> memref<128xi32, #tpu.memory_space<vmem>>
    %dma_start3A_75 = arith.constant 0 : i32
    %dma_start3A_76 = arith.constant 0 : i32
    %dma_start3A_77 = tpu.memref_slice %arg2[%dma_start3A_75, %dma_start3A_76] : memref<10000x24xf32, #tpu.memory_space<hbm>> -> memref<10000x24xf32, #tpu.memory_space<hbm>>
    tpu.enqueue_indirect_dma source(%dma_start3A_77 : memref<10000x24xf32, #tpu.memory_space<hbm>>) target(%arg14 : memref<128x24xf32, #tpu.memory_space<vmem>>) offsets(%dma_start3A_74 : memref<128xi32, #tpu.memory_space<vmem>>) semaphore(%arg23 : memref<!tpu.dma_semaphore, #tpu.memory_space<semaphore_mem>>)
    %add3A_78 = arith.constant 7 : i32
    %add3A_79 = arith.addi %sub3A, %add3A_78 : i32
    %dma_start3A_80 = arith.constant 0 : i32
    %dma_start3A_81 = tpu.memref_slice %arg6[%add3A_79, %dma_start3A_80] : memref<157x128xi32, #tpu.memory_space<vmem>> -> memref<1x128xi32, #tpu.memory_space<vmem>>
    %dma_start3A_82 = tpu.memref_squeeze %dma_start3A_81 : memref<1x128xi32, #tpu.memory_space<vmem>> -> memref<128xi32, #tpu.memory_space<vmem>>
    %dma_start3A_83 = arith.constant 0 : i32
    %dma_start3A_84 = arith.constant 0 : i32
    %dma_start3A_85 = tpu.memref_slice %arg2[%dma_start3A_83, %dma_start3A_84] : memref<10000x24xf32, #tpu.memory_space<hbm>> -> memref<10000x24xf32, #tpu.memory_space<hbm>>
    tpu.enqueue_indirect_dma source(%dma_start3A_85 : memref<10000x24xf32, #tpu.memory_space<hbm>>) target(%arg15 : memref<128x24xf32, #tpu.memory_space<vmem>>) offsets(%dma_start3A_82 : memref<128xi32, #tpu.memory_space<vmem>>) semaphore(%arg24 : memref<!tpu.dma_semaphore, #tpu.memory_space<semaphore_mem>>)
    %scan3A = arith.constant 0 : i32
    %scan3A_86 = arith.constant 0 : i32
    %scan3A_87 = arith.constant 20 : i32
    %scan3A_88 = arith.addi %scan3A_86, %scan3A_87 : i32
    %scan3A_89 = arith.constant 1 : i32
    scf.for %scan3A_96 = %scan3A_86 to %scan3A_88 step %scan3A_89  : i32 {
      %mul3A_97 = arith.constant 8 : i32
      %mul3A_98 = arith.muli %scan3A_96, %mul3A_97 : i32
      %add3A_99 = arith.constant 0 : i32
      %add3A_100 = arith.addi %mul3A_98, %add3A_99 : i32
      %add3A_101 = arith.constant 0 : i32
      %add3A_102 = arith.addi %add3A_100, %add3A_101 : i32
      %lt3A_103 = arith.cmpi slt, %add3A_102, %select_n3A_15 : i32
      %convert_element_type3A = arith.extui %lt3A_103 : i1 to i32
      %cond3A = arith.constant 0 : i32
      %cond3A_104 = arith.cmpi ne, %convert_element_type3A, %cond3A : i32
      scf.if %cond3A_104 {
        %dma_wait3A = arith.constant 0 : i32
        %dma_wait3A_247 = arith.constant 0 : i32
        %dma_wait3A_248 = tpu.memref_slice %arg6[%dma_wait3A, %dma_wait3A_247] : memref<157x128xi32, #tpu.memory_space<vmem>> -> memref<1x128xi32, #tpu.memory_space<vmem>>
        %dma_wait3A_249 = tpu.memref_squeeze %dma_wait3A_248 : memref<1x128xi32, #tpu.memory_space<vmem>> -> memref<128xi32, #tpu.memory_space<vmem>>
        %dma_wait3A_250 = arith.constant 0 : i32
        %dma_wait3A_251 = arith.constant 0 : i32
        %dma_wait3A_252 = tpu.memref_slice %arg2[%dma_wait3A_250, %dma_wait3A_251] : memref<10000x24xf32, #tpu.memory_space<hbm>> -> memref<10000x24xf32, #tpu.memory_space<hbm>>
        tpu.wait_indirect_dma semaphore(%arg17 : memref<!tpu.dma_semaphore, #tpu.memory_space<semaphore_mem>>) src(%dma_wait3A_252 : memref<10000x24xf32, #tpu.memory_space<hbm>>) dst(%arg8 : memref<128x24xf32, #tpu.memory_space<vmem>>)
        %add3A_253 = arith.addi %sub3A, %add3A_102 : i32
        %dma_start3A_254 = arith.constant 0 : i32
        %dma_start3A_255 = tpu.memref_slice %arg7[%add3A_253, %dma_start3A_254] : memref<157x128xi32, #tpu.memory_space<vmem>> -> memref<1x128xi32, #tpu.memory_space<vmem>>
        %dma_start3A_256 = tpu.memref_squeeze %dma_start3A_255 : memref<1x128xi32, #tpu.memory_space<vmem>> -> memref<128xi32, #tpu.memory_space<vmem>>
        %dma_start3A_257 = arith.constant 0 : i32
        %dma_start3A_258 = arith.constant 0 : i32
        %dma_start3A_259 = tpu.memref_slice %arg16[%dma_start3A_257, %dma_start3A_258] : memref<10240x24xf32, #tpu.memory_space<vmem_shared>> -> memref<10240x24xf32, #tpu.memory_space<vmem_shared>>
        tpu.enqueue_indirect_dma source(%arg8 : memref<128x24xf32, #tpu.memory_space<vmem>>) target(%dma_start3A_259 : memref<10240x24xf32, #tpu.memory_space<vmem_shared>>) offsets(%dma_start3A_256 : memref<128xi32, #tpu.memory_space<vmem>>) semaphore(%arg25 : memref<!tpu.dma_semaphore, #tpu.memory_space<semaphore_mem>>) {add = true}
      } else {
      }
      %add3A_105 = arith.constant 1 : i32
      %add3A_106 = arith.addi %add3A_100, %add3A_105 : i32
      %lt3A_107 = arith.cmpi slt, %add3A_106, %select_n3A_15 : i32
      %convert_element_type3A_108 = arith.extui %lt3A_107 : i1 to i32
      %cond3A_109 = arith.constant 0 : i32
      %cond3A_110 = arith.cmpi ne, %convert_element_type3A_108, %cond3A_109 : i32
      scf.if %cond3A_110 {
        %dma_wait3A = arith.constant 0 : i32
        %dma_wait3A_247 = arith.constant 0 : i32
        %dma_wait3A_248 = tpu.memref_slice %arg6[%dma_wait3A, %dma_wait3A_247] : memref<157x128xi32, #tpu.memory_space<vmem>> -> memref<1x128xi32, #tpu.memory_space<vmem>>
        %dma_wait3A_249 = tpu.memref_squeeze %dma_wait3A_248 : memref<1x128xi32, #tpu.memory_space<vmem>> -> memref<128xi32, #tpu.memory_space<vmem>>
        %dma_wait3A_250 = arith.constant 0 : i32
        %dma_wait3A_251 = arith.constant 0 : i32
        %dma_wait3A_252 = tpu.memref_slice %arg2[%dma_wait3A_250, %dma_wait3A_251] : memref<10000x24xf32, #tpu.memory_space<hbm>> -> memref<10000x24xf32, #tpu.memory_space<hbm>>
        tpu.wait_indirect_dma semaphore(%arg18 : memref<!tpu.dma_semaphore, #tpu.memory_space<semaphore_mem>>) src(%dma_wait3A_252 : memref<10000x24xf32, #tpu.memory_space<hbm>>) dst(%arg9 : memref<128x24xf32, #tpu.memory_space<vmem>>)
        %add3A_253 = arith.addi %sub3A, %add3A_106 : i32
        %dma_start3A_254 = arith.constant 0 : i32
        %dma_start3A_255 = tpu.memref_slice %arg7[%add3A_253, %dma_start3A_254] : memref<157x128xi32, #tpu.memory_space<vmem>> -> memref<1x128xi32, #tpu.memory_space<vmem>>
        %dma_start3A_256 = tpu.memref_squeeze %dma_start3A_255 : memref<1x128xi32, #tpu.memory_space<vmem>> -> memref<128xi32, #tpu.memory_space<vmem>>
        %dma_start3A_257 = arith.constant 0 : i32
        %dma_start3A_258 = arith.constant 0 : i32
        %dma_start3A_259 = tpu.memref_slice %arg16[%dma_start3A_257, %dma_start3A_258] : memref<10240x24xf32, #tpu.memory_space<vmem_shared>> -> memref<10240x24xf32, #tpu.memory_space<vmem_shared>>
        tpu.enqueue_indirect_dma source(%arg9 : memref<128x24xf32, #tpu.memory_space<vmem>>) target(%dma_start3A_259 : memref<10240x24xf32, #tpu.memory_space<vmem_shared>>) offsets(%dma_start3A_256 : memref<128xi32, #tpu.memory_space<vmem>>) semaphore(%arg26 : memref<!tpu.dma_semaphore, #tpu.memory_space<semaphore_mem>>) {add = true}
      } else {
      }
      %add3A_111 = arith.constant 2 : i32
      %add3A_112 = arith.addi %add3A_100, %add3A_111 : i32
      %lt3A_113 = arith.cmpi slt, %add3A_112, %select_n3A_15 : i32
      %convert_element_type3A_114 = arith.extui %lt3A_113 : i1 to i32
      %cond3A_115 = arith.constant 0 : i32
      %cond3A_116 = arith.cmpi ne, %convert_element_type3A_114, %cond3A_115 : i32
      scf.if %cond3A_116 {
        %dma_wait3A = arith.constant 0 : i32
        %dma_wait3A_247 = arith.constant 0 : i32
        %dma_wait3A_248 = tpu.memref_slice %arg6[%dma_wait3A, %dma_wait3A_247] : memref<157x128xi32, #tpu.memory_space<vmem>> -> memref<1x128xi32, #tpu.memory_space<vmem>>
        %dma_wait3A_249 = tpu.memref_squeeze %dma_wait3A_248 : memref<1x128xi32, #tpu.memory_space<vmem>> -> memref<128xi32, #tpu.memory_space<vmem>>
        %dma_wait3A_250 = arith.constant 0 : i32
        %dma_wait3A_251 = arith.constant 0 : i32
        %dma_wait3A_252 = tpu.memref_slice %arg2[%dma_wait3A_250, %dma_wait3A_251] : memref<10000x24xf32, #tpu.memory_space<hbm>> -> memref<10000x24xf32, #tpu.memory_space<hbm>>
        tpu.wait_indirect_dma semaphore(%arg19 : memref<!tpu.dma_semaphore, #tpu.memory_space<semaphore_mem>>) src(%dma_wait3A_252 : memref<10000x24xf32, #tpu.memory_space<hbm>>) dst(%arg10 : memref<128x24xf32, #tpu.memory_space<vmem>>)
        %add3A_253 = arith.addi %sub3A, %add3A_112 : i32
        %dma_start3A_254 = arith.constant 0 : i32
        %dma_start3A_255 = tpu.memref_slice %arg7[%add3A_253, %dma_start3A_254] : memref<157x128xi32, #tpu.memory_space<vmem>> -> memref<1x128xi32, #tpu.memory_space<vmem>>
        %dma_start3A_256 = tpu.memref_squeeze %dma_start3A_255 : memref<1x128xi32, #tpu.memory_space<vmem>> -> memref<128xi32, #tpu.memory_space<vmem>>
        %dma_start3A_257 = arith.constant 0 : i32
        %dma_start3A_258 = arith.constant 0 : i32
        %dma_start3A_259 = tpu.memref_slice %arg16[%dma_start3A_257, %dma_start3A_258] : memref<10240x24xf32, #tpu.memory_space<vmem_shared>> -> memref<10240x24xf32, #tpu.memory_space<vmem_shared>>
        tpu.enqueue_indirect_dma source(%arg10 : memref<128x24xf32, #tpu.memory_space<vmem>>) target(%dma_start3A_259 : memref<10240x24xf32, #tpu.memory_space<vmem_shared>>) offsets(%dma_start3A_256 : memref<128xi32, #tpu.memory_space<vmem>>) semaphore(%arg27 : memref<!tpu.dma_semaphore, #tpu.memory_space<semaphore_mem>>) {add = true}
      } else {
      }
      %add3A_117 = arith.constant 3 : i32
      %add3A_118 = arith.addi %add3A_100, %add3A_117 : i32
      %lt3A_119 = arith.cmpi slt, %add3A_118, %select_n3A_15 : i32
      %convert_element_type3A_120 = arith.extui %lt3A_119 : i1 to i32
      %cond3A_121 = arith.constant 0 : i32
      %cond3A_122 = arith.cmpi ne, %convert_element_type3A_120, %cond3A_121 : i32
      scf.if %cond3A_122 {
        %dma_wait3A = arith.constant 0 : i32
        %dma_wait3A_247 = arith.constant 0 : i32
        %dma_wait3A_248 = tpu.memref_slice %arg6[%dma_wait3A, %dma_wait3A_247] : memref<157x128xi32, #tpu.memory_space<vmem>> -> memref<1x128xi32, #tpu.memory_space<vmem>>
        %dma_wait3A_249 = tpu.memref_squeeze %dma_wait3A_248 : memref<1x128xi32, #tpu.memory_space<vmem>> -> memref<128xi32, #tpu.memory_space<vmem>>
        %dma_wait3A_250 = arith.constant 0 : i32
        %dma_wait3A_251 = arith.constant 0 : i32
        %dma_wait3A_252 = tpu.memref_slice %arg2[%dma_wait3A_250, %dma_wait3A_251] : memref<10000x24xf32, #tpu.memory_space<hbm>> -> memref<10000x24xf32, #tpu.memory_space<hbm>>
        tpu.wait_indirect_dma semaphore(%arg20 : memref<!tpu.dma_semaphore, #tpu.memory_space<semaphore_mem>>) src(%dma_wait3A_252 : memref<10000x24xf32, #tpu.memory_space<hbm>>) dst(%arg11 : memref<128x24xf32, #tpu.memory_space<vmem>>)
        %add3A_253 = arith.addi %sub3A, %add3A_118 : i32
        %dma_start3A_254 = arith.constant 0 : i32
        %dma_start3A_255 = tpu.memref_slice %arg7[%add3A_253, %dma_start3A_254] : memref<157x128xi32, #tpu.memory_space<vmem>> -> memref<1x128xi32, #tpu.memory_space<vmem>>
        %dma_start3A_256 = tpu.memref_squeeze %dma_start3A_255 : memref<1x128xi32, #tpu.memory_space<vmem>> -> memref<128xi32, #tpu.memory_space<vmem>>
        %dma_start3A_257 = arith.constant 0 : i32
        %dma_start3A_258 = arith.constant 0 : i32
        %dma_start3A_259 = tpu.memref_slice %arg16[%dma_start3A_257, %dma_start3A_258] : memref<10240x24xf32, #tpu.memory_space<vmem_shared>> -> memref<10240x24xf32, #tpu.memory_space<vmem_shared>>
        tpu.enqueue_indirect_dma source(%arg11 : memref<128x24xf32, #tpu.memory_space<vmem>>) target(%dma_start3A_259 : memref<10240x24xf32, #tpu.memory_space<vmem_shared>>) offsets(%dma_start3A_256 : memref<128xi32, #tpu.memory_space<vmem>>) semaphore(%arg28 : memref<!tpu.dma_semaphore, #tpu.memory_space<semaphore_mem>>) {add = true}
      } else {
      }
      %add3A_123 = arith.constant 0 : i32
      %add3A_124 = arith.addi %add3A_100, %add3A_123 : i32
      %lt3A_125 = arith.cmpi slt, %add3A_124, %select_n3A_15 : i32
      %convert_element_type3A_126 = arith.extui %lt3A_125 : i1 to i32
      %cond3A_127 = arith.constant 0 : i32
      %cond3A_128 = arith.cmpi ne, %convert_element_type3A_126, %cond3A_127 : i32
      scf.if %cond3A_128 {
        %dma_wait3A = arith.constant 0 : i32
        %dma_wait3A_247 = arith.constant 0 : i32
        %dma_wait3A_248 = tpu.memref_slice %arg7[%dma_wait3A, %dma_wait3A_247] : memref<157x128xi32, #tpu.memory_space<vmem>> -> memref<1x128xi32, #tpu.memory_space<vmem>>
        %dma_wait3A_249 = tpu.memref_squeeze %dma_wait3A_248 : memref<1x128xi32, #tpu.memory_space<vmem>> -> memref<128xi32, #tpu.memory_space<vmem>>
        %dma_wait3A_250 = arith.constant 0 : i32
        %dma_wait3A_251 = arith.constant 0 : i32
        %dma_wait3A_252 = tpu.memref_slice %arg16[%dma_wait3A_250, %dma_wait3A_251] : memref<10240x24xf32, #tpu.memory_space<vmem_shared>> -> memref<10240x24xf32, #tpu.memory_space<vmem_shared>>
        tpu.wait_indirect_dma semaphore(%arg25 : memref<!tpu.dma_semaphore, #tpu.memory_space<semaphore_mem>>) src(%arg8 : memref<128x24xf32, #tpu.memory_space<vmem>>) dst(%dma_wait3A_252 : memref<10240x24xf32, #tpu.memory_space<vmem_shared>>)
      } else {
      }
      %add3A_129 = arith.constant 8 : i32
      %add3A_130 = arith.addi %add3A_124, %add3A_129 : i32
      %lt3A_131 = arith.cmpi slt, %add3A_130, %select_n3A_15 : i32
      %convert_element_type3A_132 = arith.extui %lt3A_131 : i1 to i32
      %cond3A_133 = arith.constant 0 : i32
      %cond3A_134 = arith.cmpi ne, %convert_element_type3A_132, %cond3A_133 : i32
      scf.if %cond3A_134 {
        %add3A_247 = arith.addi %sub3A, %add3A_130 : i32
        %dma_start3A_248 = arith.constant 0 : i32
        %dma_start3A_249 = tpu.memref_slice %arg6[%add3A_247, %dma_start3A_248] : memref<157x128xi32, #tpu.memory_space<vmem>> -> memref<1x128xi32, #tpu.memory_space<vmem>>
        %dma_start3A_250 = tpu.memref_squeeze %dma_start3A_249 : memref<1x128xi32, #tpu.memory_space<vmem>> -> memref<128xi32, #tpu.memory_space<vmem>>
        %dma_start3A_251 = arith.constant 0 : i32
        %dma_start3A_252 = arith.constant 0 : i32
        %dma_start3A_253 = tpu.memref_slice %arg2[%dma_start3A_251, %dma_start3A_252] : memref<10000x24xf32, #tpu.memory_space<hbm>> -> memref<10000x24xf32, #tpu.memory_space<hbm>>
        tpu.enqueue_indirect_dma source(%dma_start3A_253 : memref<10000x24xf32, #tpu.memory_space<hbm>>) target(%arg8 : memref<128x24xf32, #tpu.memory_space<vmem>>) offsets(%dma_start3A_250 : memref<128xi32, #tpu.memory_space<vmem>>) semaphore(%arg17 : memref<!tpu.dma_semaphore, #tpu.memory_space<semaphore_mem>>)
      } else {
      }
      %add3A_135 = arith.constant 1 : i32
      %add3A_136 = arith.addi %add3A_100, %add3A_135 : i32
      %lt3A_137 = arith.cmpi slt, %add3A_136, %select_n3A_15 : i32
      %convert_element_type3A_138 = arith.extui %lt3A_137 : i1 to i32
      %cond3A_139 = arith.constant 0 : i32
      %cond3A_140 = arith.cmpi ne, %convert_element_type3A_138, %cond3A_139 : i32
      scf.if %cond3A_140 {
        %dma_wait3A = arith.constant 0 : i32
        %dma_wait3A_247 = arith.constant 0 : i32
        %dma_wait3A_248 = tpu.memref_slice %arg7[%dma_wait3A, %dma_wait3A_247] : memref<157x128xi32, #tpu.memory_space<vmem>> -> memref<1x128xi32, #tpu.memory_space<vmem>>
        %dma_wait3A_249 = tpu.memref_squeeze %dma_wait3A_248 : memref<1x128xi32, #tpu.memory_space<vmem>> -> memref<128xi32, #tpu.memory_space<vmem>>
        %dma_wait3A_250 = arith.constant 0 : i32
        %dma_wait3A_251 = arith.constant 0 : i32
        %dma_wait3A_252 = tpu.memref_slice %arg16[%dma_wait3A_250, %dma_wait3A_251] : memref<10240x24xf32, #tpu.memory_space<vmem_shared>> -> memref<10240x24xf32, #tpu.memory_space<vmem_shared>>
        tpu.wait_indirect_dma semaphore(%arg26 : memref<!tpu.dma_semaphore, #tpu.memory_space<semaphore_mem>>) src(%arg9 : memref<128x24xf32, #tpu.memory_space<vmem>>) dst(%dma_wait3A_252 : memref<10240x24xf32, #tpu.memory_space<vmem_shared>>)
      } else {
      }
      %add3A_141 = arith.constant 8 : i32
      %add3A_142 = arith.addi %add3A_136, %add3A_141 : i32
      %lt3A_143 = arith.cmpi slt, %add3A_142, %select_n3A_15 : i32
      %convert_element_type3A_144 = arith.extui %lt3A_143 : i1 to i32
      %cond3A_145 = arith.constant 0 : i32
      %cond3A_146 = arith.cmpi ne, %convert_element_type3A_144, %cond3A_145 : i32
      scf.if %cond3A_146 {
        %add3A_247 = arith.addi %sub3A, %add3A_142 : i32
        %dma_start3A_248 = arith.constant 0 : i32
        %dma_start3A_249 = tpu.memref_slice %arg6[%add3A_247, %dma_start3A_248] : memref<157x128xi32, #tpu.memory_space<vmem>> -> memref<1x128xi32, #tpu.memory_space<vmem>>
        %dma_start3A_250 = tpu.memref_squeeze %dma_start3A_249 : memref<1x128xi32, #tpu.memory_space<vmem>> -> memref<128xi32, #tpu.memory_space<vmem>>
        %dma_start3A_251 = arith.constant 0 : i32
        %dma_start3A_252 = arith.constant 0 : i32
        %dma_start3A_253 = tpu.memref_slice %arg2[%dma_start3A_251, %dma_start3A_252] : memref<10000x24xf32, #tpu.memory_space<hbm>> -> memref<10000x24xf32, #tpu.memory_space<hbm>>
        tpu.enqueue_indirect_dma source(%dma_start3A_253 : memref<10000x24xf32, #tpu.memory_space<hbm>>) target(%arg9 : memref<128x24xf32, #tpu.memory_space<vmem>>) offsets(%dma_start3A_250 : memref<128xi32, #tpu.memory_space<vmem>>) semaphore(%arg18 : memref<!tpu.dma_semaphore, #tpu.memory_space<semaphore_mem>>)
      } else {
      }
      %add3A_147 = arith.constant 2 : i32
      %add3A_148 = arith.addi %add3A_100, %add3A_147 : i32
      %lt3A_149 = arith.cmpi slt, %add3A_148, %select_n3A_15 : i32
      %convert_element_type3A_150 = arith.extui %lt3A_149 : i1 to i32
      %cond3A_151 = arith.constant 0 : i32
      %cond3A_152 = arith.cmpi ne, %convert_element_type3A_150, %cond3A_151 : i32
      scf.if %cond3A_152 {
        %dma_wait3A = arith.constant 0 : i32
        %dma_wait3A_247 = arith.constant 0 : i32
        %dma_wait3A_248 = tpu.memref_slice %arg7[%dma_wait3A, %dma_wait3A_247] : memref<157x128xi32, #tpu.memory_space<vmem>> -> memref<1x128xi32, #tpu.memory_space<vmem>>
        %dma_wait3A_249 = tpu.memref_squeeze %dma_wait3A_248 : memref<1x128xi32, #tpu.memory_space<vmem>> -> memref<128xi32, #tpu.memory_space<vmem>>
        %dma_wait3A_250 = arith.constant 0 : i32
        %dma_wait3A_251 = arith.constant 0 : i32
        %dma_wait3A_252 = tpu.memref_slice %arg16[%dma_wait3A_250, %dma_wait3A_251] : memref<10240x24xf32, #tpu.memory_space<vmem_shared>> -> memref<10240x24xf32, #tpu.memory_space<vmem_shared>>
        tpu.wait_indirect_dma semaphore(%arg27 : memref<!tpu.dma_semaphore, #tpu.memory_space<semaphore_mem>>) src(%arg10 : memref<128x24xf32, #tpu.memory_space<vmem>>) dst(%dma_wait3A_252 : memref<10240x24xf32, #tpu.memory_space<vmem_shared>>)
      } else {
      }
      %add3A_153 = arith.constant 8 : i32
      %add3A_154 = arith.addi %add3A_148, %add3A_153 : i32
      %lt3A_155 = arith.cmpi slt, %add3A_154, %select_n3A_15 : i32
      %convert_element_type3A_156 = arith.extui %lt3A_155 : i1 to i32
      %cond3A_157 = arith.constant 0 : i32
      %cond3A_158 = arith.cmpi ne, %convert_element_type3A_156, %cond3A_157 : i32
      scf.if %cond3A_158 {
        %add3A_247 = arith.addi %sub3A, %add3A_154 : i32
        %dma_start3A_248 = arith.constant 0 : i32
        %dma_start3A_249 = tpu.memref_slice %arg6[%add3A_247, %dma_start3A_248] : memref<157x128xi32, #tpu.memory_space<vmem>> -> memref<1x128xi32, #tpu.memory_space<vmem>>
        %dma_start3A_250 = tpu.memref_squeeze %dma_start3A_249 : memref<1x128xi32, #tpu.memory_space<vmem>> -> memref<128xi32, #tpu.memory_space<vmem>>
        %dma_start3A_251 = arith.constant 0 : i32
        %dma_start3A_252 = arith.constant 0 : i32
        %dma_start3A_253 = tpu.memref_slice %arg2[%dma_start3A_251, %dma_start3A_252] : memref<10000x24xf32, #tpu.memory_space<hbm>> -> memref<10000x24xf32, #tpu.memory_space<hbm>>
        tpu.enqueue_indirect_dma source(%dma_start3A_253 : memref<10000x24xf32, #tpu.memory_space<hbm>>) target(%arg10 : memref<128x24xf32, #tpu.memory_space<vmem>>) offsets(%dma_start3A_250 : memref<128xi32, #tpu.memory_space<vmem>>) semaphore(%arg19 : memref<!tpu.dma_semaphore, #tpu.memory_space<semaphore_mem>>)
      } else {
      }
      %add3A_159 = arith.constant 3 : i32
      %add3A_160 = arith.addi %add3A_100, %add3A_159 : i32
      %lt3A_161 = arith.cmpi slt, %add3A_160, %select_n3A_15 : i32
      %convert_element_type3A_162 = arith.extui %lt3A_161 : i1 to i32
      %cond3A_163 = arith.constant 0 : i32
      %cond3A_164 = arith.cmpi ne, %convert_element_type3A_162, %cond3A_163 : i32
      scf.if %cond3A_164 {
        %dma_wait3A = arith.constant 0 : i32
        %dma_wait3A_247 = arith.constant 0 : i32
        %dma_wait3A_248 = tpu.memref_slice %arg7[%dma_wait3A, %dma_wait3A_247] : memref<157x128xi32, #tpu.memory_space<vmem>> -> memref<1x128xi32, #tpu.memory_space<vmem>>
        %dma_wait3A_249 = tpu.memref_squeeze %dma_wait3A_248 : memref<1x128xi32, #tpu.memory_space<vmem>> -> memref<128xi32, #tpu.memory_space<vmem>>
        %dma_wait3A_250 = arith.constant 0 : i32
        %dma_wait3A_251 = arith.constant 0 : i32
        %dma_wait3A_252 = tpu.memref_slice %arg16[%dma_wait3A_250, %dma_wait3A_251] : memref<10240x24xf32, #tpu.memory_space<vmem_shared>> -> memref<10240x24xf32, #tpu.memory_space<vmem_shared>>
        tpu.wait_indirect_dma semaphore(%arg28 : memref<!tpu.dma_semaphore, #tpu.memory_space<semaphore_mem>>) src(%arg11 : memref<128x24xf32, #tpu.memory_space<vmem>>) dst(%dma_wait3A_252 : memref<10240x24xf32, #tpu.memory_space<vmem_shared>>)
      } else {
      }
      %add3A_165 = arith.constant 8 : i32
      %add3A_166 = arith.addi %add3A_160, %add3A_165 : i32
      %lt3A_167 = arith.cmpi slt, %add3A_166, %select_n3A_15 : i32
      %convert_element_type3A_168 = arith.extui %lt3A_167 : i1 to i32
      %cond3A_169 = arith.constant 0 : i32
      %cond3A_170 = arith.cmpi ne, %convert_element_type3A_168, %cond3A_169 : i32
      scf.if %cond3A_170 {
        %add3A_247 = arith.addi %sub3A, %add3A_166 : i32
        %dma_start3A_248 = arith.constant 0 : i32
        %dma_start3A_249 = tpu.memref_slice %arg6[%add3A_247, %dma_start3A_248] : memref<157x128xi32, #tpu.memory_space<vmem>> -> memref<1x128xi32, #tpu.memory_space<vmem>>
        %dma_start3A_250 = tpu.memref_squeeze %dma_start3A_249 : memref<1x128xi32, #tpu.memory_space<vmem>> -> memref<128xi32, #tpu.memory_space<vmem>>
        %dma_start3A_251 = arith.constant 0 : i32
        %dma_start3A_252 = arith.constant 0 : i32
        %dma_start3A_253 = tpu.memref_slice %arg2[%dma_start3A_251, %dma_start3A_252] : memref<10000x24xf32, #tpu.memory_space<hbm>> -> memref<10000x24xf32, #tpu.memory_space<hbm>>
        tpu.enqueue_indirect_dma source(%dma_start3A_253 : memref<10000x24xf32, #tpu.memory_space<hbm>>) target(%arg11 : memref<128x24xf32, #tpu.memory_space<vmem>>) offsets(%dma_start3A_250 : memref<128xi32, #tpu.memory_space<vmem>>) semaphore(%arg20 : memref<!tpu.dma_semaphore, #tpu.memory_space<semaphore_mem>>)
      } else {
      }
      %mul3A_171 = arith.constant 8 : i32
      %mul3A_172 = arith.muli %scan3A_96, %mul3A_171 : i32
      %add3A_173 = arith.constant 4 : i32
      %add3A_174 = arith.addi %mul3A_172, %add3A_173 : i32
      %add3A_175 = arith.constant 0 : i32
      %add3A_176 = arith.addi %add3A_174, %add3A_175 : i32
      %lt3A_177 = arith.cmpi slt, %add3A_176, %select_n3A_15 : i32
      %convert_element_type3A_178 = arith.extui %lt3A_177 : i1 to i32
      %cond3A_179 = arith.constant 0 : i32
      %cond3A_180 = arith.cmpi ne, %convert_element_type3A_178, %cond3A_179 : i32
      scf.if %cond3A_180 {
        %dma_wait3A = arith.constant 0 : i32
        %dma_wait3A_247 = arith.constant 0 : i32
        %dma_wait3A_248 = tpu.memref_slice %arg6[%dma_wait3A, %dma_wait3A_247] : memref<157x128xi32, #tpu.memory_space<vmem>> -> memref<1x128xi32, #tpu.memory_space<vmem>>
        %dma_wait3A_249 = tpu.memref_squeeze %dma_wait3A_248 : memref<1x128xi32, #tpu.memory_space<vmem>> -> memref<128xi32, #tpu.memory_space<vmem>>
        %dma_wait3A_250 = arith.constant 0 : i32
        %dma_wait3A_251 = arith.constant 0 : i32
        %dma_wait3A_252 = tpu.memref_slice %arg2[%dma_wait3A_250, %dma_wait3A_251] : memref<10000x24xf32, #tpu.memory_space<hbm>> -> memref<10000x24xf32, #tpu.memory_space<hbm>>
        tpu.wait_indirect_dma semaphore(%arg21 : memref<!tpu.dma_semaphore, #tpu.memory_space<semaphore_mem>>) src(%dma_wait3A_252 : memref<10000x24xf32, #tpu.memory_space<hbm>>) dst(%arg12 : memref<128x24xf32, #tpu.memory_space<vmem>>)
        %add3A_253 = arith.addi %sub3A, %add3A_176 : i32
        %dma_start3A_254 = arith.constant 0 : i32
        %dma_start3A_255 = tpu.memref_slice %arg7[%add3A_253, %dma_start3A_254] : memref<157x128xi32, #tpu.memory_space<vmem>> -> memref<1x128xi32, #tpu.memory_space<vmem>>
        %dma_start3A_256 = tpu.memref_squeeze %dma_start3A_255 : memref<1x128xi32, #tpu.memory_space<vmem>> -> memref<128xi32, #tpu.memory_space<vmem>>
        %dma_start3A_257 = arith.constant 0 : i32
        %dma_start3A_258 = arith.constant 0 : i32
        %dma_start3A_259 = tpu.memref_slice %arg16[%dma_start3A_257, %dma_start3A_258] : memref<10240x24xf32, #tpu.memory_space<vmem_shared>> -> memref<10240x24xf32, #tpu.memory_space<vmem_shared>>
        tpu.enqueue_indirect_dma source(%arg12 : memref<128x24xf32, #tpu.memory_space<vmem>>) target(%dma_start3A_259 : memref<10240x24xf32, #tpu.memory_space<vmem_shared>>) offsets(%dma_start3A_256 : memref<128xi32, #tpu.memory_space<vmem>>) semaphore(%arg29 : memref<!tpu.dma_semaphore, #tpu.memory_space<semaphore_mem>>) {add = true}
      } else {
      }
      %add3A_181 = arith.constant 1 : i32
      %add3A_182 = arith.addi %add3A_174, %add3A_181 : i32
      %lt3A_183 = arith.cmpi slt, %add3A_182, %select_n3A_15 : i32
      %convert_element_type3A_184 = arith.extui %lt3A_183 : i1 to i32
      %cond3A_185 = arith.constant 0 : i32
      %cond3A_186 = arith.cmpi ne, %convert_element_type3A_184, %cond3A_185 : i32
      scf.if %cond3A_186 {
        %dma_wait3A = arith.constant 0 : i32
        %dma_wait3A_247 = arith.constant 0 : i32
        %dma_wait3A_248 = tpu.memref_slice %arg6[%dma_wait3A, %dma_wait3A_247] : memref<157x128xi32, #tpu.memory_space<vmem>> -> memref<1x128xi32, #tpu.memory_space<vmem>>
        %dma_wait3A_249 = tpu.memref_squeeze %dma_wait3A_248 : memref<1x128xi32, #tpu.memory_space<vmem>> -> memref<128xi32, #tpu.memory_space<vmem>>
        %dma_wait3A_250 = arith.constant 0 : i32
        %dma_wait3A_251 = arith.constant 0 : i32
        %dma_wait3A_252 = tpu.memref_slice %arg2[%dma_wait3A_250, %dma_wait3A_251] : memref<10000x24xf32, #tpu.memory_space<hbm>> -> memref<10000x24xf32, #tpu.memory_space<hbm>>
        tpu.wait_indirect_dma semaphore(%arg22 : memref<!tpu.dma_semaphore, #tpu.memory_space<semaphore_mem>>) src(%dma_wait3A_252 : memref<10000x24xf32, #tpu.memory_space<hbm>>) dst(%arg13 : memref<128x24xf32, #tpu.memory_space<vmem>>)
        %add3A_253 = arith.addi %sub3A, %add3A_182 : i32
        %dma_start3A_254 = arith.constant 0 : i32
        %dma_start3A_255 = tpu.memref_slice %arg7[%add3A_253, %dma_start3A_254] : memref<157x128xi32, #tpu.memory_space<vmem>> -> memref<1x128xi32, #tpu.memory_space<vmem>>
        %dma_start3A_256 = tpu.memref_squeeze %dma_start3A_255 : memref<1x128xi32, #tpu.memory_space<vmem>> -> memref<128xi32, #tpu.memory_space<vmem>>
        %dma_start3A_257 = arith.constant 0 : i32
        %dma_start3A_258 = arith.constant 0 : i32
        %dma_start3A_259 = tpu.memref_slice %arg16[%dma_start3A_257, %dma_start3A_258] : memref<10240x24xf32, #tpu.memory_space<vmem_shared>> -> memref<10240x24xf32, #tpu.memory_space<vmem_shared>>
        tpu.enqueue_indirect_dma source(%arg13 : memref<128x24xf32, #tpu.memory_space<vmem>>) target(%dma_start3A_259 : memref<10240x24xf32, #tpu.memory_space<vmem_shared>>) offsets(%dma_start3A_256 : memref<128xi32, #tpu.memory_space<vmem>>) semaphore(%arg30 : memref<!tpu.dma_semaphore, #tpu.memory_space<semaphore_mem>>) {add = true}
      } else {
      }
      %add3A_187 = arith.constant 2 : i32
      %add3A_188 = arith.addi %add3A_174, %add3A_187 : i32
      %lt3A_189 = arith.cmpi slt, %add3A_188, %select_n3A_15 : i32
      %convert_element_type3A_190 = arith.extui %lt3A_189 : i1 to i32
      %cond3A_191 = arith.constant 0 : i32
      %cond3A_192 = arith.cmpi ne, %convert_element_type3A_190, %cond3A_191 : i32
      scf.if %cond3A_192 {
        %dma_wait3A = arith.constant 0 : i32
        %dma_wait3A_247 = arith.constant 0 : i32
        %dma_wait3A_248 = tpu.memref_slice %arg6[%dma_wait3A, %dma_wait3A_247] : memref<157x128xi32, #tpu.memory_space<vmem>> -> memref<1x128xi32, #tpu.memory_space<vmem>>
        %dma_wait3A_249 = tpu.memref_squeeze %dma_wait3A_248 : memref<1x128xi32, #tpu.memory_space<vmem>> -> memref<128xi32, #tpu.memory_space<vmem>>
        %dma_wait3A_250 = arith.constant 0 : i32
        %dma_wait3A_251 = arith.constant 0 : i32
        %dma_wait3A_252 = tpu.memref_slice %arg2[%dma_wait3A_250, %dma_wait3A_251] : memref<10000x24xf32, #tpu.memory_space<hbm>> -> memref<10000x24xf32, #tpu.memory_space<hbm>>
        tpu.wait_indirect_dma semaphore(%arg23 : memref<!tpu.dma_semaphore, #tpu.memory_space<semaphore_mem>>) src(%dma_wait3A_252 : memref<10000x24xf32, #tpu.memory_space<hbm>>) dst(%arg14 : memref<128x24xf32, #tpu.memory_space<vmem>>)
        %add3A_253 = arith.addi %sub3A, %add3A_188 : i32
        %dma_start3A_254 = arith.constant 0 : i32
        %dma_start3A_255 = tpu.memref_slice %arg7[%add3A_253, %dma_start3A_254] : memref<157x128xi32, #tpu.memory_space<vmem>> -> memref<1x128xi32, #tpu.memory_space<vmem>>
        %dma_start3A_256 = tpu.memref_squeeze %dma_start3A_255 : memref<1x128xi32, #tpu.memory_space<vmem>> -> memref<128xi32, #tpu.memory_space<vmem>>
        %dma_start3A_257 = arith.constant 0 : i32
        %dma_start3A_258 = arith.constant 0 : i32
        %dma_start3A_259 = tpu.memref_slice %arg16[%dma_start3A_257, %dma_start3A_258] : memref<10240x24xf32, #tpu.memory_space<vmem_shared>> -> memref<10240x24xf32, #tpu.memory_space<vmem_shared>>
        tpu.enqueue_indirect_dma source(%arg14 : memref<128x24xf32, #tpu.memory_space<vmem>>) target(%dma_start3A_259 : memref<10240x24xf32, #tpu.memory_space<vmem_shared>>) offsets(%dma_start3A_256 : memref<128xi32, #tpu.memory_space<vmem>>) semaphore(%arg31 : memref<!tpu.dma_semaphore, #tpu.memory_space<semaphore_mem>>) {add = true}
      } else {
      }
      %add3A_193 = arith.constant 3 : i32
      %add3A_194 = arith.addi %add3A_174, %add3A_193 : i32
      %lt3A_195 = arith.cmpi slt, %add3A_194, %select_n3A_15 : i32
      %convert_element_type3A_196 = arith.extui %lt3A_195 : i1 to i32
      %cond3A_197 = arith.constant 0 : i32
      %cond3A_198 = arith.cmpi ne, %convert_element_type3A_196, %cond3A_197 : i32
      scf.if %cond3A_198 {
        %dma_wait3A = arith.constant 0 : i32
        %dma_wait3A_247 = arith.constant 0 : i32
        %dma_wait3A_248 = tpu.memref_slice %arg6[%dma_wait3A, %dma_wait3A_247] : memref<157x128xi32, #tpu.memory_space<vmem>> -> memref<1x128xi32, #tpu.memory_space<vmem>>
        %dma_wait3A_249 = tpu.memref_squeeze %dma_wait3A_248 : memref<1x128xi32, #tpu.memory_space<vmem>> -> memref<128xi32, #tpu.memory_space<vmem>>
        %dma_wait3A_250 = arith.constant 0 : i32
        %dma_wait3A_251 = arith.constant 0 : i32
        %dma_wait3A_252 = tpu.memref_slice %arg2[%dma_wait3A_250, %dma_wait3A_251] : memref<10000x24xf32, #tpu.memory_space<hbm>> -> memref<10000x24xf32, #tpu.memory_space<hbm>>
        tpu.wait_indirect_dma semaphore(%arg24 : memref<!tpu.dma_semaphore, #tpu.memory_space<semaphore_mem>>) src(%dma_wait3A_252 : memref<10000x24xf32, #tpu.memory_space<hbm>>) dst(%arg15 : memref<128x24xf32, #tpu.memory_space<vmem>>)
        %add3A_253 = arith.addi %sub3A, %add3A_194 : i32
        %dma_start3A_254 = arith.constant 0 : i32
        %dma_start3A_255 = tpu.memref_slice %arg7[%add3A_253, %dma_start3A_254] : memref<157x128xi32, #tpu.memory_space<vmem>> -> memref<1x128xi32, #tpu.memory_space<vmem>>
        %dma_start3A_256 = tpu.memref_squeeze %dma_start3A_255 : memref<1x128xi32, #tpu.memory_space<vmem>> -> memref<128xi32, #tpu.memory_space<vmem>>
        %dma_start3A_257 = arith.constant 0 : i32
        %dma_start3A_258 = arith.constant 0 : i32
        %dma_start3A_259 = tpu.memref_slice %arg16[%dma_start3A_257, %dma_start3A_258] : memref<10240x24xf32, #tpu.memory_space<vmem_shared>> -> memref<10240x24xf32, #tpu.memory_space<vmem_shared>>
        tpu.enqueue_indirect_dma source(%arg15 : memref<128x24xf32, #tpu.memory_space<vmem>>) target(%dma_start3A_259 : memref<10240x24xf32, #tpu.memory_space<vmem_shared>>) offsets(%dma_start3A_256 : memref<128xi32, #tpu.memory_space<vmem>>) semaphore(%arg32 : memref<!tpu.dma_semaphore, #tpu.memory_space<semaphore_mem>>) {add = true}
      } else {
      }
      %add3A_199 = arith.constant 0 : i32
      %add3A_200 = arith.addi %add3A_174, %add3A_199 : i32
      %lt3A_201 = arith.cmpi slt, %add3A_200, %select_n3A_15 : i32
      %convert_element_type3A_202 = arith.extui %lt3A_201 : i1 to i32
      %cond3A_203 = arith.constant 0 : i32
      %cond3A_204 = arith.cmpi ne, %convert_element_type3A_202, %cond3A_203 : i32
      scf.if %cond3A_204 {
        %dma_wait3A = arith.constant 0 : i32
        %dma_wait3A_247 = arith.constant 0 : i32
        %dma_wait3A_248 = tpu.memref_slice %arg7[%dma_wait3A, %dma_wait3A_247] : memref<157x128xi32, #tpu.memory_space<vmem>> -> memref<1x128xi32, #tpu.memory_space<vmem>>
        %dma_wait3A_249 = tpu.memref_squeeze %dma_wait3A_248 : memref<1x128xi32, #tpu.memory_space<vmem>> -> memref<128xi32, #tpu.memory_space<vmem>>
        %dma_wait3A_250 = arith.constant 0 : i32
        %dma_wait3A_251 = arith.constant 0 : i32
        %dma_wait3A_252 = tpu.memref_slice %arg16[%dma_wait3A_250, %dma_wait3A_251] : memref<10240x24xf32, #tpu.memory_space<vmem_shared>> -> memref<10240x24xf32, #tpu.memory_space<vmem_shared>>
        tpu.wait_indirect_dma semaphore(%arg29 : memref<!tpu.dma_semaphore, #tpu.memory_space<semaphore_mem>>) src(%arg12 : memref<128x24xf32, #tpu.memory_space<vmem>>) dst(%dma_wait3A_252 : memref<10240x24xf32, #tpu.memory_space<vmem_shared>>)
      } else {
      }
      %add3A_205 = arith.constant 8 : i32
      %add3A_206 = arith.addi %add3A_200, %add3A_205 : i32
      %lt3A_207 = arith.cmpi slt, %add3A_206, %select_n3A_15 : i32
      %convert_element_type3A_208 = arith.extui %lt3A_207 : i1 to i32
      %cond3A_209 = arith.constant 0 : i32
      %cond3A_210 = arith.cmpi ne, %convert_element_type3A_208, %cond3A_209 : i32
      scf.if %cond3A_210 {
        %add3A_247 = arith.addi %sub3A, %add3A_206 : i32
        %dma_start3A_248 = arith.constant 0 : i32
        %dma_start3A_249 = tpu.memref_slice %arg6[%add3A_247, %dma_start3A_248] : memref<157x128xi32, #tpu.memory_space<vmem>> -> memref<1x128xi32, #tpu.memory_space<vmem>>
        %dma_start3A_250 = tpu.memref_squeeze %dma_start3A_249 : memref<1x128xi32, #tpu.memory_space<vmem>> -> memref<128xi32, #tpu.memory_space<vmem>>
        %dma_start3A_251 = arith.constant 0 : i32
        %dma_start3A_252 = arith.constant 0 : i32
        %dma_start3A_253 = tpu.memref_slice %arg2[%dma_start3A_251, %dma_start3A_252] : memref<10000x24xf32, #tpu.memory_space<hbm>> -> memref<10000x24xf32, #tpu.memory_space<hbm>>
        tpu.enqueue_indirect_dma source(%dma_start3A_253 : memref<10000x24xf32, #tpu.memory_space<hbm>>) target(%arg12 : memref<128x24xf32, #tpu.memory_space<vmem>>) offsets(%dma_start3A_250 : memref<128xi32, #tpu.memory_space<vmem>>) semaphore(%arg21 : memref<!tpu.dma_semaphore, #tpu.memory_space<semaphore_mem>>)
      } else {
      }
      %add3A_211 = arith.constant 1 : i32
      %add3A_212 = arith.addi %add3A_174, %add3A_211 : i32
      %lt3A_213 = arith.cmpi slt, %add3A_212, %select_n3A_15 : i32
      %convert_element_type3A_214 = arith.extui %lt3A_213 : i1 to i32
      %cond3A_215 = arith.constant 0 : i32
      %cond3A_216 = arith.cmpi ne, %convert_element_type3A_214, %cond3A_215 : i32
      scf.if %cond3A_216 {
        %dma_wait3A = arith.constant 0 : i32
        %dma_wait3A_247 = arith.constant 0 : i32
        %dma_wait3A_248 = tpu.memref_slice %arg7[%dma_wait3A, %dma_wait3A_247] : memref<157x128xi32, #tpu.memory_space<vmem>> -> memref<1x128xi32, #tpu.memory_space<vmem>>
        %dma_wait3A_249 = tpu.memref_squeeze %dma_wait3A_248 : memref<1x128xi32, #tpu.memory_space<vmem>> -> memref<128xi32, #tpu.memory_space<vmem>>
        %dma_wait3A_250 = arith.constant 0 : i32
        %dma_wait3A_251 = arith.constant 0 : i32
        %dma_wait3A_252 = tpu.memref_slice %arg16[%dma_wait3A_250, %dma_wait3A_251] : memref<10240x24xf32, #tpu.memory_space<vmem_shared>> -> memref<10240x24xf32, #tpu.memory_space<vmem_shared>>
        tpu.wait_indirect_dma semaphore(%arg30 : memref<!tpu.dma_semaphore, #tpu.memory_space<semaphore_mem>>) src(%arg13 : memref<128x24xf32, #tpu.memory_space<vmem>>) dst(%dma_wait3A_252 : memref<10240x24xf32, #tpu.memory_space<vmem_shared>>)
      } else {
      }
      %add3A_217 = arith.constant 8 : i32
      %add3A_218 = arith.addi %add3A_212, %add3A_217 : i32
      %lt3A_219 = arith.cmpi slt, %add3A_218, %select_n3A_15 : i32
      %convert_element_type3A_220 = arith.extui %lt3A_219 : i1 to i32
      %cond3A_221 = arith.constant 0 : i32
      %cond3A_222 = arith.cmpi ne, %convert_element_type3A_220, %cond3A_221 : i32
      scf.if %cond3A_222 {
        %add3A_247 = arith.addi %sub3A, %add3A_218 : i32
        %dma_start3A_248 = arith.constant 0 : i32
        %dma_start3A_249 = tpu.memref_slice %arg6[%add3A_247, %dma_start3A_248] : memref<157x128xi32, #tpu.memory_space<vmem>> -> memref<1x128xi32, #tpu.memory_space<vmem>>
        %dma_start3A_250 = tpu.memref_squeeze %dma_start3A_249 : memref<1x128xi32, #tpu.memory_space<vmem>> -> memref<128xi32, #tpu.memory_space<vmem>>
        %dma_start3A_251 = arith.constant 0 : i32
        %dma_start3A_252 = arith.constant 0 : i32
        %dma_start3A_253 = tpu.memref_slice %arg2[%dma_start3A_251, %dma_start3A_252] : memref<10000x24xf32, #tpu.memory_space<hbm>> -> memref<10000x24xf32, #tpu.memory_space<hbm>>
        tpu.enqueue_indirect_dma source(%dma_start3A_253 : memref<10000x24xf32, #tpu.memory_space<hbm>>) target(%arg13 : memref<128x24xf32, #tpu.memory_space<vmem>>) offsets(%dma_start3A_250 : memref<128xi32, #tpu.memory_space<vmem>>) semaphore(%arg22 : memref<!tpu.dma_semaphore, #tpu.memory_space<semaphore_mem>>)
      } else {
      }
      %add3A_223 = arith.constant 2 : i32
      %add3A_224 = arith.addi %add3A_174, %add3A_223 : i32
      %lt3A_225 = arith.cmpi slt, %add3A_224, %select_n3A_15 : i32
      %convert_element_type3A_226 = arith.extui %lt3A_225 : i1 to i32
      %cond3A_227 = arith.constant 0 : i32
      %cond3A_228 = arith.cmpi ne, %convert_element_type3A_226, %cond3A_227 : i32
      scf.if %cond3A_228 {
        %dma_wait3A = arith.constant 0 : i32
        %dma_wait3A_247 = arith.constant 0 : i32
        %dma_wait3A_248 = tpu.memref_slice %arg7[%dma_wait3A, %dma_wait3A_247] : memref<157x128xi32, #tpu.memory_space<vmem>> -> memref<1x128xi32, #tpu.memory_space<vmem>>
        %dma_wait3A_249 = tpu.memref_squeeze %dma_wait3A_248 : memref<1x128xi32, #tpu.memory_space<vmem>> -> memref<128xi32, #tpu.memory_space<vmem>>
        %dma_wait3A_250 = arith.constant 0 : i32
        %dma_wait3A_251 = arith.constant 0 : i32
        %dma_wait3A_252 = tpu.memref_slice %arg16[%dma_wait3A_250, %dma_wait3A_251] : memref<10240x24xf32, #tpu.memory_space<vmem_shared>> -> memref<10240x24xf32, #tpu.memory_space<vmem_shared>>
        tpu.wait_indirect_dma semaphore(%arg31 : memref<!tpu.dma_semaphore, #tpu.memory_space<semaphore_mem>>) src(%arg14 : memref<128x24xf32, #tpu.memory_space<vmem>>) dst(%dma_wait3A_252 : memref<10240x24xf32, #tpu.memory_space<vmem_shared>>)
      } else {
      }
      %add3A_229 = arith.constant 8 : i32
      %add3A_230 = arith.addi %add3A_224, %add3A_229 : i32
      %lt3A_231 = arith.cmpi slt, %add3A_230, %select_n3A_15 : i32
      %convert_element_type3A_232 = arith.extui %lt3A_231 : i1 to i32
      %cond3A_233 = arith.constant 0 : i32
      %cond3A_234 = arith.cmpi ne, %convert_element_type3A_232, %cond3A_233 : i32
      scf.if %cond3A_234 {
        %add3A_247 = arith.addi %sub3A, %add3A_230 : i32
        %dma_start3A_248 = arith.constant 0 : i32
        %dma_start3A_249 = tpu.memref_slice %arg6[%add3A_247, %dma_start3A_248] : memref<157x128xi32, #tpu.memory_space<vmem>> -> memref<1x128xi32, #tpu.memory_space<vmem>>
        %dma_start3A_250 = tpu.memref_squeeze %dma_start3A_249 : memref<1x128xi32, #tpu.memory_space<vmem>> -> memref<128xi32, #tpu.memory_space<vmem>>
        %dma_start3A_251 = arith.constant 0 : i32
        %dma_start3A_252 = arith.constant 0 : i32
        %dma_start3A_253 = tpu.memref_slice %arg2[%dma_start3A_251, %dma_start3A_252] : memref<10000x24xf32, #tpu.memory_space<hbm>> -> memref<10000x24xf32, #tpu.memory_space<hbm>>
        tpu.enqueue_indirect_dma source(%dma_start3A_253 : memref<10000x24xf32, #tpu.memory_space<hbm>>) target(%arg14 : memref<128x24xf32, #tpu.memory_space<vmem>>) offsets(%dma_start3A_250 : memref<128xi32, #tpu.memory_space<vmem>>) semaphore(%arg23 : memref<!tpu.dma_semaphore, #tpu.memory_space<semaphore_mem>>)
      } else {
      }
      %add3A_235 = arith.constant 3 : i32
      %add3A_236 = arith.addi %add3A_174, %add3A_235 : i32
      %lt3A_237 = arith.cmpi slt, %add3A_236, %select_n3A_15 : i32
      %convert_element_type3A_238 = arith.extui %lt3A_237 : i1 to i32
      %cond3A_239 = arith.constant 0 : i32
      %cond3A_240 = arith.cmpi ne, %convert_element_type3A_238, %cond3A_239 : i32
      scf.if %cond3A_240 {
        %dma_wait3A = arith.constant 0 : i32
        %dma_wait3A_247 = arith.constant 0 : i32
        %dma_wait3A_248 = tpu.memref_slice %arg7[%dma_wait3A, %dma_wait3A_247] : memref<157x128xi32, #tpu.memory_space<vmem>> -> memref<1x128xi32, #tpu.memory_space<vmem>>
        %dma_wait3A_249 = tpu.memref_squeeze %dma_wait3A_248 : memref<1x128xi32, #tpu.memory_space<vmem>> -> memref<128xi32, #tpu.memory_space<vmem>>
        %dma_wait3A_250 = arith.constant 0 : i32
        %dma_wait3A_251 = arith.constant 0 : i32
        %dma_wait3A_252 = tpu.memref_slice %arg16[%dma_wait3A_250, %dma_wait3A_251] : memref<10240x24xf32, #tpu.memory_space<vmem_shared>> -> memref<10240x24xf32, #tpu.memory_space<vmem_shared>>
        tpu.wait_indirect_dma semaphore(%arg32 : memref<!tpu.dma_semaphore, #tpu.memory_space<semaphore_mem>>) src(%arg15 : memref<128x24xf32, #tpu.memory_space<vmem>>) dst(%dma_wait3A_252 : memref<10240x24xf32, #tpu.memory_space<vmem_shared>>)
      } else {
      }
      %add3A_241 = arith.constant 8 : i32
      %add3A_242 = arith.addi %add3A_236, %add3A_241 : i32
      %lt3A_243 = arith.cmpi slt, %add3A_242, %select_n3A_15 : i32
      %convert_element_type3A_244 = arith.extui %lt3A_243 : i1 to i32
      %cond3A_245 = arith.constant 0 : i32
      %cond3A_246 = arith.cmpi ne, %convert_element_type3A_244, %cond3A_245 : i32
      scf.if %cond3A_246 {
        %add3A_247 = arith.addi %sub3A, %add3A_242 : i32
        %dma_start3A_248 = arith.constant 0 : i32
        %dma_start3A_249 = tpu.memref_slice %arg6[%add3A_247, %dma_start3A_248] : memref<157x128xi32, #tpu.memory_space<vmem>> -> memref<1x128xi32, #tpu.memory_space<vmem>>
        %dma_start3A_250 = tpu.memref_squeeze %dma_start3A_249 : memref<1x128xi32, #tpu.memory_space<vmem>> -> memref<128xi32, #tpu.memory_space<vmem>>
        %dma_start3A_251 = arith.constant 0 : i32
        %dma_start3A_252 = arith.constant 0 : i32
        %dma_start3A_253 = tpu.memref_slice %arg2[%dma_start3A_251, %dma_start3A_252] : memref<10000x24xf32, #tpu.memory_space<hbm>> -> memref<10000x24xf32, #tpu.memory_space<hbm>>
        tpu.enqueue_indirect_dma source(%dma_start3A_253 : memref<10000x24xf32, #tpu.memory_space<hbm>>) target(%arg15 : memref<128x24xf32, #tpu.memory_space<vmem>>) offsets(%dma_start3A_250 : memref<128xi32, #tpu.memory_space<vmem>>) semaphore(%arg24 : memref<!tpu.dma_semaphore, #tpu.memory_space<semaphore_mem>>)
      } else {
      }
    }
    %scan3A_90 = arith.constant 20 : i32
    %barrier3A_91 = arith.constant 0 : index
    tpu.barrier barrier_id(%barrier3A_91)
    %mul3A_92 = arith.constant 640 : i32
    %mul3A_93 = arith.muli %arg1, %mul3A_92 : i32
    %mul3A_94 = arith.constant 640 : i32
    %mul3A_95 = arith.muli %arg1, %mul3A_94 : i32
    "tpu.region"() ({
      %run_scoped3A_96 = tpu.sem_alloc : memref<!tpu.dma_semaphore, #tpu.memory_space<semaphore_mem>>
      %dma_start3A_97 = arith.constant 0 : i32
      %dma_start3A_98 = tpu.memref_slice %arg5[%arg0, %mul3A_95, %dma_start3A_97] : memref<1x10240x24xf32, #tpu.memory_space<hbm>> -> memref<1x640x24xf32, #tpu.memory_space<hbm>>
      %dma_start3A_99 = tpu.memref_squeeze %dma_start3A_98 : memref<1x640x24xf32, #tpu.memory_space<hbm>> -> memref<640x24xf32, #tpu.memory_space<hbm>>
      %dma_start3A_100 = arith.constant 0 : i32
      %dma_start3A_101 = tpu.memref_slice %arg16[%mul3A_93, %dma_start3A_100] : memref<10240x24xf32, #tpu.memory_space<vmem_shared>> -> memref<640x24xf32, #tpu.memory_space<vmem_shared>>
      tpu.enqueue_dma source(%dma_start3A_101 : memref<640x24xf32, #tpu.memory_space<vmem_shared>>) target(%dma_start3A_99 : memref<640x24xf32, #tpu.memory_space<hbm>>) target_semaphore(%run_scoped3A_96 : memref<!tpu.dma_semaphore, #tpu.memory_space<semaphore_mem>>)
      %dma_wait3A = arith.constant 0 : i32
      %dma_wait3A_102 = tpu.memref_slice %arg5[%arg0, %mul3A_95, %dma_wait3A] : memref<1x10240x24xf32, #tpu.memory_space<hbm>> -> memref<1x640x24xf32, #tpu.memory_space<hbm>>
      %dma_wait3A_103 = tpu.memref_squeeze %dma_wait3A_102 : memref<1x640x24xf32, #tpu.memory_space<hbm>> -> memref<640x24xf32, #tpu.memory_space<hbm>>
      %dma_wait3A_104 = arith.constant 0 : i32
      %dma_wait3A_105 = tpu.memref_slice %arg16[%mul3A_93, %dma_wait3A_104] : memref<10240x24xf32, #tpu.memory_space<vmem_shared>> -> memref<640x24xf32, #tpu.memory_space<vmem_shared>>
      tpu.wait_dma2 semaphore(%run_scoped3A_96 : memref<!tpu.dma_semaphore, #tpu.memory_space<semaphore_mem>>) src(%dma_wait3A_105 : memref<640x24xf32, #tpu.memory_space<vmem_shared>>) dst(%dma_wait3A_103 : memref<640x24xf32, #tpu.memory_space<hbm>>)
      tpu.yield
    }) : () -> ()
    return
  }
}

#map = affine_map<(d0, d1) -> (0, 0)>
#map1 = affine_map<(d0, d1) -> (0, 0, 0)>
module attributes {stable_mosaic.version = 14 : i64} {
  func.func @agg_kernel(%arg0: i32, %arg1: i32, %arg2: memref<10000x24xf32, #tpu.memory_space<hbm>>, %arg3: memref<2x2500x128xi32, #tpu.memory_space<hbm>>, %arg4: memref<10240x24xf32, #tpu.memory_space<hbm>>, %arg5: memref<1x10240x24xf32, #tpu.memory_space<hbm>>, %arg6: memref<157x128xi32, #tpu.memory_space<vmem>>, %arg7: memref<157x128xi32, #tpu.memory_space<vmem>>, %arg8: memref<128x24xf32, #tpu.memory_space<vmem>>, %arg9: memref<128x24xf32, #tpu.memory_space<vmem>>, %arg10: memref<128x24xf32, #tpu.memory_space<vmem>>, %arg11: memref<128x24xf32, #tpu.memory_space<vmem>>, %arg12: memref<128x24xf32, #tpu.memory_space<vmem>>, %arg13: memref<128x24xf32, #tpu.memory_space<vmem>>, %arg14: memref<128x24xf32, #tpu.memory_space<vmem>>, %arg15: memref<128x24xf32, #tpu.memory_space<vmem>>, %arg16: memref<10240x24xf32, #tpu.memory_space<vmem_shared>>, %arg17: memref<!tpu.dma_semaphore, #tpu.memory_space<semaphore_mem>>, %arg18: memref<!tpu.dma_semaphore, #tpu.memory_space<semaphore_mem>>, %arg19: memref<!tpu.dma_semaphore, #tpu.memory_space<semaphore_mem>>, %arg20: memref<!tpu.dma_semaphore, #tpu.memory_space<semaphore_mem>>, %arg21: memref<!tpu.dma_semaphore, #tpu.memory_space<semaphore_mem>>, %arg22: memref<!tpu.dma_semaphore, #tpu.memory_space<semaphore_mem>>, %arg23: memref<!tpu.dma_semaphore, #tpu.memory_space<semaphore_mem>>, %arg24: memref<!tpu.dma_semaphore, #tpu.memory_space<semaphore_mem>>, %arg25: memref<!tpu.dma_semaphore, #tpu.memory_space<semaphore_mem>>, %arg26: memref<!tpu.dma_semaphore, #tpu.memory_space<semaphore_mem>>, %arg27: memref<!tpu.dma_semaphore, #tpu.memory_space<semaphore_mem>>, %arg28: memref<!tpu.dma_semaphore, #tpu.memory_space<semaphore_mem>>, %arg29: memref<!tpu.dma_semaphore, #tpu.memory_space<semaphore_mem>>, %arg30: memref<!tpu.dma_semaphore, #tpu.memory_space<semaphore_mem>>, %arg31: memref<!tpu.dma_semaphore, #tpu.memory_space<semaphore_mem>>, %arg32: memref<!tpu.dma_semaphore, #tpu.memory_space<semaphore_mem>>) attributes {dimension_semantics = [#tpu.dimension_semantics<core_parallel>, #tpu.dimension_semantics<subcore_parallel>], iteration_bounds = array<i64: 1, 16>, scalar_prefetch = 0 : i64, scratch_operands = 27 : i64, tpu.core_type = #tpu.core_type<sc_vector_subcore>, window_params = [{transform_indices = #map}, {transform_indices = #map1}, {transform_indices = #map}, {transform_indices = #map1}]} {
    %mul3A = arith.constant 156 : i32
    %mul3A_0 = arith.muli %arg1, %mul3A : i32
    %min3A = arith.constant 4 : i32
    %min3A_1 = arith.minsi %arg1, %min3A : i32
    %add3A = arith.addi %mul3A_0, %min3A_1 : i32
    %lt3A = arith.constant 4 : i32
    %lt3A_2 = arith.cmpi slt, %arg1, %lt3A : i32
    %jit3A = arith.constant 1 : i32
    %jit3A_3 = arith.constant 0 : i32
    %select_n3A = arith.select %lt3A_2, %jit3A, %jit3A_3 : i32
    %add3A_4 = arith.constant 156 : i32
    %add3A_5 = arith.addi %add3A_4, %select_n3A : i32
    %mul3A_6 = arith.constant 0 : i32
    %mul3A_7 = arith.muli %arg1, %mul3A_6 : i32
    %add3A_8 = arith.constant 2500 : i32
    %add3A_9 = arith.addi %add3A_8, %mul3A_7 : i32
    %eq3A = arith.constant 0 : i32
    %eq3A_10 = arith.cmpi eq, %arg0, %eq3A : i32
    %select_n3A_11 = arith.select %eq3A_10, %add3A, %add3A_9 : i32
    %eq3A_12 = arith.constant 0 : i32
    %eq3A_13 = arith.cmpi eq, %arg0, %eq3A_12 : i32
    %jit3A_14 = arith.constant 0 : i32
    %select_n3A_15 = arith.select %eq3A_13, %add3A_5, %jit3A_14 : i32
    %min3A_16 = arith.constant 2343 : i32
    %min3A_17 = arith.minsi %select_n3A_11, %min3A_16 : i32
    %sub3A = arith.subi %select_n3A_11, %min3A_17 : i32
    %run_scoped3A = arith.constant 0 : i32
    "tpu.region"() ({
      %run_scoped3A_96 = tpu.sem_alloc : memref<!tpu.dma_semaphore, #tpu.memory_space<semaphore_mem>>
      %dma_start3A_97 = arith.constant 0 : i32
      %dma_start3A_98 = arith.constant 0 : i32
      %dma_start3A_99 = tpu.memref_slice %arg3[%run_scoped3A, %dma_start3A_97, %dma_start3A_98] : memref<2x2500x128xi32, #tpu.memory_space<hbm>> -> memref<1x2500x128xi32, #tpu.memory_space<hbm>>
      %dma_start3A_100 = tpu.memref_squeeze %dma_start3A_99 : memref<1x2500x128xi32, #tpu.memory_space<hbm>> -> memref<2500x128xi32, #tpu.memory_space<hbm>>
      %dma_start3A_101 = arith.constant 0 : i32
      %dma_start3A_102 = tpu.memref_slice %dma_start3A_100[%min3A_17, %dma_start3A_101] : memref<2500x128xi32, #tpu.memory_space<hbm>> -> memref<157x128xi32, #tpu.memory_space<hbm>>
      %dma_start3A_103 = arith.constant 0 : i32
      %dma_start3A_104 = arith.constant 0 : i32
      %dma_start3A_105 = tpu.memref_slice %arg3[%run_scoped3A, %dma_start3A_103, %dma_start3A_104] : memref<2x2500x128xi32, #tpu.memory_space<hbm>> -> memref<1x2500x128xi32, #tpu.memory_space<hbm>>
      %dma_start3A_106 = tpu.memref_squeeze %dma_start3A_105 : memref<1x2500x128xi32, #tpu.memory_space<hbm>> -> memref<2500x128xi32, #tpu.memory_space<hbm>>
      %dma_start3A_107 = arith.constant 0 : i32
      %dma_start3A_108 = tpu.memref_slice %dma_start3A_106[%min3A_17, %dma_start3A_107] : memref<2500x128xi32, #tpu.memory_space<hbm>> -> memref<157x128xi32, #tpu.memory_space<hbm>>
      tpu.enqueue_dma source(%dma_start3A_108 : memref<157x128xi32, #tpu.memory_space<hbm>>) target(%arg6 : memref<157x128xi32, #tpu.memory_space<vmem>>) target_semaphore(%run_scoped3A_96 : memref<!tpu.dma_semaphore, #tpu.memory_space<semaphore_mem>>)
      %dma_wait3A = arith.constant 0 : i32
      %dma_wait3A_109 = arith.constant 0 : i32
      %dma_wait3A_110 = tpu.memref_slice %arg3[%run_scoped3A, %dma_wait3A, %dma_wait3A_109] : memref<2x2500x128xi32, #tpu.memory_space<hbm>> -> memref<1x2500x128xi32, #tpu.memory_space<hbm>>
      %dma_wait3A_111 = tpu.memref_squeeze %dma_wait3A_110 : memref<1x2500x128xi32, #tpu.memory_space<hbm>> -> memref<2500x128xi32, #tpu.memory_space<hbm>>
      %dma_wait3A_112 = arith.constant 0 : i32
      %dma_wait3A_113 = tpu.memref_slice %dma_wait3A_111[%min3A_17, %dma_wait3A_112] : memref<2500x128xi32, #tpu.memory_space<hbm>> -> memref<157x128xi32, #tpu.memory_space<hbm>>
      %dma_wait3A_114 = arith.constant 0 : i32
      %dma_wait3A_115 = arith.constant 0 : i32
      %dma_wait3A_116 = tpu.memref_slice %arg3[%run_scoped3A, %dma_wait3A_114, %dma_wait3A_115] : memref<2x2500x128xi32, #tpu.memory_space<hbm>> -> memref<1x2500x128xi32, #tpu.memory_space<hbm>>
      %dma_wait3A_117 = tpu.memref_squeeze %dma_wait3A_116 : memref<1x2500x128xi32, #tpu.memory_space<hbm>> -> memref<2500x128xi32, #tpu.memory_space<hbm>>
      %dma_wait3A_118 = arith.constant 0 : i32
      %dma_wait3A_119 = tpu.memref_slice %dma_wait3A_117[%min3A_17, %dma_wait3A_118] : memref<2500x128xi32, #tpu.memory_space<hbm>> -> memref<157x128xi32, #tpu.memory_space<hbm>>
      tpu.wait_dma2 semaphore(%run_scoped3A_96 : memref<!tpu.dma_semaphore, #tpu.memory_space<semaphore_mem>>) src(%dma_wait3A_119 : memref<157x128xi32, #tpu.memory_space<hbm>>) dst(%arg6 : memref<157x128xi32, #tpu.memory_space<vmem>>)
      tpu.yield
    }) : () -> ()
    %run_scoped3A_18 = arith.constant 1 : i32
    "tpu.region"() ({
      %run_scoped3A_96 = tpu.sem_alloc : memref<!tpu.dma_semaphore, #tpu.memory_space<semaphore_mem>>
      %dma_start3A_97 = arith.constant 0 : i32
      %dma_start3A_98 = arith.constant 0 : i32
      %dma_start3A_99 = tpu.memref_slice %arg3[%run_scoped3A_18, %dma_start3A_97, %dma_start3A_98] : memref<2x2500x128xi32, #tpu.memory_space<hbm>> -> memref<1x2500x128xi32, #tpu.memory_space<hbm>>
      %dma_start3A_100 = tpu.memref_squeeze %dma_start3A_99 : memref<1x2500x128xi32, #tpu.memory_space<hbm>> -> memref<2500x128xi32, #tpu.memory_space<hbm>>
      %dma_start3A_101 = arith.constant 0 : i32
      %dma_start3A_102 = tpu.memref_slice %dma_start3A_100[%min3A_17, %dma_start3A_101] : memref<2500x128xi32, #tpu.memory_space<hbm>> -> memref<157x128xi32, #tpu.memory_space<hbm>>
      %dma_start3A_103 = arith.constant 0 : i32
      %dma_start3A_104 = arith.constant 0 : i32
      %dma_start3A_105 = tpu.memref_slice %arg3[%run_scoped3A_18, %dma_start3A_103, %dma_start3A_104] : memref<2x2500x128xi32, #tpu.memory_space<hbm>> -> memref<1x2500x128xi32, #tpu.memory_space<hbm>>
      %dma_start3A_106 = tpu.memref_squeeze %dma_start3A_105 : memref<1x2500x128xi32, #tpu.memory_space<hbm>> -> memref<2500x128xi32, #tpu.memory_space<hbm>>
      %dma_start3A_107 = arith.constant 0 : i32
      %dma_start3A_108 = tpu.memref_slice %dma_start3A_106[%min3A_17, %dma_start3A_107] : memref<2500x128xi32, #tpu.memory_space<hbm>> -> memref<157x128xi32, #tpu.memory_space<hbm>>
      tpu.enqueue_dma source(%dma_start3A_108 : memref<157x128xi32, #tpu.memory_space<hbm>>) target(%arg7 : memref<157x128xi32, #tpu.memory_space<vmem>>) target_semaphore(%run_scoped3A_96 : memref<!tpu.dma_semaphore, #tpu.memory_space<semaphore_mem>>)
      %dma_wait3A = arith.constant 0 : i32
      %dma_wait3A_109 = arith.constant 0 : i32
      %dma_wait3A_110 = tpu.memref_slice %arg3[%run_scoped3A_18, %dma_wait3A, %dma_wait3A_109] : memref<2x2500x128xi32, #tpu.memory_space<hbm>> -> memref<1x2500x128xi32, #tpu.memory_space<hbm>>
      %dma_wait3A_111 = tpu.memref_squeeze %dma_wait3A_110 : memref<1x2500x128xi32, #tpu.memory_space<hbm>> -> memref<2500x128xi32, #tpu.memory_space<hbm>>
      %dma_wait3A_112 = arith.constant 0 : i32
      %dma_wait3A_113 = tpu.memref_slice %dma_wait3A_111[%min3A_17, %dma_wait3A_112] : memref<2500x128xi32, #tpu.memory_space<hbm>> -> memref<157x128xi32, #tpu.memory_space<hbm>>
      %dma_wait3A_114 = arith.constant 0 : i32
      %dma_wait3A_115 = arith.constant 0 : i32
      %dma_wait3A_116 = tpu.memref_slice %arg3[%run_scoped3A_18, %dma_wait3A_114, %dma_wait3A_115] : memref<2x2500x128xi32, #tpu.memory_space<hbm>> -> memref<1x2500x128xi32, #tpu.memory_space<hbm>>
      %dma_wait3A_117 = tpu.memref_squeeze %dma_wait3A_116 : memref<1x2500x128xi32, #tpu.memory_space<hbm>> -> memref<2500x128xi32, #tpu.memory_space<hbm>>
      %dma_wait3A_118 = arith.constant 0 : i32
      %dma_wait3A_119 = tpu.memref_slice %dma_wait3A_117[%min3A_17, %dma_wait3A_118] : memref<2500x128xi32, #tpu.memory_space<hbm>> -> memref<157x128xi32, #tpu.memory_space<hbm>>
      tpu.wait_dma2 semaphore(%run_scoped3A_96 : memref<!tpu.dma_semaphore, #tpu.memory_space<semaphore_mem>>) src(%dma_wait3A_119 : memref<157x128xi32, #tpu.memory_space<hbm>>) dst(%arg7 : memref<157x128xi32, #tpu.memory_space<vmem>>)
      tpu.yield
    }) : () -> ()
    %mul3A_19 = arith.constant 640 : i32
    %mul3A_20 = arith.muli %arg1, %mul3A_19 : i32
    %mul3A_21 = arith.constant 640 : i32
    %mul3A_22 = arith.muli %arg1, %mul3A_21 : i32
    "tpu.region"() ({
      %run_scoped3A_96 = tpu.sem_alloc : memref<!tpu.dma_semaphore, #tpu.memory_space<semaphore_mem>>
      %dma_start3A_97 = arith.constant 0 : i32
      %dma_start3A_98 = tpu.memref_slice %arg16[%mul3A_22, %dma_start3A_97] : memref<10240x24xf32, #tpu.memory_space<vmem_shared>> -> memref<640x24xf32, #tpu.memory_space<vmem_shared>>
      %dma_start3A_99 = arith.constant 0 : i32
      %dma_start3A_100 = tpu.memref_slice %arg4[%mul3A_20, %dma_start3A_99] : memref<10240x24xf32, #tpu.memory_space<hbm>> -> memref<640x24xf32, #tpu.memory_space<hbm>>
      tpu.enqueue_dma source(%dma_start3A_100 : memref<640x24xf32, #tpu.memory_space<hbm>>) target(%dma_start3A_98 : memref<640x24xf32, #tpu.memory_space<vmem_shared>>) target_semaphore(%run_scoped3A_96 : memref<!tpu.dma_semaphore, #tpu.memory_space<semaphore_mem>>)
      %dma_wait3A = arith.constant 0 : i32
      %dma_wait3A_101 = tpu.memref_slice %arg16[%mul3A_22, %dma_wait3A] : memref<10240x24xf32, #tpu.memory_space<vmem_shared>> -> memref<640x24xf32, #tpu.memory_space<vmem_shared>>
      %dma_wait3A_102 = arith.constant 0 : i32
      %dma_wait3A_103 = tpu.memref_slice %arg4[%mul3A_20, %dma_wait3A_102] : memref<10240x24xf32, #tpu.memory_space<hbm>> -> memref<640x24xf32, #tpu.memory_space<hbm>>
      tpu.wait_dma2 semaphore(%run_scoped3A_96 : memref<!tpu.dma_semaphore, #tpu.memory_space<semaphore_mem>>) src(%dma_wait3A_103 : memref<640x24xf32, #tpu.memory_space<hbm>>) dst(%dma_wait3A_101 : memref<640x24xf32, #tpu.memory_space<vmem_shared>>)
      tpu.yield
    }) : () -> ()
    %barrier3A = arith.constant 0 : index
    tpu.barrier barrier_id(%barrier3A)
    %add3A_23 = arith.constant 0 : i32
    %add3A_24 = arith.addi %sub3A, %add3A_23 : i32
    %dma_start3A = arith.constant 0 : i32
    %dma_start3A_25 = tpu.memref_slice %arg6[%add3A_24, %dma_start3A] : memref<157x128xi32, #tpu.memory_space<vmem>> -> memref<1x128xi32, #tpu.memory_space<vmem>>
    %dma_start3A_26 = tpu.memref_squeeze %dma_start3A_25 : memref<1x128xi32, #tpu.memory_space<vmem>> -> memref<128xi32, #tpu.memory_space<vmem>>
    %dma_start3A_27 = arith.constant 0 : i32
    %dma_start3A_28 = arith.constant 0 : i32
    %dma_start3A_29 = tpu.memref_slice %arg2[%dma_start3A_27, %dma_start3A_28] : memref<10000x24xf32, #tpu.memory_space<hbm>> -> memref<10000x24xf32, #tpu.memory_space<hbm>>
    tpu.enqueue_indirect_dma source(%dma_start3A_29 : memref<10000x24xf32, #tpu.memory_space<hbm>>) target(%arg8 : memref<128x24xf32, #tpu.memory_space<vmem>>) offsets(%dma_start3A_26 : memref<128xi32, #tpu.memory_space<vmem>>) semaphore(%arg17 : memref<!tpu.dma_semaphore, #tpu.memory_space<semaphore_mem>>)
    %add3A_30 = arith.constant 1 : i32
    %add3A_31 = arith.addi %sub3A, %add3A_30 : i32
    %dma_start3A_32 = arith.constant 0 : i32
    %dma_start3A_33 = tpu.memref_slice %arg6[%add3A_31, %dma_start3A_32] : memref<157x128xi32, #tpu.memory_space<vmem>> -> memref<1x128xi32, #tpu.memory_space<vmem>>
    %dma_start3A_34 = tpu.memref_squeeze %dma_start3A_33 : memref<1x128xi32, #tpu.memory_space<vmem>> -> memref<128xi32, #tpu.memory_space<vmem>>
    %dma_start3A_35 = arith.constant 0 : i32
    %dma_start3A_36 = arith.constant 0 : i32
    %dma_start3A_37 = tpu.memref_slice %arg2[%dma_start3A_35, %dma_start3A_36] : memref<10000x24xf32, #tpu.memory_space<hbm>> -> memref<10000x24xf32, #tpu.memory_space<hbm>>
    tpu.enqueue_indirect_dma source(%dma_start3A_37 : memref<10000x24xf32, #tpu.memory_space<hbm>>) target(%arg9 : memref<128x24xf32, #tpu.memory_space<vmem>>) offsets(%dma_start3A_34 : memref<128xi32, #tpu.memory_space<vmem>>) semaphore(%arg18 : memref<!tpu.dma_semaphore, #tpu.memory_space<semaphore_mem>>)
    %add3A_38 = arith.constant 2 : i32
    %add3A_39 = arith.addi %sub3A, %add3A_38 : i32
    %dma_start3A_40 = arith.constant 0 : i32
    %dma_start3A_41 = tpu.memref_slice %arg6[%add3A_39, %dma_start3A_40] : memref<157x128xi32, #tpu.memory_space<vmem>> -> memref<1x128xi32, #tpu.memory_space<vmem>>
    %dma_start3A_42 = tpu.memref_squeeze %dma_start3A_41 : memref<1x128xi32, #tpu.memory_space<vmem>> -> memref<128xi32, #tpu.memory_space<vmem>>
    %dma_start3A_43 = arith.constant 0 : i32
    %dma_start3A_44 = arith.constant 0 : i32
    %dma_start3A_45 = tpu.memref_slice %arg2[%dma_start3A_43, %dma_start3A_44] : memref<10000x24xf32, #tpu.memory_space<hbm>> -> memref<10000x24xf32, #tpu.memory_space<hbm>>
    tpu.enqueue_indirect_dma source(%dma_start3A_45 : memref<10000x24xf32, #tpu.memory_space<hbm>>) target(%arg10 : memref<128x24xf32, #tpu.memory_space<vmem>>) offsets(%dma_start3A_42 : memref<128xi32, #tpu.memory_space<vmem>>) semaphore(%arg19 : memref<!tpu.dma_semaphore, #tpu.memory_space<semaphore_mem>>)
    %add3A_46 = arith.constant 3 : i32
    %add3A_47 = arith.addi %sub3A, %add3A_46 : i32
    %dma_start3A_48 = arith.constant 0 : i32
    %dma_start3A_49 = tpu.memref_slice %arg6[%add3A_47, %dma_start3A_48] : memref<157x128xi32, #tpu.memory_space<vmem>> -> memref<1x128xi32, #tpu.memory_space<vmem>>
    %dma_start3A_50 = tpu.memref_squeeze %dma_start3A_49 : memref<1x128xi32, #tpu.memory_space<vmem>> -> memref<128xi32, #tpu.memory_space<vmem>>
    %dma_start3A_51 = arith.constant 0 : i32
    %dma_start3A_52 = arith.constant 0 : i32
    %dma_start3A_53 = tpu.memref_slice %arg2[%dma_start3A_51, %dma_start3A_52] : memref<10000x24xf32, #tpu.memory_space<hbm>> -> memref<10000x24xf32, #tpu.memory_space<hbm>>
    tpu.enqueue_indirect_dma source(%dma_start3A_53 : memref<10000x24xf32, #tpu.memory_space<hbm>>) target(%arg11 : memref<128x24xf32, #tpu.memory_space<vmem>>) offsets(%dma_start3A_50 : memref<128xi32, #tpu.memory_space<vmem>>) semaphore(%arg20 : memref<!tpu.dma_semaphore, #tpu.memory_space<semaphore_mem>>)
    %add3A_54 = arith.constant 4 : i32
    %add3A_55 = arith.addi %sub3A, %add3A_54 : i32
    %dma_start3A_56 = arith.constant 0 : i32
    %dma_start3A_57 = tpu.memref_slice %arg6[%add3A_55, %dma_start3A_56] : memref<157x128xi32, #tpu.memory_space<vmem>> -> memref<1x128xi32, #tpu.memory_space<vmem>>
    %dma_start3A_58 = tpu.memref_squeeze %dma_start3A_57 : memref<1x128xi32, #tpu.memory_space<vmem>> -> memref<128xi32, #tpu.memory_space<vmem>>
    %dma_start3A_59 = arith.constant 0 : i32
    %dma_start3A_60 = arith.constant 0 : i32
    %dma_start3A_61 = tpu.memref_slice %arg2[%dma_start3A_59, %dma_start3A_60] : memref<10000x24xf32, #tpu.memory_space<hbm>> -> memref<10000x24xf32, #tpu.memory_space<hbm>>
    tpu.enqueue_indirect_dma source(%dma_start3A_61 : memref<10000x24xf32, #tpu.memory_space<hbm>>) target(%arg12 : memref<128x24xf32, #tpu.memory_space<vmem>>) offsets(%dma_start3A_58 : memref<128xi32, #tpu.memory_space<vmem>>) semaphore(%arg21 : memref<!tpu.dma_semaphore, #tpu.memory_space<semaphore_mem>>)
    %add3A_62 = arith.constant 5 : i32
    %add3A_63 = arith.addi %sub3A, %add3A_62 : i32
    %dma_start3A_64 = arith.constant 0 : i32
    %dma_start3A_65 = tpu.memref_slice %arg6[%add3A_63, %dma_start3A_64] : memref<157x128xi32, #tpu.memory_space<vmem>> -> memref<1x128xi32, #tpu.memory_space<vmem>>
    %dma_start3A_66 = tpu.memref_squeeze %dma_start3A_65 : memref<1x128xi32, #tpu.memory_space<vmem>> -> memref<128xi32, #tpu.memory_space<vmem>>
    %dma_start3A_67 = arith.constant 0 : i32
    %dma_start3A_68 = arith.constant 0 : i32
    %dma_start3A_69 = tpu.memref_slice %arg2[%dma_start3A_67, %dma_start3A_68] : memref<10000x24xf32, #tpu.memory_space<hbm>> -> memref<10000x24xf32, #tpu.memory_space<hbm>>
    tpu.enqueue_indirect_dma source(%dma_start3A_69 : memref<10000x24xf32, #tpu.memory_space<hbm>>) target(%arg13 : memref<128x24xf32, #tpu.memory_space<vmem>>) offsets(%dma_start3A_66 : memref<128xi32, #tpu.memory_space<vmem>>) semaphore(%arg22 : memref<!tpu.dma_semaphore, #tpu.memory_space<semaphore_mem>>)
    %add3A_70 = arith.constant 6 : i32
    %add3A_71 = arith.addi %sub3A, %add3A_70 : i32
    %dma_start3A_72 = arith.constant 0 : i32
    %dma_start3A_73 = tpu.memref_slice %arg6[%add3A_71, %dma_start3A_72] : memref<157x128xi32, #tpu.memory_space<vmem>> -> memref<1x128xi32, #tpu.memory_space<vmem>>
    %dma_start3A_74 = tpu.memref_squeeze %dma_start3A_73 : memref<1x128xi32, #tpu.memory_space<vmem>> -> memref<128xi32, #tpu.memory_space<vmem>>
    %dma_start3A_75 = arith.constant 0 : i32
    %dma_start3A_76 = arith.constant 0 : i32
    %dma_start3A_77 = tpu.memref_slice %arg2[%dma_start3A_75, %dma_start3A_76] : memref<10000x24xf32, #tpu.memory_space<hbm>> -> memref<10000x24xf32, #tpu.memory_space<hbm>>
    tpu.enqueue_indirect_dma source(%dma_start3A_77 : memref<10000x24xf32, #tpu.memory_space<hbm>>) target(%arg14 : memref<128x24xf32, #tpu.memory_space<vmem>>) offsets(%dma_start3A_74 : memref<128xi32, #tpu.memory_space<vmem>>) semaphore(%arg23 : memref<!tpu.dma_semaphore, #tpu.memory_space<semaphore_mem>>)
    %add3A_78 = arith.constant 7 : i32
    %add3A_79 = arith.addi %sub3A, %add3A_78 : i32
    %dma_start3A_80 = arith.constant 0 : i32
    %dma_start3A_81 = tpu.memref_slice %arg6[%add3A_79, %dma_start3A_80] : memref<157x128xi32, #tpu.memory_space<vmem>> -> memref<1x128xi32, #tpu.memory_space<vmem>>
    %dma_start3A_82 = tpu.memref_squeeze %dma_start3A_81 : memref<1x128xi32, #tpu.memory_space<vmem>> -> memref<128xi32, #tpu.memory_space<vmem>>
    %dma_start3A_83 = arith.constant 0 : i32
    %dma_start3A_84 = arith.constant 0 : i32
    %dma_start3A_85 = tpu.memref_slice %arg2[%dma_start3A_83, %dma_start3A_84] : memref<10000x24xf32, #tpu.memory_space<hbm>> -> memref<10000x24xf32, #tpu.memory_space<hbm>>
    tpu.enqueue_indirect_dma source(%dma_start3A_85 : memref<10000x24xf32, #tpu.memory_space<hbm>>) target(%arg15 : memref<128x24xf32, #tpu.memory_space<vmem>>) offsets(%dma_start3A_82 : memref<128xi32, #tpu.memory_space<vmem>>) semaphore(%arg24 : memref<!tpu.dma_semaphore, #tpu.memory_space<semaphore_mem>>)
    %scan3A = arith.constant 0 : i32
    %scan3A_86 = arith.constant 0 : i32
    %scan3A_87 = arith.constant 20 : i32
    %scan3A_88 = arith.addi %scan3A_86, %scan3A_87 : i32
    %scan3A_89 = arith.constant 1 : i32
    scf.for %scan3A_96 = %scan3A_86 to %scan3A_88 step %scan3A_89  : i32 {
      %mul3A_97 = arith.constant 8 : i32
      %mul3A_98 = arith.muli %scan3A_96, %mul3A_97 : i32
      %add3A_99 = arith.constant 0 : i32
      %add3A_100 = arith.addi %mul3A_98, %add3A_99 : i32
      %add3A_101 = arith.constant 0 : i32
      %add3A_102 = arith.addi %add3A_100, %add3A_101 : i32
      %lt3A_103 = arith.cmpi slt, %add3A_102, %select_n3A_15 : i32
      %convert_element_type3A = arith.extui %lt3A_103 : i1 to i32
      %cond3A = arith.constant 0 : i32
      %cond3A_104 = arith.cmpi ne, %convert_element_type3A, %cond3A : i32
      scf.if %cond3A_104 {
        %dma_wait3A = arith.constant 0 : i32
        %dma_wait3A_247 = arith.constant 0 : i32
        %dma_wait3A_248 = tpu.memref_slice %arg6[%dma_wait3A, %dma_wait3A_247] : memref<157x128xi32, #tpu.memory_space<vmem>> -> memref<1x128xi32, #tpu.memory_space<vmem>>
        %dma_wait3A_249 = tpu.memref_squeeze %dma_wait3A_248 : memref<1x128xi32, #tpu.memory_space<vmem>> -> memref<128xi32, #tpu.memory_space<vmem>>
        %dma_wait3A_250 = arith.constant 0 : i32
        %dma_wait3A_251 = arith.constant 0 : i32
        %dma_wait3A_252 = tpu.memref_slice %arg2[%dma_wait3A_250, %dma_wait3A_251] : memref<10000x24xf32, #tpu.memory_space<hbm>> -> memref<10000x24xf32, #tpu.memory_space<hbm>>
        tpu.wait_indirect_dma semaphore(%arg17 : memref<!tpu.dma_semaphore, #tpu.memory_space<semaphore_mem>>) src(%dma_wait3A_252 : memref<10000x24xf32, #tpu.memory_space<hbm>>) dst(%arg8 : memref<128x24xf32, #tpu.memory_space<vmem>>)
        %add3A_253 = arith.addi %sub3A, %add3A_102 : i32
        %dma_start3A_254 = arith.constant 0 : i32
        %dma_start3A_255 = tpu.memref_slice %arg7[%add3A_253, %dma_start3A_254] : memref<157x128xi32, #tpu.memory_space<vmem>> -> memref<1x128xi32, #tpu.memory_space<vmem>>
        %dma_start3A_256 = tpu.memref_squeeze %dma_start3A_255 : memref<1x128xi32, #tpu.memory_space<vmem>> -> memref<128xi32, #tpu.memory_space<vmem>>
        %dma_start3A_257 = arith.constant 0 : i32
        %dma_start3A_258 = arith.constant 0 : i32
        %dma_start3A_259 = tpu.memref_slice %arg16[%dma_start3A_257, %dma_start3A_258] : memref<10240x24xf32, #tpu.memory_space<vmem_shared>> -> memref<10240x24xf32, #tpu.memory_space<vmem_shared>>
        tpu.enqueue_indirect_dma source(%arg8 : memref<128x24xf32, #tpu.memory_space<vmem>>) target(%dma_start3A_259 : memref<10240x24xf32, #tpu.memory_space<vmem_shared>>) offsets(%dma_start3A_256 : memref<128xi32, #tpu.memory_space<vmem>>) semaphore(%arg25 : memref<!tpu.dma_semaphore, #tpu.memory_space<semaphore_mem>>) {add = true}
      } else {
      }
      %add3A_105 = arith.constant 1 : i32
      %add3A_106 = arith.addi %add3A_100, %add3A_105 : i32
      %lt3A_107 = arith.cmpi slt, %add3A_106, %select_n3A_15 : i32
      %convert_element_type3A_108 = arith.extui %lt3A_107 : i1 to i32
      %cond3A_109 = arith.constant 0 : i32
      %cond3A_110 = arith.cmpi ne, %convert_element_type3A_108, %cond3A_109 : i32
      scf.if %cond3A_110 {
        %dma_wait3A = arith.constant 0 : i32
        %dma_wait3A_247 = arith.constant 0 : i32
        %dma_wait3A_248 = tpu.memref_slice %arg6[%dma_wait3A, %dma_wait3A_247] : memref<157x128xi32, #tpu.memory_space<vmem>> -> memref<1x128xi32, #tpu.memory_space<vmem>>
        %dma_wait3A_249 = tpu.memref_squeeze %dma_wait3A_248 : memref<1x128xi32, #tpu.memory_space<vmem>> -> memref<128xi32, #tpu.memory_space<vmem>>
        %dma_wait3A_250 = arith.constant 0 : i32
        %dma_wait3A_251 = arith.constant 0 : i32
        %dma_wait3A_252 = tpu.memref_slice %arg2[%dma_wait3A_250, %dma_wait3A_251] : memref<10000x24xf32, #tpu.memory_space<hbm>> -> memref<10000x24xf32, #tpu.memory_space<hbm>>
        tpu.wait_indirect_dma semaphore(%arg18 : memref<!tpu.dma_semaphore, #tpu.memory_space<semaphore_mem>>) src(%dma_wait3A_252 : memref<10000x24xf32, #tpu.memory_space<hbm>>) dst(%arg9 : memref<128x24xf32, #tpu.memory_space<vmem>>)
        %add3A_253 = arith.addi %sub3A, %add3A_106 : i32
        %dma_start3A_254 = arith.constant 0 : i32
        %dma_start3A_255 = tpu.memref_slice %arg7[%add3A_253, %dma_start3A_254] : memref<157x128xi32, #tpu.memory_space<vmem>> -> memref<1x128xi32, #tpu.memory_space<vmem>>
        %dma_start3A_256 = tpu.memref_squeeze %dma_start3A_255 : memref<1x128xi32, #tpu.memory_space<vmem>> -> memref<128xi32, #tpu.memory_space<vmem>>
        %dma_start3A_257 = arith.constant 0 : i32
        %dma_start3A_258 = arith.constant 0 : i32
        %dma_start3A_259 = tpu.memref_slice %arg16[%dma_start3A_257, %dma_start3A_258] : memref<10240x24xf32, #tpu.memory_space<vmem_shared>> -> memref<10240x24xf32, #tpu.memory_space<vmem_shared>>
        tpu.enqueue_indirect_dma source(%arg9 : memref<128x24xf32, #tpu.memory_space<vmem>>) target(%dma_start3A_259 : memref<10240x24xf32, #tpu.memory_space<vmem_shared>>) offsets(%dma_start3A_256 : memref<128xi32, #tpu.memory_space<vmem>>) semaphore(%arg26 : memref<!tpu.dma_semaphore, #tpu.memory_space<semaphore_mem>>) {add = true}
      } else {
      }
      %add3A_111 = arith.constant 2 : i32
      %add3A_112 = arith.addi %add3A_100, %add3A_111 : i32
      %lt3A_113 = arith.cmpi slt, %add3A_112, %select_n3A_15 : i32
      %convert_element_type3A_114 = arith.extui %lt3A_113 : i1 to i32
      %cond3A_115 = arith.constant 0 : i32
      %cond3A_116 = arith.cmpi ne, %convert_element_type3A_114, %cond3A_115 : i32
      scf.if %cond3A_116 {
        %dma_wait3A = arith.constant 0 : i32
        %dma_wait3A_247 = arith.constant 0 : i32
        %dma_wait3A_248 = tpu.memref_slice %arg6[%dma_wait3A, %dma_wait3A_247] : memref<157x128xi32, #tpu.memory_space<vmem>> -> memref<1x128xi32, #tpu.memory_space<vmem>>
        %dma_wait3A_249 = tpu.memref_squeeze %dma_wait3A_248 : memref<1x128xi32, #tpu.memory_space<vmem>> -> memref<128xi32, #tpu.memory_space<vmem>>
        %dma_wait3A_250 = arith.constant 0 : i32
        %dma_wait3A_251 = arith.constant 0 : i32
        %dma_wait3A_252 = tpu.memref_slice %arg2[%dma_wait3A_250, %dma_wait3A_251] : memref<10000x24xf32, #tpu.memory_space<hbm>> -> memref<10000x24xf32, #tpu.memory_space<hbm>>
        tpu.wait_indirect_dma semaphore(%arg19 : memref<!tpu.dma_semaphore, #tpu.memory_space<semaphore_mem>>) src(%dma_wait3A_252 : memref<10000x24xf32, #tpu.memory_space<hbm>>) dst(%arg10 : memref<128x24xf32, #tpu.memory_space<vmem>>)
        %add3A_253 = arith.addi %sub3A, %add3A_112 : i32
        %dma_start3A_254 = arith.constant 0 : i32
        %dma_start3A_255 = tpu.memref_slice %arg7[%add3A_253, %dma_start3A_254] : memref<157x128xi32, #tpu.memory_space<vmem>> -> memref<1x128xi32, #tpu.memory_space<vmem>>
        %dma_start3A_256 = tpu.memref_squeeze %dma_start3A_255 : memref<1x128xi32, #tpu.memory_space<vmem>> -> memref<128xi32, #tpu.memory_space<vmem>>
        %dma_start3A_257 = arith.constant 0 : i32
        %dma_start3A_258 = arith.constant 0 : i32
        %dma_start3A_259 = tpu.memref_slice %arg16[%dma_start3A_257, %dma_start3A_258] : memref<10240x24xf32, #tpu.memory_space<vmem_shared>> -> memref<10240x24xf32, #tpu.memory_space<vmem_shared>>
        tpu.enqueue_indirect_dma source(%arg10 : memref<128x24xf32, #tpu.memory_space<vmem>>) target(%dma_start3A_259 : memref<10240x24xf32, #tpu.memory_space<vmem_shared>>) offsets(%dma_start3A_256 : memref<128xi32, #tpu.memory_space<vmem>>) semaphore(%arg27 : memref<!tpu.dma_semaphore, #tpu.memory_space<semaphore_mem>>) {add = true}
      } else {
      }
      %add3A_117 = arith.constant 3 : i32
      %add3A_118 = arith.addi %add3A_100, %add3A_117 : i32
      %lt3A_119 = arith.cmpi slt, %add3A_118, %select_n3A_15 : i32
      %convert_element_type3A_120 = arith.extui %lt3A_119 : i1 to i32
      %cond3A_121 = arith.constant 0 : i32
      %cond3A_122 = arith.cmpi ne, %convert_element_type3A_120, %cond3A_121 : i32
      scf.if %cond3A_122 {
        %dma_wait3A = arith.constant 0 : i32
        %dma_wait3A_247 = arith.constant 0 : i32
        %dma_wait3A_248 = tpu.memref_slice %arg6[%dma_wait3A, %dma_wait3A_247] : memref<157x128xi32, #tpu.memory_space<vmem>> -> memref<1x128xi32, #tpu.memory_space<vmem>>
        %dma_wait3A_249 = tpu.memref_squeeze %dma_wait3A_248 : memref<1x128xi32, #tpu.memory_space<vmem>> -> memref<128xi32, #tpu.memory_space<vmem>>
        %dma_wait3A_250 = arith.constant 0 : i32
        %dma_wait3A_251 = arith.constant 0 : i32
        %dma_wait3A_252 = tpu.memref_slice %arg2[%dma_wait3A_250, %dma_wait3A_251] : memref<10000x24xf32, #tpu.memory_space<hbm>> -> memref<10000x24xf32, #tpu.memory_space<hbm>>
        tpu.wait_indirect_dma semaphore(%arg20 : memref<!tpu.dma_semaphore, #tpu.memory_space<semaphore_mem>>) src(%dma_wait3A_252 : memref<10000x24xf32, #tpu.memory_space<hbm>>) dst(%arg11 : memref<128x24xf32, #tpu.memory_space<vmem>>)
        %add3A_253 = arith.addi %sub3A, %add3A_118 : i32
        %dma_start3A_254 = arith.constant 0 : i32
        %dma_start3A_255 = tpu.memref_slice %arg7[%add3A_253, %dma_start3A_254] : memref<157x128xi32, #tpu.memory_space<vmem>> -> memref<1x128xi32, #tpu.memory_space<vmem>>
        %dma_start3A_256 = tpu.memref_squeeze %dma_start3A_255 : memref<1x128xi32, #tpu.memory_space<vmem>> -> memref<128xi32, #tpu.memory_space<vmem>>
        %dma_start3A_257 = arith.constant 0 : i32
        %dma_start3A_258 = arith.constant 0 : i32
        %dma_start3A_259 = tpu.memref_slice %arg16[%dma_start3A_257, %dma_start3A_258] : memref<10240x24xf32, #tpu.memory_space<vmem_shared>> -> memref<10240x24xf32, #tpu.memory_space<vmem_shared>>
        tpu.enqueue_indirect_dma source(%arg11 : memref<128x24xf32, #tpu.memory_space<vmem>>) target(%dma_start3A_259 : memref<10240x24xf32, #tpu.memory_space<vmem_shared>>) offsets(%dma_start3A_256 : memref<128xi32, #tpu.memory_space<vmem>>) semaphore(%arg28 : memref<!tpu.dma_semaphore, #tpu.memory_space<semaphore_mem>>) {add = true}
      } else {
      }
      %add3A_123 = arith.constant 0 : i32
      %add3A_124 = arith.addi %add3A_100, %add3A_123 : i32
      %lt3A_125 = arith.cmpi slt, %add3A_124, %select_n3A_15 : i32
      %convert_element_type3A_126 = arith.extui %lt3A_125 : i1 to i32
      %cond3A_127 = arith.constant 0 : i32
      %cond3A_128 = arith.cmpi ne, %convert_element_type3A_126, %cond3A_127 : i32
      scf.if %cond3A_128 {
        %dma_wait3A = arith.constant 0 : i32
        %dma_wait3A_247 = arith.constant 0 : i32
        %dma_wait3A_248 = tpu.memref_slice %arg7[%dma_wait3A, %dma_wait3A_247] : memref<157x128xi32, #tpu.memory_space<vmem>> -> memref<1x128xi32, #tpu.memory_space<vmem>>
        %dma_wait3A_249 = tpu.memref_squeeze %dma_wait3A_248 : memref<1x128xi32, #tpu.memory_space<vmem>> -> memref<128xi32, #tpu.memory_space<vmem>>
        %dma_wait3A_250 = arith.constant 0 : i32
        %dma_wait3A_251 = arith.constant 0 : i32
        %dma_wait3A_252 = tpu.memref_slice %arg16[%dma_wait3A_250, %dma_wait3A_251] : memref<10240x24xf32, #tpu.memory_space<vmem_shared>> -> memref<10240x24xf32, #tpu.memory_space<vmem_shared>>
        tpu.wait_indirect_dma semaphore(%arg25 : memref<!tpu.dma_semaphore, #tpu.memory_space<semaphore_mem>>) src(%arg8 : memref<128x24xf32, #tpu.memory_space<vmem>>) dst(%dma_wait3A_252 : memref<10240x24xf32, #tpu.memory_space<vmem_shared>>)
      } else {
      }
      %add3A_129 = arith.constant 8 : i32
      %add3A_130 = arith.addi %add3A_124, %add3A_129 : i32
      %lt3A_131 = arith.cmpi slt, %add3A_130, %select_n3A_15 : i32
      %convert_element_type3A_132 = arith.extui %lt3A_131 : i1 to i32
      %cond3A_133 = arith.constant 0 : i32
      %cond3A_134 = arith.cmpi ne, %convert_element_type3A_132, %cond3A_133 : i32
      scf.if %cond3A_134 {
        %add3A_247 = arith.addi %sub3A, %add3A_130 : i32
        %dma_start3A_248 = arith.constant 0 : i32
        %dma_start3A_249 = tpu.memref_slice %arg6[%add3A_247, %dma_start3A_248] : memref<157x128xi32, #tpu.memory_space<vmem>> -> memref<1x128xi32, #tpu.memory_space<vmem>>
        %dma_start3A_250 = tpu.memref_squeeze %dma_start3A_249 : memref<1x128xi32, #tpu.memory_space<vmem>> -> memref<128xi32, #tpu.memory_space<vmem>>
        %dma_start3A_251 = arith.constant 0 : i32
        %dma_start3A_252 = arith.constant 0 : i32
        %dma_start3A_253 = tpu.memref_slice %arg2[%dma_start3A_251, %dma_start3A_252] : memref<10000x24xf32, #tpu.memory_space<hbm>> -> memref<10000x24xf32, #tpu.memory_space<hbm>>
        tpu.enqueue_indirect_dma source(%dma_start3A_253 : memref<10000x24xf32, #tpu.memory_space<hbm>>) target(%arg8 : memref<128x24xf32, #tpu.memory_space<vmem>>) offsets(%dma_start3A_250 : memref<128xi32, #tpu.memory_space<vmem>>) semaphore(%arg17 : memref<!tpu.dma_semaphore, #tpu.memory_space<semaphore_mem>>)
      } else {
      }
      %add3A_135 = arith.constant 1 : i32
      %add3A_136 = arith.addi %add3A_100, %add3A_135 : i32
      %lt3A_137 = arith.cmpi slt, %add3A_136, %select_n3A_15 : i32
      %convert_element_type3A_138 = arith.extui %lt3A_137 : i1 to i32
      %cond3A_139 = arith.constant 0 : i32
      %cond3A_140 = arith.cmpi ne, %convert_element_type3A_138, %cond3A_139 : i32
      scf.if %cond3A_140 {
        %dma_wait3A = arith.constant 0 : i32
        %dma_wait3A_247 = arith.constant 0 : i32
        %dma_wait3A_248 = tpu.memref_slice %arg7[%dma_wait3A, %dma_wait3A_247] : memref<157x128xi32, #tpu.memory_space<vmem>> -> memref<1x128xi32, #tpu.memory_space<vmem>>
        %dma_wait3A_249 = tpu.memref_squeeze %dma_wait3A_248 : memref<1x128xi32, #tpu.memory_space<vmem>> -> memref<128xi32, #tpu.memory_space<vmem>>
        %dma_wait3A_250 = arith.constant 0 : i32
        %dma_wait3A_251 = arith.constant 0 : i32
        %dma_wait3A_252 = tpu.memref_slice %arg16[%dma_wait3A_250, %dma_wait3A_251] : memref<10240x24xf32, #tpu.memory_space<vmem_shared>> -> memref<10240x24xf32, #tpu.memory_space<vmem_shared>>
        tpu.wait_indirect_dma semaphore(%arg26 : memref<!tpu.dma_semaphore, #tpu.memory_space<semaphore_mem>>) src(%arg9 : memref<128x24xf32, #tpu.memory_space<vmem>>) dst(%dma_wait3A_252 : memref<10240x24xf32, #tpu.memory_space<vmem_shared>>)
      } else {
      }
      %add3A_141 = arith.constant 8 : i32
      %add3A_142 = arith.addi %add3A_136, %add3A_141 : i32
      %lt3A_143 = arith.cmpi slt, %add3A_142, %select_n3A_15 : i32
      %convert_element_type3A_144 = arith.extui %lt3A_143 : i1 to i32
      %cond3A_145 = arith.constant 0 : i32
      %cond3A_146 = arith.cmpi ne, %convert_element_type3A_144, %cond3A_145 : i32
      scf.if %cond3A_146 {
        %add3A_247 = arith.addi %sub3A, %add3A_142 : i32
        %dma_start3A_248 = arith.constant 0 : i32
        %dma_start3A_249 = tpu.memref_slice %arg6[%add3A_247, %dma_start3A_248] : memref<157x128xi32, #tpu.memory_space<vmem>> -> memref<1x128xi32, #tpu.memory_space<vmem>>
        %dma_start3A_250 = tpu.memref_squeeze %dma_start3A_249 : memref<1x128xi32, #tpu.memory_space<vmem>> -> memref<128xi32, #tpu.memory_space<vmem>>
        %dma_start3A_251 = arith.constant 0 : i32
        %dma_start3A_252 = arith.constant 0 : i32
        %dma_start3A_253 = tpu.memref_slice %arg2[%dma_start3A_251, %dma_start3A_252] : memref<10000x24xf32, #tpu.memory_space<hbm>> -> memref<10000x24xf32, #tpu.memory_space<hbm>>
        tpu.enqueue_indirect_dma source(%dma_start3A_253 : memref<10000x24xf32, #tpu.memory_space<hbm>>) target(%arg9 : memref<128x24xf32, #tpu.memory_space<vmem>>) offsets(%dma_start3A_250 : memref<128xi32, #tpu.memory_space<vmem>>) semaphore(%arg18 : memref<!tpu.dma_semaphore, #tpu.memory_space<semaphore_mem>>)
      } else {
      }
      %add3A_147 = arith.constant 2 : i32
      %add3A_148 = arith.addi %add3A_100, %add3A_147 : i32
      %lt3A_149 = arith.cmpi slt, %add3A_148, %select_n3A_15 : i32
      %convert_element_type3A_150 = arith.extui %lt3A_149 : i1 to i32
      %cond3A_151 = arith.constant 0 : i32
      %cond3A_152 = arith.cmpi ne, %convert_element_type3A_150, %cond3A_151 : i32
      scf.if %cond3A_152 {
        %dma_wait3A = arith.constant 0 : i32
        %dma_wait3A_247 = arith.constant 0 : i32
        %dma_wait3A_248 = tpu.memref_slice %arg7[%dma_wait3A, %dma_wait3A_247] : memref<157x128xi32, #tpu.memory_space<vmem>> -> memref<1x128xi32, #tpu.memory_space<vmem>>
        %dma_wait3A_249 = tpu.memref_squeeze %dma_wait3A_248 : memref<1x128xi32, #tpu.memory_space<vmem>> -> memref<128xi32, #tpu.memory_space<vmem>>
        %dma_wait3A_250 = arith.constant 0 : i32
        %dma_wait3A_251 = arith.constant 0 : i32
        %dma_wait3A_252 = tpu.memref_slice %arg16[%dma_wait3A_250, %dma_wait3A_251] : memref<10240x24xf32, #tpu.memory_space<vmem_shared>> -> memref<10240x24xf32, #tpu.memory_space<vmem_shared>>
        tpu.wait_indirect_dma semaphore(%arg27 : memref<!tpu.dma_semaphore, #tpu.memory_space<semaphore_mem>>) src(%arg10 : memref<128x24xf32, #tpu.memory_space<vmem>>) dst(%dma_wait3A_252 : memref<10240x24xf32, #tpu.memory_space<vmem_shared>>)
      } else {
      }
      %add3A_153 = arith.constant 8 : i32
      %add3A_154 = arith.addi %add3A_148, %add3A_153 : i32
      %lt3A_155 = arith.cmpi slt, %add3A_154, %select_n3A_15 : i32
      %convert_element_type3A_156 = arith.extui %lt3A_155 : i1 to i32
      %cond3A_157 = arith.constant 0 : i32
      %cond3A_158 = arith.cmpi ne, %convert_element_type3A_156, %cond3A_157 : i32
      scf.if %cond3A_158 {
        %add3A_247 = arith.addi %sub3A, %add3A_154 : i32
        %dma_start3A_248 = arith.constant 0 : i32
        %dma_start3A_249 = tpu.memref_slice %arg6[%add3A_247, %dma_start3A_248] : memref<157x128xi32, #tpu.memory_space<vmem>> -> memref<1x128xi32, #tpu.memory_space<vmem>>
        %dma_start3A_250 = tpu.memref_squeeze %dma_start3A_249 : memref<1x128xi32, #tpu.memory_space<vmem>> -> memref<128xi32, #tpu.memory_space<vmem>>
        %dma_start3A_251 = arith.constant 0 : i32
        %dma_start3A_252 = arith.constant 0 : i32
        %dma_start3A_253 = tpu.memref_slice %arg2[%dma_start3A_251, %dma_start3A_252] : memref<10000x24xf32, #tpu.memory_space<hbm>> -> memref<10000x24xf32, #tpu.memory_space<hbm>>
        tpu.enqueue_indirect_dma source(%dma_start3A_253 : memref<10000x24xf32, #tpu.memory_space<hbm>>) target(%arg10 : memref<128x24xf32, #tpu.memory_space<vmem>>) offsets(%dma_start3A_250 : memref<128xi32, #tpu.memory_space<vmem>>) semaphore(%arg19 : memref<!tpu.dma_semaphore, #tpu.memory_space<semaphore_mem>>)
      } else {
      }
      %add3A_159 = arith.constant 3 : i32
      %add3A_160 = arith.addi %add3A_100, %add3A_159 : i32
      %lt3A_161 = arith.cmpi slt, %add3A_160, %select_n3A_15 : i32
      %convert_element_type3A_162 = arith.extui %lt3A_161 : i1 to i32
      %cond3A_163 = arith.constant 0 : i32
      %cond3A_164 = arith.cmpi ne, %convert_element_type3A_162, %cond3A_163 : i32
      scf.if %cond3A_164 {
        %dma_wait3A = arith.constant 0 : i32
        %dma_wait3A_247 = arith.constant 0 : i32
        %dma_wait3A_248 = tpu.memref_slice %arg7[%dma_wait3A, %dma_wait3A_247] : memref<157x128xi32, #tpu.memory_space<vmem>> -> memref<1x128xi32, #tpu.memory_space<vmem>>
        %dma_wait3A_249 = tpu.memref_squeeze %dma_wait3A_248 : memref<1x128xi32, #tpu.memory_space<vmem>> -> memref<128xi32, #tpu.memory_space<vmem>>
        %dma_wait3A_250 = arith.constant 0 : i32
        %dma_wait3A_251 = arith.constant 0 : i32
        %dma_wait3A_252 = tpu.memref_slice %arg16[%dma_wait3A_250, %dma_wait3A_251] : memref<10240x24xf32, #tpu.memory_space<vmem_shared>> -> memref<10240x24xf32, #tpu.memory_space<vmem_shared>>
        tpu.wait_indirect_dma semaphore(%arg28 : memref<!tpu.dma_semaphore, #tpu.memory_space<semaphore_mem>>) src(%arg11 : memref<128x24xf32, #tpu.memory_space<vmem>>) dst(%dma_wait3A_252 : memref<10240x24xf32, #tpu.memory_space<vmem_shared>>)
      } else {
      }
      %add3A_165 = arith.constant 8 : i32
      %add3A_166 = arith.addi %add3A_160, %add3A_165 : i32
      %lt3A_167 = arith.cmpi slt, %add3A_166, %select_n3A_15 : i32
      %convert_element_type3A_168 = arith.extui %lt3A_167 : i1 to i32
      %cond3A_169 = arith.constant 0 : i32
      %cond3A_170 = arith.cmpi ne, %convert_element_type3A_168, %cond3A_169 : i32
      scf.if %cond3A_170 {
        %add3A_247 = arith.addi %sub3A, %add3A_166 : i32
        %dma_start3A_248 = arith.constant 0 : i32
        %dma_start3A_249 = tpu.memref_slice %arg6[%add3A_247, %dma_start3A_248] : memref<157x128xi32, #tpu.memory_space<vmem>> -> memref<1x128xi32, #tpu.memory_space<vmem>>
        %dma_start3A_250 = tpu.memref_squeeze %dma_start3A_249 : memref<1x128xi32, #tpu.memory_space<vmem>> -> memref<128xi32, #tpu.memory_space<vmem>>
        %dma_start3A_251 = arith.constant 0 : i32
        %dma_start3A_252 = arith.constant 0 : i32
        %dma_start3A_253 = tpu.memref_slice %arg2[%dma_start3A_251, %dma_start3A_252] : memref<10000x24xf32, #tpu.memory_space<hbm>> -> memref<10000x24xf32, #tpu.memory_space<hbm>>
        tpu.enqueue_indirect_dma source(%dma_start3A_253 : memref<10000x24xf32, #tpu.memory_space<hbm>>) target(%arg11 : memref<128x24xf32, #tpu.memory_space<vmem>>) offsets(%dma_start3A_250 : memref<128xi32, #tpu.memory_space<vmem>>) semaphore(%arg20 : memref<!tpu.dma_semaphore, #tpu.memory_space<semaphore_mem>>)
      } else {
      }
      %mul3A_171 = arith.constant 8 : i32
      %mul3A_172 = arith.muli %scan3A_96, %mul3A_171 : i32
      %add3A_173 = arith.constant 4 : i32
      %add3A_174 = arith.addi %mul3A_172, %add3A_173 : i32
      %add3A_175 = arith.constant 0 : i32
      %add3A_176 = arith.addi %add3A_174, %add3A_175 : i32
      %lt3A_177 = arith.cmpi slt, %add3A_176, %select_n3A_15 : i32
      %convert_element_type3A_178 = arith.extui %lt3A_177 : i1 to i32
      %cond3A_179 = arith.constant 0 : i32
      %cond3A_180 = arith.cmpi ne, %convert_element_type3A_178, %cond3A_179 : i32
      scf.if %cond3A_180 {
        %dma_wait3A = arith.constant 0 : i32
        %dma_wait3A_247 = arith.constant 0 : i32
        %dma_wait3A_248 = tpu.memref_slice %arg6[%dma_wait3A, %dma_wait3A_247] : memref<157x128xi32, #tpu.memory_space<vmem>> -> memref<1x128xi32, #tpu.memory_space<vmem>>
        %dma_wait3A_249 = tpu.memref_squeeze %dma_wait3A_248 : memref<1x128xi32, #tpu.memory_space<vmem>> -> memref<128xi32, #tpu.memory_space<vmem>>
        %dma_wait3A_250 = arith.constant 0 : i32
        %dma_wait3A_251 = arith.constant 0 : i32
        %dma_wait3A_252 = tpu.memref_slice %arg2[%dma_wait3A_250, %dma_wait3A_251] : memref<10000x24xf32, #tpu.memory_space<hbm>> -> memref<10000x24xf32, #tpu.memory_space<hbm>>
        tpu.wait_indirect_dma semaphore(%arg21 : memref<!tpu.dma_semaphore, #tpu.memory_space<semaphore_mem>>) src(%dma_wait3A_252 : memref<10000x24xf32, #tpu.memory_space<hbm>>) dst(%arg12 : memref<128x24xf32, #tpu.memory_space<vmem>>)
        %add3A_253 = arith.addi %sub3A, %add3A_176 : i32
        %dma_start3A_254 = arith.constant 0 : i32
        %dma_start3A_255 = tpu.memref_slice %arg7[%add3A_253, %dma_start3A_254] : memref<157x128xi32, #tpu.memory_space<vmem>> -> memref<1x128xi32, #tpu.memory_space<vmem>>
        %dma_start3A_256 = tpu.memref_squeeze %dma_start3A_255 : memref<1x128xi32, #tpu.memory_space<vmem>> -> memref<128xi32, #tpu.memory_space<vmem>>
        %dma_start3A_257 = arith.constant 0 : i32
        %dma_start3A_258 = arith.constant 0 : i32
        %dma_start3A_259 = tpu.memref_slice %arg16[%dma_start3A_257, %dma_start3A_258] : memref<10240x24xf32, #tpu.memory_space<vmem_shared>> -> memref<10240x24xf32, #tpu.memory_space<vmem_shared>>
        tpu.enqueue_indirect_dma source(%arg12 : memref<128x24xf32, #tpu.memory_space<vmem>>) target(%dma_start3A_259 : memref<10240x24xf32, #tpu.memory_space<vmem_shared>>) offsets(%dma_start3A_256 : memref<128xi32, #tpu.memory_space<vmem>>) semaphore(%arg29 : memref<!tpu.dma_semaphore, #tpu.memory_space<semaphore_mem>>) {add = true}
      } else {
      }
      %add3A_181 = arith.constant 1 : i32
      %add3A_182 = arith.addi %add3A_174, %add3A_181 : i32
      %lt3A_183 = arith.cmpi slt, %add3A_182, %select_n3A_15 : i32
      %convert_element_type3A_184 = arith.extui %lt3A_183 : i1 to i32
      %cond3A_185 = arith.constant 0 : i32
      %cond3A_186 = arith.cmpi ne, %convert_element_type3A_184, %cond3A_185 : i32
      scf.if %cond3A_186 {
        %dma_wait3A = arith.constant 0 : i32
        %dma_wait3A_247 = arith.constant 0 : i32
        %dma_wait3A_248 = tpu.memref_slice %arg6[%dma_wait3A, %dma_wait3A_247] : memref<157x128xi32, #tpu.memory_space<vmem>> -> memref<1x128xi32, #tpu.memory_space<vmem>>
        %dma_wait3A_249 = tpu.memref_squeeze %dma_wait3A_248 : memref<1x128xi32, #tpu.memory_space<vmem>> -> memref<128xi32, #tpu.memory_space<vmem>>
        %dma_wait3A_250 = arith.constant 0 : i32
        %dma_wait3A_251 = arith.constant 0 : i32
        %dma_wait3A_252 = tpu.memref_slice %arg2[%dma_wait3A_250, %dma_wait3A_251] : memref<10000x24xf32, #tpu.memory_space<hbm>> -> memref<10000x24xf32, #tpu.memory_space<hbm>>
        tpu.wait_indirect_dma semaphore(%arg22 : memref<!tpu.dma_semaphore, #tpu.memory_space<semaphore_mem>>) src(%dma_wait3A_252 : memref<10000x24xf32, #tpu.memory_space<hbm>>) dst(%arg13 : memref<128x24xf32, #tpu.memory_space<vmem>>)
        %add3A_253 = arith.addi %sub3A, %add3A_182 : i32
        %dma_start3A_254 = arith.constant 0 : i32
        %dma_start3A_255 = tpu.memref_slice %arg7[%add3A_253, %dma_start3A_254] : memref<157x128xi32, #tpu.memory_space<vmem>> -> memref<1x128xi32, #tpu.memory_space<vmem>>
        %dma_start3A_256 = tpu.memref_squeeze %dma_start3A_255 : memref<1x128xi32, #tpu.memory_space<vmem>> -> memref<128xi32, #tpu.memory_space<vmem>>
        %dma_start3A_257 = arith.constant 0 : i32
        %dma_start3A_258 = arith.constant 0 : i32
        %dma_start3A_259 = tpu.memref_slice %arg16[%dma_start3A_257, %dma_start3A_258] : memref<10240x24xf32, #tpu.memory_space<vmem_shared>> -> memref<10240x24xf32, #tpu.memory_space<vmem_shared>>
        tpu.enqueue_indirect_dma source(%arg13 : memref<128x24xf32, #tpu.memory_space<vmem>>) target(%dma_start3A_259 : memref<10240x24xf32, #tpu.memory_space<vmem_shared>>) offsets(%dma_start3A_256 : memref<128xi32, #tpu.memory_space<vmem>>) semaphore(%arg30 : memref<!tpu.dma_semaphore, #tpu.memory_space<semaphore_mem>>) {add = true}
      } else {
      }
      %add3A_187 = arith.constant 2 : i32
      %add3A_188 = arith.addi %add3A_174, %add3A_187 : i32
      %lt3A_189 = arith.cmpi slt, %add3A_188, %select_n3A_15 : i32
      %convert_element_type3A_190 = arith.extui %lt3A_189 : i1 to i32
      %cond3A_191 = arith.constant 0 : i32
      %cond3A_192 = arith.cmpi ne, %convert_element_type3A_190, %cond3A_191 : i32
      scf.if %cond3A_192 {
        %dma_wait3A = arith.constant 0 : i32
        %dma_wait3A_247 = arith.constant 0 : i32
        %dma_wait3A_248 = tpu.memref_slice %arg6[%dma_wait3A, %dma_wait3A_247] : memref<157x128xi32, #tpu.memory_space<vmem>> -> memref<1x128xi32, #tpu.memory_space<vmem>>
        %dma_wait3A_249 = tpu.memref_squeeze %dma_wait3A_248 : memref<1x128xi32, #tpu.memory_space<vmem>> -> memref<128xi32, #tpu.memory_space<vmem>>
        %dma_wait3A_250 = arith.constant 0 : i32
        %dma_wait3A_251 = arith.constant 0 : i32
        %dma_wait3A_252 = tpu.memref_slice %arg2[%dma_wait3A_250, %dma_wait3A_251] : memref<10000x24xf32, #tpu.memory_space<hbm>> -> memref<10000x24xf32, #tpu.memory_space<hbm>>
        tpu.wait_indirect_dma semaphore(%arg23 : memref<!tpu.dma_semaphore, #tpu.memory_space<semaphore_mem>>) src(%dma_wait3A_252 : memref<10000x24xf32, #tpu.memory_space<hbm>>) dst(%arg14 : memref<128x24xf32, #tpu.memory_space<vmem>>)
        %add3A_253 = arith.addi %sub3A, %add3A_188 : i32
        %dma_start3A_254 = arith.constant 0 : i32
        %dma_start3A_255 = tpu.memref_slice %arg7[%add3A_253, %dma_start3A_254] : memref<157x128xi32, #tpu.memory_space<vmem>> -> memref<1x128xi32, #tpu.memory_space<vmem>>
        %dma_start3A_256 = tpu.memref_squeeze %dma_start3A_255 : memref<1x128xi32, #tpu.memory_space<vmem>> -> memref<128xi32, #tpu.memory_space<vmem>>
        %dma_start3A_257 = arith.constant 0 : i32
        %dma_start3A_258 = arith.constant 0 : i32
        %dma_start3A_259 = tpu.memref_slice %arg16[%dma_start3A_257, %dma_start3A_258] : memref<10240x24xf32, #tpu.memory_space<vmem_shared>> -> memref<10240x24xf32, #tpu.memory_space<vmem_shared>>
        tpu.enqueue_indirect_dma source(%arg14 : memref<128x24xf32, #tpu.memory_space<vmem>>) target(%dma_start3A_259 : memref<10240x24xf32, #tpu.memory_space<vmem_shared>>) offsets(%dma_start3A_256 : memref<128xi32, #tpu.memory_space<vmem>>) semaphore(%arg31 : memref<!tpu.dma_semaphore, #tpu.memory_space<semaphore_mem>>) {add = true}
      } else {
      }
      %add3A_193 = arith.constant 3 : i32
      %add3A_194 = arith.addi %add3A_174, %add3A_193 : i32
      %lt3A_195 = arith.cmpi slt, %add3A_194, %select_n3A_15 : i32
      %convert_element_type3A_196 = arith.extui %lt3A_195 : i1 to i32
      %cond3A_197 = arith.constant 0 : i32
      %cond3A_198 = arith.cmpi ne, %convert_element_type3A_196, %cond3A_197 : i32
      scf.if %cond3A_198 {
        %dma_wait3A = arith.constant 0 : i32
        %dma_wait3A_247 = arith.constant 0 : i32
        %dma_wait3A_248 = tpu.memref_slice %arg6[%dma_wait3A, %dma_wait3A_247] : memref<157x128xi32, #tpu.memory_space<vmem>> -> memref<1x128xi32, #tpu.memory_space<vmem>>
        %dma_wait3A_249 = tpu.memref_squeeze %dma_wait3A_248 : memref<1x128xi32, #tpu.memory_space<vmem>> -> memref<128xi32, #tpu.memory_space<vmem>>
        %dma_wait3A_250 = arith.constant 0 : i32
        %dma_wait3A_251 = arith.constant 0 : i32
        %dma_wait3A_252 = tpu.memref_slice %arg2[%dma_wait3A_250, %dma_wait3A_251] : memref<10000x24xf32, #tpu.memory_space<hbm>> -> memref<10000x24xf32, #tpu.memory_space<hbm>>
        tpu.wait_indirect_dma semaphore(%arg24 : memref<!tpu.dma_semaphore, #tpu.memory_space<semaphore_mem>>) src(%dma_wait3A_252 : memref<10000x24xf32, #tpu.memory_space<hbm>>) dst(%arg15 : memref<128x24xf32, #tpu.memory_space<vmem>>)
        %add3A_253 = arith.addi %sub3A, %add3A_194 : i32
        %dma_start3A_254 = arith.constant 0 : i32
        %dma_start3A_255 = tpu.memref_slice %arg7[%add3A_253, %dma_start3A_254] : memref<157x128xi32, #tpu.memory_space<vmem>> -> memref<1x128xi32, #tpu.memory_space<vmem>>
        %dma_start3A_256 = tpu.memref_squeeze %dma_start3A_255 : memref<1x128xi32, #tpu.memory_space<vmem>> -> memref<128xi32, #tpu.memory_space<vmem>>
        %dma_start3A_257 = arith.constant 0 : i32
        %dma_start3A_258 = arith.constant 0 : i32
        %dma_start3A_259 = tpu.memref_slice %arg16[%dma_start3A_257, %dma_start3A_258] : memref<10240x24xf32, #tpu.memory_space<vmem_shared>> -> memref<10240x24xf32, #tpu.memory_space<vmem_shared>>
        tpu.enqueue_indirect_dma source(%arg15 : memref<128x24xf32, #tpu.memory_space<vmem>>) target(%dma_start3A_259 : memref<10240x24xf32, #tpu.memory_space<vmem_shared>>) offsets(%dma_start3A_256 : memref<128xi32, #tpu.memory_space<vmem>>) semaphore(%arg32 : memref<!tpu.dma_semaphore, #tpu.memory_space<semaphore_mem>>) {add = true}
      } else {
      }
      %add3A_199 = arith.constant 0 : i32
      %add3A_200 = arith.addi %add3A_174, %add3A_199 : i32
      %lt3A_201 = arith.cmpi slt, %add3A_200, %select_n3A_15 : i32
      %convert_element_type3A_202 = arith.extui %lt3A_201 : i1 to i32
      %cond3A_203 = arith.constant 0 : i32
      %cond3A_204 = arith.cmpi ne, %convert_element_type3A_202, %cond3A_203 : i32
      scf.if %cond3A_204 {
        %dma_wait3A = arith.constant 0 : i32
        %dma_wait3A_247 = arith.constant 0 : i32
        %dma_wait3A_248 = tpu.memref_slice %arg7[%dma_wait3A, %dma_wait3A_247] : memref<157x128xi32, #tpu.memory_space<vmem>> -> memref<1x128xi32, #tpu.memory_space<vmem>>
        %dma_wait3A_249 = tpu.memref_squeeze %dma_wait3A_248 : memref<1x128xi32, #tpu.memory_space<vmem>> -> memref<128xi32, #tpu.memory_space<vmem>>
        %dma_wait3A_250 = arith.constant 0 : i32
        %dma_wait3A_251 = arith.constant 0 : i32
        %dma_wait3A_252 = tpu.memref_slice %arg16[%dma_wait3A_250, %dma_wait3A_251] : memref<10240x24xf32, #tpu.memory_space<vmem_shared>> -> memref<10240x24xf32, #tpu.memory_space<vmem_shared>>
        tpu.wait_indirect_dma semaphore(%arg29 : memref<!tpu.dma_semaphore, #tpu.memory_space<semaphore_mem>>) src(%arg12 : memref<128x24xf32, #tpu.memory_space<vmem>>) dst(%dma_wait3A_252 : memref<10240x24xf32, #tpu.memory_space<vmem_shared>>)
      } else {
      }
      %add3A_205 = arith.constant 8 : i32
      %add3A_206 = arith.addi %add3A_200, %add3A_205 : i32
      %lt3A_207 = arith.cmpi slt, %add3A_206, %select_n3A_15 : i32
      %convert_element_type3A_208 = arith.extui %lt3A_207 : i1 to i32
      %cond3A_209 = arith.constant 0 : i32
      %cond3A_210 = arith.cmpi ne, %convert_element_type3A_208, %cond3A_209 : i32
      scf.if %cond3A_210 {
        %add3A_247 = arith.addi %sub3A, %add3A_206 : i32
        %dma_start3A_248 = arith.constant 0 : i32
        %dma_start3A_249 = tpu.memref_slice %arg6[%add3A_247, %dma_start3A_248] : memref<157x128xi32, #tpu.memory_space<vmem>> -> memref<1x128xi32, #tpu.memory_space<vmem>>
        %dma_start3A_250 = tpu.memref_squeeze %dma_start3A_249 : memref<1x128xi32, #tpu.memory_space<vmem>> -> memref<128xi32, #tpu.memory_space<vmem>>
        %dma_start3A_251 = arith.constant 0 : i32
        %dma_start3A_252 = arith.constant 0 : i32
        %dma_start3A_253 = tpu.memref_slice %arg2[%dma_start3A_251, %dma_start3A_252] : memref<10000x24xf32, #tpu.memory_space<hbm>> -> memref<10000x24xf32, #tpu.memory_space<hbm>>
        tpu.enqueue_indirect_dma source(%dma_start3A_253 : memref<10000x24xf32, #tpu.memory_space<hbm>>) target(%arg12 : memref<128x24xf32, #tpu.memory_space<vmem>>) offsets(%dma_start3A_250 : memref<128xi32, #tpu.memory_space<vmem>>) semaphore(%arg21 : memref<!tpu.dma_semaphore, #tpu.memory_space<semaphore_mem>>)
      } else {
      }
      %add3A_211 = arith.constant 1 : i32
      %add3A_212 = arith.addi %add3A_174, %add3A_211 : i32
      %lt3A_213 = arith.cmpi slt, %add3A_212, %select_n3A_15 : i32
      %convert_element_type3A_214 = arith.extui %lt3A_213 : i1 to i32
      %cond3A_215 = arith.constant 0 : i32
      %cond3A_216 = arith.cmpi ne, %convert_element_type3A_214, %cond3A_215 : i32
      scf.if %cond3A_216 {
        %dma_wait3A = arith.constant 0 : i32
        %dma_wait3A_247 = arith.constant 0 : i32
        %dma_wait3A_248 = tpu.memref_slice %arg7[%dma_wait3A, %dma_wait3A_247] : memref<157x128xi32, #tpu.memory_space<vmem>> -> memref<1x128xi32, #tpu.memory_space<vmem>>
        %dma_wait3A_249 = tpu.memref_squeeze %dma_wait3A_248 : memref<1x128xi32, #tpu.memory_space<vmem>> -> memref<128xi32, #tpu.memory_space<vmem>>
        %dma_wait3A_250 = arith.constant 0 : i32
        %dma_wait3A_251 = arith.constant 0 : i32
        %dma_wait3A_252 = tpu.memref_slice %arg16[%dma_wait3A_250, %dma_wait3A_251] : memref<10240x24xf32, #tpu.memory_space<vmem_shared>> -> memref<10240x24xf32, #tpu.memory_space<vmem_shared>>
        tpu.wait_indirect_dma semaphore(%arg30 : memref<!tpu.dma_semaphore, #tpu.memory_space<semaphore_mem>>) src(%arg13 : memref<128x24xf32, #tpu.memory_space<vmem>>) dst(%dma_wait3A_252 : memref<10240x24xf32, #tpu.memory_space<vmem_shared>>)
      } else {
      }
      %add3A_217 = arith.constant 8 : i32
      %add3A_218 = arith.addi %add3A_212, %add3A_217 : i32
      %lt3A_219 = arith.cmpi slt, %add3A_218, %select_n3A_15 : i32
      %convert_element_type3A_220 = arith.extui %lt3A_219 : i1 to i32
      %cond3A_221 = arith.constant 0 : i32
      %cond3A_222 = arith.cmpi ne, %convert_element_type3A_220, %cond3A_221 : i32
      scf.if %cond3A_222 {
        %add3A_247 = arith.addi %sub3A, %add3A_218 : i32
        %dma_start3A_248 = arith.constant 0 : i32
        %dma_start3A_249 = tpu.memref_slice %arg6[%add3A_247, %dma_start3A_248] : memref<157x128xi32, #tpu.memory_space<vmem>> -> memref<1x128xi32, #tpu.memory_space<vmem>>
        %dma_start3A_250 = tpu.memref_squeeze %dma_start3A_249 : memref<1x128xi32, #tpu.memory_space<vmem>> -> memref<128xi32, #tpu.memory_space<vmem>>
        %dma_start3A_251 = arith.constant 0 : i32
        %dma_start3A_252 = arith.constant 0 : i32
        %dma_start3A_253 = tpu.memref_slice %arg2[%dma_start3A_251, %dma_start3A_252] : memref<10000x24xf32, #tpu.memory_space<hbm>> -> memref<10000x24xf32, #tpu.memory_space<hbm>>
        tpu.enqueue_indirect_dma source(%dma_start3A_253 : memref<10000x24xf32, #tpu.memory_space<hbm>>) target(%arg13 : memref<128x24xf32, #tpu.memory_space<vmem>>) offsets(%dma_start3A_250 : memref<128xi32, #tpu.memory_space<vmem>>) semaphore(%arg22 : memref<!tpu.dma_semaphore, #tpu.memory_space<semaphore_mem>>)
      } else {
      }
      %add3A_223 = arith.constant 2 : i32
      %add3A_224 = arith.addi %add3A_174, %add3A_223 : i32
      %lt3A_225 = arith.cmpi slt, %add3A_224, %select_n3A_15 : i32
      %convert_element_type3A_226 = arith.extui %lt3A_225 : i1 to i32
      %cond3A_227 = arith.constant 0 : i32
      %cond3A_228 = arith.cmpi ne, %convert_element_type3A_226, %cond3A_227 : i32
      scf.if %cond3A_228 {
        %dma_wait3A = arith.constant 0 : i32
        %dma_wait3A_247 = arith.constant 0 : i32
        %dma_wait3A_248 = tpu.memref_slice %arg7[%dma_wait3A, %dma_wait3A_247] : memref<157x128xi32, #tpu.memory_space<vmem>> -> memref<1x128xi32, #tpu.memory_space<vmem>>
        %dma_wait3A_249 = tpu.memref_squeeze %dma_wait3A_248 : memref<1x128xi32, #tpu.memory_space<vmem>> -> memref<128xi32, #tpu.memory_space<vmem>>
        %dma_wait3A_250 = arith.constant 0 : i32
        %dma_wait3A_251 = arith.constant 0 : i32
        %dma_wait3A_252 = tpu.memref_slice %arg16[%dma_wait3A_250, %dma_wait3A_251] : memref<10240x24xf32, #tpu.memory_space<vmem_shared>> -> memref<10240x24xf32, #tpu.memory_space<vmem_shared>>
        tpu.wait_indirect_dma semaphore(%arg31 : memref<!tpu.dma_semaphore, #tpu.memory_space<semaphore_mem>>) src(%arg14 : memref<128x24xf32, #tpu.memory_space<vmem>>) dst(%dma_wait3A_252 : memref<10240x24xf32, #tpu.memory_space<vmem_shared>>)
      } else {
      }
      %add3A_229 = arith.constant 8 : i32
      %add3A_230 = arith.addi %add3A_224, %add3A_229 : i32
      %lt3A_231 = arith.cmpi slt, %add3A_230, %select_n3A_15 : i32
      %convert_element_type3A_232 = arith.extui %lt3A_231 : i1 to i32
      %cond3A_233 = arith.constant 0 : i32
      %cond3A_234 = arith.cmpi ne, %convert_element_type3A_232, %cond3A_233 : i32
      scf.if %cond3A_234 {
        %add3A_247 = arith.addi %sub3A, %add3A_230 : i32
        %dma_start3A_248 = arith.constant 0 : i32
        %dma_start3A_249 = tpu.memref_slice %arg6[%add3A_247, %dma_start3A_248] : memref<157x128xi32, #tpu.memory_space<vmem>> -> memref<1x128xi32, #tpu.memory_space<vmem>>
        %dma_start3A_250 = tpu.memref_squeeze %dma_start3A_249 : memref<1x128xi32, #tpu.memory_space<vmem>> -> memref<128xi32, #tpu.memory_space<vmem>>
        %dma_start3A_251 = arith.constant 0 : i32
        %dma_start3A_252 = arith.constant 0 : i32
        %dma_start3A_253 = tpu.memref_slice %arg2[%dma_start3A_251, %dma_start3A_252] : memref<10000x24xf32, #tpu.memory_space<hbm>> -> memref<10000x24xf32, #tpu.memory_space<hbm>>
        tpu.enqueue_indirect_dma source(%dma_start3A_253 : memref<10000x24xf32, #tpu.memory_space<hbm>>) target(%arg14 : memref<128x24xf32, #tpu.memory_space<vmem>>) offsets(%dma_start3A_250 : memref<128xi32, #tpu.memory_space<vmem>>) semaphore(%arg23 : memref<!tpu.dma_semaphore, #tpu.memory_space<semaphore_mem>>)
      } else {
      }
      %add3A_235 = arith.constant 3 : i32
      %add3A_236 = arith.addi %add3A_174, %add3A_235 : i32
      %lt3A_237 = arith.cmpi slt, %add3A_236, %select_n3A_15 : i32
      %convert_element_type3A_238 = arith.extui %lt3A_237 : i1 to i32
      %cond3A_239 = arith.constant 0 : i32
      %cond3A_240 = arith.cmpi ne, %convert_element_type3A_238, %cond3A_239 : i32
      scf.if %cond3A_240 {
        %dma_wait3A = arith.constant 0 : i32
        %dma_wait3A_247 = arith.constant 0 : i32
        %dma_wait3A_248 = tpu.memref_slice %arg7[%dma_wait3A, %dma_wait3A_247] : memref<157x128xi32, #tpu.memory_space<vmem>> -> memref<1x128xi32, #tpu.memory_space<vmem>>
        %dma_wait3A_249 = tpu.memref_squeeze %dma_wait3A_248 : memref<1x128xi32, #tpu.memory_space<vmem>> -> memref<128xi32, #tpu.memory_space<vmem>>
        %dma_wait3A_250 = arith.constant 0 : i32
        %dma_wait3A_251 = arith.constant 0 : i32
        %dma_wait3A_252 = tpu.memref_slice %arg16[%dma_wait3A_250, %dma_wait3A_251] : memref<10240x24xf32, #tpu.memory_space<vmem_shared>> -> memref<10240x24xf32, #tpu.memory_space<vmem_shared>>
        tpu.wait_indirect_dma semaphore(%arg32 : memref<!tpu.dma_semaphore, #tpu.memory_space<semaphore_mem>>) src(%arg15 : memref<128x24xf32, #tpu.memory_space<vmem>>) dst(%dma_wait3A_252 : memref<10240x24xf32, #tpu.memory_space<vmem_shared>>)
      } else {
      }
      %add3A_241 = arith.constant 8 : i32
      %add3A_242 = arith.addi %add3A_236, %add3A_241 : i32
      %lt3A_243 = arith.cmpi slt, %add3A_242, %select_n3A_15 : i32
      %convert_element_type3A_244 = arith.extui %lt3A_243 : i1 to i32
      %cond3A_245 = arith.constant 0 : i32
      %cond3A_246 = arith.cmpi ne, %convert_element_type3A_244, %cond3A_245 : i32
      scf.if %cond3A_246 {
        %add3A_247 = arith.addi %sub3A, %add3A_242 : i32
        %dma_start3A_248 = arith.constant 0 : i32
        %dma_start3A_249 = tpu.memref_slice %arg6[%add3A_247, %dma_start3A_248] : memref<157x128xi32, #tpu.memory_space<vmem>> -> memref<1x128xi32, #tpu.memory_space<vmem>>
        %dma_start3A_250 = tpu.memref_squeeze %dma_start3A_249 : memref<1x128xi32, #tpu.memory_space<vmem>> -> memref<128xi32, #tpu.memory_space<vmem>>
        %dma_start3A_251 = arith.constant 0 : i32
        %dma_start3A_252 = arith.constant 0 : i32
        %dma_start3A_253 = tpu.memref_slice %arg2[%dma_start3A_251, %dma_start3A_252] : memref<10000x24xf32, #tpu.memory_space<hbm>> -> memref<10000x24xf32, #tpu.memory_space<hbm>>
        tpu.enqueue_indirect_dma source(%dma_start3A_253 : memref<10000x24xf32, #tpu.memory_space<hbm>>) target(%arg15 : memref<128x24xf32, #tpu.memory_space<vmem>>) offsets(%dma_start3A_250 : memref<128xi32, #tpu.memory_space<vmem>>) semaphore(%arg24 : memref<!tpu.dma_semaphore, #tpu.memory_space<semaphore_mem>>)
      } else {
      }
    }
    %scan3A_90 = arith.constant 20 : i32
    %barrier3A_91 = arith.constant 0 : index
    tpu.barrier barrier_id(%barrier3A_91)
    %mul3A_92 = arith.constant 640 : i32
    %mul3A_93 = arith.muli %arg1, %mul3A_92 : i32
    %mul3A_94 = arith.constant 640 : i32
    %mul3A_95 = arith.muli %arg1, %mul3A_94 : i32
    "tpu.region"() ({
      %run_scoped3A_96 = tpu.sem_alloc : memref<!tpu.dma_semaphore, #tpu.memory_space<semaphore_mem>>
      %dma_start3A_97 = arith.constant 0 : i32
      %dma_start3A_98 = tpu.memref_slice %arg5[%arg0, %mul3A_95, %dma_start3A_97] : memref<1x10240x24xf32, #tpu.memory_space<hbm>> -> memref<1x640x24xf32, #tpu.memory_space<hbm>>
      %dma_start3A_99 = tpu.memref_squeeze %dma_start3A_98 : memref<1x640x24xf32, #tpu.memory_space<hbm>> -> memref<640x24xf32, #tpu.memory_space<hbm>>
      %dma_start3A_100 = arith.constant 0 : i32
      %dma_start3A_101 = tpu.memref_slice %arg16[%mul3A_93, %dma_start3A_100] : memref<10240x24xf32, #tpu.memory_space<vmem_shared>> -> memref<640x24xf32, #tpu.memory_space<vmem_shared>>
      tpu.enqueue_dma source(%dma_start3A_101 : memref<640x24xf32, #tpu.memory_space<vmem_shared>>) target(%dma_start3A_99 : memref<640x24xf32, #tpu.memory_space<hbm>>) target_semaphore(%run_scoped3A_96 : memref<!tpu.dma_semaphore, #tpu.memory_space<semaphore_mem>>)
      %dma_wait3A = arith.constant 0 : i32
      %dma_wait3A_102 = tpu.memref_slice %arg5[%arg0, %mul3A_95, %dma_wait3A] : memref<1x10240x24xf32, #tpu.memory_space<hbm>> -> memref<1x640x24xf32, #tpu.memory_space<hbm>>
      %dma_wait3A_103 = tpu.memref_squeeze %dma_wait3A_102 : memref<1x640x24xf32, #tpu.memory_space<hbm>> -> memref<640x24xf32, #tpu.memory_space<hbm>>
      %dma_wait3A_104 = arith.constant 0 : i32
      %dma_wait3A_105 = tpu.memref_slice %arg16[%mul3A_93, %dma_wait3A_104] : memref<10240x24xf32, #tpu.memory_space<vmem_shared>> -> memref<640x24xf32, #tpu.memory_space<vmem_shared>>
      tpu.wait_dma2 semaphore(%run_scoped3A_96 : memref<!tpu.dma_semaphore, #tpu.memory_space<semaphore_mem>>) src(%dma_wait3A_105 : memref<640x24xf32, #tpu.memory_space<vmem_shared>>) dst(%dma_wait3A_103 : memref<640x24xf32, #tpu.memory_space<hbm>>)
      tpu.yield
    }) : () -> ()
    return
  }
}

module attributes {stable_mosaic.version = 14 : i64} {
  func.func @_first_layer_body(%arg0: i32, %arg1: memref<5000x128xf32, #tpu.memory_space<vmem>>, %arg2: memref<128x24xf32, #tpu.memory_space<vmem>>, %arg3: memref<1x5000x1xf32, #tpu.memory_space<vmem>>, %arg4: memref<5000x24xf32, #tpu.memory_space<vmem>>, %arg5: memref<5000x1xf32, #tpu.memory_space<vmem>>) attributes {dimension_semantics = [#tpu.dimension_semantics<arbitrary>], iteration_bounds = array<i64: 2>, scalar_prefetch = 0 : i64, scratch_operands = 0 : i64, tpu.core_type = #tpu.core_type<tc>, window_params = [{transform_indices = @transform_0, window_bounds = array<i64: 5000, 128>}, {pipeline_mode = #tpu.pipeline_mode<synchronous>, transform_indices = @transform_1, window_bounds = array<i64: 128, 24>}, {transform_indices = @transform_2, window_bounds = array<i64: 1, 5000, 1>}, {transform_indices = @transform_3, window_bounds = array<i64: 5000, 24>}, {transform_indices = @transform_4, window_bounds = array<i64: 5000, 1>}]} {
    %get3A = arith.constant 0 : index
    %get3A_0 = arith.constant 0 : index
    %get3A_1 = arith.constant 0 : index
    %get3A_2 = vector.load %arg3[%get3A, %get3A_0, %get3A_1] : memref<1x5000x1xf32, #tpu.memory_space<vmem>>, vector<1x5000x1xf32>
    %get3A_3 = vector.shape_cast %get3A_2 : vector<1x5000x1xf32> to vector<5000x1xf32>
    %add3A = arith.constant 1.000000e+00 : f32
    %add3A_4 = vector.broadcast %add3A : f32 to vector<5000x1xf32>
    %add3A_5 = arith.addf %add3A_4, %get3A_3 : vector<5000x1xf32>
    %rsqrt3A = math.rsqrt %add3A_5 : vector<5000x1xf32>
    %swap3A = arith.constant 0 : index
    %swap3A_6 = arith.constant 0 : index
    %swap3A_7 = vector.load %arg5[%swap3A, %swap3A_6] : memref<5000x1xf32, #tpu.memory_space<vmem>>, vector<5000x1xf32>
    tpu.vector_store %arg5[%swap3A, %swap3A_6], %rsqrt3A {strides = array<i32>} : memref<5000x1xf32, #tpu.memory_space<vmem>>, vector<5000x1xf32>,
    %get3A_8 = arith.constant 0 : index
    %get3A_9 = arith.constant 0 : index
    %get3A_10 = vector.load %arg1[%get3A_8, %get3A_9] : memref<5000x128xf32, #tpu.memory_space<vmem>>, vector<5000x128xf32>
    %get3A_11 = arith.constant 0 : index
    %get3A_12 = arith.constant 0 : index
    %get3A_13 = vector.load %arg2[%get3A_11, %get3A_12] : memref<128x24xf32, #tpu.memory_space<vmem>>, vector<128x24xf32>
    %dot_general3A = arith.constant dense<0.000000e+00> : vector<5000x24xf32>
    %dot_general3A_14 = tpu.matmul %get3A_10, %get3A_13, %dot_general3A {dimension_numbers = #tpu.dot_dimension_numbers<[1], [0], [0], [1], [0, 0, 1, 1], [], []>, transpose_lhs_hint = false} : vector<5000x128xf32>, vector<128x24xf32>, vector<5000x24xf32> -> vector<5000x24xf32>
    %mul3A = vector.broadcast %rsqrt3A : vector<5000x1xf32> to vector<5000x24xf32>
    %mul3A_15 = arith.mulf %mul3A, %dot_general3A_14 : vector<5000x24xf32>
    %swap3A_16 = arith.constant 0 : index
    %swap3A_17 = arith.constant 0 : index
    %swap3A_18 = vector.load %arg4[%swap3A_16, %swap3A_17] : memref<5000x24xf32, #tpu.memory_space<vmem>>, vector<5000x24xf32>
    tpu.vector_store %arg4[%swap3A_16, %swap3A_17], %mul3A_15 {strides = array<i32>} : memref<5000x24xf32, #tpu.memory_space<vmem>>, vector<5000x24xf32>,
    return
  }
  func.func @transform_0(%arg0: i32) -> (i32, i32) {
    %c0_i32 = arith.constant 0 : i32
    %c0_i32_0 = arith.constant 0 : i32
    return %arg0, %c0_i32 : i32, i32
  }
  func.func @transform_1(%arg0: i32) -> (i32, i32) {
    %c0_i32 = arith.constant 0 : i32
    %c0_i32_0 = arith.constant 0 : i32
    %c0_i32_1 = arith.constant 0 : i32
    return %c0_i32, %c0_i32_0 : i32, i32
  }
  func.func @transform_2(%arg0: i32) -> (i32, i32, i32) {
    %c0_i32 = arith.constant 0 : i32
    %c0_i32_0 = arith.constant 0 : i32
    %c0_i32_1 = arith.constant 0 : i32
    return %c0_i32, %arg0, %c0_i32_0 : i32, i32, i32
  }
  func.func @transform_3(%arg0: i32) -> (i32, i32) {
    %c0_i32 = arith.constant 0 : i32
    %c0_i32_0 = arith.constant 0 : i32
    return %arg0, %c0_i32 : i32, i32
  }
  func.func @transform_4(%arg0: i32) -> (i32, i32) {
    %c0_i32 = arith.constant 0 : i32
    %c0_i32_0 = arith.constant 0 : i32
    return %arg0, %c0_i32 : i32, i32
  }
}

module attributes {stable_mosaic.version = 14 : i64} {
  func.func @_mid_layer_body(%arg0: i32, %arg1: memref<1x5000x24xf32, #tpu.memory_space<vmem>>, %arg2: memref<5000x24xf32, #tpu.memory_space<vmem>>, %arg3: memref<5000x1xf32, #tpu.memory_space<vmem>>, %arg4: memref<1x24xf32, #tpu.memory_space<vmem>>, %arg5: memref<24x24xf32, #tpu.memory_space<vmem>>, %arg6: memref<5000x24xf32, #tpu.memory_space<vmem>>, %arg7: memref<5000x24xf32, #tpu.memory_space<vmem>>) attributes {dimension_semantics = [#tpu.dimension_semantics<arbitrary>], iteration_bounds = array<i64: 2>, scalar_prefetch = 0 : i64, scratch_operands = 0 : i64, tpu.core_type = #tpu.core_type<tc>, window_params = [{transform_indices = @transform_0, window_bounds = array<i64: 1, 5000, 24>}, {transform_indices = @transform_1, window_bounds = array<i64: 5000, 24>}, {transform_indices = @transform_2, window_bounds = array<i64: 5000, 1>}, {pipeline_mode = #tpu.pipeline_mode<synchronous>, transform_indices = @transform_3, window_bounds = array<i64: 1, 24>}, {pipeline_mode = #tpu.pipeline_mode<synchronous>, transform_indices = @transform_4, window_bounds = array<i64: 24, 24>}, {transform_indices = @transform_5, window_bounds = array<i64: 5000, 24>}, {transform_indices = @transform_6, window_bounds = array<i64: 5000, 24>}]} {
    %get3A = arith.constant 0 : index
    %get3A_0 = arith.constant 0 : index
    %get3A_1 = vector.load %arg3[%get3A, %get3A_0] : memref<5000x1xf32, #tpu.memory_space<vmem>>, vector<5000x1xf32>
    %get3A_2 = arith.constant 0 : index
    %get3A_3 = arith.constant 0 : index
    %get3A_4 = vector.load %arg2[%get3A_2, %get3A_3] : memref<5000x24xf32, #tpu.memory_space<vmem>>, vector<5000x24xf32>
    %get3A_5 = arith.constant 0 : index
    %get3A_6 = arith.constant 0 : index
    %get3A_7 = arith.constant 0 : index
    %get3A_8 = vector.load %arg1[%get3A_5, %get3A_6, %get3A_7] : memref<1x5000x24xf32, #tpu.memory_space<vmem>>, vector<1x5000x24xf32>
    %get3A_9 = vector.shape_cast %get3A_8 : vector<1x5000x24xf32> to vector<5000x24xf32>
    %add3A = arith.addf %get3A_4, %get3A_9 : vector<5000x24xf32>
    %mul3A = vector.broadcast %get3A_1 : vector<5000x1xf32> to vector<5000x24xf32>
    %mul3A_10 = arith.mulf %mul3A, %add3A : vector<5000x24xf32>
    %get3A_11 = arith.constant 0 : index
    %get3A_12 = arith.constant 0 : index
    %get3A_13 = vector.load %arg4[%get3A_11, %get3A_12] : memref<1x24xf32, #tpu.memory_space<vmem>>, vector<1x24xf32>
    %add3A_14 = vector.broadcast %get3A_13 : vector<1x24xf32> to vector<5000x24xf32>
    %add3A_15 = arith.addf %mul3A_10, %add3A_14 : vector<5000x24xf32>
    %max3A = arith.constant 0.000000e+00 : f32
    %max3A_16 = vector.broadcast %max3A : f32 to vector<5000x24xf32>
    %max3A_17 = arith.maximumf %add3A_15, %max3A_16 : vector<5000x24xf32>
    %swap3A = arith.constant 0 : index
    %swap3A_18 = arith.constant 0 : index
    %swap3A_19 = vector.load %arg6[%swap3A, %swap3A_18] : memref<5000x24xf32, #tpu.memory_space<vmem>>, vector<5000x24xf32>
    tpu.vector_store %arg6[%swap3A, %swap3A_18], %max3A_17 {strides = array<i32>} : memref<5000x24xf32, #tpu.memory_space<vmem>>, vector<5000x24xf32>,
    %get3A_20 = arith.constant 0 : index
    %get3A_21 = arith.constant 0 : index
    %get3A_22 = vector.load %arg5[%get3A_20, %get3A_21] : memref<24x24xf32, #tpu.memory_space<vmem>>, vector<24x24xf32>
    %dot_general3A = arith.constant dense<0.000000e+00> : vector<5000x24xf32>
    %dot_general3A_23 = tpu.matmul %max3A_17, %get3A_22, %dot_general3A {dimension_numbers = #tpu.dot_dimension_numbers<[1], [0], [0], [1], [0, 0, 1, 1], [], []>, transpose_lhs_hint = false} : vector<5000x24xf32>, vector<24x24xf32>, vector<5000x24xf32> -> vector<5000x24xf32>
    %mul3A_24 = vector.broadcast %get3A_1 : vector<5000x1xf32> to vector<5000x24xf32>
    %mul3A_25 = arith.mulf %mul3A_24, %dot_general3A_23 : vector<5000x24xf32>
    %swap3A_26 = arith.constant 0 : index
    %swap3A_27 = arith.constant 0 : index
    %swap3A_28 = vector.load %arg7[%swap3A_26, %swap3A_27] : memref<5000x24xf32, #tpu.memory_space<vmem>>, vector<5000x24xf32>
    tpu.vector_store %arg7[%swap3A_26, %swap3A_27], %mul3A_25 {strides = array<i32>} : memref<5000x24xf32, #tpu.memory_space<vmem>>, vector<5000x24xf32>,
    return
  }
  func.func @transform_0(%arg0: i32) -> (i32, i32, i32) {
    %c0_i32 = arith.constant 0 : i32
    %c0_i32_0 = arith.constant 0 : i32
    %c0_i32_1 = arith.constant 0 : i32
    return %c0_i32, %arg0, %c0_i32_0 : i32, i32, i32
  }
  func.func @transform_1(%arg0: i32) -> (i32, i32) {
    %c0_i32 = arith.constant 0 : i32
    %c0_i32_0 = arith.constant 0 : i32
    return %arg0, %c0_i32 : i32, i32
  }
  func.func @transform_2(%arg0: i32) -> (i32, i32) {
    %c0_i32 = arith.constant 0 : i32
    %c0_i32_0 = arith.constant 0 : i32
    return %arg0, %c0_i32 : i32, i32
  }
  func.func @transform_3(%arg0: i32) -> (i32, i32) {
    %c0_i32 = arith.constant 0 : i32
    %c0_i32_0 = arith.constant 0 : i32
    %c0_i32_1 = arith.constant 0 : i32
    return %c0_i32, %c0_i32_0 : i32, i32
  }
  func.func @transform_4(%arg0: i32) -> (i32, i32) {
    %c0_i32 = arith.constant 0 : i32
    %c0_i32_0 = arith.constant 0 : i32
    %c0_i32_1 = arith.constant 0 : i32
    return %c0_i32, %c0_i32_0 : i32, i32
  }
  func.func @transform_5(%arg0: i32) -> (i32, i32) {
    %c0_i32 = arith.constant 0 : i32
    %c0_i32_0 = arith.constant 0 : i32
    return %arg0, %c0_i32 : i32, i32
  }
  func.func @transform_6(%arg0: i32) -> (i32, i32) {
    %c0_i32 = arith.constant 0 : i32
    %c0_i32_0 = arith.constant 0 : i32
    return %arg0, %c0_i32 : i32, i32
  }
}

module attributes {stable_mosaic.version = 14 : i64} {
  func.func @_final_body(%arg0: i32, %arg1: memref<1x5000x24xf32, #tpu.memory_space<vmem>>, %arg2: memref<5000x24xf32, #tpu.memory_space<vmem>>, %arg3: memref<5000x1xf32, #tpu.memory_space<vmem>>, %arg4: memref<1x24xf32, #tpu.memory_space<vmem>>, %arg5: memref<5000x24xf32, #tpu.memory_space<vmem>>, %arg6: memref<5000x24xf32, #tpu.memory_space<vmem>>, %arg7: memref<24x40xf32, #tpu.memory_space<vmem>>, %arg8: memref<24x40xf32, #tpu.memory_space<vmem>>, %arg9: memref<24x40xf32, #tpu.memory_space<vmem>>, %arg10: memref<1x40xf32, #tpu.memory_space<vmem>>, %arg11: memref<5000x40xf32, #tpu.memory_space<vmem>>) attributes {dimension_semantics = [#tpu.dimension_semantics<arbitrary>], iteration_bounds = array<i64: 2>, scalar_prefetch = 0 : i64, scratch_operands = 0 : i64, tpu.core_type = #tpu.core_type<tc>, window_params = [{transform_indices = @transform_0, window_bounds = array<i64: 1, 5000, 24>}, {transform_indices = @transform_1, window_bounds = array<i64: 5000, 24>}, {transform_indices = @transform_2, window_bounds = array<i64: 5000, 1>}, {pipeline_mode = #tpu.pipeline_mode<synchronous>, transform_indices = @transform_3, window_bounds = array<i64: 1, 24>}, {transform_indices = @transform_4, window_bounds = array<i64: 5000, 24>}, {transform_indices = @transform_5, window_bounds = array<i64: 5000, 24>}, {pipeline_mode = #tpu.pipeline_mode<synchronous>, transform_indices = @transform_6, window_bounds = array<i64: 24, 40>}, {pipeline_mode = #tpu.pipeline_mode<synchronous>, transform_indices = @transform_7, window_bounds = array<i64: 24, 40>}, {pipeline_mode = #tpu.pipeline_mode<synchronous>, transform_indices = @transform_8, window_bounds = array<i64: 24, 40>}, {pipeline_mode = #tpu.pipeline_mode<synchronous>, transform_indices = @transform_9, window_bounds = array<i64: 1, 40>}, {transform_indices = @transform_10, window_bounds = array<i64: 5000, 40>}]} {
    %get3A = arith.constant 0 : index
    %get3A_0 = arith.constant 0 : index
    %get3A_1 = vector.load %arg3[%get3A, %get3A_0] : memref<5000x1xf32, #tpu.memory_space<vmem>>, vector<5000x1xf32>
    %get3A_2 = arith.constant 0 : index
    %get3A_3 = arith.constant 0 : index
    %get3A_4 = vector.load %arg2[%get3A_2, %get3A_3] : memref<5000x24xf32, #tpu.memory_space<vmem>>, vector<5000x24xf32>
    %get3A_5 = arith.constant 0 : index
    %get3A_6 = arith.constant 0 : index
    %get3A_7 = arith.constant 0 : index
    %get3A_8 = vector.load %arg1[%get3A_5, %get3A_6, %get3A_7] : memref<1x5000x24xf32, #tpu.memory_space<vmem>>, vector<1x5000x24xf32>
    %get3A_9 = vector.shape_cast %get3A_8 : vector<1x5000x24xf32> to vector<5000x24xf32>
    %add3A = arith.addf %get3A_4, %get3A_9 : vector<5000x24xf32>
    %mul3A = vector.broadcast %get3A_1 : vector<5000x1xf32> to vector<5000x24xf32>
    %mul3A_10 = arith.mulf %mul3A, %add3A : vector<5000x24xf32>
    %get3A_11 = arith.constant 0 : index
    %get3A_12 = arith.constant 0 : index
    %get3A_13 = vector.load %arg4[%get3A_11, %get3A_12] : memref<1x24xf32, #tpu.memory_space<vmem>>, vector<1x24xf32>
    %add3A_14 = vector.broadcast %get3A_13 : vector<1x24xf32> to vector<5000x24xf32>
    %add3A_15 = arith.addf %mul3A_10, %add3A_14 : vector<5000x24xf32>
    %get3A_16 = arith.constant 0 : index
    %get3A_17 = arith.constant 0 : index
    %get3A_18 = vector.load %arg5[%get3A_16, %get3A_17] : memref<5000x24xf32, #tpu.memory_space<vmem>>, vector<5000x24xf32>
    %get3A_19 = arith.constant 0 : index
    %get3A_20 = arith.constant 0 : index
    %get3A_21 = vector.load %arg7[%get3A_19, %get3A_20] : memref<24x40xf32, #tpu.memory_space<vmem>>, vector<24x40xf32>
    %dot_general3A = arith.constant dense<0.000000e+00> : vector<5000x40xf32>
    %dot_general3A_22 = tpu.matmul %get3A_18, %get3A_21, %dot_general3A {dimension_numbers = #tpu.dot_dimension_numbers<[1], [0], [0], [1], [0, 0, 1, 1], [], []>, transpose_lhs_hint = false} : vector<5000x24xf32>, vector<24x40xf32>, vector<5000x40xf32> -> vector<5000x40xf32>
    %get3A_23 = arith.constant 0 : index
    %get3A_24 = arith.constant 0 : index
    %get3A_25 = vector.load %arg6[%get3A_23, %get3A_24] : memref<5000x24xf32, #tpu.memory_space<vmem>>, vector<5000x24xf32>
    %get3A_26 = arith.constant 0 : index
    %get3A_27 = arith.constant 0 : index
    %get3A_28 = vector.load %arg8[%get3A_26, %get3A_27] : memref<24x40xf32, #tpu.memory_space<vmem>>, vector<24x40xf32>
    %dot_general3A_29 = arith.constant dense<0.000000e+00> : vector<5000x40xf32>
    %dot_general3A_30 = tpu.matmul %get3A_25, %get3A_28, %dot_general3A_29 {dimension_numbers = #tpu.dot_dimension_numbers<[1], [0], [0], [1], [0, 0, 1, 1], [], []>, transpose_lhs_hint = false} : vector<5000x24xf32>, vector<24x40xf32>, vector<5000x40xf32> -> vector<5000x40xf32>
    %add3A_31 = arith.addf %dot_general3A_22, %dot_general3A_30 : vector<5000x40xf32>
    %get3A_32 = arith.constant 0 : index
    %get3A_33 = arith.constant 0 : index
    %get3A_34 = vector.load %arg9[%get3A_32, %get3A_33] : memref<24x40xf32, #tpu.memory_space<vmem>>, vector<24x40xf32>
    %dot_general3A_35 = arith.constant dense<0.000000e+00> : vector<5000x40xf32>
    %dot_general3A_36 = tpu.matmul %add3A_15, %get3A_34, %dot_general3A_35 {dimension_numbers = #tpu.dot_dimension_numbers<[1], [0], [0], [1], [0, 0, 1, 1], [], []>, transpose_lhs_hint = false} : vector<5000x24xf32>, vector<24x40xf32>, vector<5000x40xf32> -> vector<5000x40xf32>
    %add3A_37 = arith.addf %add3A_31, %dot_general3A_36 : vector<5000x40xf32>
    %get3A_38 = arith.constant 0 : index
    %get3A_39 = arith.constant 0 : index
    %get3A_40 = vector.load %arg10[%get3A_38, %get3A_39] : memref<1x40xf32, #tpu.memory_space<vmem>>, vector<1x40xf32>
    %add3A_41 = vector.broadcast %get3A_40 : vector<1x40xf32> to vector<5000x40xf32>
    %add3A_42 = arith.addf %add3A_37, %add3A_41 : vector<5000x40xf32>
    %reduce_max3A = arith.constant dense<0xFF800000> : vector<5000xf32>
    %reduce_max3A_43 = vector.multi_reduction <maximumf>, %add3A_42, %reduce_max3A [1] : vector<5000x40xf32> to vector<5000xf32>
    %broadcast_in_dim3A = vector.shape_cast %reduce_max3A_43 : vector<5000xf32> to vector<5000x1xf32>
    %sub3A = vector.broadcast %broadcast_in_dim3A : vector<5000x1xf32> to vector<5000x40xf32>
    %sub3A_44 = arith.subf %add3A_42, %sub3A : vector<5000x40xf32>
    %exp3A = math.exp %sub3A_44 : vector<5000x40xf32>
    %reduce_sum3A = arith.constant dense<0.000000e+00> : vector<5000xf32>
    %reduce_sum3A_45 = vector.multi_reduction <add>, %exp3A, %reduce_sum3A [1] : vector<5000x40xf32> to vector<5000xf32>
    %broadcast_in_dim3A_46 = vector.shape_cast %reduce_sum3A_45 : vector<5000xf32> to vector<5000x1xf32>
    %log3A = math.log %broadcast_in_dim3A_46 : vector<5000x1xf32>
    %sub3A_47 = vector.broadcast %log3A : vector<5000x1xf32> to vector<5000x40xf32>
    %sub3A_48 = arith.subf %sub3A_44, %sub3A_47 : vector<5000x40xf32>
    %swap3A = arith.constant 0 : index
    %swap3A_49 = arith.constant 0 : index
    %swap3A_50 = vector.load %arg11[%swap3A, %swap3A_49] : memref<5000x40xf32, #tpu.memory_space<vmem>>, vector<5000x40xf32>
    tpu.vector_store %arg11[%swap3A, %swap3A_49], %sub3A_48 {strides = array<i32>} : memref<5000x40xf32, #tpu.memory_space<vmem>>, vector<5000x40xf32>,
    return
  }
  func.func @transform_0(%arg0: i32) -> (i32, i32, i32) {
    %c0_i32 = arith.constant 0 : i32
    %c0_i32_0 = arith.constant 0 : i32
    %c0_i32_1 = arith.constant 0 : i32
    return %c0_i32, %arg0, %c0_i32_0 : i32, i32, i32
  }
  func.func @transform_1(%arg0: i32) -> (i32, i32) {
    %c0_i32 = arith.constant 0 : i32
    %c0_i32_0 = arith.constant 0 : i32
    return %arg0, %c0_i32 : i32, i32
  }
  func.func @transform_2(%arg0: i32) -> (i32, i32) {
    %c0_i32 = arith.constant 0 : i32
    %c0_i32_0 = arith.constant 0 : i32
    return %arg0, %c0_i32 : i32, i32
  }
  func.func @transform_3(%arg0: i32) -> (i32, i32) {
    %c0_i32 = arith.constant 0 : i32
    %c0_i32_0 = arith.constant 0 : i32
    %c0_i32_1 = arith.constant 0 : i32
    return %c0_i32, %c0_i32_0 : i32, i32
  }
  func.func @transform_4(%arg0: i32) -> (i32, i32) {
    %c0_i32 = arith.constant 0 : i32
    %c0_i32_0 = arith.constant 0 : i32
    return %arg0, %c0_i32 : i32, i32
  }
  func.func @transform_5(%arg0: i32) -> (i32, i32) {
    %c0_i32 = arith.constant 0 : i32
    %c0_i32_0 = arith.constant 0 : i32
    return %arg0, %c0_i32 : i32, i32
  }
  func.func @transform_6(%arg0: i32) -> (i32, i32) {
    %c0_i32 = arith.constant 0 : i32
    %c0_i32_0 = arith.constant 0 : i32
    %c0_i32_1 = arith.constant 0 : i32
    return %c0_i32, %c0_i32_0 : i32, i32
  }
  func.func @transform_7(%arg0: i32) -> (i32, i32) {
    %c0_i32 = arith.constant 0 : i32
    %c0_i32_0 = arith.constant 0 : i32
    %c0_i32_1 = arith.constant 0 : i32
    return %c0_i32, %c0_i32_0 : i32, i32
  }
  func.func @transform_8(%arg0: i32) -> (i32, i32) {
    %c0_i32 = arith.constant 0 : i32
    %c0_i32_0 = arith.constant 0 : i32
    %c0_i32_1 = arith.constant 0 : i32
    return %c0_i32, %c0_i32_0 : i32, i32
  }
  func.func @transform_9(%arg0: i32) -> (i32, i32) {
    %c0_i32 = arith.constant 0 : i32
    %c0_i32_0 = arith.constant 0 : i32
    %c0_i32_1 = arith.constant 0 : i32
    return %c0_i32, %c0_i32_0 : i32, i32
  }
  func.func @transform_10(%arg0: i32) -> (i32, i32) {
    %c0_i32 = arith.constant 0 : i32
    %c0_i32_0 = arith.constant 0 : i32
    return %arg0, %c0_i32 : i32, i32
  }
}

</mosaic_0001>

<sc_bundles>
// kernel: kernel.10.cloned.1.call-start
scs
__scs_entry_jumppad:
0x0: {  	(pc) =	sbr.rel $0x88, $3  }
0x1: {  	(tag) =	ssettag $0x0;
	lr =	simm.s32 $0x1  }
0x2: {  	[smem:$0x3F97] =	sst lr;
	_ =	strace $0xD0000000  }
0x3: {  	_ = 	snop  }
0x4: {  	_ = 	snop  }
0x5: {  	_ = 	snop  }
0x6: {  	_ = 	snop  }
0x7: {  	_ = 	snop  }
__scs_overlays_trampoline_lowered:
0x8: {  	[smem:$0x3FA6] =	sst s0  }
0x9: {  	[smem:$0x3FA7] =	sst s1  }
0xa: {  	[smem:$0x3FA8] =	sst s2  }
0xb: {  	[smem:$0x3FA9] =	sst s3  }
0xc: {  	[smem:$0x3FAA] =	sst s4  }
0xd: {  	[smem:$0x3FAB] =	sst s5  }
0xe: {  	[smem:$0x3FAC] =	sst s6  }
0xf: {  	[smem:$0x3FAD] =	sst s7  }
0x10: {  	[smem:$0x3FAE] =	sst s8  }
0x11: {  	[smem:$0x3FAF] =	sst s9;
	s0 =	simm.s32 @!p0 $0x0  }
0x12: {  	s1 =	sld [smem:$0x3F95];
	s0 =	simm.s32 @p0 $0x1  }
0x13: {  	[smem:$0x3FB0] =	sst s0;
	s0 =	simm.s32 @!p1 $0x0  }
0x14: {  	s2 =	sld [smem:$0x3F94];
	s0 =	simm.s32 @p1 $0x1  }
0x15: {  	[smem:$0x3FB1] =	sst s0;
	s0 =	simm.s32 @!p2 $0x0  }
0x16: {  	s3 =	sld [smem:$0x3FDB];
	s0 =	simm.s32 @p2 $0x1  }
0x17: {  	s4 =	simm.s32 $0x1BF5;
	[smem:$0x3FB3] =	sst s0  }
0x18: {  	s0 =	sld [smem:$0x3F96];
	_ =	swait.ge [sflag:s4], $0x0  }
0x19: {  	s7 =	sld [smem:$0x3F97]  }
0x1a: {  	s8 =	sadd.s32 $0xFFFFE003, lr  }
0x1b: {  	s9 =	sadd.s32 $0xFFFFFEF7, lr;
	s5 =	simm.s32 $0xFFFFFFFF;
	p2 =	slt.u32 s8, $0xFFFFF086  }
0x1c: {  	p1 =	slt.u32 s9, $0xF7A;
	s5 =	simm.s32 @!p2 $0x0  }
0x1d: {  	s5 =	simm.s32 @p1 $0x1;
	p0 =	seq.s32 s7, s2  }
0x1e: {  	s7 =	smul.u32 @!p0 $0xF7A, s2;
	p2 =	seq.s32 @!p0 s5, $0x0  }
0x1f: {  	s9 =	smul.u32 $0xF7A, s1;
	s8 =	simm.s32 @!p0 $0x1BF5;
	p2 =	por !p2, p0  }
0x20: {  	[sflag:s8] =	ssyncset.s32 @!p0 $0xFFFFF086;
	s6 =	sadd.s32 @!p0 s3, s7;
	s7 =	simm.s32 @!p0 $0x108  }
0x21: {  	s3 =	sadd.s32 s3, s9;
	s6 =	sadd.s32 @!p0 $0x88, s6;
	s7 =	simm.s32 @p2 $0x1082  }
0x22: {  	[simem:s7], [sflag:s8] =	dma.local @!p0 [hbm:s6], $0xF7A  }
0x23: {  	s9 =	sor.u32 $0xD0000000, s2;
	s6 =	simm.s32 $0x108;
	_ =	swait.ge @!p0 [sflag:s8], $0x0  }
0x24: {  	s3 =	sadd.s32 $0x88, s3;
	s6 =	simm.s32 @!p1 $0x1082;
	[sflag:s4] =	ssyncset.s32 $0xFFFFF086  }
0x25: {  	[simem:s6], [sflag:s4] =	dma.local [hbm:s3], $0xF7A  }
0x26: {  	[smem:$0x3F97] =	sst s1;
	(tag) =	ssettag s2;
	_ =	strace s9  }
0x27: {  	s1 =	sld [smem:$0x3FA7]  }
0x28: {  	s2 =	sld [smem:$0x3FA8]  }
0x29: {  	s4 =	sld [smem:$0x3FAA]  }
0x2a: {  	p0 =	seq.s32 s5, $0x0;
	s5 =	sld [smem:$0x3FAB]  }
0x2b: {  	s6 =	sld [smem:$0x3FAC]  }
0x2c: {  	s7 =	sld [smem:$0x3FAD]  }
0x2d: {  	s3 =	simm.s32 $0x108;
	s8 =	sld [smem:$0x3FAE]  }
0x2e: {  	s3 =	simm.s32 @!p0 $0x1082;
	s9 =	sld [smem:$0x3FAF]  }
0x2f: {  	lr =	sadd.s32 s0, s3;
	s0 =	sld [smem:$0x3FA6]  }
0x30: {  	s3 =	sld [smem:$0x3FA9]  }
0x31: {  	[smem:$0x3FB2] =	sst s10  }
0x32: {  	s10 =	sld [smem:$0x3FB0];
	_ =	sdelay $0x3  }
0x33: {  	p0 =	seq.s32 s10, $0x1;
	s10 =	sld [smem:$0x3FB2];
	_ =	sdelay $0x3  }
0x34: {  	[smem:$0x3FB2] =	sst s10  }
0x35: {  	s10 =	sld [smem:$0x3FB1];
	_ =	sdelay $0x3  }
0x36: {  	p1 =	seq.s32 s10, $0x1;
	s10 =	sld [smem:$0x3FB2];
	_ =	sdelay $0x3  }
0x37: {  	[smem:$0x3FB2] =	sst s10  }
0x38: {  	s10 =	sld [smem:$0x3FB3]  }
0x39: {  	_ = 	snop;
	(pc) =	sbr.ind lr, $3  }
0x3a: {  	_ = 	snop  }
0x3b: {  	_ = 	snop  }
0x3c: {  	p2 =	seq.s32 s10, $0x1;
	s10 =	sld [smem:$0x3FB2]  }
0x3d: {  	_ =	shalt  }
0x3e: {  	_ =	shalt  }
0x3f: {  	_ =	shalt  }
0x40: {  	_ =	shalt  }
0x41: {  	_ =	shalt  }
0x42: {  	_ =	shalt  }
0x43: {  	_ =	shalt  }
0x44: {  	_ =	shalt  }
0x45: {  	_ =	shalt  }
0x46: {  	_ =	shalt  }
0x47: {  	_ =	shalt  }
0x48: {  	_ =	shalt  }
0x49: {  	_ =	shalt  }
0x4a: {  	_ =	shalt  }
0x4b: {  	_ =	shalt  }
0x4c: {  	_ =	shalt  }
0x4d: {  	_ =	shalt  }
0x4e: {  	_ =	shalt  }
0x4f: {  	_ =	shalt  }
0x50: {  	_ =	shalt  }
0x51: {  	_ =	shalt  }
0x52: {  	_ =	shalt  }
0x53: {  	_ =	shalt  }
0x54: {  	_ =	shalt  }
0x55: {  	_ =	shalt  }
0x56: {  	_ =	shalt  }
0x57: {  	_ =	shalt  }
0x58: {  	_ =	shalt  }
0x59: {  	_ =	shalt  }
0x5a: {  	_ =	shalt  }
0x5b: {  	_ =	shalt  }
0x5c: {  	_ =	shalt  }
0x5d: {  	_ =	shalt  }
0x5e: {  	_ =	shalt  }
0x5f: {  	_ =	shalt  }
0x60: {  	_ =	shalt  }
0x61: {  	_ =	shalt  }
0x62: {  	_ =	shalt  }
0x63: {  	_ =	shalt  }
0x64: {  	_ =	shalt  }
0x65: {  	_ =	shalt  }
0x66: {  	_ =	shalt  }
0x67: {  	_ =	shalt  }
0x68: {  	_ =	shalt  }
0x69: {  	_ =	shalt  }
0x6a: {  	_ =	shalt  }
0x6b: {  	_ =	shalt  }
0x6c: {  	_ =	shalt  }
0x6d: {  	_ =	shalt  }
0x6e: {  	_ =	shalt  }
0x6f: {  	_ =	shalt  }
0x70: {  	_ =	shalt  }
0x71: {  	_ =	shalt  }
0x72: {  	_ =	shalt  }
0x73: {  	_ =	shalt  }
0x74: {  	_ =	shalt  }
0x75: {  	_ =	shalt  }
0x76: {  	_ =	shalt  }
0x77: {  	_ =	shalt  }
0x78: {  	_ =	shalt  }
0x79: {  	_ =	shalt  }
0x7a: {  	_ =	shalt  }
0x7b: {  	_ =	shalt  }
0x7c: {  	_ =	shalt  }
0x7d: {  	_ =	shalt  }
0x7e: {  	_ =	shalt  }
0x7f: {  	_ =	shalt  }
0x80: {  	_ =	shalt  }
0x81: {  	_ =	shalt  }
0x82: {  	_ =	shalt  }
0x83: {  	_ =	shalt  }
0x84: {  	_ =	shalt  }
0x85: {  	_ =	shalt  }
0x86: {  	_ =	shalt  }
0x87: {  	_ =	shalt  }
.Lfunc_end0:
.L_simem_size_0:
called_computation_lowered:
.L_overlay_start_0:
0x88: {  	s0 =	sld [smem:$0x3FD9]  }
0x89: {  	s1 =	sld [smem:$0x3FFE];
	_ =	sdelay $0x3  }
0x8a: {  	s0 =	sadd.s32 s1, s0  }
0x8b: {  	[smem:$0x3FBE] =	sst s0  }
0x8c: {  	_ = 	snop  }
0x8d: {  	s0 =	sld [smem:$0x3FD0];
	(tm) =	ssettm $0x1  }
0x8e: {  	s16 =	sld [smem:$0x3FFB];
	_ =	sdelay $0x3  }
0x8f: {  	_ =	strace s16  }
0x90: {  	s1 =	sld [smem:$0x3FFC];
	_ =	sdelay $0x3  }
0x91: {  	_ =	strace s1  }
0x92: {  	s1 =	sld [smem:$0x3FFD];
	_ =	sdelay $0x3  }
0x93: {  	_ =	strace s1  }
0x94: {  	_ =	strace $0x8FFFFFFF  }
0x95: {  	s17 =	sld [smem:$0x3FDB];
	_ =	sdelay $0x1  }
0x96: {  	s2 =	simm.s32 $_scs_section_size  }
0x97: {  	s3 =	simm.s32 $_size__tile_overlayer_lowered;
	s4 =	simm.s32 $_tile_overlayer_lowered  }
0x98: {  	s20 =	simm.s32 $0x1BFF;
	s19 =	sshll.u32 s4, $0x1;
	s1 =	sadd.s32 s2, s17  }
0x99: {  	s5 =	simm.s32 $0x0;
	s18 =	sshll.u32 s3, $0x1;
	s3 =	sadd.s32 s19, s1  }
0x9a: {  	[timem:s5], [sflag:s20] =	dma.local [hbm:s3], s18  }
0x9b: {  	_ =	swait.ge [sflag:s20], s18  }
0x9c: {  	s2 =	ssub.s32 $0x0, s18;
	[sflag:s20] =	ssyncset.done $0x0  }
0x9d: {  	[sflag:s20] =	ssyncadd.s32 s2;
	_ =	sdelay $0x1  }
0x9e: {  	s21 =	simm.s32 $0x1B8B  }
0x9f: {  	_ =	swait.ge [sflag:s21], $0x1  }
0xa0: {  	[sflag:s21] =	ssyncset.done $0x0  }
0xa1: {  	s23 =	simm.s32 $0x1B8E;
	s22 =	sld [smem:$0x3FFE];
	[sflag:s21] =	ssyncadd.s32 $0xFFFFFFFF  }
0xa2: {  	s24 =	simm.s32 $execute0_lowered;
	[smem:$0x3FD2] =	sst s23  }
0xa3: {  	s3 =	sshll.u32 s24, $0x1;
	_ =	strace $0x80000046;
	[dreg:$0x1] =	wrdreg $0xFFFFFFFF  }
0xa4: {  	s25 =	simm.s32 $_size_execute0_lowered;
	s1 =	sadd.s32 s1, s3;
	[dreg:$0x0] =	wrdreg $0x0  }
0xa5: {  	s3 =	sshll.u32 s25, $0x1;
	[dreg:$0x2] =	wrdreg s1  }
0xa6: {  	[dreg:$0x3] =	wrdreg s3  }
0xa7: {  	[dreg:$0x4] =	wrdreg $0xC0  }
0xa8: {  	_ =	task [dreg:s5], $0x5FFFF  }
0xa9: {  	[dreg:$0x1] =	wrdreg $0xFFFFFFFF  }
0xaa: {  	[dreg:$0x0] =	wrdreg $0x60  }
0xab: {  	[dreg:$0x2] =	wrdreg s22  }
0xac: {  	[dreg:$0x3] =	wrdreg s0  }
0xad: {  	[dreg:$0x4] =	wrdreg $0x4F000  }
0xae: {  	[dreg:$0x5] =	wrdreg $0x9  }
0xaf: {  	_ =	task.clear_ibuf [dreg:s5], $0x6FFFF;
	_ =	strace $0x90000046  }
0xb0: {  	s26 =	simm.s32 $0x9;
	_ =	strace $0x80000048  }
0xb1: {  	_ =	swait.ge [sflag:s26], $0x1  }
0xb2: {  	[sflag:s26] =	ssyncadd.s32 $0xFFFFFFFF  }
0xb3: {  	_ =	strace $0x90000048  }
0xb4: {  	_ =	sfence  }
0xb5: {  	s28 =	sld [smem:$0x0];
	_ =	sdelay $0x1  }
0xb6: {  	s29 =	srdreg.scid  }
0xb7: {  	s30 =	sshll.u32 s29, $0xD;
	s31 =	sshrl.u32 s29, $0x2  }
0xb8: {  	s2 =	sand.u32 $0x4000, s30;
	s1 =	sand.u32 $0x1, s29;
	s0 =	sadd.s32 s31, s28  }
0xb9: {  	s1 =	sor.u32 s2, s1;
	s0 =	sshll.u32 s0, $0x11  }
0xba: {  	s0 =	sor.u32 s0, s1  }
0xbb: {  	s0 =	sadd.s32 $0x8F2B, s0  }
0xbc: {  	[sflag:s0] =	ssyncadd.remote.s32 $0x1  }
0xbd: {  	_ =	sfence.sel $0xFFFF  }
0xbe: {  	[dreg:$0x0] =	wrdreg $0xFFFFFFFF;
	(pc) =	sbr.abs _section_cstart, $3  }
0xbf: {  	[dreg:$0x1] =	wrdreg $0xFFFFFFFF  }
0xc0: {  	_ =	task.clear_ibuf [dreg:s5], $0x2FFFF;
	_ =	strace $0x9FFFFFFF  }
0xc1: {  	(tm) =	ssettm $0x7FFFFFFF  }
tec
execute0_lowered:
.L_overlay_start_1:
0x0: {  	(tag) =	ssettag $0x1  }
0x1: {  	s0 =	stileid.u32  }
0x2: {  	s1 =	smul.u32 $0x9C, s0  }
0x3: {  	s6 =	smin.u32 s0, $0x4  }
0x4: {  	s11 =	rddreg [dreg:$0x0];
	s1 =	sadd.s32 s6, s1  }
0x5: {  	s3 =	rddreg [dreg:$0x1];
	s7 =	smin.u32 s1, $0x927  }
0x6: {  	s5 =	rddreg [dreg:$0x2];
	s2 =	simm.s32 $0x0;
	s4 =	sshll.u32 s7, $0x4  }
0x7: {  	s9 =	simm.s32 $0x2;
	[smem:$0x7FF] =	sst s2;
	s4 =	sadd.s32 s4, s11  }
0x8: {  	s1 =	rddreg [dreg:$0x3];
	_ =	strace $0x80000047;
	s4 =	sadd.s32 $0xD040, s4  }
0x9: {  	[tilespmem:s2], [sflag:$0x2] =	stream.linear.gather [hbm4b:s4+s2], $0x4E80, $0x38;
	[tilespmem:$0x5180] =	vst v63  }
0xa: {  	_ =	swait.ge [sflag:s9], $0x4E80  }
0xb: {  	[sflag:s9] =	ssyncset.done $0x0  }
0xc: {  	v0 =	vimm.f32 $1.000000000e+00;
	[sflag:s9] =	ssyncadd.s32 $0xFFFFB180  }
0xd: {  	[tilespmem:$0x4E80] =	vst v0  }
0xe: {  	[tilespmem:$0x4E90] =	vst v0  }
0xf: {  	s30 =	smul.u32 $0x13800, s0;
	[tilespmem:$0x4EA0] =	vst v0  }
0x10: {  	s6 =	sshll.u32 s6, $0x9;
	[tilespmem:$0x4EB0] =	vst v0  }
0x11: {  	s28 =	smul.u32 $0x280, s0;
	s6 =	sadd.s32 s6, s30;
	s7 =	sshll.u32 s7, $0x9;
	[tilespmem:$0x4EC0] =	vst v0  }
0x12: {  	s8 =	sshll.u32 s0, $0x6;
	p0 =	slt.u32 s0, $0x4;
	s6 =	ssub.s32 s6, s7;
	[tilespmem:$0x4ED0] =	vst v0  }
0x13: {  	s29 =	sadd.s32 s28, s5;
	s7 =	sshra.s32 s6, $0x2;
	s2 =	sshrl.u32 s28, $0x3;
	[tilespmem:$0x4EE0] =	vst v0  }
0x14: {  	s4 =	sshrl.u32 s29, $0x3;
	s10 =	sadd.s32 s3, s2;
	s3 =	sor.u32 $0x1C02, s8;
	[tilespmem:$0x4EF0] =	vst v0  }
0x15: {  	[spmem:s4], [sflag:s3] =	dma.local [hbm:s10], $0x50  }
0x16: {  	s6 =	simm.s32 $0x1;
	s12 =	sadd.s32 $0x0, s7;
	_ =	swait.ge [sflag:s9], $0x50  }
0x17: {  	s8 =	simm.s32 $0x9D;
	s13 =	sadd.s32 $0x80, s12;
	[sflag:s9] =	ssyncset.done $0x0  }
0x18: {  	s31 =	sadd.s32 $0x100, s12;
	s8 =	simm.s32 @!p0 $0x9C;
	[sflag:s9] =	ssyncadd.s32 $0xFFFFFFB0  }
0x19: {  	s10 =	simm.s32 $0x4E80;
	s9 =	simm.s32 $0x80;
	[bflag:$0x0] =	sbarrier.arrive $0xFFFF  }
0x1a: {  	[spmem:s5] =	stream.indirect.scatter.add.f32 [tilespmem:s10], [sflag:$0x1], $0x1, s12, s9, $0xb8;
	[tilespmem:$0x5180] =	vst v63  }
0x1b: {  	p3 =	sle.u32 s8, $0x4;
	p0 =	sle.u32 s8, $0x7;
	p2 =	sle.u32 s8, $0x5  }
0x1c: {  	[spmem:s5] =	stream.indirect.scatter.add.f32 [tilespmem:s10], [sflag:$0x1], $0x1, s13, s9, $0xb8;
	[tilespmem:$0x5180] =	vst v63  }
0x1d: {  	p1 =	sle.u32 s8, $0x6;
	s14 =	sadd.s32 @!p3 $0x0, s7;
	s15 =	simm.s32 @!p3 $0x4E80  }
0x1e: {  	[spmem:s5] =	stream.indirect.scatter.add.f32 [tilespmem:s10], [sflag:$0x1], $0x1, s31, s9, $0xb8;
	[tilespmem:$0x5180] =	vst v63  }
0x1f: {  	s16 =	simm.s32 @!p3 $0x80;
	s17 =	simm.s32 @!p2 $0x4E80;
	s12 =	sadd.s32 $0x180, s12  }
0x20: {  	[spmem:s5] =	stream.indirect.scatter.add.f32 [tilespmem:s10], [sflag:$0x1], $0x1, s12, s9, $0xb8;
	[tilespmem:$0x5180] =	vst v63  }
0x21: {  	s14 =	sadd.s32 @!p3 $0x200, s14;
	s13 =	sadd.s32 @!p0 $0x0, s7;
	s12 =	sadd.s32 @!p2 $0x0, s7  }
0x22: {  	[spmem:s5] =	stream.indirect.scatter.add.f32 @!p3 [tilespmem:s15], [sflag:$0x1], $0x1, s14, s16, $0xb8;
	[tilespmem:$0x5180] =	vst v63  }
0x23: {  	s12 =	sadd.s32 @!p2 $0x280, s12;
	s14 =	simm.s32 @!p2 $0x80;
	s15 =	sadd.s32 @!p1 $0x0, s7  }
0x24: {  	[spmem:s5] =	stream.indirect.scatter.add.f32 @!p2 [tilespmem:s17], [sflag:$0x1], $0x1, s12, s14, $0xb8;
	[tilespmem:$0x5180] =	vst v63  }
0x25: {  	s12 =	sadd.s32 @!p1 $0x300, s15;
	s14 =	simm.s32 @!p1 $0x80;
	s15 =	simm.s32 @!p1 $0x4E80  }
0x26: {  	[spmem:s5] =	stream.indirect.scatter.add.f32 @!p1 [tilespmem:s15], [sflag:$0x1], $0x1, s12, s14, $0xb8;
	[tilespmem:$0x5180] =	vst v63  }
0x27: {  	s12 =	sadd.s32 @!p0 $0x380, s13;
	s13 =	simm.s32 @!p0 $0x80;
	s14 =	simm.s32 @!p0 $0x4E80  }
0x28: {  	[spmem:s5] =	stream.indirect.scatter.add.f32 @!p0 [tilespmem:s14], [sflag:$0x1], $0x1, s12, s13, $0xb8;
	[tilespmem:$0x5180] =	vst v63  }
0x29: {  	_ =	swait.ge [sflag:s6], $0x80  }
0x2a: {  	[sflag:s6] =	ssyncset.done $0x0  }
0x2b: {  	[sflag:s6] =	ssyncadd.s32 $0xFFFFFF80  }
0x2c: {  	_ =	swait.ge [sflag:s6], $0x80  }
0x2d: {  	[sflag:s6] =	ssyncset.done $0x0  }
0x2e: {  	[sflag:s6] =	ssyncadd.s32 $0xFFFFFF80  }
0x2f: {  	_ =	swait.ge [sflag:s6], $0x80  }
0x30: {  	[sflag:s6] =	ssyncset.done $0x0  }
0x31: {  	[sflag:s6] =	ssyncadd.s32 $0xFFFFFF80  }
0x32: {  	_ =	swait.ge [sflag:s6], $0x80  }
0x33: {  	[sflag:s6] =	ssyncset.done $0x0  }
0x34: {  	s12 =	simm.s32 @!p3 $0x1;
	[sflag:s6] =	ssyncadd.s32 $0xFFFFFF80  }
0x35: {  	s11 =	sadd.s32 $0x16E00, s11;
	_ =	swait.ge @!p3 [sflag:s12], $0x80  }
0x36: {  	s16 =	simm.s32 @!p2 $0x1;
	s13 =	simm.s32 $0x1000;
	[sflag:s12] =	ssyncset.done @!p3 $0x0  }
0x37: {  	s14 =	simm.s32 $0x2000;
	[sflag:s12] =	ssyncadd.s32 @!p3 $0xFFFFFF80;
	s12 =	simm.s32 $0xF  }
.LBB2_1:
0x38: {  	s17 =	sshra.s32 s13, $0x2  }
0x39: {  	_ =	swait.ge @!p2 [sflag:s16], $0x80;
	s15 =	smov.u32 s14;
	s14 =	sadd.s32 $0x1000, s14  }
0x3a: {  	p3 =	sne.s32 s14, $0x14000;
	s17 =	sadd.s32 s17, s7;
	[sflag:s16] =	ssyncset.done @!p2 $0x0  }
0x3b: {  	[sflag:s16] =	ssyncadd.s32 @!p2 $0xFFFFFF80;
	s16 =	simm.s32 @!p1 $0x1  }
0x3c: {  	_ =	swait.ge @!p1 [sflag:s16], $0x80  }
0x3d: {  	s18 =	sadd.s32 $0x80, s17;
	[sflag:s16] =	ssyncset.done @!p1 $0x0  }
0x3e: {  	[sflag:s16] =	ssyncadd.s32 @!p1 $0xFFFFFF80;
	s16 =	simm.s32 @!p0 $0x1  }
0x3f: {  	s20 =	sadd.s32 $0xFFFFFFFD, s12;
	s19 =	sadd.s32 $0x100, s17;
	_ =	swait.ge @!p0 [sflag:s16], $0x80  }
0x40: {  	s21 =	sadd.s32 $0xFFFFFFFF, s12;
	[sflag:s16] =	ssyncset.done @!p0 $0x0  }
0x41: {  	p4 =	sge.u32 s20, s8;
	s22 =	sadd.s32 $0x180, s17;
	[sflag:s16] =	ssyncadd.s32 @!p0 $0xFFFFFF80  }
0x42: {  	[spmem:s5] =	stream.indirect.scatter.add.f32 [tilespmem:s10], [sflag:$0x1], $0x1, s17, s9, $0xb8;
	[tilespmem:$0x5180] =	vst v63  }
0x43: {  	s16 =	sshra.s32 @!p4 s13, $0x2;
	p0 =	sge.u32 s12, s8;
	s17 =	simm.s32 @!p4 $0x4E80  }
0x44: {  	[spmem:s5] =	stream.indirect.scatter.add.f32 [tilespmem:s10], [sflag:$0x1], $0x1, s18, s9, $0xb8;
	[tilespmem:$0x5180] =	vst v63  }
0x45: {  	s16 =	sadd.s32 @!p4 s16, s7;
	s20 =	sshra.s32 @!p0 s13, $0x2;
	s18 =	sadd.s32 $0xFFFFFFFE, s12  }
0x46: {  	s16 =	sadd.s32 @!p4 $0x200, s16;
	p2 =	sge.u32 s18, s8;
	s18 =	sadd.s32 @!p0 s20, s7  }
0x47: {  	[spmem:s5] =	stream.indirect.scatter.add.f32 [tilespmem:s10], [sflag:$0x1], $0x1, s19, s9, $0xb8;
	[tilespmem:$0x5180] =	vst v63  }
0x48: {  	p1 =	sge.u32 s21, s8;
	s20 =	sshra.s32 @!p2 s13, $0x2;
	s19 =	simm.s32 @!p4 $0x80  }
0x49: {  	[spmem:s5] =	stream.indirect.scatter.add.f32 [tilespmem:s10], [sflag:$0x1], $0x1, s22, s9, $0xb8;
	[tilespmem:$0x5180] =	vst v63  }
0x4a: {  	s21 =	simm.s32 @!p2 $0x4E80;
	s13 =	sshra.s32 @!p1 s13, $0x2;
	s20 =	sadd.s32 @!p2 s20, s7  }
0x4b: {  	[spmem:s5] =	stream.indirect.scatter.add.f32 @!p4 [tilespmem:s17], [sflag:$0x1], $0x1, s16, s19, $0xb8;
	[tilespmem:$0x5180] =	vst v63  }
0x4c: {  	s13 =	sadd.s32 @!p1 s13, s7;
	s16 =	sadd.s32 @!p2 $0x280, s20;
	s17 =	simm.s32 @!p2 $0x80  }
0x4d: {  	[spmem:s5] =	stream.indirect.scatter.add.f32 @!p2 [tilespmem:s21], [sflag:$0x1], $0x1, s16, s17, $0xb8;
	[tilespmem:$0x5180] =	vst v63  }
0x4e: {  	s13 =	sadd.s32 @!p1 $0x300, s13;
	s16 =	simm.s32 @!p1 $0x80;
	s17 =	simm.s32 @!p1 $0x4E80  }
0x4f: {  	[spmem:s5] =	stream.indirect.scatter.add.f32 @!p1 [tilespmem:s17], [sflag:$0x1], $0x1, s13, s16, $0xb8;
	[tilespmem:$0x5180] =	vst v63  }
0x50: {  	s13 =	sadd.s32 @!p0 $0x380, s18;
	s16 =	simm.s32 @!p0 $0x80;
	s17 =	simm.s32 @!p0 $0x4E80  }
0x51: {  	[spmem:s5] =	stream.indirect.scatter.add.f32 @!p0 [tilespmem:s17], [sflag:$0x1], $0x1, s13, s16, $0xb8;
	[tilespmem:$0x5180] =	vst v63  }
0x52: {  	s13 =	smov.u32 s15;
	_ =	swait.ge [sflag:s6], $0x80  }
0x53: {  	[sflag:s6] =	ssyncset.done $0x0  }
0x54: {  	[sflag:s6] =	ssyncadd.s32 $0xFFFFFF80  }
0x55: {  	_ =	swait.ge [sflag:s6], $0x80  }
0x56: {  	[sflag:s6] =	ssyncset.done $0x0  }
0x57: {  	[sflag:s6] =	ssyncadd.s32 $0xFFFFFF80  }
0x58: {  	_ =	swait.ge [sflag:s6], $0x80  }
0x59: {  	[sflag:s6] =	ssyncset.done $0x0  }
0x5a: {  	s15 =	simm.s32 @!p4 $0x1;
	[sflag:s6] =	ssyncadd.s32 $0xFFFFFF80  }
0x5b: {  	_ =	swait.ge [sflag:s6], $0x80  }
.Ltmp0:
0x5c: {  	[sflag:s6] =	ssyncset.done $0x0;
	(pc) =	sbr.rel @p3 .LBB2_1-.Ltmp0, $4  }
0x5d: {  	[sflag:s6] =	ssyncadd.s32 $0xFFFFFF80  }
0x5e: {  	_ =	swait.ge @!p4 [sflag:s15], $0x80  }
0x5f: {  	s16 =	simm.s32 @!p2 $0x1;
	[sflag:s15] =	ssyncset.done @!p4 $0x0  }
0x60: {  	s12 =	sadd.s32 $0x8, s12;
	[sflag:s15] =	ssyncadd.s32 @!p4 $0xFFFFFF80  }
0x61: {  	_ =	swait.ge @!p2 [sflag:s16], $0x80  }
0x62: {  	[sflag:s16] =	ssyncset.done @!p2 $0x0  }
0x63: {  	s14 =	simm.s32 @!p1 $0x1;
	[sflag:s16] =	ssyncadd.s32 @!p2 $0xFFFFFF80  }
0x64: {  	s15 =	sshra.s32 s13, $0x2;
	s18 =	sadd.s32 $0xFFFFFFFD, s12;
	_ =	swait.ge @!p1 [sflag:s14], $0x80  }
0x65: {  	s19 =	sadd.s32 $0xFFFFFFFF, s12;
	s30 =	sadd.s32 $0xFFFFFFFE, s12;
	[sflag:s14] =	ssyncset.done @!p1 $0x0  }
0x66: {  	s15 =	sadd.s32 s15, s7;
	[sflag:s14] =	ssyncadd.s32 @!p1 $0xFFFFFF80;
	s14 =	simm.s32 @!p0 $0x1  }
0x67: {  	p3 =	sge.u32 s19, s8;
	s29 =	sadd.s32 $0x80, s15;
	_ =	swait.ge @!p0 [sflag:s14], $0x80  }
0x68: {  	s17 =	sadd.s32 $0x100, s15;
	p1 =	sge.u32 s18, s8;
	[sflag:s14] =	ssyncset.done @!p0 $0x0  }
0x69: {  	s20 =	sadd.s32 $0x180, s15;
	[sflag:s14] =	ssyncadd.s32 @!p0 $0xFFFFFF80;
	s14 =	sshra.s32 @!p1 s13, $0x2  }
0x6a: {  	[spmem:s5] =	stream.indirect.scatter.add.f32 [tilespmem:s10], [sflag:$0x1], $0x1, s15, s9, $0xb8;
	[tilespmem:$0x5180] =	vst v63  }
0x6b: {  	p2 =	sge.u32 s30, s8;
	p0 =	sge.u32 s12, s8;
	s14 =	sadd.s32 @!p1 s14, s7  }
0x6c: {  	[spmem:s5] =	stream.indirect.scatter.add.f32 [tilespmem:s10], [sflag:$0x1], $0x1, s29, s9, $0xb8;
	[tilespmem:$0x5180] =	vst v63  }
0x6d: {  	s15 =	simm.s32 @!p1 $0x4E80;
	s16 =	sshra.s32 @!p0 s13, $0x2;
	s14 =	sadd.s32 @!p1 $0x200, s14  }
0x6e: {  	[spmem:s5] =	stream.indirect.scatter.add.f32 [tilespmem:s10], [sflag:$0x1], $0x1, s17, s9, $0xb8;
	[tilespmem:$0x5180] =	vst v63  }
0x6f: {  	s12 =	sadd.s32 @!p0 s16, s7;
	s16 =	simm.s32 @!p1 $0x80;
	s17 =	sshra.s32 @!p2 s13, $0x2  }
0x70: {  	[spmem:s5] =	stream.indirect.scatter.add.f32 [tilespmem:s10], [sflag:$0x1], $0x1, s20, s9, $0xb8;
	[tilespmem:$0x5180] =	vst v63  }
0x71: {  	s8 =	sadd.s32 @!p2 s17, s7;
	s9 =	simm.s32 @!p2 $0x4E80;
	s10 =	sshra.s32 @!p3 s13, $0x2  }
0x72: {  	[spmem:s5] =	stream.indirect.scatter.add.f32 @!p1 [tilespmem:s15], [sflag:$0x1], $0x1, s14, s16, $0xb8;
	[tilespmem:$0x5180] =	vst v63  }
0x73: {  	s8 =	sadd.s32 @!p2 $0x280, s8;
	s13 =	simm.s32 @!p2 $0x80;
	s7 =	sadd.s32 @!p3 s10, s7  }
0x74: {  	[spmem:s5] =	stream.indirect.scatter.add.f32 @!p2 [tilespmem:s9], [sflag:$0x1], $0x1, s8, s13, $0xb8;
	[tilespmem:$0x5180] =	vst v63  }
0x75: {  	s7 =	sadd.s32 @!p3 $0x300, s7;
	s8 =	simm.s32 @!p3 $0x80;
	s9 =	simm.s32 @!p3 $0x4E80  }
0x76: {  	[spmem:s5] =	stream.indirect.scatter.add.f32 @!p3 [tilespmem:s9], [sflag:$0x1], $0x1, s7, s8, $0xb8;
	[tilespmem:$0x5180] =	vst v63  }
0x77: {  	s7 =	sadd.s32 @!p0 $0x380, s12;
	s8 =	simm.s32 @!p0 $0x80;
	s9 =	simm.s32 @!p0 $0x4E80  }
0x78: {  	[spmem:s5] =	stream.indirect.scatter.add.f32 @!p0 [tilespmem:s9], [sflag:$0x1], $0x1, s7, s8, $0xb8;
	[tilespmem:$0x5180] =	vst v63  }
0x79: {  	_ =	swait.ge [sflag:s6], $0x80  }
0x7a: {  	[sflag:s6] =	ssyncset.done $0x0  }
0x7b: {  	[sflag:s6] =	ssyncadd.s32 $0xFFFFFF80  }
0x7c: {  	_ =	swait.ge [sflag:s6], $0x80  }
0x7d: {  	[sflag:s6] =	ssyncset.done $0x0  }
0x7e: {  	[sflag:s6] =	ssyncadd.s32 $0xFFFFFF80  }
0x7f: {  	_ =	swait.ge [sflag:s6], $0x80  }
0x80: {  	[sflag:s6] =	ssyncset.done $0x0  }
0x81: {  	[sflag:s6] =	ssyncadd.s32 $0xFFFFFF80  }
0x82: {  	_ =	swait.ge [sflag:s6], $0x80  }
0x83: {  	[sflag:s6] =	ssyncset.done $0x0  }
0x84: {  	s5 =	simm.s32 @!p1 $0x1;
	[sflag:s6] =	ssyncadd.s32 $0xFFFFFF80  }
0x85: {  	_ =	swait.ge @!p1 [sflag:s5], $0x80  }
0x86: {  	[sflag:s5] =	ssyncset.done @!p1 $0x0  }
0x87: {  	s6 =	simm.s32 @!p2 $0x1;
	[sflag:s5] =	ssyncadd.s32 @!p1 $0xFFFFFF80  }
0x88: {  	_ =	swait.ge @!p2 [sflag:s6], $0x80  }
0x89: {  	[sflag:s6] =	ssyncset.done @!p2 $0x0  }
0x8a: {  	s5 =	simm.s32 @!p3 $0x1;
	[sflag:s6] =	ssyncadd.s32 @!p2 $0xFFFFFF80  }
0x8b: {  	_ =	swait.ge @!p3 [sflag:s5], $0x80  }
0x8c: {  	[sflag:s5] =	ssyncset.done @!p3 $0x0  }
0x8d: {  	[sflag:s5] =	ssyncadd.s32 @!p3 $0xFFFFFF80;
	s5 =	simm.s32 @!p0 $0x1  }
0x8e: {  	_ =	swait.ge @!p0 [sflag:s5], $0x80  }
0x8f: {  	[sflag:s5] =	ssyncset.done @!p0 $0x0  }
0x90: {  	[sflag:s5] =	ssyncadd.s32 @!p0 $0xFFFFFF80  }
0x91: {  	s2 =	sadd.s32 s11, s2;
	s31 =	simm.s32 $0x2;
	[bflag:$0x0] =	sbarrier.arrive $0xFFFF  }
0x92: {  	[hbm:s2], [sflag:s3] =	dma.local [spmem:s4], $0x50  }
0x93: {  	_ =	swait.ge [sflag:s31], $0x50  }
0x94: {  	[sflag:s31] =	ssyncset.done $0x0  }
0x95: {  	[sflag:s31] =	ssyncadd.s32 $0xFFFFFFB0  }
0x96: {  	_ =	sfence.sel $0x180000  }
0x97: {  	[bflag:$0x0] =	sbarrier.arrive $0xFFFF  }
0x98: {  	p0 =	sne.s32 s0, $0x0;
	_ =	strace $0x90000047  }
0x99: {  	s0 =	sadd.s32 @!p0 $0x100000, s1;
	[bflag:$0x2] =	sbarrier.arrive $0xFFFF  }
0x9a: {  	[sflag:s0] =	ssyncadd.tile.s32 @!p0 $0x1;
	_ =	shalt  }
.Lfunc_end2:
_tile_overlayer_lowered:
.L_overlay_start_2:
0x9b: {  	(tag) =	ssettag $0x2  }
0x9c: {  	s0 =	rddreg [dreg:$0x0];
	s2 =	stileid.u32  }
0x9d: {  	s1 =	rddreg [dreg:$0x1];
	p0 =	sne.s32 s2, $0x0  }
0x9e: {  	s3 =	rddreg [dreg:$0x2];
	[bflag:$0x3] =	sbarrier.arrive $0xFFFF;
	s2 =	simm.s32 @!p0 $0x1C02  }
0x9f: {  	[timem:s3], [sflag:s2] =	dma.local @!p0 [hbm:s0], s1  }
0xa0: {  	s0 =	simm.s32 @!p0 $0x2  }
0xa1: {  	_ =	swait.ge @!p0 [sflag:s0], s1  }
0xa2: {  	s1 =	ssub.s32 @!p0 $0x0, s1;
	[sflag:s0] =	ssyncset.done @!p0 $0x0  }
0xa3: {  	[sflag:s0] =	ssyncadd.s32 @!p0 s1  }
0xa4: {  	[bflag:$0x3] =	sbarrier.arrive $0xFFFF  }
0xa5: {  	_ =	shalt  }

// kernel: kernel.13.cloned.1.call-start
scs
__scs_entry_jumppad:
0x0: {  	(pc) =	sbr.rel $0x88, $3  }
0x1: {  	(tag) =	ssettag $0x0;
	lr =	simm.s32 $0x1  }
0x2: {  	[smem:$0x3F97] =	sst lr;
	_ =	strace $0xD0000000  }
0x3: {  	_ = 	snop  }
0x4: {  	_ = 	snop  }
0x5: {  	_ = 	snop  }
0x6: {  	_ = 	snop  }
0x7: {  	_ = 	snop  }
__scs_overlays_trampoline_lowered:
0x8: {  	[smem:$0x3FA6] =	sst s0  }
0x9: {  	[smem:$0x3FA7] =	sst s1  }
0xa: {  	[smem:$0x3FA8] =	sst s2  }
0xb: {  	[smem:$0x3FA9] =	sst s3  }
0xc: {  	[smem:$0x3FAA] =	sst s4  }
0xd: {  	[smem:$0x3FAB] =	sst s5  }
0xe: {  	[smem:$0x3FAC] =	sst s6  }
0xf: {  	[smem:$0x3FAD] =	sst s7  }
0x10: {  	[smem:$0x3FAE] =	sst s8  }
0x11: {  	[smem:$0x3FAF] =	sst s9;
	s0 =	simm.s32 @!p0 $0x0  }
0x12: {  	s1 =	sld [smem:$0x3F95];
	s0 =	simm.s32 @p0 $0x1  }
0x13: {  	[smem:$0x3FB0] =	sst s0;
	s0 =	simm.s32 @!p1 $0x0  }
0x14: {  	s2 =	sld [smem:$0x3F94];
	s0 =	simm.s32 @p1 $0x1  }
0x15: {  	[smem:$0x3FB1] =	sst s0;
	s0 =	simm.s32 @!p2 $0x0  }
0x16: {  	s3 =	sld [smem:$0x3FDB];
	s0 =	simm.s32 @p2 $0x1  }
0x17: {  	s4 =	simm.s32 $0x1BF5;
	[smem:$0x3FB3] =	sst s0  }
0x18: {  	s0 =	sld [smem:$0x3F96];
	_ =	swait.ge [sflag:s4], $0x0  }
0x19: {  	s7 =	sld [smem:$0x3F97]  }
0x1a: {  	s8 =	sadd.s32 $0xFFFFE003, lr  }
0x1b: {  	s9 =	sadd.s32 $0xFFFFFEF7, lr;
	s5 =	simm.s32 $0xFFFFFFFF;
	p2 =	slt.u32 s8, $0xFFFFF086  }
0x1c: {  	p1 =	slt.u32 s9, $0xF7A;
	s5 =	simm.s32 @!p2 $0x0  }
0x1d: {  	s5 =	simm.s32 @p1 $0x1;
	p0 =	seq.s32 s7, s2  }
0x1e: {  	s7 =	smul.u32 @!p0 $0xF7A, s2;
	p2 =	seq.s32 @!p0 s5, $0x0  }
0x1f: {  	s9 =	smul.u32 $0xF7A, s1;
	s8 =	simm.s32 @!p0 $0x1BF5;
	p2 =	por !p2, p0  }
0x20: {  	[sflag:s8] =	ssyncset.s32 @!p0 $0xFFFFF086;
	s6 =	sadd.s32 @!p0 s3, s7;
	s7 =	simm.s32 @!p0 $0x108  }
0x21: {  	s3 =	sadd.s32 s3, s9;
	s6 =	sadd.s32 @!p0 $0x88, s6;
	s7 =	simm.s32 @p2 $0x1082  }
0x22: {  	[simem:s7], [sflag:s8] =	dma.local @!p0 [hbm:s6], $0xF7A  }
0x23: {  	s9 =	sor.u32 $0xD0000000, s2;
	s6 =	simm.s32 $0x108;
	_ =	swait.ge @!p0 [sflag:s8], $0x0  }
0x24: {  	s3 =	sadd.s32 $0x88, s3;
	s6 =	simm.s32 @!p1 $0x1082;
	[sflag:s4] =	ssyncset.s32 $0xFFFFF086  }
0x25: {  	[simem:s6], [sflag:s4] =	dma.local [hbm:s3], $0xF7A  }
0x26: {  	[smem:$0x3F97] =	sst s1;
	(tag) =	ssettag s2;
	_ =	strace s9  }
0x27: {  	s1 =	sld [smem:$0x3FA7]  }
0x28: {  	s2 =	sld [smem:$0x3FA8]  }
0x29: {  	s4 =	sld [smem:$0x3FAA]  }
0x2a: {  	p0 =	seq.s32 s5, $0x0;
	s5 =	sld [smem:$0x3FAB]  }
0x2b: {  	s6 =	sld [smem:$0x3FAC]  }
0x2c: {  	s7 =	sld [smem:$0x3FAD]  }
0x2d: {  	s3 =	simm.s32 $0x108;
	s8 =	sld [smem:$0x3FAE]  }
0x2e: {  	s3 =	simm.s32 @!p0 $0x1082;
	s9 =	sld [smem:$0x3FAF]  }
0x2f: {  	lr =	sadd.s32 s0, s3;
	s0 =	sld [smem:$0x3FA6]  }
0x30: {  	s3 =	sld [smem:$0x3FA9]  }
0x31: {  	[smem:$0x3FB2] =	sst s10  }
0x32: {  	s10 =	sld [smem:$0x3FB0];
	_ =	sdelay $0x3  }
0x33: {  	p0 =	seq.s32 s10, $0x1;
	s10 =	sld [smem:$0x3FB2];
	_ =	sdelay $0x3  }
0x34: {  	[smem:$0x3FB2] =	sst s10  }
0x35: {  	s10 =	sld [smem:$0x3FB1];
	_ =	sdelay $0x3  }
0x36: {  	p1 =	seq.s32 s10, $0x1;
	s10 =	sld [smem:$0x3FB2];
	_ =	sdelay $0x3  }
0x37: {  	[smem:$0x3FB2] =	sst s10  }
0x38: {  	s10 =	sld [smem:$0x3FB3]  }
0x39: {  	_ = 	snop;
	(pc) =	sbr.ind lr, $3  }
0x3a: {  	_ = 	snop  }
0x3b: {  	_ = 	snop  }
0x3c: {  	p2 =	seq.s32 s10, $0x1;
	s10 =	sld [smem:$0x3FB2]  }
0x3d: {  	_ =	shalt  }
0x3e: {  	_ =	shalt  }
0x3f: {  	_ =	shalt  }
0x40: {  	_ =	shalt  }
0x41: {  	_ =	shalt  }
0x42: {  	_ =	shalt  }
0x43: {  	_ =	shalt  }
0x44: {  	_ =	shalt  }
0x45: {  	_ =	shalt  }
0x46: {  	_ =	shalt  }
0x47: {  	_ =	shalt  }
0x48: {  	_ =	shalt  }
0x49: {  	_ =	shalt  }
0x4a: {  	_ =	shalt  }
0x4b: {  	_ =	shalt  }
0x4c: {  	_ =	shalt  }
0x4d: {  	_ =	shalt  }
0x4e: {  	_ =	shalt  }
0x4f: {  	_ =	shalt  }
0x50: {  	_ =	shalt  }
0x51: {  	_ =	shalt  }
0x52: {  	_ =	shalt  }
0x53: {  	_ =	shalt  }
0x54: {  	_ =	shalt  }
0x55: {  	_ =	shalt  }
0x56: {  	_ =	shalt  }
0x57: {  	_ =	shalt  }
0x58: {  	_ =	shalt  }
0x59: {  	_ =	shalt  }
0x5a: {  	_ =	shalt  }
0x5b: {  	_ =	shalt  }
0x5c: {  	_ =	shalt  }
0x5d: {  	_ =	shalt  }
0x5e: {  	_ =	shalt  }
0x5f: {  	_ =	shalt  }
0x60: {  	_ =	shalt  }
0x61: {  	_ =	shalt  }
0x62: {  	_ =	shalt  }
0x63: {  	_ =	shalt  }
0x64: {  	_ =	shalt  }
0x65: {  	_ =	shalt  }
0x66: {  	_ =	shalt  }
0x67: {  	_ =	shalt  }
0x68: {  	_ =	shalt  }
0x69: {  	_ =	shalt  }
0x6a: {  	_ =	shalt  }
0x6b: {  	_ =	shalt  }
0x6c: {  	_ =	shalt  }
0x6d: {  	_ =	shalt  }
0x6e: {  	_ =	shalt  }
0x6f: {  	_ =	shalt  }
0x70: {  	_ =	shalt  }
0x71: {  	_ =	shalt  }
0x72: {  	_ =	shalt  }
0x73: {  	_ =	shalt  }
0x74: {  	_ =	shalt  }
0x75: {  	_ =	shalt  }
0x76: {  	_ =	shalt  }
0x77: {  	_ =	shalt  }
0x78: {  	_ =	shalt  }
0x79: {  	_ =	shalt  }
0x7a: {  	_ =	shalt  }
0x7b: {  	_ =	shalt  }
0x7c: {  	_ =	shalt  }
0x7d: {  	_ =	shalt  }
0x7e: {  	_ =	shalt  }
0x7f: {  	_ =	shalt  }
0x80: {  	_ =	shalt  }
0x81: {  	_ =	shalt  }
0x82: {  	_ =	shalt  }
0x83: {  	_ =	shalt  }
0x84: {  	_ =	shalt  }
0x85: {  	_ =	shalt  }
0x86: {  	_ =	shalt  }
0x87: {  	_ =	shalt  }
.Lfunc_end0:
.L_simem_size_0:
called_computation.1_lowered:
.L_overlay_start_0:
0x88: {  	s0 =	sld [smem:$0x3FD9]  }
0x89: {  	s1 =	sld [smem:$0x3FFE];
	_ =	sdelay $0x3  }
0x8a: {  	s0 =	sadd.s32 s1, s0  }
0x8b: {  	[smem:$0x3FBE] =	sst s0  }
0x8c: {  	_ = 	snop  }
0x8d: {  	s0 =	sld [smem:$0x3FD0];
	(tm) =	ssettm $0x1  }
0x8e: {  	s16 =	sld [smem:$0x3FFB];
	_ =	sdelay $0x3  }
0x8f: {  	_ =	strace s16  }
0x90: {  	s1 =	sld [smem:$0x3FFC];
	_ =	sdelay $0x3  }
0x91: {  	_ =	strace s1  }
0x92: {  	s1 =	sld [smem:$0x3FFD];
	_ =	sdelay $0x3  }
0x93: {  	_ =	strace s1  }
0x94: {  	_ =	strace $0x8FFFFFFF  }
0x95: {  	s17 =	sld [smem:$0x3FDB];
	_ =	sdelay $0x1  }
0x96: {  	s2 =	simm.s32 $_scs_section_size  }
0x97: {  	s3 =	simm.s32 $_size__tile_overlayer_lowered;
	s4 =	simm.s32 $_tile_overlayer_lowered  }
0x98: {  	s20 =	simm.s32 $0x1BFF;
	s19 =	sshll.u32 s4, $0x1;
	s1 =	sadd.s32 s2, s17  }
0x99: {  	s5 =	simm.s32 $0x0;
	s18 =	sshll.u32 s3, $0x1;
	s3 =	sadd.s32 s19, s1  }
0x9a: {  	[timem:s5], [sflag:s20] =	dma.local [hbm:s3], s18  }
0x9b: {  	_ =	swait.ge [sflag:s20], s18  }
0x9c: {  	s2 =	ssub.s32 $0x0, s18;
	[sflag:s20] =	ssyncset.done $0x0  }
0x9d: {  	[sflag:s20] =	ssyncadd.s32 s2;
	_ =	sdelay $0x1  }
0x9e: {  	s21 =	simm.s32 $0x1B8B  }
0x9f: {  	_ =	swait.ge [sflag:s21], $0x1  }
0xa0: {  	[sflag:s21] =	ssyncset.done $0x0  }
0xa1: {  	s23 =	simm.s32 $0x1B8E;
	s22 =	sld [smem:$0x3FFE];
	[sflag:s21] =	ssyncadd.s32 $0xFFFFFFFF  }
0xa2: {  	s24 =	simm.s32 $execute0_lowered;
	[smem:$0x3FD2] =	sst s23  }
0xa3: {  	s3 =	sshll.u32 s24, $0x1;
	_ =	strace $0x80000049;
	[dreg:$0x1] =	wrdreg $0xFFFFFFFF  }
0xa4: {  	s25 =	simm.s32 $_size_execute0_lowered;
	s1 =	sadd.s32 s1, s3;
	[dreg:$0x0] =	wrdreg $0x0  }
0xa5: {  	s3 =	sshll.u32 s25, $0x1;
	[dreg:$0x2] =	wrdreg s1  }
0xa6: {  	[dreg:$0x3] =	wrdreg s3  }
0xa7: {  	[dreg:$0x4] =	wrdreg $0xC0  }
0xa8: {  	_ =	task [dreg:s5], $0x5FFFF  }
0xa9: {  	[dreg:$0x1] =	wrdreg $0xFFFFFFFF  }
0xaa: {  	[dreg:$0x0] =	wrdreg $0x60  }
0xab: {  	[dreg:$0x2] =	wrdreg s22  }
0xac: {  	[dreg:$0x3] =	wrdreg s0  }
0xad: {  	[dreg:$0x4] =	wrdreg $0xFD000  }
0xae: {  	[dreg:$0x5] =	wrdreg $0x9  }
0xaf: {  	_ =	task.clear_ibuf [dreg:s5], $0x6FFFF;
	_ =	strace $0x90000049  }
0xb0: {  	s26 =	simm.s32 $0x9;
	_ =	strace $0x8000004B  }
0xb1: {  	_ =	swait.ge [sflag:s26], $0x1  }
0xb2: {  	[sflag:s26] =	ssyncadd.s32 $0xFFFFFFFF  }
0xb3: {  	_ =	strace $0x9000004B  }
0xb4: {  	_ =	sfence  }
0xb5: {  	s28 =	sld [smem:$0x0];
	_ =	sdelay $0x1  }
0xb6: {  	s29 =	srdreg.scid  }
0xb7: {  	s30 =	sshll.u32 s29, $0xD;
	s31 =	sshrl.u32 s29, $0x2  }
0xb8: {  	s2 =	sand.u32 $0x4000, s30;
	s1 =	sand.u32 $0x1, s29;
	s0 =	sadd.s32 s31, s28  }
0xb9: {  	s1 =	sor.u32 s2, s1;
	s0 =	sshll.u32 s0, $0x11  }
0xba: {  	s0 =	sor.u32 s0, s1  }
0xbb: {  	s0 =	sadd.s32 $0x8F2B, s0  }
0xbc: {  	[sflag:s0] =	ssyncadd.remote.s32 $0x1  }
0xbd: {  	_ =	sfence.sel $0xFFFF  }
0xbe: {  	[dreg:$0x0] =	wrdreg $0xFFFFFFFF;
	(pc) =	sbr.abs _section_cstart, $3  }
0xbf: {  	[dreg:$0x1] =	wrdreg $0xFFFFFFFF  }
0xc0: {  	_ =	task.clear_ibuf [dreg:s5], $0x2FFFF;
	_ =	strace $0x9FFFFFFF  }
0xc1: {  	(tm) =	ssettm $0x7FFFFFFF  }
tec
execute0_lowered:
.L_overlay_start_1:
0x0: {  	(tag) =	ssettag $0x1  }
0x1: {  	s0 =	stileid.u32  }
0x2: {  	s2 =	smul.u32 $0x9C, s0  }
0x3: {  	s1 =	smin.u32 s0, $0x4  }
0x4: {  	s6 =	sadd.s32 s1, s2  }
0x5: {  	s23 =	rddreg [dreg:$0x0];
	s12 =	smin.u32 s6, $0x927  }
0x6: {  	s4 =	rddreg [dreg:$0x1];
	s3 =	simm.s32 $0x0;
	s5 =	sshll.u32 s12, $0x4  }
0x7: {  	s24 =	simm.s32 $0x11;
	[smem:$0x7FF] =	sst s3;
	s5 =	sadd.s32 s5, s23  }
0x8: {  	s2 =	rddreg [dreg:$0x2];
	_ =	strace $0x8000004A;
	s7 =	sadd.s32 $0x3400, s5  }
0x9: {  	[tilespmem:s3], [sflag:$0x11] =	stream.linear.gather [hbm4b:s7+s3], $0x4E80, $0x38;
	[tilespmem:$0x13900] =	vst v63  }
0xa: {  	s8 =	smul.u32 $0x3C00, s0;
	s29 =	sshll.u32 s0, $0x6;
	_ =	swait.ge [sflag:s24], $0x4E80  }
0xb: {  	s9 =	simm.s32 $0x4E80;
	s30 =	sor.u32 $0x1C11, s29;
	[sflag:s24] =	ssyncset.done $0x0  }
0xc: {  	s26 =	sshrl.u32 s8, $0x3;
	s5 =	sadd.s32 $0xD040, s5;
	[sflag:s24] =	ssyncadd.s32 $0xFFFFB180  }
0xd: {  	[tilespmem:s9], [sflag:$0x11] =	stream.linear.gather [hbm4b:s5+s3], $0x4E80, $0x38;
	[tilespmem:$0x13900] =	vst v63  }
0xe: {  	s25 =	sadd.s32 s8, s2;
	_ =	swait.ge [sflag:s24], $0x4E80;
	[dreg:$0x4] =	wrdreg s26  }
0xf: {  	s31 =	sshrl.u32 s25, $0x3;
	[dreg:$0x5] =	wrdreg s30;
	[sflag:s24] =	ssyncset.done $0x0  }
0x10: {  	s8 =	sadd.s32 s4, s26;
	[dreg:$0x6] =	wrdreg s31;
	[sflag:s24] =	ssyncadd.s32 $0xFFFFB180  }
0x11: {  	[spmem:s31], [sflag:s30] =	dma.local [hbm:s8], $0x780  }
0x12: {  	_ =	swait.ge [sflag:s24], $0x780  }
0x13: {  	s4 =	simm.s32 $0x9D00;
	s6 =	ssub.s32 s6, s12;
	[sflag:s24] =	ssyncset.done $0x0  }
0x14: {  	s7 =	simm.s32 $0x80;
	s3 =	sshll.u32 s6, $0x9;
	[sflag:s24] =	ssyncadd.s32 $0xFFFFF880  }
0x15: {  	s6 =	sadd.s32 $0x16E00, s23;
	s13 =	sshra.s32 s3, $0x2;
	[bflag:$0x0] =	sbarrier.arrive $0xFFFF  }
0x16: {  	[tilespmem:s4], [sflag:$0x1] =	stream.indirect.gather [hbm4b:s6+s7], $0x18, s13, s7, $0xb8;
	[tilespmem:$0x13900] =	vst v63  }
0x17: {  	s5 =	simm.s32 $0xA900;
	s10 =	sadd.s32 $0x80, s13  }
0x18: {  	[tilespmem:s5], [sflag:$0x2] =	stream.indirect.gather [hbm4b:s6+s7], $0x18, s10, s7, $0xb8;
	[tilespmem:$0x13900] =	vst v63  }
0x19: {  	s15 =	simm.s32 $0xCD00;
	s11 =	sadd.s32 $0x100, s13;
	s8 =	simm.s32 $0xB500  }
0x1a: {  	[tilespmem:s8], [sflag:$0x3] =	stream.indirect.gather [hbm4b:s6+s7], $0x18, s11, s7, $0xb8;
	[tilespmem:$0x13900] =	vst v63  }
0x1b: {  	s22 =	simm.s32 $0xD900;
	s9 =	simm.s32 $0xC100;
	s14 =	sadd.s32 $0x180, s13  }
0x1c: {  	[tilespmem:s9], [sflag:$0x4] =	stream.indirect.gather [hbm4b:s6+s7], $0x18, s14, s7, $0xb8;
	[tilespmem:$0x13900] =	vst v63  }
0x1d: {  	s29 =	smul.u32 $0x13800, s0;
	s1 =	sshll.u32 s1, $0x9;
	s20 =	sadd.s32 $0x200, s13  }
0x1e: {  	[tilespmem:s15], [sflag:$0x5] =	stream.indirect.gather [hbm4b:s6+s7], $0x18, s20, s7, $0xb8;
	[tilespmem:$0x13900] =	vst v63  }
0x1f: {  	s1 =	sadd.s32 s1, s29;
	s12 =	sshll.u32 s12, $0x9;
	s21 =	sadd.s32 $0x280, s13  }
0x20: {  	[tilespmem:s22], [sflag:$0x6] =	stream.indirect.gather [hbm4b:s6+s7], $0x18, s21, s7, $0xb8;
	[tilespmem:$0x13900] =	vst v63  }
0x21: {  	s25 =	simm.s32 $0xE500;
	s1 =	ssub.s32 s1, s12;
	s24 =	sadd.s32 $0x300, s13  }
0x22: {  	[tilespmem:s25], [sflag:$0x7] =	stream.indirect.gather [hbm4b:s6+s7], $0x18, s24, s7, $0xb8;
	[tilespmem:$0x13900] =	vst v63  }
0x23: {  	s12 =	simm.s32 $0x1;
	s26 =	simm.s32 $0xF100;
	s13 =	sadd.s32 $0x380, s13  }
0x24: {  	[tilespmem:s26], [sflag:$0x8] =	stream.indirect.gather [hbm4b:s6+s7], $0x18, s13, s7, $0xb8;
	[tilespmem:$0x13900] =	vst v63  }
0x25: {  	s13 =	sshra.s32 s1, $0x2;
	_ =	swait.ge [sflag:s12], $0xC00  }
0x26: {  	s14 =	sadd.s32 $0x4E80, s13;
	[sflag:s12] =	ssyncset.done $0x0  }
0x27: {  	s15 =	simm.s32 $0x2;
	s30 =	sadd.s32 $0x0, s14;
	[sflag:s12] =	ssyncadd.s32 $0xFFFFF400  }
0x28: {  	[spmem:s2] =	stream.indirect.scatter.add.f32 [tilespmem:s4], [sflag:$0x9], $0x18, s30, s7, $0xb8;
	[tilespmem:$0x13900] =	vst v63  }
0x29: {  	_ =	swait.ge [sflag:s15], $0xC00  }
0x2a: {  	[sflag:s15] =	ssyncset.done $0x0  }
0x2b: {  	s16 =	simm.s32 $0x3;
	s17 =	sadd.s32 $0x80, s30;
	[sflag:s15] =	ssyncadd.s32 $0xFFFFF400  }
0x2c: {  	[spmem:s2] =	stream.indirect.scatter.add.f32 [tilespmem:s5], [sflag:$0xA], $0x18, s17, s7, $0xb8;
	[tilespmem:$0x13900] =	vst v63  }
0x2d: {  	_ =	swait.ge [sflag:s16], $0xC00  }
0x2e: {  	[sflag:s16] =	ssyncset.done $0x0  }
0x2f: {  	s18 =	sadd.s32 $0x100, s30;
	s17 =	simm.s32 $0x4;
	[sflag:s16] =	ssyncadd.s32 $0xFFFFF400  }
0x30: {  	[spmem:s2] =	stream.indirect.scatter.add.f32 [tilespmem:s8], [sflag:$0xB], $0x18, s18, s7, $0xb8;
	[tilespmem:$0x13900] =	vst v63  }
0x31: {  	s19 =	simm.s32 $0x9;
	_ =	swait.ge [sflag:s17], $0xC00  }
0x32: {  	p0 =	slt.u32 s0, $0x4;
	s18 =	simm.s32 $0x9D;
	[sflag:s17] =	ssyncset.done $0x0  }
0x33: {  	s1 =	sadd.s32 $0x180, s30;
	s18 =	simm.s32 @!p0 $0x9C;
	[sflag:s17] =	ssyncadd.s32 $0xFFFFF400  }
0x34: {  	[spmem:s2] =	stream.indirect.scatter.add.f32 [tilespmem:s9], [sflag:$0xC], $0x18, s1, s7, $0xb8;
	[tilespmem:$0x13900] =	vst v63  }
0x35: {  	s20 =	simm.s32 $0xA;
	p0 =	sle.u32 s18, $0x8;
	_ =	swait.ge [sflag:s19], $0xC00  }
0x36: {  	s21 =	sadd.s32 @!p0 $0x0, s13;
	s22 =	simm.s32 @!p0 $0x80;
	[sflag:s19] =	ssyncset.done $0x0  }
0x37: {  	s1 =	simm.s32 @!p0 $0x9D00;
	s21 =	sadd.s32 @!p0 $0x400, s21;
	[sflag:s19] =	ssyncadd.s32 $0xFFFFF400  }
0x38: {  	[tilespmem:s1], [sflag:$0x1] =	stream.indirect.gather @!p0 [hbm4b:s6+s22], $0x18, s21, s22, $0xb8;
	[tilespmem:$0x13900] =	vst v63  }
0x39: {  	s21 =	simm.s32 $0xB;
	p0 =	sle.u32 s18, $0x9;
	_ =	swait.ge [sflag:s20], $0xC00  }
0x3a: {  	s1 =	sadd.s32 @!p0 $0x0, s13;
	s22 =	simm.s32 @!p0 $0x80;
	[sflag:s20] =	ssyncset.done $0x0  }
0x3b: {  	s24 =	simm.s32 @!p0 $0xA900;
	s1 =	sadd.s32 @!p0 $0x480, s1;
	[sflag:s20] =	ssyncadd.s32 $0xFFFFF400  }
0x3c: {  	[tilespmem:s24], [sflag:$0x2] =	stream.indirect.gather @!p0 [hbm4b:s6+s22], $0x18, s1, s22, $0xb8;
	[tilespmem:$0x13900] =	vst v63  }
0x3d: {  	p0 =	sle.u32 s18, $0xA;
	_ =	swait.ge [sflag:s21], $0xC00  }
0x3e: {  	s1 =	sadd.s32 @!p0 $0x0, s13;
	s22 =	simm.s32 @!p0 $0x80;
	[sflag:s21] =	ssyncset.done $0x0  }
0x3f: {  	s24 =	simm.s32 @!p0 $0xB500;
	s1 =	sadd.s32 @!p0 $0x500, s1;
	[sflag:s21] =	ssyncadd.s32 $0xFFFFF400  }
0x40: {  	[tilespmem:s24], [sflag:$0x3] =	stream.indirect.gather @!p0 [hbm4b:s6+s22], $0x18, s1, s22, $0xb8;
	[tilespmem:$0x13900] =	vst v63  }
0x41: {  	s22 =	simm.s32 $0xC  }
0x42: {  	p2 =	sle.u32 s18, $0x4;
	p0 =	sle.u32 s18, $0xB;
	_ =	swait.ge [sflag:s22], $0xC00  }
0x43: {  	s1 =	sadd.s32 @!p0 $0x0, s13;
	s24 =	simm.s32 @!p0 $0x80;
	[sflag:s22] =	ssyncset.done $0x0  }
0x44: {  	s25 =	simm.s32 @!p0 $0xC100;
	s1 =	sadd.s32 @!p0 $0x580, s1;
	[sflag:s22] =	ssyncadd.s32 $0xFFFFF400  }
0x45: {  	[tilespmem:s25], [sflag:$0x4] =	stream.indirect.gather @!p0 [hbm4b:s6+s24], $0x18, s1, s24, $0xb8;
	[tilespmem:$0x13900] =	vst v63  }
0x46: {  	s1 =	simm.s32 @!p2 $0x5  }
0x47: {  	p3 =	sle.u32 s18, $0x5;
	_ =	swait.ge @!p2 [sflag:s1], $0xC00  }
0x48: {  	s24 =	sadd.s32 @!p2 $0x0, s14;
	s25 =	simm.s32 @!p2 $0x80;
	[sflag:s1] =	ssyncset.done @!p2 $0x0  }
0x49: {  	s24 =	sadd.s32 @!p2 $0x200, s24;
	[sflag:s1] =	ssyncadd.s32 @!p2 $0xFFFFF400;
	s1 =	simm.s32 @!p2 $0xCD00  }
0x4a: {  	[spmem:s2] =	stream.indirect.scatter.add.f32 @!p2 [tilespmem:s1], [sflag:$0xD], $0x18, s24, s25, $0xb8;
	[tilespmem:$0x13900] =	vst v63  }
0x4b: {  	s1 =	simm.s32 @!p3 $0x6  }
0x4c: {  	p1 =	sle.u32 s18, $0x6;
	_ =	swait.ge @!p3 [sflag:s1], $0xC00  }
0x4d: {  	s24 =	sadd.s32 @!p3 $0x0, s14;
	s25 =	simm.s32 @!p3 $0x80;
	[sflag:s1] =	ssyncset.done @!p3 $0x0  }
0x4e: {  	s24 =	sadd.s32 @!p3 $0x280, s24;
	[sflag:s1] =	ssyncadd.s32 @!p3 $0xFFFFF400;
	s1 =	simm.s32 @!p3 $0xD900  }
0x4f: {  	[spmem:s2] =	stream.indirect.scatter.add.f32 @!p3 [tilespmem:s1], [sflag:$0xE], $0x18, s24, s25, $0xb8;
	[tilespmem:$0x13900] =	vst v63  }
0x50: {  	s1 =	simm.s32 @!p1 $0x7  }
0x51: {  	p0 =	sle.u32 s18, $0x7;
	_ =	swait.ge @!p1 [sflag:s1], $0xC00  }
0x52: {  	s24 =	sadd.s32 @!p1 $0x0, s14;
	s25 =	simm.s32 @!p1 $0x80;
	[sflag:s1] =	ssyncset.done @!p1 $0x0  }
0x53: {  	s24 =	sadd.s32 @!p1 $0x300, s24;
	[sflag:s1] =	ssyncadd.s32 @!p1 $0xFFFFF400;
	s1 =	simm.s32 @!p1 $0xE500  }
0x54: {  	[spmem:s2] =	stream.indirect.scatter.add.f32 @!p1 [tilespmem:s1], [sflag:$0xF], $0x18, s24, s25, $0xb8;
	[tilespmem:$0x13900] =	vst v63  }
0x55: {  	s1 =	simm.s32 @!p0 $0x8  }
0x56: {  	_ =	swait.ge @!p0 [sflag:s1], $0xC00  }
0x57: {  	s24 =	sadd.s32 @!p0 $0x0, s14;
	s25 =	simm.s32 @!p0 $0x80;
	[sflag:s1] =	ssyncset.done @!p0 $0x0  }
0x58: {  	s24 =	sadd.s32 @!p0 $0x380, s24;
	[sflag:s1] =	ssyncadd.s32 @!p0 $0xFFFFF400;
	s1 =	simm.s32 @!p0 $0xF100  }
0x59: {  	[spmem:s2] =	stream.indirect.scatter.add.f32 @!p0 [tilespmem:s1], [sflag:$0x10], $0x18, s24, s25, $0xb8;
	[tilespmem:$0x13900] =	vst v63  }
0x5a: {  	s1 =	simm.s32 @!p2 $0xD  }
0x5b: {  	p4 =	sle.u32 s18, $0xC;
	_ =	swait.ge @!p2 [sflag:s1], $0xC00  }
0x5c: {  	s24 =	sadd.s32 @!p4 $0x0, s13;
	s25 =	simm.s32 @!p4 $0x80;
	[sflag:s1] =	ssyncset.done @!p2 $0x0  }
0x5d: {  	s24 =	sadd.s32 @!p4 $0x600, s24;
	[sflag:s1] =	ssyncadd.s32 @!p2 $0xFFFFF400;
	s1 =	simm.s32 @!p4 $0xCD00  }
0x5e: {  	[tilespmem:s1], [sflag:$0x5] =	stream.indirect.gather @!p4 [hbm4b:s6+s25], $0x18, s24, s25, $0xb8;
	[tilespmem:$0x13900] =	vst v63  }
0x5f: {  	s1 =	simm.s32 @!p3 $0xE  }
0x60: {  	p2 =	sle.u32 s18, $0xD;
	_ =	swait.ge @!p3 [sflag:s1], $0xC00  }
0x61: {  	s24 =	sadd.s32 @!p2 $0x0, s13;
	s25 =	simm.s32 @!p2 $0x80;
	[sflag:s1] =	ssyncset.done @!p3 $0x0  }
0x62: {  	s24 =	sadd.s32 @!p2 $0x680, s24;
	[sflag:s1] =	ssyncadd.s32 @!p3 $0xFFFFF400;
	s1 =	simm.s32 @!p2 $0xD900  }
0x63: {  	[tilespmem:s1], [sflag:$0x6] =	stream.indirect.gather @!p2 [hbm4b:s6+s25], $0x18, s24, s25, $0xb8;
	[tilespmem:$0x13900] =	vst v63  }
0x64: {  	s31 =	sadd.s32 $0x1E400, s23;
	s1 =	simm.s32 @!p1 $0xF  }
0x65: {  	s10 =	simm.s32 $0xB500;
	p2 =	sle.u32 s18, $0xE;
	_ =	swait.ge @!p1 [sflag:s1], $0xC00  }
0x66: {  	s24 =	sadd.s32 @!p2 $0x0, s13;
	s25 =	simm.s32 @!p2 $0x80;
	[sflag:s1] =	ssyncset.done @!p1 $0x0  }
0x67: {  	s24 =	sadd.s32 @!p2 $0x700, s24;
	[sflag:s1] =	ssyncadd.s32 @!p1 $0xFFFFF400;
	s1 =	simm.s32 @!p2 $0xE500  }
0x68: {  	[tilespmem:s1], [sflag:$0x7] =	stream.indirect.gather @!p2 [hbm4b:s6+s25], $0x18, s24, s25, $0xb8;
	[tilespmem:$0x13900] =	vst v63  }
0x69: {  	s11 =	simm.s32 $0xC100;
	[dreg:$0x7] =	wrdreg s31;
	s1 =	simm.s32 @!p0 $0x10  }
0x6a: {  	s24 =	simm.s32 $0x1000;
	p2 =	sle.u32 s18, $0xF;
	s25 =	simm.s32 $0x17  }
0x6b: {  	_ =	swait.ge @!p0 [sflag:s1], $0xC00;
	s26 =	sadd.s32 @!p2 $0x0, s13;
	s28 =	simm.s32 @!p2 $0x80  }
.LBB2_1:
0x6c: {  	[sflag:s1] =	ssyncset.done @!p0 $0x0  }
0x6d: {  	s29 =	sadd.s32 @!p2 $0x780, s26;
	s26 =	smov.u32 s24;
	s24 =	sadd.s32 $0x1000, s24  }
0x6e: {  	s30 =	simm.s32 @!p2 $0xF100;
	[sflag:s1] =	ssyncadd.s32 @!p0 $0xFFFFF400;
	p0 =	sne.s32 s24, $0x14000  }
0x6f: {  	[tilespmem:s30], [sflag:$0x8] =	stream.indirect.gather @!p2 [hbm4b:s6+s28], $0x18, s29, s28, $0xb8;
	[tilespmem:$0x13900] =	vst v63  }
0x70: {  	s0 =	simm.s32 @!p0 $0x0  }
0x71: {  	s9 =	simm.s32 $0x9D00;
	s31 =	simm.s32 $0xA900;
	s0 =	simm.s32 @p0 $0x1  }
0x72: {  	s1 =	smov.u32 s25;
	s28 =	sshra.s32 s26, $0x2;
	[smem:$0x7FD] =	sst s0  }
0x73: {  	s29 =	sadd.s32 $0xFFFFFFFF, s1;
	p2 =	sge.u32 s1, s18;
	_ =	swait.ge [sflag:s12], $0xC00  }
0x74: {  	s4 =	sadd.s32 $0xFFFFFFF7, s1;
	s5 =	sadd.s32 $0xFFFFFFF5, s1;
	[sflag:s12] =	ssyncset.done $0x0  }
0x75: {  	s8 =	sadd.s32 $0xFFFFFFFE, s1;
	s3 =	sadd.s32 s28, s14;
	[sflag:s12] =	ssyncadd.s32 $0xFFFFF400  }
0x76: {  	[spmem:s2] =	stream.indirect.scatter.add.f32 [tilespmem:s9], [sflag:$0x9], $0x18, s3, s7, $0xb8;
	[tilespmem:$0x13900] =	vst v63  }
0x77: {  	p3 =	sge.u32 s8, s18;
	p4 =	sge.u32 s4, s18;
	_ =	swait.ge [sflag:s15], $0xC00  }
0x78: {  	p5 =	sge.u32 s5, s18;
	s5 =	sadd.s32 $0xFFFFFFF9, s1;
	[sflag:s15] =	ssyncset.done $0x0  }
0x79: {  	s23 =	sadd.s32 $0x80, s3;
	s30 =	sshra.s32 @!p3 s26, $0x2;
	[sflag:s15] =	ssyncadd.s32 $0xFFFFF400  }
0x7a: {  	[spmem:s2] =	stream.indirect.scatter.add.f32 [tilespmem:s31], [sflag:$0xA], $0x18, s23, s7, $0xb8;
	[tilespmem:$0x13900] =	vst v63  }
0x7b: {  	s0 =	sadd.s32 $0xFFFFFFFB, s1;
	p1 =	sge.u32 s5, s18;
	_ =	swait.ge [sflag:s16], $0xC00  }
0x7c: {  	s8 =	sshra.s32 @!p5 s26, $0x2;
	s4 =	sshra.s32 @!p1 s26, $0x2;
	[sflag:s16] =	ssyncset.done $0x0  }
0x7d: {  	s4 =	sadd.s32 @!p1 s4, s13;
	s9 =	sadd.s32 $0x100, s3;
	[sflag:s16] =	ssyncadd.s32 $0xFFFFF400  }
0x7e: {  	[spmem:s2] =	stream.indirect.scatter.add.f32 [tilespmem:s10], [sflag:$0xB], $0x18, s9, s7, $0xb8;
	[tilespmem:$0x13900] =	vst v63  }
0x7f: {  	s5 =	simm.s32 @!p1 $0x80;
	s4 =	sadd.s32 @!p1 $0x400, s4;
	_ =	swait.ge [sflag:s17], $0xC00  }
0x80: {  	s3 =	sadd.s32 $0x180, s3;
	s31 =	sadd.s32 $0xFFFFFFFD, s1;
	[sflag:s17] =	ssyncset.done $0x0  }
0x81: {  	s23 =	sadd.s32 $0xFFFFFFF8, s1;
	s9 =	sadd.s32 $0xFFFFFFFA, s1;
	[sflag:s17] =	ssyncadd.s32 $0xFFFFF400  }
0x82: {  	[spmem:s2] =	stream.indirect.scatter.add.f32 [tilespmem:s11], [sflag:$0xC], $0x18, s3, s7, $0xb8;
	[tilespmem:$0x13900] =	vst v63  }
0x83: {  	p0 =	sge.u32 s23, s18;
	p6 =	sge.u32 s9, s18;
	_ =	swait.ge [sflag:s19], $0xC00  }
0x84: {  	s23 =	sadd.s32 $0xFFFFFFFC, s1;
	s9 =	sshra.s32 @!p6 s26, $0x2;
	[sflag:s19] =	ssyncset.done $0x0  }
0x85: {  	s3 =	sadd.s32 @!p5 s8, s14;
	s8 =	simm.s32 @!p1 $0x9D00;
	[sflag:s19] =	ssyncadd.s32 $0xFFFFF400  }
0x86: {  	[tilespmem:s8], [sflag:$0x1] =	stream.indirect.gather @!p1 [hbm4b:s6+s5], $0x18, s4, s5, $0xb8;
	[tilespmem:$0x13900] =	vst v63  }
0x87: {  	s4 =	sadd.s32 @!p6 s9, s13;
	s5 =	simm.s32 @!p6 $0x80;
	_ =	swait.ge [sflag:s20], $0xC00  }
0x88: {  	p1 =	sge.u32 s0, s18;
	s0 =	simm.s32 @!p6 $0xA900;
	[sflag:s20] =	ssyncset.done $0x0  }
0x89: {  	s4 =	sadd.s32 @!p6 $0x480, s4;
	s8 =	sshra.s32 @!p1 s26, $0x2;
	[sflag:s20] =	ssyncadd.s32 $0xFFFFF400  }
0x8a: {  	[tilespmem:s0], [sflag:$0x2] =	stream.indirect.gather @!p6 [hbm4b:s6+s5], $0x18, s4, s5, $0xb8;
	[tilespmem:$0x13900] =	vst v63  }
0x8b: {  	s0 =	sadd.s32 @!p1 s8, s13;
	s4 =	simm.s32 @!p1 $0x80;
	_ =	swait.ge [sflag:s21], $0xC00  }
0x8c: {  	p6 =	sge.u32 s23, s18;
	s5 =	simm.s32 @!p1 $0xB500;
	[sflag:s21] =	ssyncset.done $0x0  }
0x8d: {  	s0 =	sadd.s32 @!p1 $0x500, s0;
	s8 =	sshra.s32 @!p6 s26, $0x2;
	[sflag:s21] =	ssyncadd.s32 $0xFFFFF400  }
0x8e: {  	[tilespmem:s5], [sflag:$0x3] =	stream.indirect.gather @!p1 [hbm4b:s6+s4], $0x18, s0, s4, $0xb8;
	[tilespmem:$0x13900] =	vst v63  }
0x8f: {  	s1 =	sadd.s32 $0xFFFFFFF6, s1;
	s0 =	sadd.s32 @!p6 s8, s13;
	_ =	swait.ge [sflag:s22], $0xC00  }
0x90: {  	s4 =	simm.s32 @!p6 $0x80;
	s5 =	simm.s32 @!p5 $0x5;
	[sflag:s22] =	ssyncset.done $0x0  }
0x91: {  	s8 =	simm.s32 @!p6 $0xC100;
	s0 =	sadd.s32 @!p6 $0x580, s0;
	[sflag:s22] =	ssyncadd.s32 $0xFFFFF400  }
0x92: {  	[tilespmem:s8], [sflag:$0x4] =	stream.indirect.gather @!p6 [hbm4b:s6+s4], $0x18, s0, s4, $0xb8;
	[tilespmem:$0x13900] =	vst v63  }
0x93: {  	s3 =	sadd.s32 @!p5 $0x200, s3;
	s0 =	simm.s32 @!p5 $0xCD00;
	_ =	swait.ge @!p5 [sflag:s5], $0xC00  }
0x94: {  	s4 =	simm.s32 @!p5 $0x80;
	p6 =	sge.u32 s1, s18;
	[sflag:s5] =	ssyncset.done @!p5 $0x0  }
0x95: {  	s1 =	simm.s32 @!p6 $0x6;
	[sflag:s5] =	ssyncadd.s32 @!p5 $0xFFFFF400;
	s5 =	sshra.s32 @!p6 s26, $0x2  }
0x96: {  	[spmem:s2] =	stream.indirect.scatter.add.f32 @!p5 [tilespmem:s0], [sflag:$0xD], $0x18, s3, s4, $0xb8;
	[tilespmem:$0x13900] =	vst v63  }
0x97: {  	s0 =	sadd.s32 @!p6 s5, s14;
	s3 =	simm.s32 @!p6 $0xD900;
	_ =	swait.ge @!p6 [sflag:s1], $0xC00  }
0x98: {  	s4 =	simm.s32 @!p6 $0x80;
	s5 =	sshra.s32 @!p4 s26, $0x2;
	[sflag:s1] =	ssyncset.done @!p6 $0x0  }
0x99: {  	s0 =	sadd.s32 @!p6 $0x280, s0;
	[sflag:s1] =	ssyncadd.s32 @!p6 $0xFFFFF400;
	s1 =	simm.s32 @!p4 $0x7  }
0x9a: {  	[spmem:s2] =	stream.indirect.scatter.add.f32 @!p6 [tilespmem:s3], [sflag:$0xE], $0x18, s0, s4, $0xb8;
	[tilespmem:$0x13900] =	vst v63  }
0x9b: {  	s0 =	sadd.s32 @!p4 s5, s14;
	s3 =	simm.s32 @!p4 $0xE500;
	_ =	swait.ge @!p4 [sflag:s1], $0xC00  }
0x9c: {  	s4 =	simm.s32 @!p4 $0x80;
	s5 =	sshra.s32 @!p0 s26, $0x2;
	[sflag:s1] =	ssyncset.done @!p4 $0x0  }
0x9d: {  	s0 =	sadd.s32 @!p4 $0x300, s0;
	[sflag:s1] =	ssyncadd.s32 @!p4 $0xFFFFF400;
	s1 =	simm.s32 @!p0 $0x8  }
0x9e: {  	[spmem:s2] =	stream.indirect.scatter.add.f32 @!p4 [tilespmem:s3], [sflag:$0xF], $0x18, s0, s4, $0xb8;
	[tilespmem:$0x13900] =	vst v63  }
0x9f: {  	p1 =	sge.u32 s31, s18;
	s0 =	sadd.s32 @!p0 s5, s14;
	_ =	swait.ge @!p0 [sflag:s1], $0xC00  }
0xa0: {  	s3 =	simm.s32 @!p0 $0xF100;
	s4 =	simm.s32 @!p0 $0x80;
	[sflag:s1] =	ssyncset.done @!p0 $0x0  }
0xa1: {  	s0 =	sadd.s32 @!p0 $0x380, s0;
	[sflag:s1] =	ssyncadd.s32 @!p0 $0xFFFFF400;
	s1 =	simm.s32 @!p5 $0xD  }
0xa2: {  	[spmem:s2] =	stream.indirect.scatter.add.f32 @!p0 [tilespmem:s3], [sflag:$0x10], $0x18, s0, s4, $0xb8;
	[tilespmem:$0x13900] =	vst v63  }
0xa3: {  	s0 =	sshra.s32 @!p1 s26, $0x2;
	s3 =	simm.s32 @!p1 $0xCD00;
	_ =	swait.ge @!p5 [sflag:s1], $0xC00  }
0xa4: {  	s4 =	simm.s32 @!p1 $0x80;
	s0 =	sadd.s32 @!p1 s0, s13;
	[sflag:s1] =	ssyncset.done @!p5 $0x0  }
0xa5: {  	s0 =	sadd.s32 @!p1 $0x600, s0;
	[sflag:s1] =	ssyncadd.s32 @!p5 $0xFFFFF400;
	s1 =	simm.s32 @!p6 $0xE  }
0xa6: {  	[tilespmem:s3], [sflag:$0x5] =	stream.indirect.gather @!p1 [hbm4b:s6+s4], $0x18, s0, s4, $0xb8;
	[tilespmem:$0x13900] =	vst v63  }
0xa7: {  	s0 =	sadd.s32 @!p3 s30, s13;
	s3 =	simm.s32 @!p3 $0xD900;
	_ =	swait.ge @!p6 [sflag:s1], $0xC00  }
0xa8: {  	s4 =	simm.s32 @!p3 $0x80;
	p1 =	sge.u32 s29, s18;
	[sflag:s1] =	ssyncset.done @!p6 $0x0  }
0xa9: {  	s0 =	sadd.s32 @!p3 $0x680, s0;
	[sflag:s1] =	ssyncadd.s32 @!p6 $0xFFFFF400;
	s1 =	simm.s32 @!p4 $0xF  }
0xaa: {  	[tilespmem:s3], [sflag:$0x6] =	stream.indirect.gather @!p3 [hbm4b:s6+s4], $0x18, s0, s4, $0xb8;
	[tilespmem:$0x13900] =	vst v63  }
0xab: {  	s0 =	sshra.s32 @!p1 s26, $0x2;
	s3 =	simm.s32 @!p1 $0xE500;
	_ =	swait.ge @!p4 [sflag:s1], $0xC00  }
0xac: {  	s4 =	simm.s32 @!p1 $0x80;
	s0 =	sadd.s32 @!p1 s0, s13;
	[sflag:s1] =	ssyncset.done @!p4 $0x0  }
0xad: {  	s0 =	sadd.s32 @!p1 $0x700, s0;
	[sflag:s1] =	ssyncadd.s32 @!p4 $0xFFFFF400;
	s1 =	simm.s32 @!p0 $0x10  }
0xae: {  	[tilespmem:s3], [sflag:$0x7] =	stream.indirect.gather @!p1 [hbm4b:s6+s4], $0x18, s0, s4, $0xb8;
	[tilespmem:$0x13900] =	vst v63  }
0xaf: {  	_ =	swait.ge @!p0 [sflag:s1], $0xC00  }
0xb0: {  	s31 =	sld [smem:$0x7FD];
	_ =	sdelay $0x2  }
0xb1: {  	p1 =	seq.s32 s31, $0x1  }
.Ltmp0:
0xb2: {  	_ = 	snop;
	(pc) =	sbr.rel @p1 .LBB2_1-.Ltmp0, $3  }
0xb3: {  	_ =	sdelay $0x1  }
0xb4: {  	s28 =	sshra.s32 @!p2 s26, $0x2  }
0xb5: {  	s25 =	sadd.s32 $0x8, s25;
	s26 =	sadd.s32 @!p2 s28, s13;
	s28 =	simm.s32 @!p2 $0x80  }
0xb6: {  	[sflag:s1] =	ssyncset.done @!p0 $0x0;
	s0 =	sadd.s32 @!p2 $0x780, s26  }
0xb7: {  	s2 =	simm.s32 @!p2 $0xF100;
	s25 =	rddreg [dreg:$0x4];
	[sflag:s1] =	ssyncadd.s32 @!p0 $0xFFFFF400  }
0xb8: {  	[tilespmem:s2], [sflag:$0x8] =	stream.indirect.gather @!p2 [hbm4b:s6+s28], $0x18, s0, s28, $0xb8;
	[tilespmem:$0x13900] =	vst v63  }
0xb9: {  	s26 =	rddreg [dreg:$0x7];
	[bflag:$0x0] =	sbarrier.arrive $0xFFFF  }
0xba: {  	s28 =	rddreg [dreg:$0x5]  }
0xbb: {  	s30 =	simm.s32 $0x11;
	s0 =	sadd.s32 s26, s25;
	s29 =	rddreg [dreg:$0x6]  }
0xbc: {  	[hbm:s0], [sflag:s28] =	dma.local [spmem:s29], $0x780  }
0xbd: {  	_ =	swait.ge [sflag:s30], $0x780  }
0xbe: {  	[sflag:s30] =	ssyncset.done $0x0  }
0xbf: {  	[sflag:s30] =	ssyncadd.s32 $0xFFFFF880  }
0xc0: {  	_ =	sfence.sel $0x180000  }
0xc1: {  	[bflag:$0x0] =	sbarrier.arrive $0xFFFF  }
0xc2: {  	_ =	strace $0x9000004A  }
0xc3: {  	s31 =	stileid.u32;
	[bflag:$0x2] =	sbarrier.arrive $0xFFFF  }
0xc4: {  	p0 =	sne.s32 s31, $0x0;
	s0 =	rddreg [dreg:$0x3]  }
0xc5: {  	s0 =	sadd.s32 @!p0 $0x100000, s0  }
0xc6: {  	[sflag:s0] =	ssyncadd.tile.s32 @!p0 $0x1;
	_ =	shalt  }
.Lfunc_end2:
_tile_overlayer_lowered:
.L_overlay_start_2:
0xc7: {  	(tag) =	ssettag $0x2  }
0xc8: {  	s0 =	rddreg [dreg:$0x0];
	s2 =	stileid.u32  }
0xc9: {  	s1 =	rddreg [dreg:$0x1];
	p0 =	sne.s32 s2, $0x0  }
0xca: {  	s3 =	rddreg [dreg:$0x2];
	[bflag:$0x3] =	sbarrier.arrive $0xFFFF;
	s2 =	simm.s32 @!p0 $0x1C11  }
0xcb: {  	[timem:s3], [sflag:s2] =	dma.local @!p0 [hbm:s0], s1  }
0xcc: {  	s0 =	simm.s32 @!p0 $0x11  }
0xcd: {  	_ =	swait.ge @!p0 [sflag:s0], s1  }
0xce: {  	s1 =	ssub.s32 @!p0 $0x0, s1;
	[sflag:s0] =	ssyncset.done @!p0 $0x0  }
0xcf: {  	[sflag:s0] =	ssyncadd.s32 @!p0 s1  }
0xd0: {  	[bflag:$0x3] =	sbarrier.arrive $0xFFFF  }
0xd1: {  	_ =	shalt  }

// kernel: kernel.16.cloned.1.call-start
scs
__scs_entry_jumppad:
0x0: {  	(pc) =	sbr.rel $0x88, $3  }
0x1: {  	(tag) =	ssettag $0x0;
	lr =	simm.s32 $0x1  }
0x2: {  	[smem:$0x3F97] =	sst lr;
	_ =	strace $0xD0000000  }
0x3: {  	_ = 	snop  }
0x4: {  	_ = 	snop  }
0x5: {  	_ = 	snop  }
0x6: {  	_ = 	snop  }
0x7: {  	_ = 	snop  }
__scs_overlays_trampoline_lowered:
0x8: {  	[smem:$0x3FA6] =	sst s0  }
0x9: {  	[smem:$0x3FA7] =	sst s1  }
0xa: {  	[smem:$0x3FA8] =	sst s2  }
0xb: {  	[smem:$0x3FA9] =	sst s3  }
0xc: {  	[smem:$0x3FAA] =	sst s4  }
0xd: {  	[smem:$0x3FAB] =	sst s5  }
0xe: {  	[smem:$0x3FAC] =	sst s6  }
0xf: {  	[smem:$0x3FAD] =	sst s7  }
0x10: {  	[smem:$0x3FAE] =	sst s8  }
0x11: {  	[smem:$0x3FAF] =	sst s9;
	s0 =	simm.s32 @!p0 $0x0  }
0x12: {  	s1 =	sld [smem:$0x3F95];
	s0 =	simm.s32 @p0 $0x1  }
0x13: {  	[smem:$0x3FB0] =	sst s0;
	s0 =	simm.s32 @!p1 $0x0  }
0x14: {  	s2 =	sld [smem:$0x3F94];
	s0 =	simm.s32 @p1 $0x1  }
0x15: {  	[smem:$0x3FB1] =	sst s0;
	s0 =	simm.s32 @!p2 $0x0  }
0x16: {  	s3 =	sld [smem:$0x3FDB];
	s0 =	simm.s32 @p2 $0x1  }
0x17: {  	s4 =	simm.s32 $0x1BF5;
	[smem:$0x3FB3] =	sst s0  }
0x18: {  	s0 =	sld [smem:$0x3F96];
	_ =	swait.ge [sflag:s4], $0x0  }
0x19: {  	s7 =	sld [smem:$0x3F97]  }
0x1a: {  	s8 =	sadd.s32 $0xFFFFE003, lr  }
0x1b: {  	s9 =	sadd.s32 $0xFFFFFEF7, lr;
	s5 =	simm.s32 $0xFFFFFFFF;
	p2 =	slt.u32 s8, $0xFFFFF086  }
0x1c: {  	p1 =	slt.u32 s9, $0xF7A;
	s5 =	simm.s32 @!p2 $0x0  }
0x1d: {  	s5 =	simm.s32 @p1 $0x1;
	p0 =	seq.s32 s7, s2  }
0x1e: {  	s7 =	smul.u32 @!p0 $0xF7A, s2;
	p2 =	seq.s32 @!p0 s5, $0x0  }
0x1f: {  	s9 =	smul.u32 $0xF7A, s1;
	s8 =	simm.s32 @!p0 $0x1BF5;
	p2 =	por !p2, p0  }
0x20: {  	[sflag:s8] =	ssyncset.s32 @!p0 $0xFFFFF086;
	s6 =	sadd.s32 @!p0 s3, s7;
	s7 =	simm.s32 @!p0 $0x108  }
0x21: {  	s3 =	sadd.s32 s3, s9;
	s6 =	sadd.s32 @!p0 $0x88, s6;
	s7 =	simm.s32 @p2 $0x1082  }
0x22: {  	[simem:s7], [sflag:s8] =	dma.local @!p0 [hbm:s6], $0xF7A  }
0x23: {  	s9 =	sor.u32 $0xD0000000, s2;
	s6 =	simm.s32 $0x108;
	_ =	swait.ge @!p0 [sflag:s8], $0x0  }
0x24: {  	s3 =	sadd.s32 $0x88, s3;
	s6 =	simm.s32 @!p1 $0x1082;
	[sflag:s4] =	ssyncset.s32 $0xFFFFF086  }
0x25: {  	[simem:s6], [sflag:s4] =	dma.local [hbm:s3], $0xF7A  }
0x26: {  	[smem:$0x3F97] =	sst s1;
	(tag) =	ssettag s2;
	_ =	strace s9  }
0x27: {  	s1 =	sld [smem:$0x3FA7]  }
0x28: {  	s2 =	sld [smem:$0x3FA8]  }
0x29: {  	s4 =	sld [smem:$0x3FAA]  }
0x2a: {  	p0 =	seq.s32 s5, $0x0;
	s5 =	sld [smem:$0x3FAB]  }
0x2b: {  	s6 =	sld [smem:$0x3FAC]  }
0x2c: {  	s7 =	sld [smem:$0x3FAD]  }
0x2d: {  	s3 =	simm.s32 $0x108;
	s8 =	sld [smem:$0x3FAE]  }
0x2e: {  	s3 =	simm.s32 @!p0 $0x1082;
	s9 =	sld [smem:$0x3FAF]  }
0x2f: {  	lr =	sadd.s32 s0, s3;
	s0 =	sld [smem:$0x3FA6]  }
0x30: {  	s3 =	sld [smem:$0x3FA9]  }
0x31: {  	[smem:$0x3FB2] =	sst s10  }
0x32: {  	s10 =	sld [smem:$0x3FB0];
	_ =	sdelay $0x3  }
0x33: {  	p0 =	seq.s32 s10, $0x1;
	s10 =	sld [smem:$0x3FB2];
	_ =	sdelay $0x3  }
0x34: {  	[smem:$0x3FB2] =	sst s10  }
0x35: {  	s10 =	sld [smem:$0x3FB1];
	_ =	sdelay $0x3  }
0x36: {  	p1 =	seq.s32 s10, $0x1;
	s10 =	sld [smem:$0x3FB2];
	_ =	sdelay $0x3  }
0x37: {  	[smem:$0x3FB2] =	sst s10  }
0x38: {  	s10 =	sld [smem:$0x3FB3]  }
0x39: {  	_ = 	snop;
	(pc) =	sbr.ind lr, $3  }
0x3a: {  	_ = 	snop  }
0x3b: {  	_ = 	snop  }
0x3c: {  	p2 =	seq.s32 s10, $0x1;
	s10 =	sld [smem:$0x3FB2]  }
0x3d: {  	_ =	shalt  }
0x3e: {  	_ =	shalt  }
0x3f: {  	_ =	shalt  }
0x40: {  	_ =	shalt  }
0x41: {  	_ =	shalt  }
0x42: {  	_ =	shalt  }
0x43: {  	_ =	shalt  }
0x44: {  	_ =	shalt  }
0x45: {  	_ =	shalt  }
0x46: {  	_ =	shalt  }
0x47: {  	_ =	shalt  }
0x48: {  	_ =	shalt  }
0x49: {  	_ =	shalt  }
0x4a: {  	_ =	shalt  }
0x4b: {  	_ =	shalt  }
0x4c: {  	_ =	shalt  }
0x4d: {  	_ =	shalt  }
0x4e: {  	_ =	shalt  }
0x4f: {  	_ =	shalt  }
0x50: {  	_ =	shalt  }
0x51: {  	_ =	shalt  }
0x52: {  	_ =	shalt  }
0x53: {  	_ =	shalt  }
0x54: {  	_ =	shalt  }
0x55: {  	_ =	shalt  }
0x56: {  	_ =	shalt  }
0x57: {  	_ =	shalt  }
0x58: {  	_ =	shalt  }
0x59: {  	_ =	shalt  }
0x5a: {  	_ =	shalt  }
0x5b: {  	_ =	shalt  }
0x5c: {  	_ =	shalt  }
0x5d: {  	_ =	shalt  }
0x5e: {  	_ =	shalt  }
0x5f: {  	_ =	shalt  }
0x60: {  	_ =	shalt  }
0x61: {  	_ =	shalt  }
0x62: {  	_ =	shalt  }
0x63: {  	_ =	shalt  }
0x64: {  	_ =	shalt  }
0x65: {  	_ =	shalt  }
0x66: {  	_ =	shalt  }
0x67: {  	_ =	shalt  }
0x68: {  	_ =	shalt  }
0x69: {  	_ =	shalt  }
0x6a: {  	_ =	shalt  }
0x6b: {  	_ =	shalt  }
0x6c: {  	_ =	shalt  }
0x6d: {  	_ =	shalt  }
0x6e: {  	_ =	shalt  }
0x6f: {  	_ =	shalt  }
0x70: {  	_ =	shalt  }
0x71: {  	_ =	shalt  }
0x72: {  	_ =	shalt  }
0x73: {  	_ =	shalt  }
0x74: {  	_ =	shalt  }
0x75: {  	_ =	shalt  }
0x76: {  	_ =	shalt  }
0x77: {  	_ =	shalt  }
0x78: {  	_ =	shalt  }
0x79: {  	_ =	shalt  }
0x7a: {  	_ =	shalt  }
0x7b: {  	_ =	shalt  }
0x7c: {  	_ =	shalt  }
0x7d: {  	_ =	shalt  }
0x7e: {  	_ =	shalt  }
0x7f: {  	_ =	shalt  }
0x80: {  	_ =	shalt  }
0x81: {  	_ =	shalt  }
0x82: {  	_ =	shalt  }
0x83: {  	_ =	shalt  }
0x84: {  	_ =	shalt  }
0x85: {  	_ =	shalt  }
0x86: {  	_ =	shalt  }
0x87: {  	_ =	shalt  }
.Lfunc_end0:
.L_simem_size_0:
called_computation.2_lowered:
.L_overlay_start_0:
0x88: {  	s0 =	sld [smem:$0x3FD9]  }
0x89: {  	s1 =	sld [smem:$0x3FFE];
	_ =	sdelay $0x3  }
0x8a: {  	s0 =	sadd.s32 s1, s0  }
0x8b: {  	[smem:$0x3FBE] =	sst s0  }
0x8c: {  	_ = 	snop  }
0x8d: {  	s0 =	sld [smem:$0x3FD0];
	(tm) =	ssettm $0x1  }
0x8e: {  	s16 =	sld [smem:$0x3FFB];
	_ =	sdelay $0x3  }
0x8f: {  	_ =	strace s16  }
0x90: {  	s1 =	sld [smem:$0x3FFC];
	_ =	sdelay $0x3  }
0x91: {  	_ =	strace s1  }
0x92: {  	s1 =	sld [smem:$0x3FFD];
	_ =	sdelay $0x3  }
0x93: {  	_ =	strace s1  }
0x94: {  	_ =	strace $0x8FFFFFFF  }
0x95: {  	s17 =	sld [smem:$0x3FDB];
	_ =	sdelay $0x1  }
0x96: {  	s2 =	simm.s32 $_scs_section_size  }
0x97: {  	s3 =	simm.s32 $_size__tile_overlayer_lowered;
	s4 =	simm.s32 $_tile_overlayer_lowered  }
0x98: {  	s20 =	simm.s32 $0x1BFF;
	s19 =	sshll.u32 s4, $0x1;
	s1 =	sadd.s32 s2, s17  }
0x99: {  	s5 =	simm.s32 $0x0;
	s18 =	sshll.u32 s3, $0x1;
	s3 =	sadd.s32 s19, s1  }
0x9a: {  	[timem:s5], [sflag:s20] =	dma.local [hbm:s3], s18  }
0x9b: {  	_ =	swait.ge [sflag:s20], s18  }
0x9c: {  	s2 =	ssub.s32 $0x0, s18;
	[sflag:s20] =	ssyncset.done $0x0  }
0x9d: {  	[sflag:s20] =	ssyncadd.s32 s2;
	_ =	sdelay $0x1  }
0x9e: {  	s21 =	simm.s32 $0x1B8B  }
0x9f: {  	_ =	swait.ge [sflag:s21], $0x1  }
0xa0: {  	[sflag:s21] =	ssyncset.done $0x0  }
0xa1: {  	s23 =	simm.s32 $0x1B8E;
	s22 =	sld [smem:$0x3FFE];
	[sflag:s21] =	ssyncadd.s32 $0xFFFFFFFF  }
0xa2: {  	s24 =	simm.s32 $execute0_lowered;
	[smem:$0x3FD2] =	sst s23  }
0xa3: {  	s3 =	sshll.u32 s24, $0x1;
	_ =	strace $0x8000004C;
	[dreg:$0x1] =	wrdreg $0xFFFFFFFF  }
0xa4: {  	s25 =	simm.s32 $_size_execute0_lowered;
	s1 =	sadd.s32 s1, s3;
	[dreg:$0x0] =	wrdreg $0x0  }
0xa5: {  	s3 =	sshll.u32 s25, $0x1;
	[dreg:$0x2] =	wrdreg s1  }
0xa6: {  	[dreg:$0x3] =	wrdreg s3  }
0xa7: {  	[dreg:$0x4] =	wrdreg $0xC0  }
0xa8: {  	_ =	task [dreg:s5], $0x5FFFF  }
0xa9: {  	[dreg:$0x1] =	wrdreg $0xFFFFFFFF  }
0xaa: {  	[dreg:$0x0] =	wrdreg $0x60  }
0xab: {  	[dreg:$0x2] =	wrdreg s22  }
0xac: {  	[dreg:$0x3] =	wrdreg s0  }
0xad: {  	[dreg:$0x4] =	wrdreg $0xFD000  }
0xae: {  	[dreg:$0x5] =	wrdreg $0x9  }
0xaf: {  	_ =	task.clear_ibuf [dreg:s5], $0x6FFFF;
	_ =	strace $0x9000004C  }
0xb0: {  	s26 =	simm.s32 $0x9;
	_ =	strace $0x8000004E  }
0xb1: {  	_ =	swait.ge [sflag:s26], $0x1  }
0xb2: {  	[sflag:s26] =	ssyncadd.s32 $0xFFFFFFFF  }
0xb3: {  	_ =	strace $0x9000004E  }
0xb4: {  	_ =	sfence  }
0xb5: {  	s28 =	sld [smem:$0x0];
	_ =	sdelay $0x1  }
0xb6: {  	s29 =	srdreg.scid  }
0xb7: {  	s30 =	sshll.u32 s29, $0xD;
	s31 =	sshrl.u32 s29, $0x2  }
0xb8: {  	s2 =	sand.u32 $0x4000, s30;
	s1 =	sand.u32 $0x1, s29;
	s0 =	sadd.s32 s31, s28  }
0xb9: {  	s1 =	sor.u32 s2, s1;
	s0 =	sshll.u32 s0, $0x11  }
0xba: {  	s0 =	sor.u32 s0, s1  }
0xbb: {  	s0 =	sadd.s32 $0x8F2B, s0  }
0xbc: {  	[sflag:s0] =	ssyncadd.remote.s32 $0x1  }
0xbd: {  	_ =	sfence.sel $0xFFFF  }
0xbe: {  	[dreg:$0x0] =	wrdreg $0xFFFFFFFF;
	(pc) =	sbr.abs _section_cstart, $3  }
0xbf: {  	[dreg:$0x1] =	wrdreg $0xFFFFFFFF  }
0xc0: {  	_ =	task.clear_ibuf [dreg:s5], $0x2FFFF;
	_ =	strace $0x9FFFFFFF  }
0xc1: {  	(tm) =	ssettm $0x7FFFFFFF  }
tec
execute0_lowered:
.L_overlay_start_1:
0x0: {  	(tag) =	ssettag $0x1  }
0x1: {  	s0 =	stileid.u32  }
0x2: {  	s2 =	smul.u32 $0x9C, s0  }
0x3: {  	s1 =	smin.u32 s0, $0x4  }
0x4: {  	s6 =	sadd.s32 s1, s2  }
0x5: {  	s23 =	rddreg [dreg:$0x0];
	s12 =	smin.u32 s6, $0x927  }
0x6: {  	s4 =	rddreg [dreg:$0x1];
	s3 =	simm.s32 $0x0;
	s5 =	sshll.u32 s12, $0x4  }
0x7: {  	s24 =	simm.s32 $0x11;
	[smem:$0x7FF] =	sst s3;
	s5 =	sadd.s32 s5, s23  }
0x8: {  	s2 =	rddreg [dreg:$0x2];
	_ =	strace $0x8000004D;
	s7 =	sadd.s32 $0x3400, s5  }
0x9: {  	[tilespmem:s3], [sflag:$0x11] =	stream.linear.gather [hbm4b:s7+s3], $0x4E80, $0x38;
	[tilespmem:$0x13900] =	vst v63  }
0xa: {  	s8 =	smul.u32 $0x3C00, s0;
	s29 =	sshll.u32 s0, $0x6;
	_ =	swait.ge [sflag:s24], $0x4E80  }
0xb: {  	s9 =	simm.s32 $0x4E80;
	s30 =	sor.u32 $0x1C11, s29;
	[sflag:s24] =	ssyncset.done $0x0  }
0xc: {  	s26 =	sshrl.u32 s8, $0x3;
	s5 =	sadd.s32 $0xD040, s5;
	[sflag:s24] =	ssyncadd.s32 $0xFFFFB180  }
0xd: {  	[tilespmem:s9], [sflag:$0x11] =	stream.linear.gather [hbm4b:s5+s3], $0x4E80, $0x38;
	[tilespmem:$0x13900] =	vst v63  }
0xe: {  	s25 =	sadd.s32 s8, s2;
	_ =	swait.ge [sflag:s24], $0x4E80;
	[dreg:$0x4] =	wrdreg s26  }
0xf: {  	s31 =	sshrl.u32 s25, $0x3;
	[dreg:$0x5] =	wrdreg s30;
	[sflag:s24] =	ssyncset.done $0x0  }
0x10: {  	s8 =	sadd.s32 s4, s26;
	[dreg:$0x6] =	wrdreg s31;
	[sflag:s24] =	ssyncadd.s32 $0xFFFFB180  }
0x11: {  	[spmem:s31], [sflag:s30] =	dma.local [hbm:s8], $0x780  }
0x12: {  	_ =	swait.ge [sflag:s24], $0x780  }
0x13: {  	s4 =	simm.s32 $0x9D00;
	s6 =	ssub.s32 s6, s12;
	[sflag:s24] =	ssyncset.done $0x0  }
0x14: {  	s7 =	simm.s32 $0x80;
	s3 =	sshll.u32 s6, $0x9;
	[sflag:s24] =	ssyncadd.s32 $0xFFFFF880  }
0x15: {  	s6 =	sadd.s32 $0x16E00, s23;
	s13 =	sshra.s32 s3, $0x2;
	[bflag:$0x0] =	sbarrier.arrive $0xFFFF  }
0x16: {  	[tilespmem:s4], [sflag:$0x1] =	stream.indirect.gather [hbm4b:s6+s7], $0x18, s13, s7, $0xb8;
	[tilespmem:$0x13900] =	vst v63  }
0x17: {  	s5 =	simm.s32 $0xA900;
	s10 =	sadd.s32 $0x80, s13  }
0x18: {  	[tilespmem:s5], [sflag:$0x2] =	stream.indirect.gather [hbm4b:s6+s7], $0x18, s10, s7, $0xb8;
	[tilespmem:$0x13900] =	vst v63  }
0x19: {  	s15 =	simm.s32 $0xCD00;
	s11 =	sadd.s32 $0x100, s13;
	s8 =	simm.s32 $0xB500  }
0x1a: {  	[tilespmem:s8], [sflag:$0x3] =	stream.indirect.gather [hbm4b:s6+s7], $0x18, s11, s7, $0xb8;
	[tilespmem:$0x13900] =	vst v63  }
0x1b: {  	s22 =	simm.s32 $0xD900;
	s9 =	simm.s32 $0xC100;
	s14 =	sadd.s32 $0x180, s13  }
0x1c: {  	[tilespmem:s9], [sflag:$0x4] =	stream.indirect.gather [hbm4b:s6+s7], $0x18, s14, s7, $0xb8;
	[tilespmem:$0x13900] =	vst v63  }
0x1d: {  	s29 =	smul.u32 $0x13800, s0;
	s1 =	sshll.u32 s1, $0x9;
	s20 =	sadd.s32 $0x200, s13  }
0x1e: {  	[tilespmem:s15], [sflag:$0x5] =	stream.indirect.gather [hbm4b:s6+s7], $0x18, s20, s7, $0xb8;
	[tilespmem:$0x13900] =	vst v63  }
0x1f: {  	s1 =	sadd.s32 s1, s29;
	s12 =	sshll.u32 s12, $0x9;
	s21 =	sadd.s32 $0x280, s13  }
0x20: {  	[tilespmem:s22], [sflag:$0x6] =	stream.indirect.gather [hbm4b:s6+s7], $0x18, s21, s7, $0xb8;
	[tilespmem:$0x13900] =	vst v63  }
0x21: {  	s25 =	simm.s32 $0xE500;
	s1 =	ssub.s32 s1, s12;
	s24 =	sadd.s32 $0x300, s13  }
0x22: {  	[tilespmem:s25], [sflag:$0x7] =	stream.indirect.gather [hbm4b:s6+s7], $0x18, s24, s7, $0xb8;
	[tilespmem:$0x13900] =	vst v63  }
0x23: {  	s12 =	simm.s32 $0x1;
	s26 =	simm.s32 $0xF100;
	s13 =	sadd.s32 $0x380, s13  }
0x24: {  	[tilespmem:s26], [sflag:$0x8] =	stream.indirect.gather [hbm4b:s6+s7], $0x18, s13, s7, $0xb8;
	[tilespmem:$0x13900] =	vst v63  }
0x25: {  	s13 =	sshra.s32 s1, $0x2;
	_ =	swait.ge [sflag:s12], $0xC00  }
0x26: {  	s14 =	sadd.s32 $0x4E80, s13;
	[sflag:s12] =	ssyncset.done $0x0  }
0x27: {  	s15 =	simm.s32 $0x2;
	s30 =	sadd.s32 $0x0, s14;
	[sflag:s12] =	ssyncadd.s32 $0xFFFFF400  }
0x28: {  	[spmem:s2] =	stream.indirect.scatter.add.f32 [tilespmem:s4], [sflag:$0x9], $0x18, s30, s7, $0xb8;
	[tilespmem:$0x13900] =	vst v63  }
0x29: {  	_ =	swait.ge [sflag:s15], $0xC00  }
0x2a: {  	[sflag:s15] =	ssyncset.done $0x0  }
0x2b: {  	s16 =	simm.s32 $0x3;
	s17 =	sadd.s32 $0x80, s30;
	[sflag:s15] =	ssyncadd.s32 $0xFFFFF400  }
0x2c: {  	[spmem:s2] =	stream.indirect.scatter.add.f32 [tilespmem:s5], [sflag:$0xA], $0x18, s17, s7, $0xb8;
	[tilespmem:$0x13900] =	vst v63  }
0x2d: {  	_ =	swait.ge [sflag:s16], $0xC00  }
0x2e: {  	[sflag:s16] =	ssyncset.done $0x0  }
0x2f: {  	s18 =	sadd.s32 $0x100, s30;
	s17 =	simm.s32 $0x4;
	[sflag:s16] =	ssyncadd.s32 $0xFFFFF400  }
0x30: {  	[spmem:s2] =	stream.indirect.scatter.add.f32 [tilespmem:s8], [sflag:$0xB], $0x18, s18, s7, $0xb8;
	[tilespmem:$0x13900] =	vst v63  }
0x31: {  	s19 =	simm.s32 $0x9;
	_ =	swait.ge [sflag:s17], $0xC00  }
0x32: {  	p0 =	slt.u32 s0, $0x4;
	s18 =	simm.s32 $0x9D;
	[sflag:s17] =	ssyncset.done $0x0  }
0x33: {  	s1 =	sadd.s32 $0x180, s30;
	s18 =	simm.s32 @!p0 $0x9C;
	[sflag:s17] =	ssyncadd.s32 $0xFFFFF400  }
0x34: {  	[spmem:s2] =	stream.indirect.scatter.add.f32 [tilespmem:s9], [sflag:$0xC], $0x18, s1, s7, $0xb8;
	[tilespmem:$0x13900] =	vst v63  }
0x35: {  	s20 =	simm.s32 $0xA;
	p0 =	sle.u32 s18, $0x8;
	_ =	swait.ge [sflag:s19], $0xC00  }
0x36: {  	s21 =	sadd.s32 @!p0 $0x0, s13;
	s22 =	simm.s32 @!p0 $0x80;
	[sflag:s19] =	ssyncset.done $0x0  }
0x37: {  	s1 =	simm.s32 @!p0 $0x9D00;
	s21 =	sadd.s32 @!p0 $0x400, s21;
	[sflag:s19] =	ssyncadd.s32 $0xFFFFF400  }
0x38: {  	[tilespmem:s1], [sflag:$0x1] =	stream.indirect.gather @!p0 [hbm4b:s6+s22], $0x18, s21, s22, $0xb8;
	[tilespmem:$0x13900] =	vst v63  }
0x39: {  	s21 =	simm.s32 $0xB;
	p0 =	sle.u32 s18, $0x9;
	_ =	swait.ge [sflag:s20], $0xC00  }
0x3a: {  	s1 =	sadd.s32 @!p0 $0x0, s13;
	s22 =	simm.s32 @!p0 $0x80;
	[sflag:s20] =	ssyncset.done $0x0  }
0x3b: {  	s24 =	simm.s32 @!p0 $0xA900;
	s1 =	sadd.s32 @!p0 $0x480, s1;
	[sflag:s20] =	ssyncadd.s32 $0xFFFFF400  }
0x3c: {  	[tilespmem:s24], [sflag:$0x2] =	stream.indirect.gather @!p0 [hbm4b:s6+s22], $0x18, s1, s22, $0xb8;
	[tilespmem:$0x13900] =	vst v63  }
0x3d: {  	p0 =	sle.u32 s18, $0xA;
	_ =	swait.ge [sflag:s21], $0xC00  }
0x3e: {  	s1 =	sadd.s32 @!p0 $0x0, s13;
	s22 =	simm.s32 @!p0 $0x80;
	[sflag:s21] =	ssyncset.done $0x0  }
0x3f: {  	s24 =	simm.s32 @!p0 $0xB500;
	s1 =	sadd.s32 @!p0 $0x500, s1;
	[sflag:s21] =	ssyncadd.s32 $0xFFFFF400  }
0x40: {  	[tilespmem:s24], [sflag:$0x3] =	stream.indirect.gather @!p0 [hbm4b:s6+s22], $0x18, s1, s22, $0xb8;
	[tilespmem:$0x13900] =	vst v63  }
0x41: {  	s22 =	simm.s32 $0xC  }
0x42: {  	p2 =	sle.u32 s18, $0x4;
	p0 =	sle.u32 s18, $0xB;
	_ =	swait.ge [sflag:s22], $0xC00  }
0x43: {  	s1 =	sadd.s32 @!p0 $0x0, s13;
	s24 =	simm.s32 @!p0 $0x80;
	[sflag:s22] =	ssyncset.done $0x0  }
0x44: {  	s25 =	simm.s32 @!p0 $0xC100;
	s1 =	sadd.s32 @!p0 $0x580, s1;
	[sflag:s22] =	ssyncadd.s32 $0xFFFFF400  }
0x45: {  	[tilespmem:s25], [sflag:$0x4] =	stream.indirect.gather @!p0 [hbm4b:s6+s24], $0x18, s1, s24, $0xb8;
	[tilespmem:$0x13900] =	vst v63  }
0x46: {  	s1 =	simm.s32 @!p2 $0x5  }
0x47: {  	p3 =	sle.u32 s18, $0x5;
	_ =	swait.ge @!p2 [sflag:s1], $0xC00  }
0x48: {  	s24 =	sadd.s32 @!p2 $0x0, s14;
	s25 =	simm.s32 @!p2 $0x80;
	[sflag:s1] =	ssyncset.done @!p2 $0x0  }
0x49: {  	s24 =	sadd.s32 @!p2 $0x200, s24;
	[sflag:s1] =	ssyncadd.s32 @!p2 $0xFFFFF400;
	s1 =	simm.s32 @!p2 $0xCD00  }
0x4a: {  	[spmem:s2] =	stream.indirect.scatter.add.f32 @!p2 [tilespmem:s1], [sflag:$0xD], $0x18, s24, s25, $0xb8;
	[tilespmem:$0x13900] =	vst v63  }
0x4b: {  	s1 =	simm.s32 @!p3 $0x6  }
0x4c: {  	p1 =	sle.u32 s18, $0x6;
	_ =	swait.ge @!p3 [sflag:s1], $0xC00  }
0x4d: {  	s24 =	sadd.s32 @!p3 $0x0, s14;
	s25 =	simm.s32 @!p3 $0x80;
	[sflag:s1] =	ssyncset.done @!p3 $0x0  }
0x4e: {  	s24 =	sadd.s32 @!p3 $0x280, s24;
	[sflag:s1] =	ssyncadd.s32 @!p3 $0xFFFFF400;
	s1 =	simm.s32 @!p3 $0xD900  }
0x4f: {  	[spmem:s2] =	stream.indirect.scatter.add.f32 @!p3 [tilespmem:s1], [sflag:$0xE], $0x18, s24, s25, $0xb8;
	[tilespmem:$0x13900] =	vst v63  }
0x50: {  	s1 =	simm.s32 @!p1 $0x7  }
0x51: {  	p0 =	sle.u32 s18, $0x7;
	_ =	swait.ge @!p1 [sflag:s1], $0xC00  }
0x52: {  	s24 =	sadd.s32 @!p1 $0x0, s14;
	s25 =	simm.s32 @!p1 $0x80;
	[sflag:s1] =	ssyncset.done @!p1 $0x0  }
0x53: {  	s24 =	sadd.s32 @!p1 $0x300, s24;
	[sflag:s1] =	ssyncadd.s32 @!p1 $0xFFFFF400;
	s1 =	simm.s32 @!p1 $0xE500  }
0x54: {  	[spmem:s2] =	stream.indirect.scatter.add.f32 @!p1 [tilespmem:s1], [sflag:$0xF], $0x18, s24, s25, $0xb8;
	[tilespmem:$0x13900] =	vst v63  }
0x55: {  	s1 =	simm.s32 @!p0 $0x8  }
0x56: {  	_ =	swait.ge @!p0 [sflag:s1], $0xC00  }
0x57: {  	s24 =	sadd.s32 @!p0 $0x0, s14;
	s25 =	simm.s32 @!p0 $0x80;
	[sflag:s1] =	ssyncset.done @!p0 $0x0  }
0x58: {  	s24 =	sadd.s32 @!p0 $0x380, s24;
	[sflag:s1] =	ssyncadd.s32 @!p0 $0xFFFFF400;
	s1 =	simm.s32 @!p0 $0xF100  }
0x59: {  	[spmem:s2] =	stream.indirect.scatter.add.f32 @!p0 [tilespmem:s1], [sflag:$0x10], $0x18, s24, s25, $0xb8;
	[tilespmem:$0x13900] =	vst v63  }
0x5a: {  	s1 =	simm.s32 @!p2 $0xD  }
0x5b: {  	p4 =	sle.u32 s18, $0xC;
	_ =	swait.ge @!p2 [sflag:s1], $0xC00  }
0x5c: {  	s24 =	sadd.s32 @!p4 $0x0, s13;
	s25 =	simm.s32 @!p4 $0x80;
	[sflag:s1] =	ssyncset.done @!p2 $0x0  }
0x5d: {  	s24 =	sadd.s32 @!p4 $0x600, s24;
	[sflag:s1] =	ssyncadd.s32 @!p2 $0xFFFFF400;
	s1 =	simm.s32 @!p4 $0xCD00  }
0x5e: {  	[tilespmem:s1], [sflag:$0x5] =	stream.indirect.gather @!p4 [hbm4b:s6+s25], $0x18, s24, s25, $0xb8;
	[tilespmem:$0x13900] =	vst v63  }
0x5f: {  	s1 =	simm.s32 @!p3 $0xE  }
0x60: {  	p2 =	sle.u32 s18, $0xD;
	_ =	swait.ge @!p3 [sflag:s1], $0xC00  }
0x61: {  	s24 =	sadd.s32 @!p2 $0x0, s13;
	s25 =	simm.s32 @!p2 $0x80;
	[sflag:s1] =	ssyncset.done @!p3 $0x0  }
0x62: {  	s24 =	sadd.s32 @!p2 $0x680, s24;
	[sflag:s1] =	ssyncadd.s32 @!p3 $0xFFFFF400;
	s1 =	simm.s32 @!p2 $0xD900  }
0x63: {  	[tilespmem:s1], [sflag:$0x6] =	stream.indirect.gather @!p2 [hbm4b:s6+s25], $0x18, s24, s25, $0xb8;
	[tilespmem:$0x13900] =	vst v63  }
0x64: {  	s31 =	sadd.s32 $0x1E400, s23;
	s1 =	simm.s32 @!p1 $0xF  }
0x65: {  	s10 =	simm.s32 $0xB500;
	p2 =	sle.u32 s18, $0xE;
	_ =	swait.ge @!p1 [sflag:s1], $0xC00  }
0x66: {  	s24 =	sadd.s32 @!p2 $0x0, s13;
	s25 =	simm.s32 @!p2 $0x80;
	[sflag:s1] =	ssyncset.done @!p1 $0x0  }
0x67: {  	s24 =	sadd.s32 @!p2 $0x700, s24;
	[sflag:s1] =	ssyncadd.s32 @!p1 $0xFFFFF400;
	s1 =	simm.s32 @!p2 $0xE500  }
0x68: {  	[tilespmem:s1], [sflag:$0x7] =	stream.indirect.gather @!p2 [hbm4b:s6+s25], $0x18, s24, s25, $0xb8;
	[tilespmem:$0x13900] =	vst v63  }
0x69: {  	s11 =	simm.s32 $0xC100;
	[dreg:$0x7] =	wrdreg s31;
	s1 =	simm.s32 @!p0 $0x10  }
0x6a: {  	s24 =	simm.s32 $0x1000;
	p2 =	sle.u32 s18, $0xF;
	s25 =	simm.s32 $0x17  }
0x6b: {  	_ =	swait.ge @!p0 [sflag:s1], $0xC00;
	s26 =	sadd.s32 @!p2 $0x0, s13;
	s28 =	simm.s32 @!p2 $0x80  }
.LBB2_1:
0x6c: {  	[sflag:s1] =	ssyncset.done @!p0 $0x0  }
0x6d: {  	s29 =	sadd.s32 @!p2 $0x780, s26;
	s26 =	smov.u32 s24;
	s24 =	sadd.s32 $0x1000, s24  }
0x6e: {  	s30 =	simm.s32 @!p2 $0xF100;
	[sflag:s1] =	ssyncadd.s32 @!p0 $0xFFFFF400;
	p0 =	sne.s32 s24, $0x14000  }
0x6f: {  	[tilespmem:s30], [sflag:$0x8] =	stream.indirect.gather @!p2 [hbm4b:s6+s28], $0x18, s29, s28, $0xb8;
	[tilespmem:$0x13900] =	vst v63  }
0x70: {  	s0 =	simm.s32 @!p0 $0x0  }
0x71: {  	s9 =	simm.s32 $0x9D00;
	s31 =	simm.s32 $0xA900;
	s0 =	simm.s32 @p0 $0x1  }
0x72: {  	s1 =	smov.u32 s25;
	s28 =	sshra.s32 s26, $0x2;
	[smem:$0x7FD] =	sst s0  }
0x73: {  	s29 =	sadd.s32 $0xFFFFFFFF, s1;
	p2 =	sge.u32 s1, s18;
	_ =	swait.ge [sflag:s12], $0xC00  }
0x74: {  	s4 =	sadd.s32 $0xFFFFFFF7, s1;
	s5 =	sadd.s32 $0xFFFFFFF5, s1;
	[sflag:s12] =	ssyncset.done $0x0  }
0x75: {  	s8 =	sadd.s32 $0xFFFFFFFE, s1;
	s3 =	sadd.s32 s28, s14;
	[sflag:s12] =	ssyncadd.s32 $0xFFFFF400  }
0x76: {  	[spmem:s2] =	stream.indirect.scatter.add.f32 [tilespmem:s9], [sflag:$0x9], $0x18, s3, s7, $0xb8;
	[tilespmem:$0x13900] =	vst v63  }
0x77: {  	p3 =	sge.u32 s8, s18;
	p4 =	sge.u32 s4, s18;
	_ =	swait.ge [sflag:s15], $0xC00  }
0x78: {  	p5 =	sge.u32 s5, s18;
	s5 =	sadd.s32 $0xFFFFFFF9, s1;
	[sflag:s15] =	ssyncset.done $0x0  }
0x79: {  	s23 =	sadd.s32 $0x80, s3;
	s30 =	sshra.s32 @!p3 s26, $0x2;
	[sflag:s15] =	ssyncadd.s32 $0xFFFFF400  }
0x7a: {  	[spmem:s2] =	stream.indirect.scatter.add.f32 [tilespmem:s31], [sflag:$0xA], $0x18, s23, s7, $0xb8;
	[tilespmem:$0x13900] =	vst v63  }
0x7b: {  	s0 =	sadd.s32 $0xFFFFFFFB, s1;
	p1 =	sge.u32 s5, s18;
	_ =	swait.ge [sflag:s16], $0xC00  }
0x7c: {  	s8 =	sshra.s32 @!p5 s26, $0x2;
	s4 =	sshra.s32 @!p1 s26, $0x2;
	[sflag:s16] =	ssyncset.done $0x0  }
0x7d: {  	s4 =	sadd.s32 @!p1 s4, s13;
	s9 =	sadd.s32 $0x100, s3;
	[sflag:s16] =	ssyncadd.s32 $0xFFFFF400  }
0x7e: {  	[spmem:s2] =	stream.indirect.scatter.add.f32 [tilespmem:s10], [sflag:$0xB], $0x18, s9, s7, $0xb8;
	[tilespmem:$0x13900] =	vst v63  }
0x7f: {  	s5 =	simm.s32 @!p1 $0x80;
	s4 =	sadd.s32 @!p1 $0x400, s4;
	_ =	swait.ge [sflag:s17], $0xC00  }
0x80: {  	s3 =	sadd.s32 $0x180, s3;
	s31 =	sadd.s32 $0xFFFFFFFD, s1;
	[sflag:s17] =	ssyncset.done $0x0  }
0x81: {  	s23 =	sadd.s32 $0xFFFFFFF8, s1;
	s9 =	sadd.s32 $0xFFFFFFFA, s1;
	[sflag:s17] =	ssyncadd.s32 $0xFFFFF400  }
0x82: {  	[spmem:s2] =	stream.indirect.scatter.add.f32 [tilespmem:s11], [sflag:$0xC], $0x18, s3, s7, $0xb8;
	[tilespmem:$0x13900] =	vst v63  }
0x83: {  	p0 =	sge.u32 s23, s18;
	p6 =	sge.u32 s9, s18;
	_ =	swait.ge [sflag:s19], $0xC00  }
0x84: {  	s23 =	sadd.s32 $0xFFFFFFFC, s1;
	s9 =	sshra.s32 @!p6 s26, $0x2;
	[sflag:s19] =	ssyncset.done $0x0  }
0x85: {  	s3 =	sadd.s32 @!p5 s8, s14;
	s8 =	simm.s32 @!p1 $0x9D00;
	[sflag:s19] =	ssyncadd.s32 $0xFFFFF400  }
0x86: {  	[tilespmem:s8], [sflag:$0x1] =	stream.indirect.gather @!p1 [hbm4b:s6+s5], $0x18, s4, s5, $0xb8;
	[tilespmem:$0x13900] =	vst v63  }
0x87: {  	s4 =	sadd.s32 @!p6 s9, s13;
	s5 =	simm.s32 @!p6 $0x80;
	_ =	swait.ge [sflag:s20], $0xC00  }
0x88: {  	p1 =	sge.u32 s0, s18;
	s0 =	simm.s32 @!p6 $0xA900;
	[sflag:s20] =	ssyncset.done $0x0  }
0x89: {  	s4 =	sadd.s32 @!p6 $0x480, s4;
	s8 =	sshra.s32 @!p1 s26, $0x2;
	[sflag:s20] =	ssyncadd.s32 $0xFFFFF400  }
0x8a: {  	[tilespmem:s0], [sflag:$0x2] =	stream.indirect.gather @!p6 [hbm4b:s6+s5], $0x18, s4, s5, $0xb8;
	[tilespmem:$0x13900] =	vst v63  }
0x8b: {  	s0 =	sadd.s32 @!p1 s8, s13;
	s4 =	simm.s32 @!p1 $0x80;
	_ =	swait.ge [sflag:s21], $0xC00  }
0x8c: {  	p6 =	sge.u32 s23, s18;
	s5 =	simm.s32 @!p1 $0xB500;
	[sflag:s21] =	ssyncset.done $0x0  }
0x8d: {  	s0 =	sadd.s32 @!p1 $0x500, s0;
	s8 =	sshra.s32 @!p6 s26, $0x2;
	[sflag:s21] =	ssyncadd.s32 $0xFFFFF400  }
0x8e: {  	[tilespmem:s5], [sflag:$0x3] =	stream.indirect.gather @!p1 [hbm4b:s6+s4], $0x18, s0, s4, $0xb8;
	[tilespmem:$0x13900] =	vst v63  }
0x8f: {  	s1 =	sadd.s32 $0xFFFFFFF6, s1;
	s0 =	sadd.s32 @!p6 s8, s13;
	_ =	swait.ge [sflag:s22], $0xC00  }
0x90: {  	s4 =	simm.s32 @!p6 $0x80;
	s5 =	simm.s32 @!p5 $0x5;
	[sflag:s22] =	ssyncset.done $0x0  }
0x91: {  	s8 =	simm.s32 @!p6 $0xC100;
	s0 =	sadd.s32 @!p6 $0x580, s0;
	[sflag:s22] =	ssyncadd.s32 $0xFFFFF400  }
0x92: {  	[tilespmem:s8], [sflag:$0x4] =	stream.indirect.gather @!p6 [hbm4b:s6+s4], $0x18, s0, s4, $0xb8;
	[tilespmem:$0x13900] =	vst v63  }
0x93: {  	s3 =	sadd.s32 @!p5 $0x200, s3;
	s0 =	simm.s32 @!p5 $0xCD00;
	_ =	swait.ge @!p5 [sflag:s5], $0xC00  }
0x94: {  	s4 =	simm.s32 @!p5 $0x80;
	p6 =	sge.u32 s1, s18;
	[sflag:s5] =	ssyncset.done @!p5 $0x0  }
0x95: {  	s1 =	simm.s32 @!p6 $0x6;
	[sflag:s5] =	ssyncadd.s32 @!p5 $0xFFFFF400;
	s5 =	sshra.s32 @!p6 s26, $0x2  }
0x96: {  	[spmem:s2] =	stream.indirect.scatter.add.f32 @!p5 [tilespmem:s0], [sflag:$0xD], $0x18, s3, s4, $0xb8;
	[tilespmem:$0x13900] =	vst v63  }
0x97: {  	s0 =	sadd.s32 @!p6 s5, s14;
	s3 =	simm.s32 @!p6 $0xD900;
	_ =	swait.ge @!p6 [sflag:s1], $0xC00  }
0x98: {  	s4 =	simm.s32 @!p6 $0x80;
	s5 =	sshra.s32 @!p4 s26, $0x2;
	[sflag:s1] =	ssyncset.done @!p6 $0x0  }
0x99: {  	s0 =	sadd.s32 @!p6 $0x280, s0;
	[sflag:s1] =	ssyncadd.s32 @!p6 $0xFFFFF400;
	s1 =	simm.s32 @!p4 $0x7  }
0x9a: {  	[spmem:s2] =	stream.indirect.scatter.add.f32 @!p6 [tilespmem:s3], [sflag:$0xE], $0x18, s0, s4, $0xb8;
	[tilespmem:$0x13900] =	vst v63  }
0x9b: {  	s0 =	sadd.s32 @!p4 s5, s14;
	s3 =	simm.s32 @!p4 $0xE500;
	_ =	swait.ge @!p4 [sflag:s1], $0xC00  }
0x9c: {  	s4 =	simm.s32 @!p4 $0x80;
	s5 =	sshra.s32 @!p0 s26, $0x2;
	[sflag:s1] =	ssyncset.done @!p4 $0x0  }
0x9d: {  	s0 =	sadd.s32 @!p4 $0x300, s0;
	[sflag:s1] =	ssyncadd.s32 @!p4 $0xFFFFF400;
	s1 =	simm.s32 @!p0 $0x8  }
0x9e: {  	[spmem:s2] =	stream.indirect.scatter.add.f32 @!p4 [tilespmem:s3], [sflag:$0xF], $0x18, s0, s4, $0xb8;
	[tilespmem:$0x13900] =	vst v63  }
0x9f: {  	p1 =	sge.u32 s31, s18;
	s0 =	sadd.s32 @!p0 s5, s14;
	_ =	swait.ge @!p0 [sflag:s1], $0xC00  }
0xa0: {  	s3 =	simm.s32 @!p0 $0xF100;
	s4 =	simm.s32 @!p0 $0x80;
	[sflag:s1] =	ssyncset.done @!p0 $0x0  }
0xa1: {  	s0 =	sadd.s32 @!p0 $0x380, s0;
	[sflag:s1] =	ssyncadd.s32 @!p0 $0xFFFFF400;
	s1 =	simm.s32 @!p5 $0xD  }
0xa2: {  	[spmem:s2] =	stream.indirect.scatter.add.f32 @!p0 [tilespmem:s3], [sflag:$0x10], $0x18, s0, s4, $0xb8;
	[tilespmem:$0x13900] =	vst v63  }
0xa3: {  	s0 =	sshra.s32 @!p1 s26, $0x2;
	s3 =	simm.s32 @!p1 $0xCD00;
	_ =	swait.ge @!p5 [sflag:s1], $0xC00  }
0xa4: {  	s4 =	simm.s32 @!p1 $0x80;
	s0 =	sadd.s32 @!p1 s0, s13;
	[sflag:s1] =	ssyncset.done @!p5 $0x0  }
0xa5: {  	s0 =	sadd.s32 @!p1 $0x600, s0;
	[sflag:s1] =	ssyncadd.s32 @!p5 $0xFFFFF400;
	s1 =	simm.s32 @!p6 $0xE  }
0xa6: {  	[tilespmem:s3], [sflag:$0x5] =	stream.indirect.gather @!p1 [hbm4b:s6+s4], $0x18, s0, s4, $0xb8;
	[tilespmem:$0x13900] =	vst v63  }
0xa7: {  	s0 =	sadd.s32 @!p3 s30, s13;
	s3 =	simm.s32 @!p3 $0xD900;
	_ =	swait.ge @!p6 [sflag:s1], $0xC00  }
0xa8: {  	s4 =	simm.s32 @!p3 $0x80;
	p1 =	sge.u32 s29, s18;
	[sflag:s1] =	ssyncset.done @!p6 $0x0  }
0xa9: {  	s0 =	sadd.s32 @!p3 $0x680, s0;
	[sflag:s1] =	ssyncadd.s32 @!p6 $0xFFFFF400;
	s1 =	simm.s32 @!p4 $0xF  }
0xaa: {  	[tilespmem:s3], [sflag:$0x6] =	stream.indirect.gather @!p3 [hbm4b:s6+s4], $0x18, s0, s4, $0xb8;
	[tilespmem:$0x13900] =	vst v63  }
0xab: {  	s0 =	sshra.s32 @!p1 s26, $0x2;
	s3 =	simm.s32 @!p1 $0xE500;
	_ =	swait.ge @!p4 [sflag:s1], $0xC00  }
0xac: {  	s4 =	simm.s32 @!p1 $0x80;
	s0 =	sadd.s32 @!p1 s0, s13;
	[sflag:s1] =	ssyncset.done @!p4 $0x0  }
0xad: {  	s0 =	sadd.s32 @!p1 $0x700, s0;
	[sflag:s1] =	ssyncadd.s32 @!p4 $0xFFFFF400;
	s1 =	simm.s32 @!p0 $0x10  }
0xae: {  	[tilespmem:s3], [sflag:$0x7] =	stream.indirect.gather @!p1 [hbm4b:s6+s4], $0x18, s0, s4, $0xb8;
	[tilespmem:$0x13900] =	vst v63  }
0xaf: {  	_ =	swait.ge @!p0 [sflag:s1], $0xC00  }
0xb0: {  	s31 =	sld [smem:$0x7FD];
	_ =	sdelay $0x2  }
0xb1: {  	p1 =	seq.s32 s31, $0x1  }
.Ltmp0:
0xb2: {  	_ = 	snop;
	(pc) =	sbr.rel @p1 .LBB2_1-.Ltmp0, $3  }
0xb3: {  	_ =	sdelay $0x1  }
0xb4: {  	s28 =	sshra.s32 @!p2 s26, $0x2  }
0xb5: {  	s25 =	sadd.s32 $0x8, s25;
	s26 =	sadd.s32 @!p2 s28, s13;
	s28 =	simm.s32 @!p2 $0x80  }
0xb6: {  	[sflag:s1] =	ssyncset.done @!p0 $0x0;
	s0 =	sadd.s32 @!p2 $0x780, s26  }
0xb7: {  	s2 =	simm.s32 @!p2 $0xF100;
	s25 =	rddreg [dreg:$0x4];
	[sflag:s1] =	ssyncadd.s32 @!p0 $0xFFFFF400  }
0xb8: {  	[tilespmem:s2], [sflag:$0x8] =	stream.indirect.gather @!p2 [hbm4b:s6+s28], $0x18, s0, s28, $0xb8;
	[tilespmem:$0x13900] =	vst v63  }
0xb9: {  	s26 =	rddreg [dreg:$0x7];
	[bflag:$0x0] =	sbarrier.arrive $0xFFFF  }
0xba: {  	s28 =	rddreg [dreg:$0x5]  }
0xbb: {  	s30 =	simm.s32 $0x11;
	s0 =	sadd.s32 s26, s25;
	s29 =	rddreg [dreg:$0x6]  }
0xbc: {  	[hbm:s0], [sflag:s28] =	dma.local [spmem:s29], $0x780  }
0xbd: {  	_ =	swait.ge [sflag:s30], $0x780  }
0xbe: {  	[sflag:s30] =	ssyncset.done $0x0  }
0xbf: {  	[sflag:s30] =	ssyncadd.s32 $0xFFFFF880  }
0xc0: {  	_ =	sfence.sel $0x180000  }
0xc1: {  	[bflag:$0x0] =	sbarrier.arrive $0xFFFF  }
0xc2: {  	_ =	strace $0x9000004D  }
0xc3: {  	s31 =	stileid.u32;
	[bflag:$0x2] =	sbarrier.arrive $0xFFFF  }
0xc4: {  	p0 =	sne.s32 s31, $0x0;
	s0 =	rddreg [dreg:$0x3]  }
0xc5: {  	s0 =	sadd.s32 @!p0 $0x100000, s0  }
0xc6: {  	[sflag:s0] =	ssyncadd.tile.s32 @!p0 $0x1;
	_ =	shalt  }
.Lfunc_end2:
_tile_overlayer_lowered:
.L_overlay_start_2:
0xc7: {  	(tag) =	ssettag $0x2  }
0xc8: {  	s0 =	rddreg [dreg:$0x0];
	s2 =	stileid.u32  }
0xc9: {  	s1 =	rddreg [dreg:$0x1];
	p0 =	sne.s32 s2, $0x0  }
0xca: {  	s3 =	rddreg [dreg:$0x2];
	[bflag:$0x3] =	sbarrier.arrive $0xFFFF;
	s2 =	simm.s32 @!p0 $0x1C11  }
0xcb: {  	[timem:s3], [sflag:s2] =	dma.local @!p0 [hbm:s0], s1  }
0xcc: {  	s0 =	simm.s32 @!p0 $0x11  }
0xcd: {  	_ =	swait.ge @!p0 [sflag:s0], s1  }
0xce: {  	s1 =	ssub.s32 @!p0 $0x0, s1;
	[sflag:s0] =	ssyncset.done @!p0 $0x0  }
0xcf: {  	[sflag:s0] =	ssyncadd.s32 @!p0 s1  }
0xd0: {  	[bflag:$0x3] =	sbarrier.arrive $0xFFFF  }
0xd1: {  	_ =	shalt  }

// kernel: kernel.19.cloned.1.call-start
scs
__scs_entry_jumppad:
0x0: {  	(pc) =	sbr.rel $0x88, $3  }
0x1: {  	(tag) =	ssettag $0x0;
	lr =	simm.s32 $0x1  }
0x2: {  	[smem:$0x3F97] =	sst lr;
	_ =	strace $0xD0000000  }
0x3: {  	_ = 	snop  }
0x4: {  	_ = 	snop  }
0x5: {  	_ = 	snop  }
0x6: {  	_ = 	snop  }
0x7: {  	_ = 	snop  }
__scs_overlays_trampoline_lowered:
0x8: {  	[smem:$0x3FA6] =	sst s0  }
0x9: {  	[smem:$0x3FA7] =	sst s1  }
0xa: {  	[smem:$0x3FA8] =	sst s2  }
0xb: {  	[smem:$0x3FA9] =	sst s3  }
0xc: {  	[smem:$0x3FAA] =	sst s4  }
0xd: {  	[smem:$0x3FAB] =	sst s5  }
0xe: {  	[smem:$0x3FAC] =	sst s6  }
0xf: {  	[smem:$0x3FAD] =	sst s7  }
0x10: {  	[smem:$0x3FAE] =	sst s8  }
0x11: {  	[smem:$0x3FAF] =	sst s9;
	s0 =	simm.s32 @!p0 $0x0  }
0x12: {  	s1 =	sld [smem:$0x3F95];
	s0 =	simm.s32 @p0 $0x1  }
0x13: {  	[smem:$0x3FB0] =	sst s0;
	s0 =	simm.s32 @!p1 $0x0  }
0x14: {  	s2 =	sld [smem:$0x3F94];
	s0 =	simm.s32 @p1 $0x1  }
0x15: {  	[smem:$0x3FB1] =	sst s0;
	s0 =	simm.s32 @!p2 $0x0  }
0x16: {  	s3 =	sld [smem:$0x3FDB];
	s0 =	simm.s32 @p2 $0x1  }
0x17: {  	s4 =	simm.s32 $0x1BF5;
	[smem:$0x3FB3] =	sst s0  }
0x18: {  	s0 =	sld [smem:$0x3F96];
	_ =	swait.ge [sflag:s4], $0x0  }
0x19: {  	s7 =	sld [smem:$0x3F97]  }
0x1a: {  	s8 =	sadd.s32 $0xFFFFE003, lr  }
0x1b: {  	s9 =	sadd.s32 $0xFFFFFEF7, lr;
	s5 =	simm.s32 $0xFFFFFFFF;
	p2 =	slt.u32 s8, $0xFFFFF086  }
0x1c: {  	p1 =	slt.u32 s9, $0xF7A;
	s5 =	simm.s32 @!p2 $0x0  }
0x1d: {  	s5 =	simm.s32 @p1 $0x1;
	p0 =	seq.s32 s7, s2  }
0x1e: {  	s7 =	smul.u32 @!p0 $0xF7A, s2;
	p2 =	seq.s32 @!p0 s5, $0x0  }
0x1f: {  	s9 =	smul.u32 $0xF7A, s1;
	s8 =	simm.s32 @!p0 $0x1BF5;
	p2 =	por !p2, p0  }
0x20: {  	[sflag:s8] =	ssyncset.s32 @!p0 $0xFFFFF086;
	s6 =	sadd.s32 @!p0 s3, s7;
	s7 =	simm.s32 @!p0 $0x108  }
0x21: {  	s3 =	sadd.s32 s3, s9;
	s6 =	sadd.s32 @!p0 $0x88, s6;
	s7 =	simm.s32 @p2 $0x1082  }
0x22: {  	[simem:s7], [sflag:s8] =	dma.local @!p0 [hbm:s6], $0xF7A  }
0x23: {  	s9 =	sor.u32 $0xD0000000, s2;
	s6 =	simm.s32 $0x108;
	_ =	swait.ge @!p0 [sflag:s8], $0x0  }
0x24: {  	s3 =	sadd.s32 $0x88, s3;
	s6 =	simm.s32 @!p1 $0x1082;
	[sflag:s4] =	ssyncset.s32 $0xFFFFF086  }
0x25: {  	[simem:s6], [sflag:s4] =	dma.local [hbm:s3], $0xF7A  }
0x26: {  	[smem:$0x3F97] =	sst s1;
	(tag) =	ssettag s2;
	_ =	strace s9  }
0x27: {  	s1 =	sld [smem:$0x3FA7]  }
0x28: {  	s2 =	sld [smem:$0x3FA8]  }
0x29: {  	s4 =	sld [smem:$0x3FAA]  }
0x2a: {  	p0 =	seq.s32 s5, $0x0;
	s5 =	sld [smem:$0x3FAB]  }
0x2b: {  	s6 =	sld [smem:$0x3FAC]  }
0x2c: {  	s7 =	sld [smem:$0x3FAD]  }
0x2d: {  	s3 =	simm.s32 $0x108;
	s8 =	sld [smem:$0x3FAE]  }
0x2e: {  	s3 =	simm.s32 @!p0 $0x1082;
	s9 =	sld [smem:$0x3FAF]  }
0x2f: {  	lr =	sadd.s32 s0, s3;
	s0 =	sld [smem:$0x3FA6]  }
0x30: {  	s3 =	sld [smem:$0x3FA9]  }
0x31: {  	[smem:$0x3FB2] =	sst s10  }
0x32: {  	s10 =	sld [smem:$0x3FB0];
	_ =	sdelay $0x3  }
0x33: {  	p0 =	seq.s32 s10, $0x1;
	s10 =	sld [smem:$0x3FB2];
	_ =	sdelay $0x3  }
0x34: {  	[smem:$0x3FB2] =	sst s10  }
0x35: {  	s10 =	sld [smem:$0x3FB1];
	_ =	sdelay $0x3  }
0x36: {  	p1 =	seq.s32 s10, $0x1;
	s10 =	sld [smem:$0x3FB2];
	_ =	sdelay $0x3  }
0x37: {  	[smem:$0x3FB2] =	sst s10  }
0x38: {  	s10 =	sld [smem:$0x3FB3]  }
0x39: {  	_ = 	snop;
	(pc) =	sbr.ind lr, $3  }
0x3a: {  	_ = 	snop  }
0x3b: {  	_ = 	snop  }
0x3c: {  	p2 =	seq.s32 s10, $0x1;
	s10 =	sld [smem:$0x3FB2]  }
0x3d: {  	_ =	shalt  }
0x3e: {  	_ =	shalt  }
0x3f: {  	_ =	shalt  }
0x40: {  	_ =	shalt  }
0x41: {  	_ =	shalt  }
0x42: {  	_ =	shalt  }
0x43: {  	_ =	shalt  }
0x44: {  	_ =	shalt  }
0x45: {  	_ =	shalt  }
0x46: {  	_ =	shalt  }
0x47: {  	_ =	shalt  }
0x48: {  	_ =	shalt  }
0x49: {  	_ =	shalt  }
0x4a: {  	_ =	shalt  }
0x4b: {  	_ =	shalt  }
0x4c: {  	_ =	shalt  }
0x4d: {  	_ =	shalt  }
0x4e: {  	_ =	shalt  }
0x4f: {  	_ =	shalt  }
0x50: {  	_ =	shalt  }
0x51: {  	_ =	shalt  }
0x52: {  	_ =	shalt  }
0x53: {  	_ =	shalt  }
0x54: {  	_ =	shalt  }
0x55: {  	_ =	shalt  }
0x56: {  	_ =	shalt  }
0x57: {  	_ =	shalt  }
0x58: {  	_ =	shalt  }
0x59: {  	_ =	shalt  }
0x5a: {  	_ =	shalt  }
0x5b: {  	_ =	shalt  }
0x5c: {  	_ =	shalt  }
0x5d: {  	_ =	shalt  }
0x5e: {  	_ =	shalt  }
0x5f: {  	_ =	shalt  }
0x60: {  	_ =	shalt  }
0x61: {  	_ =	shalt  }
0x62: {  	_ =	shalt  }
0x63: {  	_ =	shalt  }
0x64: {  	_ =	shalt  }
0x65: {  	_ =	shalt  }
0x66: {  	_ =	shalt  }
0x67: {  	_ =	shalt  }
0x68: {  	_ =	shalt  }
0x69: {  	_ =	shalt  }
0x6a: {  	_ =	shalt  }
0x6b: {  	_ =	shalt  }
0x6c: {  	_ =	shalt  }
0x6d: {  	_ =	shalt  }
0x6e: {  	_ =	shalt  }
0x6f: {  	_ =	shalt  }
0x70: {  	_ =	shalt  }
0x71: {  	_ =	shalt  }
0x72: {  	_ =	shalt  }
0x73: {  	_ =	shalt  }
0x74: {  	_ =	shalt  }
0x75: {  	_ =	shalt  }
0x76: {  	_ =	shalt  }
0x77: {  	_ =	shalt  }
0x78: {  	_ =	shalt  }
0x79: {  	_ =	shalt  }
0x7a: {  	_ =	shalt  }
0x7b: {  	_ =	shalt  }
0x7c: {  	_ =	shalt  }
0x7d: {  	_ =	shalt  }
0x7e: {  	_ =	shalt  }
0x7f: {  	_ =	shalt  }
0x80: {  	_ =	shalt  }
0x81: {  	_ =	shalt  }
0x82: {  	_ =	shalt  }
0x83: {  	_ =	shalt  }
0x84: {  	_ =	shalt  }
0x85: {  	_ =	shalt  }
0x86: {  	_ =	shalt  }
0x87: {  	_ =	shalt  }
.Lfunc_end0:
.L_simem_size_0:
called_computation.3_lowered:
.L_overlay_start_0:
0x88: {  	s0 =	sld [smem:$0x3FD9]  }
0x89: {  	s1 =	sld [smem:$0x3FFE];
	_ =	sdelay $0x3  }
0x8a: {  	s0 =	sadd.s32 s1, s0  }
0x8b: {  	[smem:$0x3FBE] =	sst s0  }
0x8c: {  	_ = 	snop  }
0x8d: {  	s0 =	sld [smem:$0x3FD0];
	(tm) =	ssettm $0x1  }
0x8e: {  	s16 =	sld [smem:$0x3FFB];
	_ =	sdelay $0x3  }
0x8f: {  	_ =	strace s16  }
0x90: {  	s1 =	sld [smem:$0x3FFC];
	_ =	sdelay $0x3  }
0x91: {  	_ =	strace s1  }
0x92: {  	s1 =	sld [smem:$0x3FFD];
	_ =	sdelay $0x3  }
0x93: {  	_ =	strace s1  }
0x94: {  	_ =	strace $0x8FFFFFFF  }
0x95: {  	s17 =	sld [smem:$0x3FDB];
	_ =	sdelay $0x1  }
0x96: {  	s2 =	simm.s32 $_scs_section_size  }
0x97: {  	s3 =	simm.s32 $_size__tile_overlayer_lowered;
	s4 =	simm.s32 $_tile_overlayer_lowered  }
0x98: {  	s20 =	simm.s32 $0x1BFF;
	s19 =	sshll.u32 s4, $0x1;
	s1 =	sadd.s32 s2, s17  }
0x99: {  	s5 =	simm.s32 $0x0;
	s18 =	sshll.u32 s3, $0x1;
	s3 =	sadd.s32 s19, s1  }
0x9a: {  	[timem:s5], [sflag:s20] =	dma.local [hbm:s3], s18  }
0x9b: {  	_ =	swait.ge [sflag:s20], s18  }
0x9c: {  	s2 =	ssub.s32 $0x0, s18;
	[sflag:s20] =	ssyncset.done $0x0  }
0x9d: {  	[sflag:s20] =	ssyncadd.s32 s2;
	_ =	sdelay $0x1  }
0x9e: {  	s21 =	simm.s32 $0x1B8B  }
0x9f: {  	_ =	swait.ge [sflag:s21], $0x1  }
0xa0: {  	[sflag:s21] =	ssyncset.done $0x0  }
0xa1: {  	s23 =	simm.s32 $0x1B8E;
	s22 =	sld [smem:$0x3FFE];
	[sflag:s21] =	ssyncadd.s32 $0xFFFFFFFF  }
0xa2: {  	s24 =	simm.s32 $execute0_lowered;
	[smem:$0x3FD2] =	sst s23  }
0xa3: {  	s3 =	sshll.u32 s24, $0x1;
	_ =	strace $0x8000004F;
	[dreg:$0x1] =	wrdreg $0xFFFFFFFF  }
0xa4: {  	s25 =	simm.s32 $_size_execute0_lowered;
	s1 =	sadd.s32 s1, s3;
	[dreg:$0x0] =	wrdreg $0x0  }
0xa5: {  	s3 =	sshll.u32 s25, $0x1;
	[dreg:$0x2] =	wrdreg s1  }
0xa6: {  	[dreg:$0x3] =	wrdreg s3  }
0xa7: {  	[dreg:$0x4] =	wrdreg $0xC0  }
0xa8: {  	_ =	task [dreg:s5], $0x5FFFF  }
0xa9: {  	[dreg:$0x1] =	wrdreg $0xFFFFFFFF  }
0xaa: {  	[dreg:$0x0] =	wrdreg $0x60  }
0xab: {  	[dreg:$0x2] =	wrdreg s22  }
0xac: {  	[dreg:$0x3] =	wrdreg s0  }
0xad: {  	[dreg:$0x4] =	wrdreg $0xFD000  }
0xae: {  	[dreg:$0x5] =	wrdreg $0x9  }
0xaf: {  	_ =	task.clear_ibuf [dreg:s5], $0x6FFFF;
	_ =	strace $0x9000004F  }
0xb0: {  	s26 =	simm.s32 $0x9;
	_ =	strace $0x80000051  }
0xb1: {  	_ =	swait.ge [sflag:s26], $0x1  }
0xb2: {  	[sflag:s26] =	ssyncadd.s32 $0xFFFFFFFF  }
0xb3: {  	_ =	strace $0x90000051  }
0xb4: {  	_ =	sfence  }
0xb5: {  	s28 =	sld [smem:$0x0];
	_ =	sdelay $0x1  }
0xb6: {  	s29 =	srdreg.scid  }
0xb7: {  	s30 =	sshll.u32 s29, $0xD;
	s31 =	sshrl.u32 s29, $0x2  }
0xb8: {  	s2 =	sand.u32 $0x4000, s30;
	s1 =	sand.u32 $0x1, s29;
	s0 =	sadd.s32 s31, s28  }
0xb9: {  	s1 =	sor.u32 s2, s1;
	s0 =	sshll.u32 s0, $0x11  }
0xba: {  	s0 =	sor.u32 s0, s1  }
0xbb: {  	s0 =	sadd.s32 $0x8F2B, s0  }
0xbc: {  	[sflag:s0] =	ssyncadd.remote.s32 $0x1  }
0xbd: {  	_ =	sfence.sel $0xFFFF  }
0xbe: {  	[dreg:$0x0] =	wrdreg $0xFFFFFFFF;
	(pc) =	sbr.abs _section_cstart, $3  }
0xbf: {  	[dreg:$0x1] =	wrdreg $0xFFFFFFFF  }
0xc0: {  	_ =	task.clear_ibuf [dreg:s5], $0x2FFFF;
	_ =	strace $0x9FFFFFFF  }
0xc1: {  	(tm) =	ssettm $0x7FFFFFFF  }
tec
execute0_lowered:
.L_overlay_start_1:
0x0: {  	(tag) =	ssettag $0x1  }
0x1: {  	s0 =	stileid.u32  }
0x2: {  	s2 =	smul.u32 $0x9C, s0  }
0x3: {  	s1 =	smin.u32 s0, $0x4  }
0x4: {  	s6 =	sadd.s32 s1, s2  }
0x5: {  	s23 =	rddreg [dreg:$0x0];
	s12 =	smin.u32 s6, $0x927  }
0x6: {  	s4 =	rddreg [dreg:$0x1];
	s3 =	simm.s32 $0x0;
	s5 =	sshll.u32 s12, $0x4  }
0x7: {  	s24 =	simm.s32 $0x11;
	[smem:$0x7FF] =	sst s3;
	s5 =	sadd.s32 s5, s23  }
0x8: {  	s2 =	rddreg [dreg:$0x2];
	_ =	strace $0x80000050;
	s7 =	sadd.s32 $0x3400, s5  }
0x9: {  	[tilespmem:s3], [sflag:$0x11] =	stream.linear.gather [hbm4b:s7+s3], $0x4E80, $0x38;
	[tilespmem:$0x13900] =	vst v63  }
0xa: {  	s8 =	smul.u32 $0x3C00, s0;
	s29 =	sshll.u32 s0, $0x6;
	_ =	swait.ge [sflag:s24], $0x4E80  }
0xb: {  	s9 =	simm.s32 $0x4E80;
	s30 =	sor.u32 $0x1C11, s29;
	[sflag:s24] =	ssyncset.done $0x0  }
0xc: {  	s26 =	sshrl.u32 s8, $0x3;
	s5 =	sadd.s32 $0xD040, s5;
	[sflag:s24] =	ssyncadd.s32 $0xFFFFB180  }
0xd: {  	[tilespmem:s9], [sflag:$0x11] =	stream.linear.gather [hbm4b:s5+s3], $0x4E80, $0x38;
	[tilespmem:$0x13900] =	vst v63  }
0xe: {  	s25 =	sadd.s32 s8, s2;
	_ =	swait.ge [sflag:s24], $0x4E80;
	[dreg:$0x4] =	wrdreg s26  }
0xf: {  	s31 =	sshrl.u32 s25, $0x3;
	[dreg:$0x5] =	wrdreg s30;
	[sflag:s24] =	ssyncset.done $0x0  }
0x10: {  	s8 =	sadd.s32 s4, s26;
	[dreg:$0x6] =	wrdreg s31;
	[sflag:s24] =	ssyncadd.s32 $0xFFFFB180  }
0x11: {  	[spmem:s31], [sflag:s30] =	dma.local [hbm:s8], $0x780  }
0x12: {  	_ =	swait.ge [sflag:s24], $0x780  }
0x13: {  	s4 =	simm.s32 $0x9D00;
	s6 =	ssub.s32 s6, s12;
	[sflag:s24] =	ssyncset.done $0x0  }
0x14: {  	s7 =	simm.s32 $0x80;
	s3 =	sshll.u32 s6, $0x9;
	[sflag:s24] =	ssyncadd.s32 $0xFFFFF880  }
0x15: {  	s6 =	sadd.s32 $0x3E000, s23;
	s13 =	sshra.s32 s3, $0x2;
	[bflag:$0x0] =	sbarrier.arrive $0xFFFF  }
0x16: {  	[tilespmem:s4], [sflag:$0x1] =	stream.indirect.gather [hbm4b:s6+s7], $0x18, s13, s7, $0xb8;
	[tilespmem:$0x13900] =	vst v63  }
0x17: {  	s5 =	simm.s32 $0xA900;
	s10 =	sadd.s32 $0x80, s13  }
0x18: {  	[tilespmem:s5], [sflag:$0x2] =	stream.indirect.gather [hbm4b:s6+s7], $0x18, s10, s7, $0xb8;
	[tilespmem:$0x13900] =	vst v63  }
0x19: {  	s15 =	simm.s32 $0xCD00;
	s11 =	sadd.s32 $0x100, s13;
	s8 =	simm.s32 $0xB500  }
0x1a: {  	[tilespmem:s8], [sflag:$0x3] =	stream.indirect.gather [hbm4b:s6+s7], $0x18, s11, s7, $0xb8;
	[tilespmem:$0x13900] =	vst v63  }
0x1b: {  	s22 =	simm.s32 $0xD900;
	s9 =	simm.s32 $0xC100;
	s14 =	sadd.s32 $0x180, s13  }
0x1c: {  	[tilespmem:s9], [sflag:$0x4] =	stream.indirect.gather [hbm4b:s6+s7], $0x18, s14, s7, $0xb8;
	[tilespmem:$0x13900] =	vst v63  }
0x1d: {  	s29 =	smul.u32 $0x13800, s0;
	s1 =	sshll.u32 s1, $0x9;
	s20 =	sadd.s32 $0x200, s13  }
0x1e: {  	[tilespmem:s15], [sflag:$0x5] =	stream.indirect.gather [hbm4b:s6+s7], $0x18, s20, s7, $0xb8;
	[tilespmem:$0x13900] =	vst v63  }
0x1f: {  	s1 =	sadd.s32 s1, s29;
	s12 =	sshll.u32 s12, $0x9;
	s21 =	sadd.s32 $0x280, s13  }
0x20: {  	[tilespmem:s22], [sflag:$0x6] =	stream.indirect.gather [hbm4b:s6+s7], $0x18, s21, s7, $0xb8;
	[tilespmem:$0x13900] =	vst v63  }
0x21: {  	s25 =	simm.s32 $0xE500;
	s1 =	ssub.s32 s1, s12;
	s24 =	sadd.s32 $0x300, s13  }
0x22: {  	[tilespmem:s25], [sflag:$0x7] =	stream.indirect.gather [hbm4b:s6+s7], $0x18, s24, s7, $0xb8;
	[tilespmem:$0x13900] =	vst v63  }
0x23: {  	s12 =	simm.s32 $0x1;
	s26 =	simm.s32 $0xF100;
	s13 =	sadd.s32 $0x380, s13  }
0x24: {  	[tilespmem:s26], [sflag:$0x8] =	stream.indirect.gather [hbm4b:s6+s7], $0x18, s13, s7, $0xb8;
	[tilespmem:$0x13900] =	vst v63  }
0x25: {  	s13 =	sshra.s32 s1, $0x2;
	_ =	swait.ge [sflag:s12], $0xC00  }
0x26: {  	s14 =	sadd.s32 $0x4E80, s13;
	[sflag:s12] =	ssyncset.done $0x0  }
0x27: {  	s15 =	simm.s32 $0x2;
	s30 =	sadd.s32 $0x0, s14;
	[sflag:s12] =	ssyncadd.s32 $0xFFFFF400  }
0x28: {  	[spmem:s2] =	stream.indirect.scatter.add.f32 [tilespmem:s4], [sflag:$0x9], $0x18, s30, s7, $0xb8;
	[tilespmem:$0x13900] =	vst v63  }
0x29: {  	_ =	swait.ge [sflag:s15], $0xC00  }
0x2a: {  	[sflag:s15] =	ssyncset.done $0x0  }
0x2b: {  	s16 =	simm.s32 $0x3;
	s17 =	sadd.s32 $0x80, s30;
	[sflag:s15] =	ssyncadd.s32 $0xFFFFF400  }
0x2c: {  	[spmem:s2] =	stream.indirect.scatter.add.f32 [tilespmem:s5], [sflag:$0xA], $0x18, s17, s7, $0xb8;
	[tilespmem:$0x13900] =	vst v63  }
0x2d: {  	_ =	swait.ge [sflag:s16], $0xC00  }
0x2e: {  	[sflag:s16] =	ssyncset.done $0x0  }
0x2f: {  	s18 =	sadd.s32 $0x100, s30;
	s17 =	simm.s32 $0x4;
	[sflag:s16] =	ssyncadd.s32 $0xFFFFF400  }
0x30: {  	[spmem:s2] =	stream.indirect.scatter.add.f32 [tilespmem:s8], [sflag:$0xB], $0x18, s18, s7, $0xb8;
	[tilespmem:$0x13900] =	vst v63  }
0x31: {  	s19 =	simm.s32 $0x9;
	_ =	swait.ge [sflag:s17], $0xC00  }
0x32: {  	p0 =	slt.u32 s0, $0x4;
	s18 =	simm.s32 $0x9D;
	[sflag:s17] =	ssyncset.done $0x0  }
0x33: {  	s1 =	sadd.s32 $0x180, s30;
	s18 =	simm.s32 @!p0 $0x9C;
	[sflag:s17] =	ssyncadd.s32 $0xFFFFF400  }
0x34: {  	[spmem:s2] =	stream.indirect.scatter.add.f32 [tilespmem:s9], [sflag:$0xC], $0x18, s1, s7, $0xb8;
	[tilespmem:$0x13900] =	vst v63  }
0x35: {  	s20 =	simm.s32 $0xA;
	p0 =	sle.u32 s18, $0x8;
	_ =	swait.ge [sflag:s19], $0xC00  }
0x36: {  	s21 =	sadd.s32 @!p0 $0x0, s13;
	s22 =	simm.s32 @!p0 $0x80;
	[sflag:s19] =	ssyncset.done $0x0  }
0x37: {  	s1 =	simm.s32 @!p0 $0x9D00;
	s21 =	sadd.s32 @!p0 $0x400, s21;
	[sflag:s19] =	ssyncadd.s32 $0xFFFFF400  }
0x38: {  	[tilespmem:s1], [sflag:$0x1] =	stream.indirect.gather @!p0 [hbm4b:s6+s22], $0x18, s21, s22, $0xb8;
	[tilespmem:$0x13900] =	vst v63  }
0x39: {  	s21 =	simm.s32 $0xB;
	p0 =	sle.u32 s18, $0x9;
	_ =	swait.ge [sflag:s20], $0xC00  }
0x3a: {  	s1 =	sadd.s32 @!p0 $0x0, s13;
	s22 =	simm.s32 @!p0 $0x80;
	[sflag:s20] =	ssyncset.done $0x0  }
0x3b: {  	s24 =	simm.s32 @!p0 $0xA900;
	s1 =	sadd.s32 @!p0 $0x480, s1;
	[sflag:s20] =	ssyncadd.s32 $0xFFFFF400  }
0x3c: {  	[tilespmem:s24], [sflag:$0x2] =	stream.indirect.gather @!p0 [hbm4b:s6+s22], $0x18, s1, s22, $0xb8;
	[tilespmem:$0x13900] =	vst v63  }
0x3d: {  	p0 =	sle.u32 s18, $0xA;
	_ =	swait.ge [sflag:s21], $0xC00  }
0x3e: {  	s1 =	sadd.s32 @!p0 $0x0, s13;
	s22 =	simm.s32 @!p0 $0x80;
	[sflag:s21] =	ssyncset.done $0x0  }
0x3f: {  	s24 =	simm.s32 @!p0 $0xB500;
	s1 =	sadd.s32 @!p0 $0x500, s1;
	[sflag:s21] =	ssyncadd.s32 $0xFFFFF400  }
0x40: {  	[tilespmem:s24], [sflag:$0x3] =	stream.indirect.gather @!p0 [hbm4b:s6+s22], $0x18, s1, s22, $0xb8;
	[tilespmem:$0x13900] =	vst v63  }
0x41: {  	s22 =	simm.s32 $0xC  }
0x42: {  	p2 =	sle.u32 s18, $0x4;
	p0 =	sle.u32 s18, $0xB;
	_ =	swait.ge [sflag:s22], $0xC00  }
0x43: {  	s1 =	sadd.s32 @!p0 $0x0, s13;
	s24 =	simm.s32 @!p0 $0x80;
	[sflag:s22] =	ssyncset.done $0x0  }
0x44: {  	s25 =	simm.s32 @!p0 $0xC100;
	s1 =	sadd.s32 @!p0 $0x580, s1;
	[sflag:s22] =	ssyncadd.s32 $0xFFFFF400  }
0x45: {  	[tilespmem:s25], [sflag:$0x4] =	stream.indirect.gather @!p0 [hbm4b:s6+s24], $0x18, s1, s24, $0xb8;
	[tilespmem:$0x13900] =	vst v63  }
0x46: {  	s1 =	simm.s32 @!p2 $0x5  }
0x47: {  	p3 =	sle.u32 s18, $0x5;
	_ =	swait.ge @!p2 [sflag:s1], $0xC00  }
0x48: {  	s24 =	sadd.s32 @!p2 $0x0, s14;
	s25 =	simm.s32 @!p2 $0x80;
	[sflag:s1] =	ssyncset.done @!p2 $0x0  }
0x49: {  	s24 =	sadd.s32 @!p2 $0x200, s24;
	[sflag:s1] =	ssyncadd.s32 @!p2 $0xFFFFF400;
	s1 =	simm.s32 @!p2 $0xCD00  }
0x4a: {  	[spmem:s2] =	stream.indirect.scatter.add.f32 @!p2 [tilespmem:s1], [sflag:$0xD], $0x18, s24, s25, $0xb8;
	[tilespmem:$0x13900] =	vst v63  }
0x4b: {  	s1 =	simm.s32 @!p3 $0x6  }
0x4c: {  	p1 =	sle.u32 s18, $0x6;
	_ =	swait.ge @!p3 [sflag:s1], $0xC00  }
0x4d: {  	s24 =	sadd.s32 @!p3 $0x0, s14;
	s25 =	simm.s32 @!p3 $0x80;
	[sflag:s1] =	ssyncset.done @!p3 $0x0  }
0x4e: {  	s24 =	sadd.s32 @!p3 $0x280, s24;
	[sflag:s1] =	ssyncadd.s32 @!p3 $0xFFFFF400;
	s1 =	simm.s32 @!p3 $0xD900  }
0x4f: {  	[spmem:s2] =	stream.indirect.scatter.add.f32 @!p3 [tilespmem:s1], [sflag:$0xE], $0x18, s24, s25, $0xb8;
	[tilespmem:$0x13900] =	vst v63  }
0x50: {  	s1 =	simm.s32 @!p1 $0x7  }
0x51: {  	p0 =	sle.u32 s18, $0x7;
	_ =	swait.ge @!p1 [sflag:s1], $0xC00  }
0x52: {  	s24 =	sadd.s32 @!p1 $0x0, s14;
	s25 =	simm.s32 @!p1 $0x80;
	[sflag:s1] =	ssyncset.done @!p1 $0x0  }
0x53: {  	s24 =	sadd.s32 @!p1 $0x300, s24;
	[sflag:s1] =	ssyncadd.s32 @!p1 $0xFFFFF400;
	s1 =	simm.s32 @!p1 $0xE500  }
0x54: {  	[spmem:s2] =	stream.indirect.scatter.add.f32 @!p1 [tilespmem:s1], [sflag:$0xF], $0x18, s24, s25, $0xb8;
	[tilespmem:$0x13900] =	vst v63  }
0x55: {  	s1 =	simm.s32 @!p0 $0x8  }
0x56: {  	_ =	swait.ge @!p0 [sflag:s1], $0xC00  }
0x57: {  	s24 =	sadd.s32 @!p0 $0x0, s14;
	s25 =	simm.s32 @!p0 $0x80;
	[sflag:s1] =	ssyncset.done @!p0 $0x0  }
0x58: {  	s24 =	sadd.s32 @!p0 $0x380, s24;
	[sflag:s1] =	ssyncadd.s32 @!p0 $0xFFFFF400;
	s1 =	simm.s32 @!p0 $0xF100  }
0x59: {  	[spmem:s2] =	stream.indirect.scatter.add.f32 @!p0 [tilespmem:s1], [sflag:$0x10], $0x18, s24, s25, $0xb8;
	[tilespmem:$0x13900] =	vst v63  }
0x5a: {  	s1 =	simm.s32 @!p2 $0xD  }
0x5b: {  	p4 =	sle.u32 s18, $0xC;
	_ =	swait.ge @!p2 [sflag:s1], $0xC00  }
0x5c: {  	s24 =	sadd.s32 @!p4 $0x0, s13;
	s25 =	simm.s32 @!p4 $0x80;
	[sflag:s1] =	ssyncset.done @!p2 $0x0  }
0x5d: {  	s24 =	sadd.s32 @!p4 $0x600, s24;
	[sflag:s1] =	ssyncadd.s32 @!p2 $0xFFFFF400;
	s1 =	simm.s32 @!p4 $0xCD00  }
0x5e: {  	[tilespmem:s1], [sflag:$0x5] =	stream.indirect.gather @!p4 [hbm4b:s6+s25], $0x18, s24, s25, $0xb8;
	[tilespmem:$0x13900] =	vst v63  }
0x5f: {  	s1 =	simm.s32 @!p3 $0xE  }
0x60: {  	p2 =	sle.u32 s18, $0xD;
	_ =	swait.ge @!p3 [sflag:s1], $0xC00  }
0x61: {  	s24 =	sadd.s32 @!p2 $0x0, s13;
	s25 =	simm.s32 @!p2 $0x80;
	[sflag:s1] =	ssyncset.done @!p3 $0x0  }
0x62: {  	s24 =	sadd.s32 @!p2 $0x680, s24;
	[sflag:s1] =	ssyncadd.s32 @!p3 $0xFFFFF400;
	s1 =	simm.s32 @!p2 $0xD900  }
0x63: {  	[tilespmem:s1], [sflag:$0x6] =	stream.indirect.gather @!p2 [hbm4b:s6+s25], $0x18, s24, s25, $0xb8;
	[tilespmem:$0x13900] =	vst v63  }
0x64: {  	s31 =	sadd.s32 $0x45600, s23;
	s1 =	simm.s32 @!p1 $0xF  }
0x65: {  	s10 =	simm.s32 $0xB500;
	p2 =	sle.u32 s18, $0xE;
	_ =	swait.ge @!p1 [sflag:s1], $0xC00  }
0x66: {  	s24 =	sadd.s32 @!p2 $0x0, s13;
	s25 =	simm.s32 @!p2 $0x80;
	[sflag:s1] =	ssyncset.done @!p1 $0x0  }
0x67: {  	s24 =	sadd.s32 @!p2 $0x700, s24;
	[sflag:s1] =	ssyncadd.s32 @!p1 $0xFFFFF400;
	s1 =	simm.s32 @!p2 $0xE500  }
0x68: {  	[tilespmem:s1], [sflag:$0x7] =	stream.indirect.gather @!p2 [hbm4b:s6+s25], $0x18, s24, s25, $0xb8;
	[tilespmem:$0x13900] =	vst v63  }
0x69: {  	s11 =	simm.s32 $0xC100;
	[dreg:$0x7] =	wrdreg s31;
	s1 =	simm.s32 @!p0 $0x10  }
0x6a: {  	s24 =	simm.s32 $0x1000;
	p2 =	sle.u32 s18, $0xF;
	s25 =	simm.s32 $0x17  }
0x6b: {  	_ =	swait.ge @!p0 [sflag:s1], $0xC00;
	s26 =	sadd.s32 @!p2 $0x0, s13;
	s28 =	simm.s32 @!p2 $0x80  }
.LBB2_1:
0x6c: {  	[sflag:s1] =	ssyncset.done @!p0 $0x0  }
0x6d: {  	s29 =	sadd.s32 @!p2 $0x780, s26;
	s26 =	smov.u32 s24;
	s24 =	sadd.s32 $0x1000, s24  }
0x6e: {  	s30 =	simm.s32 @!p2 $0xF100;
	[sflag:s1] =	ssyncadd.s32 @!p0 $0xFFFFF400;
	p0 =	sne.s32 s24, $0x14000  }
0x6f: {  	[tilespmem:s30], [sflag:$0x8] =	stream.indirect.gather @!p2 [hbm4b:s6+s28], $0x18, s29, s28, $0xb8;
	[tilespmem:$0x13900] =	vst v63  }
0x70: {  	s0 =	simm.s32 @!p0 $0x0  }
0x71: {  	s9 =	simm.s32 $0x9D00;
	s31 =	simm.s32 $0xA900;
	s0 =	simm.s32 @p0 $0x1  }
0x72: {  	s1 =	smov.u32 s25;
	s28 =	sshra.s32 s26, $0x2;
	[smem:$0x7FD] =	sst s0  }
0x73: {  	s29 =	sadd.s32 $0xFFFFFFFF, s1;
	p2 =	sge.u32 s1, s18;
	_ =	swait.ge [sflag:s12], $0xC00  }
0x74: {  	s4 =	sadd.s32 $0xFFFFFFF7, s1;
	s5 =	sadd.s32 $0xFFFFFFF5, s1;
	[sflag:s12] =	ssyncset.done $0x0  }
0x75: {  	s8 =	sadd.s32 $0xFFFFFFFE, s1;
	s3 =	sadd.s32 s28, s14;
	[sflag:s12] =	ssyncadd.s32 $0xFFFFF400  }
0x76: {  	[spmem:s2] =	stream.indirect.scatter.add.f32 [tilespmem:s9], [sflag:$0x9], $0x18, s3, s7, $0xb8;
	[tilespmem:$0x13900] =	vst v63  }
0x77: {  	p3 =	sge.u32 s8, s18;
	p4 =	sge.u32 s4, s18;
	_ =	swait.ge [sflag:s15], $0xC00  }
0x78: {  	p5 =	sge.u32 s5, s18;
	s5 =	sadd.s32 $0xFFFFFFF9, s1;
	[sflag:s15] =	ssyncset.done $0x0  }
0x79: {  	s23 =	sadd.s32 $0x80, s3;
	s30 =	sshra.s32 @!p3 s26, $0x2;
	[sflag:s15] =	ssyncadd.s32 $0xFFFFF400  }
0x7a: {  	[spmem:s2] =	stream.indirect.scatter.add.f32 [tilespmem:s31], [sflag:$0xA], $0x18, s23, s7, $0xb8;
	[tilespmem:$0x13900] =	vst v63  }
0x7b: {  	s0 =	sadd.s32 $0xFFFFFFFB, s1;
	p1 =	sge.u32 s5, s18;
	_ =	swait.ge [sflag:s16], $0xC00  }
0x7c: {  	s8 =	sshra.s32 @!p5 s26, $0x2;
	s4 =	sshra.s32 @!p1 s26, $0x2;
	[sflag:s16] =	ssyncset.done $0x0  }
0x7d: {  	s4 =	sadd.s32 @!p1 s4, s13;
	s9 =	sadd.s32 $0x100, s3;
	[sflag:s16] =	ssyncadd.s32 $0xFFFFF400  }
0x7e: {  	[spmem:s2] =	stream.indirect.scatter.add.f32 [tilespmem:s10], [sflag:$0xB], $0x18, s9, s7, $0xb8;
	[tilespmem:$0x13900] =	vst v63  }
0x7f: {  	s5 =	simm.s32 @!p1 $0x80;
	s4 =	sadd.s32 @!p1 $0x400, s4;
	_ =	swait.ge [sflag:s17], $0xC00  }
0x80: {  	s3 =	sadd.s32 $0x180, s3;
	s31 =	sadd.s32 $0xFFFFFFFD, s1;
	[sflag:s17] =	ssyncset.done $0x0  }
0x81: {  	s23 =	sadd.s32 $0xFFFFFFF8, s1;
	s9 =	sadd.s32 $0xFFFFFFFA, s1;
	[sflag:s17] =	ssyncadd.s32 $0xFFFFF400  }
0x82: {  	[spmem:s2] =	stream.indirect.scatter.add.f32 [tilespmem:s11], [sflag:$0xC], $0x18, s3, s7, $0xb8;
	[tilespmem:$0x13900] =	vst v63  }
0x83: {  	p0 =	sge.u32 s23, s18;
	p6 =	sge.u32 s9, s18;
	_ =	swait.ge [sflag:s19], $0xC00  }
0x84: {  	s23 =	sadd.s32 $0xFFFFFFFC, s1;
	s9 =	sshra.s32 @!p6 s26, $0x2;
	[sflag:s19] =	ssyncset.done $0x0  }
0x85: {  	s3 =	sadd.s32 @!p5 s8, s14;
	s8 =	simm.s32 @!p1 $0x9D00;
	[sflag:s19] =	ssyncadd.s32 $0xFFFFF400  }
0x86: {  	[tilespmem:s8], [sflag:$0x1] =	stream.indirect.gather @!p1 [hbm4b:s6+s5], $0x18, s4, s5, $0xb8;
	[tilespmem:$0x13900] =	vst v63  }
0x87: {  	s4 =	sadd.s32 @!p6 s9, s13;
	s5 =	simm.s32 @!p6 $0x80;
	_ =	swait.ge [sflag:s20], $0xC00  }
0x88: {  	p1 =	sge.u32 s0, s18;
	s0 =	simm.s32 @!p6 $0xA900;
	[sflag:s20] =	ssyncset.done $0x0  }
0x89: {  	s4 =	sadd.s32 @!p6 $0x480, s4;
	s8 =	sshra.s32 @!p1 s26, $0x2;
	[sflag:s20] =	ssyncadd.s32 $0xFFFFF400  }
0x8a: {  	[tilespmem:s0], [sflag:$0x2] =	stream.indirect.gather @!p6 [hbm4b:s6+s5], $0x18, s4, s5, $0xb8;
	[tilespmem:$0x13900] =	vst v63  }
0x8b: {  	s0 =	sadd.s32 @!p1 s8, s13;
	s4 =	simm.s32 @!p1 $0x80;
	_ =	swait.ge [sflag:s21], $0xC00  }
0x8c: {  	p6 =	sge.u32 s23, s18;
	s5 =	simm.s32 @!p1 $0xB500;
	[sflag:s21] =	ssyncset.done $0x0  }
0x8d: {  	s0 =	sadd.s32 @!p1 $0x500, s0;
	s8 =	sshra.s32 @!p6 s26, $0x2;
	[sflag:s21] =	ssyncadd.s32 $0xFFFFF400  }
0x8e: {  	[tilespmem:s5], [sflag:$0x3] =	stream.indirect.gather @!p1 [hbm4b:s6+s4], $0x18, s0, s4, $0xb8;
	[tilespmem:$0x13900] =	vst v63  }
0x8f: {  	s1 =	sadd.s32 $0xFFFFFFF6, s1;
	s0 =	sadd.s32 @!p6 s8, s13;
	_ =	swait.ge [sflag:s22], $0xC00  }
0x90: {  	s4 =	simm.s32 @!p6 $0x80;
	s5 =	simm.s32 @!p5 $0x5;
	[sflag:s22] =	ssyncset.done $0x0  }
0x91: {  	s8 =	simm.s32 @!p6 $0xC100;
	s0 =	sadd.s32 @!p6 $0x580, s0;
	[sflag:s22] =	ssyncadd.s32 $0xFFFFF400  }
0x92: {  	[tilespmem:s8], [sflag:$0x4] =	stream.indirect.gather @!p6 [hbm4b:s6+s4], $0x18, s0, s4, $0xb8;
	[tilespmem:$0x13900] =	vst v63  }
0x93: {  	s3 =	sadd.s32 @!p5 $0x200, s3;
	s0 =	simm.s32 @!p5 $0xCD00;
	_ =	swait.ge @!p5 [sflag:s5], $0xC00  }
0x94: {  	s4 =	simm.s32 @!p5 $0x80;
	p6 =	sge.u32 s1, s18;
	[sflag:s5] =	ssyncset.done @!p5 $0x0  }
0x95: {  	s1 =	simm.s32 @!p6 $0x6;
	[sflag:s5] =	ssyncadd.s32 @!p5 $0xFFFFF400;
	s5 =	sshra.s32 @!p6 s26, $0x2  }
0x96: {  	[spmem:s2] =	stream.indirect.scatter.add.f32 @!p5 [tilespmem:s0], [sflag:$0xD], $0x18, s3, s4, $0xb8;
	[tilespmem:$0x13900] =	vst v63  }
0x97: {  	s0 =	sadd.s32 @!p6 s5, s14;
	s3 =	simm.s32 @!p6 $0xD900;
	_ =	swait.ge @!p6 [sflag:s1], $0xC00  }
0x98: {  	s4 =	simm.s32 @!p6 $0x80;
	s5 =	sshra.s32 @!p4 s26, $0x2;
	[sflag:s1] =	ssyncset.done @!p6 $0x0  }
0x99: {  	s0 =	sadd.s32 @!p6 $0x280, s0;
	[sflag:s1] =	ssyncadd.s32 @!p6 $0xFFFFF400;
	s1 =	simm.s32 @!p4 $0x7  }
0x9a: {  	[spmem:s2] =	stream.indirect.scatter.add.f32 @!p6 [tilespmem:s3], [sflag:$0xE], $0x18, s0, s4, $0xb8;
	[tilespmem:$0x13900] =	vst v63  }
0x9b: {  	s0 =	sadd.s32 @!p4 s5, s14;
	s3 =	simm.s32 @!p4 $0xE500;
	_ =	swait.ge @!p4 [sflag:s1], $0xC00  }
0x9c: {  	s4 =	simm.s32 @!p4 $0x80;
	s5 =	sshra.s32 @!p0 s26, $0x2;
	[sflag:s1] =	ssyncset.done @!p4 $0x0  }
0x9d: {  	s0 =	sadd.s32 @!p4 $0x300, s0;
	[sflag:s1] =	ssyncadd.s32 @!p4 $0xFFFFF400;
	s1 =	simm.s32 @!p0 $0x8  }
0x9e: {  	[spmem:s2] =	stream.indirect.scatter.add.f32 @!p4 [tilespmem:s3], [sflag:$0xF], $0x18, s0, s4, $0xb8;
	[tilespmem:$0x13900] =	vst v63  }
0x9f: {  	p1 =	sge.u32 s31, s18;
	s0 =	sadd.s32 @!p0 s5, s14;
	_ =	swait.ge @!p0 [sflag:s1], $0xC00  }
0xa0: {  	s3 =	simm.s32 @!p0 $0xF100;
	s4 =	simm.s32 @!p0 $0x80;
	[sflag:s1] =	ssyncset.done @!p0 $0x0  }
0xa1: {  	s0 =	sadd.s32 @!p0 $0x380, s0;
	[sflag:s1] =	ssyncadd.s32 @!p0 $0xFFFFF400;
	s1 =	simm.s32 @!p5 $0xD  }
0xa2: {  	[spmem:s2] =	stream.indirect.scatter.add.f32 @!p0 [tilespmem:s3], [sflag:$0x10], $0x18, s0, s4, $0xb8;
	[tilespmem:$0x13900] =	vst v63  }
0xa3: {  	s0 =	sshra.s32 @!p1 s26, $0x2;
	s3 =	simm.s32 @!p1 $0xCD00;
	_ =	swait.ge @!p5 [sflag:s1], $0xC00  }
0xa4: {  	s4 =	simm.s32 @!p1 $0x80;
	s0 =	sadd.s32 @!p1 s0, s13;
	[sflag:s1] =	ssyncset.done @!p5 $0x0  }
0xa5: {  	s0 =	sadd.s32 @!p1 $0x600, s0;
	[sflag:s1] =	ssyncadd.s32 @!p5 $0xFFFFF400;
	s1 =	simm.s32 @!p6 $0xE  }
0xa6: {  	[tilespmem:s3], [sflag:$0x5] =	stream.indirect.gather @!p1 [hbm4b:s6+s4], $0x18, s0, s4, $0xb8;
	[tilespmem:$0x13900] =	vst v63  }
0xa7: {  	s0 =	sadd.s32 @!p3 s30, s13;
	s3 =	simm.s32 @!p3 $0xD900;
	_ =	swait.ge @!p6 [sflag:s1], $0xC00  }
0xa8: {  	s4 =	simm.s32 @!p3 $0x80;
	p1 =	sge.u32 s29, s18;
	[sflag:s1] =	ssyncset.done @!p6 $0x0  }
0xa9: {  	s0 =	sadd.s32 @!p3 $0x680, s0;
	[sflag:s1] =	ssyncadd.s32 @!p6 $0xFFFFF400;
	s1 =	simm.s32 @!p4 $0xF  }
0xaa: {  	[tilespmem:s3], [sflag:$0x6] =	stream.indirect.gather @!p3 [hbm4b:s6+s4], $0x18, s0, s4, $0xb8;
	[tilespmem:$0x13900] =	vst v63  }
0xab: {  	s0 =	sshra.s32 @!p1 s26, $0x2;
	s3 =	simm.s32 @!p1 $0xE500;
	_ =	swait.ge @!p4 [sflag:s1], $0xC00  }
0xac: {  	s4 =	simm.s32 @!p1 $0x80;
	s0 =	sadd.s32 @!p1 s0, s13;
	[sflag:s1] =	ssyncset.done @!p4 $0x0  }
0xad: {  	s0 =	sadd.s32 @!p1 $0x700, s0;
	[sflag:s1] =	ssyncadd.s32 @!p4 $0xFFFFF400;
	s1 =	simm.s32 @!p0 $0x10  }
0xae: {  	[tilespmem:s3], [sflag:$0x7] =	stream.indirect.gather @!p1 [hbm4b:s6+s4], $0x18, s0, s4, $0xb8;
	[tilespmem:$0x13900] =	vst v63  }
0xaf: {  	_ =	swait.ge @!p0 [sflag:s1], $0xC00  }
0xb0: {  	s31 =	sld [smem:$0x7FD];
	_ =	sdelay $0x2  }
0xb1: {  	p1 =	seq.s32 s31, $0x1  }
.Ltmp0:
0xb2: {  	_ = 	snop;
	(pc) =	sbr.rel @p1 .LBB2_1-.Ltmp0, $3  }
0xb3: {  	_ =	sdelay $0x1  }
0xb4: {  	s28 =	sshra.s32 @!p2 s26, $0x2  }
0xb5: {  	s25 =	sadd.s32 $0x8, s25;
	s26 =	sadd.s32 @!p2 s28, s13;
	s28 =	simm.s32 @!p2 $0x80  }
0xb6: {  	[sflag:s1] =	ssyncset.done @!p0 $0x0;
	s0 =	sadd.s32 @!p2 $0x780, s26  }
0xb7: {  	s2 =	simm.s32 @!p2 $0xF100;
	s25 =	rddreg [dreg:$0x4];
	[sflag:s1] =	ssyncadd.s32 @!p0 $0xFFFFF400  }
0xb8: {  	[tilespmem:s2], [sflag:$0x8] =	stream.indirect.gather @!p2 [hbm4b:s6+s28], $0x18, s0, s28, $0xb8;
	[tilespmem:$0x13900] =	vst v63  }
0xb9: {  	s26 =	rddreg [dreg:$0x7];
	[bflag:$0x0] =	sbarrier.arrive $0xFFFF  }
0xba: {  	s28 =	rddreg [dreg:$0x5]  }
0xbb: {  	s30 =	simm.s32 $0x11;
	s0 =	sadd.s32 s26, s25;
	s29 =	rddreg [dreg:$0x6]  }
0xbc: {  	[hbm:s0], [sflag:s28] =	dma.local [spmem:s29], $0x780  }
0xbd: {  	_ =	swait.ge [sflag:s30], $0x780  }
0xbe: {  	[sflag:s30] =	ssyncset.done $0x0  }
0xbf: {  	[sflag:s30] =	ssyncadd.s32 $0xFFFFF880  }
0xc0: {  	_ =	sfence.sel $0x180000  }
0xc1: {  	[bflag:$0x0] =	sbarrier.arrive $0xFFFF  }
0xc2: {  	_ =	strace $0x90000050  }
0xc3: {  	s31 =	stileid.u32;
	[bflag:$0x2] =	sbarrier.arrive $0xFFFF  }
0xc4: {  	p0 =	sne.s32 s31, $0x0;
	s0 =	rddreg [dreg:$0x3]  }
0xc5: {  	s0 =	sadd.s32 @!p0 $0x100000, s0  }
0xc6: {  	[sflag:s0] =	ssyncadd.tile.s32 @!p0 $0x1;
	_ =	shalt  }
.Lfunc_end2:
_tile_overlayer_lowered:
.L_overlay_start_2:
0xc7: {  	(tag) =	ssettag $0x2  }
0xc8: {  	s0 =	rddreg [dreg:$0x0];
	s2 =	stileid.u32  }
0xc9: {  	s1 =	rddreg [dreg:$0x1];
	p0 =	sne.s32 s2, $0x0  }
0xca: {  	s3 =	rddreg [dreg:$0x2];
	[bflag:$0x3] =	sbarrier.arrive $0xFFFF;
	s2 =	simm.s32 @!p0 $0x1C11  }
0xcb: {  	[timem:s3], [sflag:s2] =	dma.local @!p0 [hbm:s0], s1  }
0xcc: {  	s0 =	simm.s32 @!p0 $0x11  }
0xcd: {  	_ =	swait.ge @!p0 [sflag:s0], s1  }
0xce: {  	s1 =	ssub.s32 @!p0 $0x0, s1;
	[sflag:s0] =	ssyncset.done @!p0 $0x0  }
0xcf: {  	[sflag:s0] =	ssyncadd.s32 @!p0 s1  }
0xd0: {  	[bflag:$0x3] =	sbarrier.arrive $0xFFFF  }
0xd1: {  	_ =	shalt  }

</sc_bundles>
